<compile_context>
chip_gen: v7x
topology: tpu7x:2x2x1
jax: 0.10.2.dev20260603
libtpu: 0.0.44.dev20260713+nightly
codegen_flags: <defaults>
</compile_context>

<pallas_src>
import jax
import jax.numpy as jnp
from jax import lax
from jax.experimental import pallas as pl
from jax.experimental.pallas import tpu as pltpu
from jax.experimental.pallas import tpu_sc as plsc

N_NODES = 10000
D = 128
DH = D // 2
E = 160000
ROWS_PAD = 10240
DEG_W = 8
CHUNK = 128
NC = 2
NS = 16
N_CHUNKS = E // CHUNK
IDXH = 40
TLOAD = N_NODES // NS
ROWS_PER_TILE = ROWS_PAD // NS
NSLOT = 3 * NC
VECS = CHUNK // 16


def _sc_body(fu, fi, c_src, c_dst, cb_src, cb_dst, fo_src, fo_dst,
             zh, z8, o8, sums_h, degs_h,
             table, accum, degacc, zbuf, zdeg, ones_v, sidx, didx,
             rows0, rows1, gsem0, gsem1, ssem0, ssem1, dsem):
    cid = lax.axis_index("c")
    sid = lax.axis_index("s")
    pltpu.sync_copy(zh, zbuf)
    pltpu.sync_copy(z8, zdeg)
    pltpu.sync_copy(o8, ones_v)
    c0 = sid * N_CHUNKS // NS
    n_ch = (sid + 1) * N_CHUNKS // NS - c0
    pad_dst = N_NODES + sid * 8
    r0 = sid * ROWS_PER_TILE

    bufs = (rows0, rows1)
    gsems = (gsem0, gsem1)
    ssems = (ssem0, ssem1)

    def gather(r, b):
        pltpu.async_copy(table.at[sidx.at[r]], bufs[b], gsems[b])

    def gwait(r, b):
        pltpu.make_async_copy(table.at[sidx.at[r]], bufs[b], gsems[b]).wait()

    def scat(r, b):
        pltpu.async_copy(bufs[b], accum.at[didx.at[r]], ssems[b], add=True)

        @pl.when(cid == b)
        def _():
            pltpu.async_copy(ones_v, degacc.at[didx.at[r]], ssems[b],
                             add=True)

    def swait(r, b):
        pltpu.make_async_copy(bufs[b], accum.at[didx.at[r]], ssems[b]).wait()

        @pl.when(cid == b)
        def _():
            pltpu.make_async_copy(ones_v, degacc.at[didx.at[r]],
                                  ssems[b]).wait()

    jobs = ((fu, c_src, c_dst, 0, True),
            (fu, fo_src, fo_dst, 2, False),
            (fi, cb_src, cb_dst, 1, True))
    for tab, src, dst, e, load_table in jobs:
        slot = e * NC + cid
        if load_table:
            pltpu.sync_copy(
                tab.at[pl.ds(sid * TLOAD, TLOAD), pl.ds(cid * DH, DH)],
                table.at[pl.ds(sid * TLOAD, TLOAD)])
        for k in range(ROWS_PER_TILE // 32):
            pltpu.async_copy(zbuf, accum.at[pl.ds(r0 + k * 32, 32)], gsem0)
        for k in range(ROWS_PER_TILE // 64):
            pltpu.async_copy(zdeg, degacc.at[pl.ds(r0 + k * 64, 64)], gsem1)
        for k in range(ROWS_PER_TILE // 32):
            pltpu.make_async_copy(zbuf, accum.at[pl.ds(r0 + k * 32, 32)],
                                  gsem0).wait()
        for k in range(ROWS_PER_TILE // 64):
            pltpu.make_async_copy(zdeg, degacc.at[pl.ds(r0 + k * 64, 64)],
                                  gsem1).wait()
        plsc.subcore_barrier()

        for h, L in ((0, IDXH), (1, 39)):
            pltpu.sync_copy(src.at[pl.ds(c0 + h * IDXH, L)],
                            sidx.at[pl.ds(0, L)])
            pltpu.sync_copy(dst.at[pl.ds(c0 + h * IDXH, L)],
                            didx.at[pl.ds(0, L)])
            if h == 1:
                @pl.when(IDXH + L - 1 >= n_ch)
                def _():
                    for j in range(VECS):
                        sidx[L - 1, pl.ds(j * 16, 16)] = jnp.zeros(
                            (16,), jnp.int32)
                        didx[L - 1, pl.ds(j * 16, 16)] = jnp.full(
                            (16,), pad_dst, jnp.int32)

            gather(0, 0)

            def pair(p, carry):
                q0 = 2 * p
                q1 = q0 + 1
                gwait(q0, 0)
                scat(q0, 0)

                @pl.when(p > 0)
                def _():
                    swait(q1 - 2, 1)

                gather(q1, 1)
                gwait(q1, 1)
                scat(q1, 1)

                @pl.when(q0 + 2 < L)
                def _():
                    swait(q0, 0)
                    gather(q0 + 2, 0)

                return carry

            lax.fori_loop(0, L // 2, pair, 0)
            if L % 2:
                gwait(L - 1, 0)
                scat(L - 1, 0)
                swait(L - 2, 1)
                swait(L - 1, 0)
            else:
                swait(L - 2, 0)
                swait(L - 1, 1)

        plsc.subcore_barrier()

        out_r0 = slot * ROWS_PAD + r0
        pltpu.sync_copy(accum.at[pl.ds(r0, ROWS_PER_TILE)],
                        sums_h.at[pl.ds(out_r0, ROWS_PER_TILE)])
        pltpu.sync_copy(degacc.at[pl.ds(r0, ROWS_PER_TILE)],
                        degs_h.at[pl.ds(out_r0, ROWS_PER_TILE)])
        plsc.subcore_barrier()


_phase1 = pl.kernel(
    _sc_body,
    out_type=(
        jax.ShapeDtypeStruct((NSLOT * ROWS_PAD, DH), jnp.float32),
        jax.ShapeDtypeStruct((NSLOT * ROWS_PAD, DEG_W), jnp.float32),
    ),
    mesh=plsc.VectorSubcoreMesh(core_axis_name="c", subcore_axis_name="s"),
    compiler_params=pltpu.CompilerParams(use_tc_tiling_on_sc=False),
    scratch_types=[
        pltpu.VMEM_SHARED((N_NODES, DH), jnp.float32),
        pltpu.VMEM_SHARED((ROWS_PAD, DH), jnp.float32),
        pltpu.VMEM_SHARED((ROWS_PAD, DEG_W), jnp.float32),
        pltpu.VMEM((32, DH), jnp.float32),
        pltpu.VMEM((64, DEG_W), jnp.float32),
        pltpu.VMEM((CHUNK, DEG_W), jnp.float32),
        pltpu.VMEM((IDXH, CHUNK), jnp.int32),
        pltpu.VMEM((IDXH, CHUNK), jnp.int32),
        pltpu.VMEM((CHUNK, DH), jnp.float32),
        pltpu.VMEM((CHUNK, DH), jnp.float32),
    ] + [pltpu.SemaphoreType.DMA] * 5,
)


def _tc_body(s_ref, d_ref, w_ref, b_ref, hu_ref, hi_ref):
    def term(e):
        d = d_ref[2 * e][:, :1] + d_ref[2 * e + 1][:, :1]
        inv = 1.0 / jnp.maximum(d, 1.0)
        m_lo = s_ref[2 * e, 0] * inv
        m_hi = s_ref[2 * e + 1, 0] * inv
        out = jnp.dot(m_lo, w_ref[e, :DH, :],
                      preferred_element_type=jnp.float32)
        out += jnp.dot(m_hi, w_ref[e, DH:, :],
                       preferred_element_type=jnp.float32)
        return out + (d > 0.0).astype(jnp.float32) * b_ref[e][None, :]

    hi_ref[...] = term(0)
    hu_ref[...] = term(1) + term(2)


_phase2 = pl.pallas_call(
    _tc_body,
    grid=(79,),
    in_specs=[
        pl.BlockSpec((NSLOT, 1, 128, DH), lambda b: (0, b, 0, 0)),
        pl.BlockSpec((NSLOT, 128, DEG_W), lambda b: (0, b, 0)),
        pl.BlockSpec((3, D, D), lambda b: (0, 0, 0)),
        pl.BlockSpec((3, D), lambda b: (0, 0)),
    ],
    out_specs=[
        pl.BlockSpec((128, D), lambda b: (b, 0)),
        pl.BlockSpec((128, D), lambda b: (b, 0)),
    ],
    out_shape=[
        jax.ShapeDtypeStruct((N_NODES, D), jnp.float32),
        jax.ShapeDtypeStruct((N_NODES, D), jnp.float32),
    ],
)


def kernel(feat_user, feat_item, clicks_src, clicks_dst, clicked_by_src,
           clicked_by_dst, follows_src, follows_dst, W_clicks, b_clicks,
           W_clicked_by, b_clicked_by, W_follows, b_follows):
    i32 = lambda x: x.astype(jnp.int32).reshape(N_CHUNKS, CHUNK)
    zh = jnp.zeros((32, DH), jnp.float32)
    z8 = jnp.zeros((64, DEG_W), jnp.float32)
    o8 = jnp.ones((CHUNK, DEG_W), jnp.float32)
    sums, degs = _phase1(
        feat_user, feat_item,
        i32(clicks_src), i32(clicks_dst),
        i32(clicked_by_src), i32(clicked_by_dst),
        i32(follows_src), i32(follows_dst), zh, z8, o8)
    sums4 = sums.reshape(NSLOT, ROWS_PAD // 128, 128, DH)
    degs3 = degs.reshape(NSLOT, ROWS_PAD, DEG_W)
    wstk = jnp.stack([W_clicks, W_clicked_by, W_follows])
    bstk = jnp.stack([b_clicks, b_clicked_by, b_follows])
    return _phase2(sums4, degs3, wstk, bstk)

# --- scband reference (transcript-rebuilt; emitter-appended) ---
"""Pipeline reference for scband-hetero-rgcnlayer-84361747628754 (READ-ONLY COPY).

The authoritative reference and input builder live on the scoring server;
editing this copy changes nothing except your own understanding.
"""

import jax, jax.numpy as jnp
import numpy as np

N_USER = 10000
N_ITEM = 10000
E = 160000
D_IN = 128
D_OUT = 128


def setup_inputs(seed: int = 0) -> dict:
    key = jax.random.key(seed)
    ks = jax.random.split(key, 16)
    feat_user = jax.random.normal(ks[0], (N_USER, D_IN), dtype=jnp.float32)
    feat_item = jax.random.normal(ks[1], (N_ITEM, D_IN), dtype=jnp.float32)
    # canonical etypes: (user, clicks, item), (item, clicked_by, user), (user, follows, user)
    clicks_src = jax.random.randint(ks[2], (E,), 0, N_USER, dtype=jnp.int64)
    clicks_dst = jax.random.randint(ks[3], (E,), 0, N_ITEM, dtype=jnp.int64)
    clicked_by_src = jax.random.randint(ks[4], (E,), 0, N_ITEM, dtype=jnp.int64)
    clicked_by_dst = jax.random.randint(ks[5], (E,), 0, N_USER, dtype=jnp.int64)
    follows_src = jax.random.randint(ks[6], (E,), 0, N_USER, dtype=jnp.int64)
    follows_dst = jax.random.randint(ks[7], (E,), 0, N_USER, dtype=jnp.int64)
    scale = 1.0 / np.sqrt(D_IN)
    W_clicks = jax.random.uniform(ks[8], (D_IN, D_OUT), jnp.float32, -scale, scale)
    b_clicks = jax.random.uniform(ks[9], (D_OUT,), jnp.float32, -scale, scale)
    W_clicked_by = jax.random.uniform(ks[10], (D_IN, D_OUT), jnp.float32, -scale, scale)
    b_clicked_by = jax.random.uniform(ks[11], (D_OUT,), jnp.float32, -scale, scale)
    W_follows = jax.random.uniform(ks[12], (D_IN, D_OUT), jnp.float32, -scale, scale)
    b_follows = jax.random.uniform(ks[13], (D_OUT,), jnp.float32, -scale, scale)
    return {
        'feat_user': feat_user, 'feat_item': feat_item,
        'clicks_src': clicks_src, 'clicks_dst': clicks_dst,
        'clicked_by_src': clicked_by_src, 'clicked_by_dst': clicked_by_dst,
        'follows_src': follows_src, 'follows_dst': follows_dst,
        'W_clicks': W_clicks, 'b_clicks': b_clicks,
        'W_clicked_by': W_clicked_by, 'b_clicked_by': b_clicked_by,
        'W_follows': W_follows, 'b_follows': b_follows,
    }


def _mean_agg(Wh_src, src, dst, num_dst):
    # fn.copy_u('Wh', 'm') then fn.mean('m', 'h'): gather source features per edge,
    # segment-sum into dst, divide by in-degree (zero-degree nodes -> 0).
    msg = jnp.take(Wh_src, src, axis=0)
    summed = jax.ops.segment_sum(msg, dst, num_segments=num_dst)
    deg = jax.ops.segment_sum(jnp.ones((msg.shape[0],), jnp.float32), dst, num_segments=num_dst)
    return summed / jnp.maximum(deg, 1.0)[:, None]


def reference(feat_user, feat_item, clicks_src, clicks_dst, clicked_by_src, clicked_by_dst,
              follows_src, follows_dst, W_clicks, b_clicks, W_clicked_by, b_clicked_by,
              W_follows, b_follows):
    # Per-etype linear on source-node features
    Wh_clicks = feat_user @ W_clicks + b_clicks          # user -> item
    Wh_clicked_by = feat_item @ W_clicked_by + b_clicked_by  # item -> user
    Wh_follows = feat_user @ W_follows + b_follows        # user -> user
    # multi_update_all with per-etype mean, cross-etype 'sum' reducer
    h_item = _mean_agg(Wh_clicks, clicks_src, clicks_dst, N_ITEM)
    h_user = _mean_agg(Wh_clicked_by, clicked_by_src, clicked_by_dst, N_USER) \
           + _mean_agg(Wh_follows, follows_src, follows_dst, N_USER)
    return (h_user, h_item)

if __name__ == "__main__":
    import jax
    _d = setup_inputs()
    print(jax.jit(kernel)(*tuple(_d.values())))

</pallas_src>

<mosaic_0001>
#map = affine_map<(d0, d1) -> (0, 0)>
module attributes {stable_mosaic.version = 14 : i64} {
  func.func @_sc_body(%arg0: i32, %arg1: i32, %arg2: memref<10000x128xf32, #tpu.memory_space<hbm>>, %arg3: memref<10000x128xf32, #tpu.memory_space<hbm>>, %arg4: memref<1250x128xi32, #tpu.memory_space<hbm>>, %arg5: memref<1250x128xi32, #tpu.memory_space<hbm>>, %arg6: memref<1250x128xi32, #tpu.memory_space<hbm>>, %arg7: memref<1250x128xi32, #tpu.memory_space<hbm>>, %arg8: memref<1250x128xi32, #tpu.memory_space<hbm>>, %arg9: memref<1250x128xi32, #tpu.memory_space<hbm>>, %arg10: memref<32x64xf32, #tpu.memory_space<hbm>>, %arg11: memref<64x8xf32, #tpu.memory_space<hbm>>, %arg12: memref<128x8xf32, #tpu.memory_space<hbm>>, %arg13: memref<61440x64xf32, #tpu.memory_space<hbm>>, %arg14: memref<61440x8xf32, #tpu.memory_space<hbm>>, %arg15: memref<10000x64xf32, #tpu.memory_space<vmem_shared>>, %arg16: memref<10240x64xf32, #tpu.memory_space<vmem_shared>>, %arg17: memref<10240x8xf32, #tpu.memory_space<vmem_shared>>, %arg18: memref<32x64xf32, #tpu.memory_space<vmem>>, %arg19: memref<64x8xf32, #tpu.memory_space<vmem>>, %arg20: memref<128x8xf32, #tpu.memory_space<vmem>>, %arg21: memref<40x128xi32, #tpu.memory_space<vmem>>, %arg22: memref<40x128xi32, #tpu.memory_space<vmem>>, %arg23: memref<128x64xf32, #tpu.memory_space<vmem>>, %arg24: memref<128x64xf32, #tpu.memory_space<vmem>>, %arg25: memref<!tpu.dma_semaphore, #tpu.memory_space<semaphore_mem>>, %arg26: memref<!tpu.dma_semaphore, #tpu.memory_space<semaphore_mem>>, %arg27: memref<!tpu.dma_semaphore, #tpu.memory_space<semaphore_mem>>, %arg28: memref<!tpu.dma_semaphore, #tpu.memory_space<semaphore_mem>>, %arg29: memref<!tpu.dma_semaphore, #tpu.memory_space<semaphore_mem>>) attributes {dimension_semantics = [#tpu.dimension_semantics<core_parallel>, #tpu.dimension_semantics<subcore_parallel>], iteration_bounds = array<i64: 2, 16>, scalar_prefetch = 0 : i64, scratch_operands = 15 : i64, tpu.core_type = #tpu.core_type<sc_vector_subcore>, window_params = [{transform_indices = #map}, {transform_indices = #map}, {transform_indices = #map}, {transform_indices = #map}, {transform_indices = #map}, {transform_indices = #map}, {transform_indices = #map}, {transform_indices = #map}, {transform_indices = #map}, {transform_indices = #map}, {transform_indices = #map}, {transform_indices = #map}, {transform_indices = #map}]} {
    "tpu.region"() ({
      %run_scoped3A = tpu.sem_alloc : memref<!tpu.dma_semaphore, #tpu.memory_space<semaphore_mem>>
      tpu.enqueue_dma source(%arg10 : memref<32x64xf32, #tpu.memory_space<hbm>>) target(%arg18 : memref<32x64xf32, #tpu.memory_space<vmem>>) target_semaphore(%run_scoped3A : memref<!tpu.dma_semaphore, #tpu.memory_space<semaphore_mem>>)
      tpu.wait_dma2 semaphore(%run_scoped3A : memref<!tpu.dma_semaphore, #tpu.memory_space<semaphore_mem>>) src(%arg10 : memref<32x64xf32, #tpu.memory_space<hbm>>) dst(%arg18 : memref<32x64xf32, #tpu.memory_space<vmem>>)
      tpu.yield
    }) : () -> ()
    "tpu.region"() ({
      %run_scoped3A = tpu.sem_alloc : memref<!tpu.dma_semaphore, #tpu.memory_space<semaphore_mem>>
      tpu.enqueue_dma source(%arg11 : memref<64x8xf32, #tpu.memory_space<hbm>>) target(%arg19 : memref<64x8xf32, #tpu.memory_space<vmem>>) target_semaphore(%run_scoped3A : memref<!tpu.dma_semaphore, #tpu.memory_space<semaphore_mem>>)
      tpu.wait_dma2 semaphore(%run_scoped3A : memref<!tpu.dma_semaphore, #tpu.memory_space<semaphore_mem>>) src(%arg11 : memref<64x8xf32, #tpu.memory_space<hbm>>) dst(%arg19 : memref<64x8xf32, #tpu.memory_space<vmem>>)
      tpu.yield
    }) : () -> ()
    "tpu.region"() ({
      %run_scoped3A = tpu.sem_alloc : memref<!tpu.dma_semaphore, #tpu.memory_space<semaphore_mem>>
      tpu.enqueue_dma source(%arg12 : memref<128x8xf32, #tpu.memory_space<hbm>>) target(%arg20 : memref<128x8xf32, #tpu.memory_space<vmem>>) target_semaphore(%run_scoped3A : memref<!tpu.dma_semaphore, #tpu.memory_space<semaphore_mem>>)
      tpu.wait_dma2 semaphore(%run_scoped3A : memref<!tpu.dma_semaphore, #tpu.memory_space<semaphore_mem>>) src(%arg12 : memref<128x8xf32, #tpu.memory_space<hbm>>) dst(%arg20 : memref<128x8xf32, #tpu.memory_space<vmem>>)
      tpu.yield
    }) : () -> ()
    %mul3A = arith.constant 1250 : i32
    %mul3A_0 = arith.muli %arg1, %mul3A : i32
    %jit3A = arith.constant 16 : i32
    %div3A = arith.divsi %mul3A_0, %jit3A : i32
    %sign3A = arith.constant 0 : i32
    %sign3A_1 = arith.cmpi sgt, %mul3A_0, %sign3A : i32
    %sign3A_2 = arith.extui %sign3A_1 : i1 to i32
    %sign3A_3 = arith.constant 0 : i32
    %sign3A_4 = arith.cmpi slt, %mul3A_0, %sign3A_3 : i32
    %sign3A_5 = arith.extui %sign3A_4 : i1 to i32
    %sign3A_6 = arith.subi %sign3A_2, %sign3A_5 : i32
    %sign3A_7 = arith.constant 0 : i32
    %sign3A_8 = arith.cmpi sgt, %jit3A, %sign3A_7 : i32
    %sign3A_9 = arith.extui %sign3A_8 : i1 to i32
    %sign3A_10 = arith.constant 0 : i32
    %sign3A_11 = arith.cmpi slt, %jit3A, %sign3A_10 : i32
    %sign3A_12 = arith.extui %sign3A_11 : i1 to i32
    %sign3A_13 = arith.subi %sign3A_9, %sign3A_12 : i32
    %ne3A = arith.cmpi ne, %sign3A_6, %sign3A_13 : i32
    %rem3A = arith.remsi %mul3A_0, %jit3A : i32
    %ne3A_14 = arith.constant 0 : i32
    %ne3A_15 = arith.cmpi ne, %rem3A, %ne3A_14 : i32
    %and3A = arith.andi %ne3A, %ne3A_15 : i1
    %sub3A = arith.constant 1 : i32
    %sub3A_16 = arith.subi %div3A, %sub3A : i32
    %select_n3A = arith.select %and3A, %sub3A_16, %div3A : i32
    %add3A = arith.constant 1 : i32
    %add3A_17 = arith.addi %arg1, %add3A : i32
    %mul3A_18 = arith.constant 1250 : i32
    %mul3A_19 = arith.muli %add3A_17, %mul3A_18 : i32
    %jit3A_20 = arith.constant 16 : i32
    %div3A_21 = arith.divsi %mul3A_19, %jit3A_20 : i32
    %sign3A_22 = arith.constant 0 : i32
    %sign3A_23 = arith.cmpi sgt, %mul3A_19, %sign3A_22 : i32
    %sign3A_24 = arith.extui %sign3A_23 : i1 to i32
    %sign3A_25 = arith.constant 0 : i32
    %sign3A_26 = arith.cmpi slt, %mul3A_19, %sign3A_25 : i32
    %sign3A_27 = arith.extui %sign3A_26 : i1 to i32
    %sign3A_28 = arith.subi %sign3A_24, %sign3A_27 : i32
    %sign3A_29 = arith.constant 0 : i32
    %sign3A_30 = arith.cmpi sgt, %jit3A_20, %sign3A_29 : i32
    %sign3A_31 = arith.extui %sign3A_30 : i1 to i32
    %sign3A_32 = arith.constant 0 : i32
    %sign3A_33 = arith.cmpi slt, %jit3A_20, %sign3A_32 : i32
    %sign3A_34 = arith.extui %sign3A_33 : i1 to i32
    %sign3A_35 = arith.subi %sign3A_31, %sign3A_34 : i32
    %ne3A_36 = arith.cmpi ne, %sign3A_28, %sign3A_35 : i32
    %rem3A_37 = arith.remsi %mul3A_19, %jit3A_20 : i32
    %ne3A_38 = arith.constant 0 : i32
    %ne3A_39 = arith.cmpi ne, %rem3A_37, %ne3A_38 : i32
    %and3A_40 = arith.andi %ne3A_36, %ne3A_39 : i1
    %sub3A_41 = arith.constant 1 : i32
    %sub3A_42 = arith.subi %div3A_21, %sub3A_41 : i32
    %select_n3A_43 = arith.select %and3A_40, %sub3A_42, %div3A_21 : i32
    %sub3A_44 = arith.subi %select_n3A_43, %select_n3A : i32
    %mul3A_45 = arith.constant 8 : i32
    %mul3A_46 = arith.muli %arg1, %mul3A_45 : i32
    %add3A_47 = arith.constant 10000 : i32
    %add3A_48 = arith.addi %add3A_47, %mul3A_46 : i32
    %mul3A_49 = arith.constant 640 : i32
    %mul3A_50 = arith.muli %arg1, %mul3A_49 : i32
    %add3A_51 = arith.constant 0 : i32
    %add3A_52 = arith.addi %add3A_51, %arg0 : i32
    %mul3A_53 = arith.constant 625 : i32
    %mul3A_54 = arith.muli %arg1, %mul3A_53 : i32
    %mul3A_55 = arith.constant 64 : i32
    %mul3A_56 = arith.muli %arg0, %mul3A_55 : i32
    %mul3A_57 = arith.constant 625 : i32
    %mul3A_58 = arith.muli %arg1, %mul3A_57 : i32
    "tpu.region"() ({
      %run_scoped3A = tpu.sem_alloc : memref<!tpu.dma_semaphore, #tpu.memory_space<semaphore_mem>>
      %dma_start3A_1477 = arith.constant 0 : i32
      %dma_start3A_1478 = tpu.memref_slice %arg15[%mul3A_58, %dma_start3A_1477] : memref<10000x64xf32, #tpu.memory_space<vmem_shared>> -> memref<625x64xf32, #tpu.memory_space<vmem_shared>>
      %dma_start3A_1479 = tpu.memref_slice %arg2[%mul3A_54, %mul3A_56] : memref<10000x128xf32, #tpu.memory_space<hbm>> -> memref<625x64xf32, #tpu.memory_space<hbm>>
      tpu.enqueue_dma source(%dma_start3A_1479 : memref<625x64xf32, #tpu.memory_space<hbm>>) target(%dma_start3A_1478 : memref<625x64xf32, #tpu.memory_space<vmem_shared>>) target_semaphore(%run_scoped3A : memref<!tpu.dma_semaphore, #tpu.memory_space<semaphore_mem>>)
      %dma_wait3A_1480 = arith.constant 0 : i32
      %dma_wait3A_1481 = tpu.memref_slice %arg15[%mul3A_58, %dma_wait3A_1480] : memref<10000x64xf32, #tpu.memory_space<vmem_shared>> -> memref<625x64xf32, #tpu.memory_space<vmem_shared>>
      %dma_wait3A_1482 = tpu.memref_slice %arg2[%mul3A_54, %mul3A_56] : memref<10000x128xf32, #tpu.memory_space<hbm>> -> memref<625x64xf32, #tpu.memory_space<hbm>>
      tpu.wait_dma2 semaphore(%run_scoped3A : memref<!tpu.dma_semaphore, #tpu.memory_space<semaphore_mem>>) src(%dma_wait3A_1482 : memref<625x64xf32, #tpu.memory_space<hbm>>) dst(%dma_wait3A_1481 : memref<625x64xf32, #tpu.memory_space<vmem_shared>>)
      tpu.yield
    }) : () -> ()
    %add3A_59 = arith.constant 0 : i32
    %add3A_60 = arith.addi %mul3A_50, %add3A_59 : i32
    %dma_start3A = arith.constant 0 : i32
    %dma_start3A_61 = tpu.memref_slice %arg16[%add3A_60, %dma_start3A] : memref<10240x64xf32, #tpu.memory_space<vmem_shared>> -> memref<32x64xf32, #tpu.memory_space<vmem_shared>>
    %dma_start3A_62 = arith.constant 0 : i32
    %dma_start3A_63 = tpu.memref_slice %arg16[%add3A_60, %dma_start3A_62] : memref<10240x64xf32, #tpu.memory_space<vmem_shared>> -> memref<32x64xf32, #tpu.memory_space<vmem_shared>>
    tpu.enqueue_dma source(%arg18 : memref<32x64xf32, #tpu.memory_space<vmem>>) target(%dma_start3A_63 : memref<32x64xf32, #tpu.memory_space<vmem_shared>>) target_semaphore(%arg25 : memref<!tpu.dma_semaphore, #tpu.memory_space<semaphore_mem>>)
    %add3A_64 = arith.constant 32 : i32
    %add3A_65 = arith.addi %mul3A_50, %add3A_64 : i32
    %dma_start3A_66 = arith.constant 0 : i32
    %dma_start3A_67 = tpu.memref_slice %arg16[%add3A_65, %dma_start3A_66] : memref<10240x64xf32, #tpu.memory_space<vmem_shared>> -> memref<32x64xf32, #tpu.memory_space<vmem_shared>>
    %dma_start3A_68 = arith.constant 0 : i32
    %dma_start3A_69 = tpu.memref_slice %arg16[%add3A_65, %dma_start3A_68] : memref<10240x64xf32, #tpu.memory_space<vmem_shared>> -> memref<32x64xf32, #tpu.memory_space<vmem_shared>>
    tpu.enqueue_dma source(%arg18 : memref<32x64xf32, #tpu.memory_space<vmem>>) target(%dma_start3A_69 : memref<32x64xf32, #tpu.memory_space<vmem_shared>>) target_semaphore(%arg25 : memref<!tpu.dma_semaphore, #tpu.memory_space<semaphore_mem>>)
    %add3A_70 = arith.constant 64 : i32
    %add3A_71 = arith.addi %mul3A_50, %add3A_70 : i32
    %dma_start3A_72 = arith.constant 0 : i32
    %dma_start3A_73 = tpu.memref_slice %arg16[%add3A_71, %dma_start3A_72] : memref<10240x64xf32, #tpu.memory_space<vmem_shared>> -> memref<32x64xf32, #tpu.memory_space<vmem_shared>>
    %dma_start3A_74 = arith.constant 0 : i32
    %dma_start3A_75 = tpu.memref_slice %arg16[%add3A_71, %dma_start3A_74] : memref<10240x64xf32, #tpu.memory_space<vmem_shared>> -> memref<32x64xf32, #tpu.memory_space<vmem_shared>>
    tpu.enqueue_dma source(%arg18 : memref<32x64xf32, #tpu.memory_space<vmem>>) target(%dma_start3A_75 : memref<32x64xf32, #tpu.memory_space<vmem_shared>>) target_semaphore(%arg25 : memref<!tpu.dma_semaphore, #tpu.memory_space<semaphore_mem>>)
    %add3A_76 = arith.constant 96 : i32
    %add3A_77 = arith.addi %mul3A_50, %add3A_76 : i32
    %dma_start3A_78 = arith.constant 0 : i32
    %dma_start3A_79 = tpu.memref_slice %arg16[%add3A_77, %dma_start3A_78] : memref<10240x64xf32, #tpu.memory_space<vmem_shared>> -> memref<32x64xf32, #tpu.memory_space<vmem_shared>>
    %dma_start3A_80 = arith.constant 0 : i32
    %dma_start3A_81 = tpu.memref_slice %arg16[%add3A_77, %dma_start3A_80] : memref<10240x64xf32, #tpu.memory_space<vmem_shared>> -> memref<32x64xf32, #tpu.memory_space<vmem_shared>>
    tpu.enqueue_dma source(%arg18 : memref<32x64xf32, #tpu.memory_space<vmem>>) target(%dma_start3A_81 : memref<32x64xf32, #tpu.memory_space<vmem_shared>>) target_semaphore(%arg25 : memref<!tpu.dma_semaphore, #tpu.memory_space<semaphore_mem>>)
    %add3A_82 = arith.constant 128 : i32
    %add3A_83 = arith.addi %mul3A_50, %add3A_82 : i32
    %dma_start3A_84 = arith.constant 0 : i32
    %dma_start3A_85 = tpu.memref_slice %arg16[%add3A_83, %dma_start3A_84] : memref<10240x64xf32, #tpu.memory_space<vmem_shared>> -> memref<32x64xf32, #tpu.memory_space<vmem_shared>>
    %dma_start3A_86 = arith.constant 0 : i32
    %dma_start3A_87 = tpu.memref_slice %arg16[%add3A_83, %dma_start3A_86] : memref<10240x64xf32, #tpu.memory_space<vmem_shared>> -> memref<32x64xf32, #tpu.memory_space<vmem_shared>>
    tpu.enqueue_dma source(%arg18 : memref<32x64xf32, #tpu.memory_space<vmem>>) target(%dma_start3A_87 : memref<32x64xf32, #tpu.memory_space<vmem_shared>>) target_semaphore(%arg25 : memref<!tpu.dma_semaphore, #tpu.memory_space<semaphore_mem>>)
    %add3A_88 = arith.constant 160 : i32
    %add3A_89 = arith.addi %mul3A_50, %add3A_88 : i32
    %dma_start3A_90 = arith.constant 0 : i32
    %dma_start3A_91 = tpu.memref_slice %arg16[%add3A_89, %dma_start3A_90] : memref<10240x64xf32, #tpu.memory_space<vmem_shared>> -> memref<32x64xf32, #tpu.memory_space<vmem_shared>>
    %dma_start3A_92 = arith.constant 0 : i32
    %dma_start3A_93 = tpu.memref_slice %arg16[%add3A_89, %dma_start3A_92] : memref<10240x64xf32, #tpu.memory_space<vmem_shared>> -> memref<32x64xf32, #tpu.memory_space<vmem_shared>>
    tpu.enqueue_dma source(%arg18 : memref<32x64xf32, #tpu.memory_space<vmem>>) target(%dma_start3A_93 : memref<32x64xf32, #tpu.memory_space<vmem_shared>>) target_semaphore(%arg25 : memref<!tpu.dma_semaphore, #tpu.memory_space<semaphore_mem>>)
    %add3A_94 = arith.constant 192 : i32
    %add3A_95 = arith.addi %mul3A_50, %add3A_94 : i32
    %dma_start3A_96 = arith.constant 0 : i32
    %dma_start3A_97 = tpu.memref_slice %arg16[%add3A_95, %dma_start3A_96] : memref<10240x64xf32, #tpu.memory_space<vmem_shared>> -> memref<32x64xf32, #tpu.memory_space<vmem_shared>>
    %dma_start3A_98 = arith.constant 0 : i32
    %dma_start3A_99 = tpu.memref_slice %arg16[%add3A_95, %dma_start3A_98] : memref<10240x64xf32, #tpu.memory_space<vmem_shared>> -> memref<32x64xf32, #tpu.memory_space<vmem_shared>>
    tpu.enqueue_dma source(%arg18 : memref<32x64xf32, #tpu.memory_space<vmem>>) target(%dma_start3A_99 : memref<32x64xf32, #tpu.memory_space<vmem_shared>>) target_semaphore(%arg25 : memref<!tpu.dma_semaphore, #tpu.memory_space<semaphore_mem>>)
    %add3A_100 = arith.constant 224 : i32
    %add3A_101 = arith.addi %mul3A_50, %add3A_100 : i32
    %dma_start3A_102 = arith.constant 0 : i32
    %dma_start3A_103 = tpu.memref_slice %arg16[%add3A_101, %dma_start3A_102] : memref<10240x64xf32, #tpu.memory_space<vmem_shared>> -> memref<32x64xf32, #tpu.memory_space<vmem_shared>>
    %dma_start3A_104 = arith.constant 0 : i32
    %dma_start3A_105 = tpu.memref_slice %arg16[%add3A_101, %dma_start3A_104] : memref<10240x64xf32, #tpu.memory_space<vmem_shared>> -> memref<32x64xf32, #tpu.memory_space<vmem_shared>>
    tpu.enqueue_dma source(%arg18 : memref<32x64xf32, #tpu.memory_space<vmem>>) target(%dma_start3A_105 : memref<32x64xf32, #tpu.memory_space<vmem_shared>>) target_semaphore(%arg25 : memref<!tpu.dma_semaphore, #tpu.memory_space<semaphore_mem>>)
    %add3A_106 = arith.constant 256 : i32
    %add3A_107 = arith.addi %mul3A_50, %add3A_106 : i32
    %dma_start3A_108 = arith.constant 0 : i32
    %dma_start3A_109 = tpu.memref_slice %arg16[%add3A_107, %dma_start3A_108] : memref<10240x64xf32, #tpu.memory_space<vmem_shared>> -> memref<32x64xf32, #tpu.memory_space<vmem_shared>>
    %dma_start3A_110 = arith.constant 0 : i32
    %dma_start3A_111 = tpu.memref_slice %arg16[%add3A_107, %dma_start3A_110] : memref<10240x64xf32, #tpu.memory_space<vmem_shared>> -> memref<32x64xf32, #tpu.memory_space<vmem_shared>>
    tpu.enqueue_dma source(%arg18 : memref<32x64xf32, #tpu.memory_space<vmem>>) target(%dma_start3A_111 : memref<32x64xf32, #tpu.memory_space<vmem_shared>>) target_semaphore(%arg25 : memref<!tpu.dma_semaphore, #tpu.memory_space<semaphore_mem>>)
    %add3A_112 = arith.constant 288 : i32
    %add3A_113 = arith.addi %mul3A_50, %add3A_112 : i32
    %dma_start3A_114 = arith.constant 0 : i32
    %dma_start3A_115 = tpu.memref_slice %arg16[%add3A_113, %dma_start3A_114] : memref<10240x64xf32, #tpu.memory_space<vmem_shared>> -> memref<32x64xf32, #tpu.memory_space<vmem_shared>>
    %dma_start3A_116 = arith.constant 0 : i32
    %dma_start3A_117 = tpu.memref_slice %arg16[%add3A_113, %dma_start3A_116] : memref<10240x64xf32, #tpu.memory_space<vmem_shared>> -> memref<32x64xf32, #tpu.memory_space<vmem_shared>>
    tpu.enqueue_dma source(%arg18 : memref<32x64xf32, #tpu.memory_space<vmem>>) target(%dma_start3A_117 : memref<32x64xf32, #tpu.memory_space<vmem_shared>>) target_semaphore(%arg25 : memref<!tpu.dma_semaphore, #tpu.memory_space<semaphore_mem>>)
    %add3A_118 = arith.constant 320 : i32
    %add3A_119 = arith.addi %mul3A_50, %add3A_118 : i32
    %dma_start3A_120 = arith.constant 0 : i32
    %dma_start3A_121 = tpu.memref_slice %arg16[%add3A_119, %dma_start3A_120] : memref<10240x64xf32, #tpu.memory_space<vmem_shared>> -> memref<32x64xf32, #tpu.memory_space<vmem_shared>>
    %dma_start3A_122 = arith.constant 0 : i32
    %dma_start3A_123 = tpu.memref_slice %arg16[%add3A_119, %dma_start3A_122] : memref<10240x64xf32, #tpu.memory_space<vmem_shared>> -> memref<32x64xf32, #tpu.memory_space<vmem_shared>>
    tpu.enqueue_dma source(%arg18 : memref<32x64xf32, #tpu.memory_space<vmem>>) target(%dma_start3A_123 : memref<32x64xf32, #tpu.memory_space<vmem_shared>>) target_semaphore(%arg25 : memref<!tpu.dma_semaphore, #tpu.memory_space<semaphore_mem>>)
    %add3A_124 = arith.constant 352 : i32
    %add3A_125 = arith.addi %mul3A_50, %add3A_124 : i32
    %dma_start3A_126 = arith.constant 0 : i32
    %dma_start3A_127 = tpu.memref_slice %arg16[%add3A_125, %dma_start3A_126] : memref<10240x64xf32, #tpu.memory_space<vmem_shared>> -> memref<32x64xf32, #tpu.memory_space<vmem_shared>>
    %dma_start3A_128 = arith.constant 0 : i32
    %dma_start3A_129 = tpu.memref_slice %arg16[%add3A_125, %dma_start3A_128] : memref<10240x64xf32, #tpu.memory_space<vmem_shared>> -> memref<32x64xf32, #tpu.memory_space<vmem_shared>>
    tpu.enqueue_dma source(%arg18 : memref<32x64xf32, #tpu.memory_space<vmem>>) target(%dma_start3A_129 : memref<32x64xf32, #tpu.memory_space<vmem_shared>>) target_semaphore(%arg25 : memref<!tpu.dma_semaphore, #tpu.memory_space<semaphore_mem>>)
    %add3A_130 = arith.constant 384 : i32
    %add3A_131 = arith.addi %mul3A_50, %add3A_130 : i32
    %dma_start3A_132 = arith.constant 0 : i32
    %dma_start3A_133 = tpu.memref_slice %arg16[%add3A_131, %dma_start3A_132] : memref<10240x64xf32, #tpu.memory_space<vmem_shared>> -> memref<32x64xf32, #tpu.memory_space<vmem_shared>>
    %dma_start3A_134 = arith.constant 0 : i32
    %dma_start3A_135 = tpu.memref_slice %arg16[%add3A_131, %dma_start3A_134] : memref<10240x64xf32, #tpu.memory_space<vmem_shared>> -> memref<32x64xf32, #tpu.memory_space<vmem_shared>>
    tpu.enqueue_dma source(%arg18 : memref<32x64xf32, #tpu.memory_space<vmem>>) target(%dma_start3A_135 : memref<32x64xf32, #tpu.memory_space<vmem_shared>>) target_semaphore(%arg25 : memref<!tpu.dma_semaphore, #tpu.memory_space<semaphore_mem>>)
    %add3A_136 = arith.constant 416 : i32
    %add3A_137 = arith.addi %mul3A_50, %add3A_136 : i32
    %dma_start3A_138 = arith.constant 0 : i32
    %dma_start3A_139 = tpu.memref_slice %arg16[%add3A_137, %dma_start3A_138] : memref<10240x64xf32, #tpu.memory_space<vmem_shared>> -> memref<32x64xf32, #tpu.memory_space<vmem_shared>>
    %dma_start3A_140 = arith.constant 0 : i32
    %dma_start3A_141 = tpu.memref_slice %arg16[%add3A_137, %dma_start3A_140] : memref<10240x64xf32, #tpu.memory_space<vmem_shared>> -> memref<32x64xf32, #tpu.memory_space<vmem_shared>>
    tpu.enqueue_dma source(%arg18 : memref<32x64xf32, #tpu.memory_space<vmem>>) target(%dma_start3A_141 : memref<32x64xf32, #tpu.memory_space<vmem_shared>>) target_semaphore(%arg25 : memref<!tpu.dma_semaphore, #tpu.memory_space<semaphore_mem>>)
    %add3A_142 = arith.constant 448 : i32
    %add3A_143 = arith.addi %mul3A_50, %add3A_142 : i32
    %dma_start3A_144 = arith.constant 0 : i32
    %dma_start3A_145 = tpu.memref_slice %arg16[%add3A_143, %dma_start3A_144] : memref<10240x64xf32, #tpu.memory_space<vmem_shared>> -> memref<32x64xf32, #tpu.memory_space<vmem_shared>>
    %dma_start3A_146 = arith.constant 0 : i32
    %dma_start3A_147 = tpu.memref_slice %arg16[%add3A_143, %dma_start3A_146] : memref<10240x64xf32, #tpu.memory_space<vmem_shared>> -> memref<32x64xf32, #tpu.memory_space<vmem_shared>>
    tpu.enqueue_dma source(%arg18 : memref<32x64xf32, #tpu.memory_space<vmem>>) target(%dma_start3A_147 : memref<32x64xf32, #tpu.memory_space<vmem_shared>>) target_semaphore(%arg25 : memref<!tpu.dma_semaphore, #tpu.memory_space<semaphore_mem>>)
    %add3A_148 = arith.constant 480 : i32
    %add3A_149 = arith.addi %mul3A_50, %add3A_148 : i32
    %dma_start3A_150 = arith.constant 0 : i32
    %dma_start3A_151 = tpu.memref_slice %arg16[%add3A_149, %dma_start3A_150] : memref<10240x64xf32, #tpu.memory_space<vmem_shared>> -> memref<32x64xf32, #tpu.memory_space<vmem_shared>>
    %dma_start3A_152 = arith.constant 0 : i32
    %dma_start3A_153 = tpu.memref_slice %arg16[%add3A_149, %dma_start3A_152] : memref<10240x64xf32, #tpu.memory_space<vmem_shared>> -> memref<32x64xf32, #tpu.memory_space<vmem_shared>>
    tpu.enqueue_dma source(%arg18 : memref<32x64xf32, #tpu.memory_space<vmem>>) target(%dma_start3A_153 : memref<32x64xf32, #tpu.memory_space<vmem_shared>>) target_semaphore(%arg25 : memref<!tpu.dma_semaphore, #tpu.memory_space<semaphore_mem>>)
    %add3A_154 = arith.constant 512 : i32
    %add3A_155 = arith.addi %mul3A_50, %add3A_154 : i32
    %dma_start3A_156 = arith.constant 0 : i32
    %dma_start3A_157 = tpu.memref_slice %arg16[%add3A_155, %dma_start3A_156] : memref<10240x64xf32, #tpu.memory_space<vmem_shared>> -> memref<32x64xf32, #tpu.memory_space<vmem_shared>>
    %dma_start3A_158 = arith.constant 0 : i32
    %dma_start3A_159 = tpu.memref_slice %arg16[%add3A_155, %dma_start3A_158] : memref<10240x64xf32, #tpu.memory_space<vmem_shared>> -> memref<32x64xf32, #tpu.memory_space<vmem_shared>>
    tpu.enqueue_dma source(%arg18 : memref<32x64xf32, #tpu.memory_space<vmem>>) target(%dma_start3A_159 : memref<32x64xf32, #tpu.memory_space<vmem_shared>>) target_semaphore(%arg25 : memref<!tpu.dma_semaphore, #tpu.memory_space<semaphore_mem>>)
    %add3A_160 = arith.constant 544 : i32
    %add3A_161 = arith.addi %mul3A_50, %add3A_160 : i32
    %dma_start3A_162 = arith.constant 0 : i32
    %dma_start3A_163 = tpu.memref_slice %arg16[%add3A_161, %dma_start3A_162] : memref<10240x64xf32, #tpu.memory_space<vmem_shared>> -> memref<32x64xf32, #tpu.memory_space<vmem_shared>>
    %dma_start3A_164 = arith.constant 0 : i32
    %dma_start3A_165 = tpu.memref_slice %arg16[%add3A_161, %dma_start3A_164] : memref<10240x64xf32, #tpu.memory_space<vmem_shared>> -> memref<32x64xf32, #tpu.memory_space<vmem_shared>>
    tpu.enqueue_dma source(%arg18 : memref<32x64xf32, #tpu.memory_space<vmem>>) target(%dma_start3A_165 : memref<32x64xf32, #tpu.memory_space<vmem_shared>>) target_semaphore(%arg25 : memref<!tpu.dma_semaphore, #tpu.memory_space<semaphore_mem>>)
    %add3A_166 = arith.constant 576 : i32
    %add3A_167 = arith.addi %mul3A_50, %add3A_166 : i32
    %dma_start3A_168 = arith.constant 0 : i32
    %dma_start3A_169 = tpu.memref_slice %arg16[%add3A_167, %dma_start3A_168] : memref<10240x64xf32, #tpu.memory_space<vmem_shared>> -> memref<32x64xf32, #tpu.memory_space<vmem_shared>>
    %dma_start3A_170 = arith.constant 0 : i32
    %dma_start3A_171 = tpu.memref_slice %arg16[%add3A_167, %dma_start3A_170] : memref<10240x64xf32, #tpu.memory_space<vmem_shared>> -> memref<32x64xf32, #tpu.memory_space<vmem_shared>>
    tpu.enqueue_dma source(%arg18 : memref<32x64xf32, #tpu.memory_space<vmem>>) target(%dma_start3A_171 : memref<32x64xf32, #tpu.memory_space<vmem_shared>>) target_semaphore(%arg25 : memref<!tpu.dma_semaphore, #tpu.memory_space<semaphore_mem>>)
    %add3A_172 = arith.constant 608 : i32
    %add3A_173 = arith.addi %mul3A_50, %add3A_172 : i32
    %dma_start3A_174 = arith.constant 0 : i32
    %dma_start3A_175 = tpu.memref_slice %arg16[%add3A_173, %dma_start3A_174] : memref<10240x64xf32, #tpu.memory_space<vmem_shared>> -> memref<32x64xf32, #tpu.memory_space<vmem_shared>>
    %dma_start3A_176 = arith.constant 0 : i32
    %dma_start3A_177 = tpu.memref_slice %arg16[%add3A_173, %dma_start3A_176] : memref<10240x64xf32, #tpu.memory_space<vmem_shared>> -> memref<32x64xf32, #tpu.memory_space<vmem_shared>>
    tpu.enqueue_dma source(%arg18 : memref<32x64xf32, #tpu.memory_space<vmem>>) target(%dma_start3A_177 : memref<32x64xf32, #tpu.memory_space<vmem_shared>>) target_semaphore(%arg25 : memref<!tpu.dma_semaphore, #tpu.memory_space<semaphore_mem>>)
    %add3A_178 = arith.constant 0 : i32
    %add3A_179 = arith.addi %mul3A_50, %add3A_178 : i32
    %dma_start3A_180 = arith.constant 0 : i32
    %dma_start3A_181 = tpu.memref_slice %arg17[%add3A_179, %dma_start3A_180] : memref<10240x8xf32, #tpu.memory_space<vmem_shared>> -> memref<64x8xf32, #tpu.memory_space<vmem_shared>>
    %dma_start3A_182 = arith.constant 0 : i32
    %dma_start3A_183 = tpu.memref_slice %arg17[%add3A_179, %dma_start3A_182] : memref<10240x8xf32, #tpu.memory_space<vmem_shared>> -> memref<64x8xf32, #tpu.memory_space<vmem_shared>>
    tpu.enqueue_dma source(%arg19 : memref<64x8xf32, #tpu.memory_space<vmem>>) target(%dma_start3A_183 : memref<64x8xf32, #tpu.memory_space<vmem_shared>>) target_semaphore(%arg26 : memref<!tpu.dma_semaphore, #tpu.memory_space<semaphore_mem>>)
    %add3A_184 = arith.constant 64 : i32
    %add3A_185 = arith.addi %mul3A_50, %add3A_184 : i32
    %dma_start3A_186 = arith.constant 0 : i32
    %dma_start3A_187 = tpu.memref_slice %arg17[%add3A_185, %dma_start3A_186] : memref<10240x8xf32, #tpu.memory_space<vmem_shared>> -> memref<64x8xf32, #tpu.memory_space<vmem_shared>>
    %dma_start3A_188 = arith.constant 0 : i32
    %dma_start3A_189 = tpu.memref_slice %arg17[%add3A_185, %dma_start3A_188] : memref<10240x8xf32, #tpu.memory_space<vmem_shared>> -> memref<64x8xf32, #tpu.memory_space<vmem_shared>>
    tpu.enqueue_dma source(%arg19 : memref<64x8xf32, #tpu.memory_space<vmem>>) target(%dma_start3A_189 : memref<64x8xf32, #tpu.memory_space<vmem_shared>>) target_semaphore(%arg26 : memref<!tpu.dma_semaphore, #tpu.memory_space<semaphore_mem>>)
    %add3A_190 = arith.constant 128 : i32
    %add3A_191 = arith.addi %mul3A_50, %add3A_190 : i32
    %dma_start3A_192 = arith.constant 0 : i32
    %dma_start3A_193 = tpu.memref_slice %arg17[%add3A_191, %dma_start3A_192] : memref<10240x8xf32, #tpu.memory_space<vmem_shared>> -> memref<64x8xf32, #tpu.memory_space<vmem_shared>>
    %dma_start3A_194 = arith.constant 0 : i32
    %dma_start3A_195 = tpu.memref_slice %arg17[%add3A_191, %dma_start3A_194] : memref<10240x8xf32, #tpu.memory_space<vmem_shared>> -> memref<64x8xf32, #tpu.memory_space<vmem_shared>>
    tpu.enqueue_dma source(%arg19 : memref<64x8xf32, #tpu.memory_space<vmem>>) target(%dma_start3A_195 : memref<64x8xf32, #tpu.memory_space<vmem_shared>>) target_semaphore(%arg26 : memref<!tpu.dma_semaphore, #tpu.memory_space<semaphore_mem>>)
    %add3A_196 = arith.constant 192 : i32
    %add3A_197 = arith.addi %mul3A_50, %add3A_196 : i32
    %dma_start3A_198 = arith.constant 0 : i32
    %dma_start3A_199 = tpu.memref_slice %arg17[%add3A_197, %dma_start3A_198] : memref<10240x8xf32, #tpu.memory_space<vmem_shared>> -> memref<64x8xf32, #tpu.memory_space<vmem_shared>>
    %dma_start3A_200 = arith.constant 0 : i32
    %dma_start3A_201 = tpu.memref_slice %arg17[%add3A_197, %dma_start3A_200] : memref<10240x8xf32, #tpu.memory_space<vmem_shared>> -> memref<64x8xf32, #tpu.memory_space<vmem_shared>>
    tpu.enqueue_dma source(%arg19 : memref<64x8xf32, #tpu.memory_space<vmem>>) target(%dma_start3A_201 : memref<64x8xf32, #tpu.memory_space<vmem_shared>>) target_semaphore(%arg26 : memref<!tpu.dma_semaphore, #tpu.memory_space<semaphore_mem>>)
    %add3A_202 = arith.constant 256 : i32
    %add3A_203 = arith.addi %mul3A_50, %add3A_202 : i32
    %dma_start3A_204 = arith.constant 0 : i32
    %dma_start3A_205 = tpu.memref_slice %arg17[%add3A_203, %dma_start3A_204] : memref<10240x8xf32, #tpu.memory_space<vmem_shared>> -> memref<64x8xf32, #tpu.memory_space<vmem_shared>>
    %dma_start3A_206 = arith.constant 0 : i32
    %dma_start3A_207 = tpu.memref_slice %arg17[%add3A_203, %dma_start3A_206] : memref<10240x8xf32, #tpu.memory_space<vmem_shared>> -> memref<64x8xf32, #tpu.memory_space<vmem_shared>>
    tpu.enqueue_dma source(%arg19 : memref<64x8xf32, #tpu.memory_space<vmem>>) target(%dma_start3A_207 : memref<64x8xf32, #tpu.memory_space<vmem_shared>>) target_semaphore(%arg26 : memref<!tpu.dma_semaphore, #tpu.memory_space<semaphore_mem>>)
    %add3A_208 = arith.constant 320 : i32
    %add3A_209 = arith.addi %mul3A_50, %add3A_208 : i32
    %dma_start3A_210 = arith.constant 0 : i32
    %dma_start3A_211 = tpu.memref_slice %arg17[%add3A_209, %dma_start3A_210] : memref<10240x8xf32, #tpu.memory_space<vmem_shared>> -> memref<64x8xf32, #tpu.memory_space<vmem_shared>>
    %dma_start3A_212 = arith.constant 0 : i32
    %dma_start3A_213 = tpu.memref_slice %arg17[%add3A_209, %dma_start3A_212] : memref<10240x8xf32, #tpu.memory_space<vmem_shared>> -> memref<64x8xf32, #tpu.memory_space<vmem_shared>>
    tpu.enqueue_dma source(%arg19 : memref<64x8xf32, #tpu.memory_space<vmem>>) target(%dma_start3A_213 : memref<64x8xf32, #tpu.memory_space<vmem_shared>>) target_semaphore(%arg26 : memref<!tpu.dma_semaphore, #tpu.memory_space<semaphore_mem>>)
    %add3A_214 = arith.constant 384 : i32
    %add3A_215 = arith.addi %mul3A_50, %add3A_214 : i32
    %dma_start3A_216 = arith.constant 0 : i32
    %dma_start3A_217 = tpu.memref_slice %arg17[%add3A_215, %dma_start3A_216] : memref<10240x8xf32, #tpu.memory_space<vmem_shared>> -> memref<64x8xf32, #tpu.memory_space<vmem_shared>>
    %dma_start3A_218 = arith.constant 0 : i32
    %dma_start3A_219 = tpu.memref_slice %arg17[%add3A_215, %dma_start3A_218] : memref<10240x8xf32, #tpu.memory_space<vmem_shared>> -> memref<64x8xf32, #tpu.memory_space<vmem_shared>>
    tpu.enqueue_dma source(%arg19 : memref<64x8xf32, #tpu.memory_space<vmem>>) target(%dma_start3A_219 : memref<64x8xf32, #tpu.memory_space<vmem_shared>>) target_semaphore(%arg26 : memref<!tpu.dma_semaphore, #tpu.memory_space<semaphore_mem>>)
    %add3A_220 = arith.constant 448 : i32
    %add3A_221 = arith.addi %mul3A_50, %add3A_220 : i32
    %dma_start3A_222 = arith.constant 0 : i32
    %dma_start3A_223 = tpu.memref_slice %arg17[%add3A_221, %dma_start3A_222] : memref<10240x8xf32, #tpu.memory_space<vmem_shared>> -> memref<64x8xf32, #tpu.memory_space<vmem_shared>>
    %dma_start3A_224 = arith.constant 0 : i32
    %dma_start3A_225 = tpu.memref_slice %arg17[%add3A_221, %dma_start3A_224] : memref<10240x8xf32, #tpu.memory_space<vmem_shared>> -> memref<64x8xf32, #tpu.memory_space<vmem_shared>>
    tpu.enqueue_dma source(%arg19 : memref<64x8xf32, #tpu.memory_space<vmem>>) target(%dma_start3A_225 : memref<64x8xf32, #tpu.memory_space<vmem_shared>>) target_semaphore(%arg26 : memref<!tpu.dma_semaphore, #tpu.memory_space<semaphore_mem>>)
    %add3A_226 = arith.constant 512 : i32
    %add3A_227 = arith.addi %mul3A_50, %add3A_226 : i32
    %dma_start3A_228 = arith.constant 0 : i32
    %dma_start3A_229 = tpu.memref_slice %arg17[%add3A_227, %dma_start3A_228] : memref<10240x8xf32, #tpu.memory_space<vmem_shared>> -> memref<64x8xf32, #tpu.memory_space<vmem_shared>>
    %dma_start3A_230 = arith.constant 0 : i32
    %dma_start3A_231 = tpu.memref_slice %arg17[%add3A_227, %dma_start3A_230] : memref<10240x8xf32, #tpu.memory_space<vmem_shared>> -> memref<64x8xf32, #tpu.memory_space<vmem_shared>>
    tpu.enqueue_dma source(%arg19 : memref<64x8xf32, #tpu.memory_space<vmem>>) target(%dma_start3A_231 : memref<64x8xf32, #tpu.memory_space<vmem_shared>>) target_semaphore(%arg26 : memref<!tpu.dma_semaphore, #tpu.memory_space<semaphore_mem>>)
    %add3A_232 = arith.constant 576 : i32
    %add3A_233 = arith.addi %mul3A_50, %add3A_232 : i32
    %dma_start3A_234 = arith.constant 0 : i32
    %dma_start3A_235 = tpu.memref_slice %arg17[%add3A_233, %dma_start3A_234] : memref<10240x8xf32, #tpu.memory_space<vmem_shared>> -> memref<64x8xf32, #tpu.memory_space<vmem_shared>>
    %dma_start3A_236 = arith.constant 0 : i32
    %dma_start3A_237 = tpu.memref_slice %arg17[%add3A_233, %dma_start3A_236] : memref<10240x8xf32, #tpu.memory_space<vmem_shared>> -> memref<64x8xf32, #tpu.memory_space<vmem_shared>>
    tpu.enqueue_dma source(%arg19 : memref<64x8xf32, #tpu.memory_space<vmem>>) target(%dma_start3A_237 : memref<64x8xf32, #tpu.memory_space<vmem_shared>>) target_semaphore(%arg26 : memref<!tpu.dma_semaphore, #tpu.memory_space<semaphore_mem>>)
    %add3A_238 = arith.constant 0 : i32
    %add3A_239 = arith.addi %mul3A_50, %add3A_238 : i32
    %dma_wait3A = arith.constant 0 : i32
    %dma_wait3A_240 = tpu.memref_slice %arg16[%add3A_239, %dma_wait3A] : memref<10240x64xf32, #tpu.memory_space<vmem_shared>> -> memref<32x64xf32, #tpu.memory_space<vmem_shared>>
    %dma_wait3A_241 = arith.constant 0 : i32
    %dma_wait3A_242 = tpu.memref_slice %arg16[%add3A_239, %dma_wait3A_241] : memref<10240x64xf32, #tpu.memory_space<vmem_shared>> -> memref<32x64xf32, #tpu.memory_space<vmem_shared>>
    tpu.wait_dma2 semaphore(%arg25 : memref<!tpu.dma_semaphore, #tpu.memory_space<semaphore_mem>>) src(%arg18 : memref<32x64xf32, #tpu.memory_space<vmem>>) dst(%dma_wait3A_242 : memref<32x64xf32, #tpu.memory_space<vmem_shared>>)
    %add3A_243 = arith.constant 32 : i32
    %add3A_244 = arith.addi %mul3A_50, %add3A_243 : i32
    %dma_wait3A_245 = arith.constant 0 : i32
    %dma_wait3A_246 = tpu.memref_slice %arg16[%add3A_244, %dma_wait3A_245] : memref<10240x64xf32, #tpu.memory_space<vmem_shared>> -> memref<32x64xf32, #tpu.memory_space<vmem_shared>>
    %dma_wait3A_247 = arith.constant 0 : i32
    %dma_wait3A_248 = tpu.memref_slice %arg16[%add3A_244, %dma_wait3A_247] : memref<10240x64xf32, #tpu.memory_space<vmem_shared>> -> memref<32x64xf32, #tpu.memory_space<vmem_shared>>
    tpu.wait_dma2 semaphore(%arg25 : memref<!tpu.dma_semaphore, #tpu.memory_space<semaphore_mem>>) src(%arg18 : memref<32x64xf32, #tpu.memory_space<vmem>>) dst(%dma_wait3A_248 : memref<32x64xf32, #tpu.memory_space<vmem_shared>>)
    %add3A_249 = arith.constant 64 : i32
    %add3A_250 = arith.addi %mul3A_50, %add3A_249 : i32
    %dma_wait3A_251 = arith.constant 0 : i32
    %dma_wait3A_252 = tpu.memref_slice %arg16[%add3A_250, %dma_wait3A_251] : memref<10240x64xf32, #tpu.memory_space<vmem_shared>> -> memref<32x64xf32, #tpu.memory_space<vmem_shared>>
    %dma_wait3A_253 = arith.constant 0 : i32
    %dma_wait3A_254 = tpu.memref_slice %arg16[%add3A_250, %dma_wait3A_253] : memref<10240x64xf32, #tpu.memory_space<vmem_shared>> -> memref<32x64xf32, #tpu.memory_space<vmem_shared>>
    tpu.wait_dma2 semaphore(%arg25 : memref<!tpu.dma_semaphore, #tpu.memory_space<semaphore_mem>>) src(%arg18 : memref<32x64xf32, #tpu.memory_space<vmem>>) dst(%dma_wait3A_254 : memref<32x64xf32, #tpu.memory_space<vmem_shared>>)
    %add3A_255 = arith.constant 96 : i32
    %add3A_256 = arith.addi %mul3A_50, %add3A_255 : i32
    %dma_wait3A_257 = arith.constant 0 : i32
    %dma_wait3A_258 = tpu.memref_slice %arg16[%add3A_256, %dma_wait3A_257] : memref<10240x64xf32, #tpu.memory_space<vmem_shared>> -> memref<32x64xf32, #tpu.memory_space<vmem_shared>>
    %dma_wait3A_259 = arith.constant 0 : i32
    %dma_wait3A_260 = tpu.memref_slice %arg16[%add3A_256, %dma_wait3A_259] : memref<10240x64xf32, #tpu.memory_space<vmem_shared>> -> memref<32x64xf32, #tpu.memory_space<vmem_shared>>
    tpu.wait_dma2 semaphore(%arg25 : memref<!tpu.dma_semaphore, #tpu.memory_space<semaphore_mem>>) src(%arg18 : memref<32x64xf32, #tpu.memory_space<vmem>>) dst(%dma_wait3A_260 : memref<32x64xf32, #tpu.memory_space<vmem_shared>>)
    %add3A_261 = arith.constant 128 : i32
    %add3A_262 = arith.addi %mul3A_50, %add3A_261 : i32
    %dma_wait3A_263 = arith.constant 0 : i32
    %dma_wait3A_264 = tpu.memref_slice %arg16[%add3A_262, %dma_wait3A_263] : memref<10240x64xf32, #tpu.memory_space<vmem_shared>> -> memref<32x64xf32, #tpu.memory_space<vmem_shared>>
    %dma_wait3A_265 = arith.constant 0 : i32
    %dma_wait3A_266 = tpu.memref_slice %arg16[%add3A_262, %dma_wait3A_265] : memref<10240x64xf32, #tpu.memory_space<vmem_shared>> -> memref<32x64xf32, #tpu.memory_space<vmem_shared>>
    tpu.wait_dma2 semaphore(%arg25 : memref<!tpu.dma_semaphore, #tpu.memory_space<semaphore_mem>>) src(%arg18 : memref<32x64xf32, #tpu.memory_space<vmem>>) dst(%dma_wait3A_266 : memref<32x64xf32, #tpu.memory_space<vmem_shared>>)
    %add3A_267 = arith.constant 160 : i32
    %add3A_268 = arith.addi %mul3A_50, %add3A_267 : i32
    %dma_wait3A_269 = arith.constant 0 : i32
    %dma_wait3A_270 = tpu.memref_slice %arg16[%add3A_268, %dma_wait3A_269] : memref<10240x64xf32, #tpu.memory_space<vmem_shared>> -> memref<32x64xf32, #tpu.memory_space<vmem_shared>>
    %dma_wait3A_271 = arith.constant 0 : i32
    %dma_wait3A_272 = tpu.memref_slice %arg16[%add3A_268, %dma_wait3A_271] : memref<10240x64xf32, #tpu.memory_space<vmem_shared>> -> memref<32x64xf32, #tpu.memory_space<vmem_shared>>
    tpu.wait_dma2 semaphore(%arg25 : memref<!tpu.dma_semaphore, #tpu.memory_space<semaphore_mem>>) src(%arg18 : memref<32x64xf32, #tpu.memory_space<vmem>>) dst(%dma_wait3A_272 : memref<32x64xf32, #tpu.memory_space<vmem_shared>>)
    %add3A_273 = arith.constant 192 : i32
    %add3A_274 = arith.addi %mul3A_50, %add3A_273 : i32
    %dma_wait3A_275 = arith.constant 0 : i32
    %dma_wait3A_276 = tpu.memref_slice %arg16[%add3A_274, %dma_wait3A_275] : memref<10240x64xf32, #tpu.memory_space<vmem_shared>> -> memref<32x64xf32, #tpu.memory_space<vmem_shared>>
    %dma_wait3A_277 = arith.constant 0 : i32
    %dma_wait3A_278 = tpu.memref_slice %arg16[%add3A_274, %dma_wait3A_277] : memref<10240x64xf32, #tpu.memory_space<vmem_shared>> -> memref<32x64xf32, #tpu.memory_space<vmem_shared>>
    tpu.wait_dma2 semaphore(%arg25 : memref<!tpu.dma_semaphore, #tpu.memory_space<semaphore_mem>>) src(%arg18 : memref<32x64xf32, #tpu.memory_space<vmem>>) dst(%dma_wait3A_278 : memref<32x64xf32, #tpu.memory_space<vmem_shared>>)
    %add3A_279 = arith.constant 224 : i32
    %add3A_280 = arith.addi %mul3A_50, %add3A_279 : i32
    %dma_wait3A_281 = arith.constant 0 : i32
    %dma_wait3A_282 = tpu.memref_slice %arg16[%add3A_280, %dma_wait3A_281] : memref<10240x64xf32, #tpu.memory_space<vmem_shared>> -> memref<32x64xf32, #tpu.memory_space<vmem_shared>>
    %dma_wait3A_283 = arith.constant 0 : i32
    %dma_wait3A_284 = tpu.memref_slice %arg16[%add3A_280, %dma_wait3A_283] : memref<10240x64xf32, #tpu.memory_space<vmem_shared>> -> memref<32x64xf32, #tpu.memory_space<vmem_shared>>
    tpu.wait_dma2 semaphore(%arg25 : memref<!tpu.dma_semaphore, #tpu.memory_space<semaphore_mem>>) src(%arg18 : memref<32x64xf32, #tpu.memory_space<vmem>>) dst(%dma_wait3A_284 : memref<32x64xf32, #tpu.memory_space<vmem_shared>>)
    %add3A_285 = arith.constant 256 : i32
    %add3A_286 = arith.addi %mul3A_50, %add3A_285 : i32
    %dma_wait3A_287 = arith.constant 0 : i32
    %dma_wait3A_288 = tpu.memref_slice %arg16[%add3A_286, %dma_wait3A_287] : memref<10240x64xf32, #tpu.memory_space<vmem_shared>> -> memref<32x64xf32, #tpu.memory_space<vmem_shared>>
    %dma_wait3A_289 = arith.constant 0 : i32
    %dma_wait3A_290 = tpu.memref_slice %arg16[%add3A_286, %dma_wait3A_289] : memref<10240x64xf32, #tpu.memory_space<vmem_shared>> -> memref<32x64xf32, #tpu.memory_space<vmem_shared>>
    tpu.wait_dma2 semaphore(%arg25 : memref<!tpu.dma_semaphore, #tpu.memory_space<semaphore_mem>>) src(%arg18 : memref<32x64xf32, #tpu.memory_space<vmem>>) dst(%dma_wait3A_290 : memref<32x64xf32, #tpu.memory_space<vmem_shared>>)
    %add3A_291 = arith.constant 288 : i32
    %add3A_292 = arith.addi %mul3A_50, %add3A_291 : i32
    %dma_wait3A_293 = arith.constant 0 : i32
    %dma_wait3A_294 = tpu.memref_slice %arg16[%add3A_292, %dma_wait3A_293] : memref<10240x64xf32, #tpu.memory_space<vmem_shared>> -> memref<32x64xf32, #tpu.memory_space<vmem_shared>>
    %dma_wait3A_295 = arith.constant 0 : i32
    %dma_wait3A_296 = tpu.memref_slice %arg16[%add3A_292, %dma_wait3A_295] : memref<10240x64xf32, #tpu.memory_space<vmem_shared>> -> memref<32x64xf32, #tpu.memory_space<vmem_shared>>
    tpu.wait_dma2 semaphore(%arg25 : memref<!tpu.dma_semaphore, #tpu.memory_space<semaphore_mem>>) src(%arg18 : memref<32x64xf32, #tpu.memory_space<vmem>>) dst(%dma_wait3A_296 : memref<32x64xf32, #tpu.memory_space<vmem_shared>>)
    %add3A_297 = arith.constant 320 : i32
    %add3A_298 = arith.addi %mul3A_50, %add3A_297 : i32
    %dma_wait3A_299 = arith.constant 0 : i32
    %dma_wait3A_300 = tpu.memref_slice %arg16[%add3A_298, %dma_wait3A_299] : memref<10240x64xf32, #tpu.memory_space<vmem_shared>> -> memref<32x64xf32, #tpu.memory_space<vmem_shared>>
    %dma_wait3A_301 = arith.constant 0 : i32
    %dma_wait3A_302 = tpu.memref_slice %arg16[%add3A_298, %dma_wait3A_301] : memref<10240x64xf32, #tpu.memory_space<vmem_shared>> -> memref<32x64xf32, #tpu.memory_space<vmem_shared>>
    tpu.wait_dma2 semaphore(%arg25 : memref<!tpu.dma_semaphore, #tpu.memory_space<semaphore_mem>>) src(%arg18 : memref<32x64xf32, #tpu.memory_space<vmem>>) dst(%dma_wait3A_302 : memref<32x64xf32, #tpu.memory_space<vmem_shared>>)
    %add3A_303 = arith.constant 352 : i32
    %add3A_304 = arith.addi %mul3A_50, %add3A_303 : i32
    %dma_wait3A_305 = arith.constant 0 : i32
    %dma_wait3A_306 = tpu.memref_slice %arg16[%add3A_304, %dma_wait3A_305] : memref<10240x64xf32, #tpu.memory_space<vmem_shared>> -> memref<32x64xf32, #tpu.memory_space<vmem_shared>>
    %dma_wait3A_307 = arith.constant 0 : i32
    %dma_wait3A_308 = tpu.memref_slice %arg16[%add3A_304, %dma_wait3A_307] : memref<10240x64xf32, #tpu.memory_space<vmem_shared>> -> memref<32x64xf32, #tpu.memory_space<vmem_shared>>
    tpu.wait_dma2 semaphore(%arg25 : memref<!tpu.dma_semaphore, #tpu.memory_space<semaphore_mem>>) src(%arg18 : memref<32x64xf32, #tpu.memory_space<vmem>>) dst(%dma_wait3A_308 : memref<32x64xf32, #tpu.memory_space<vmem_shared>>)
    %add3A_309 = arith.constant 384 : i32
    %add3A_310 = arith.addi %mul3A_50, %add3A_309 : i32
    %dma_wait3A_311 = arith.constant 0 : i32
    %dma_wait3A_312 = tpu.memref_slice %arg16[%add3A_310, %dma_wait3A_311] : memref<10240x64xf32, #tpu.memory_space<vmem_shared>> -> memref<32x64xf32, #tpu.memory_space<vmem_shared>>
    %dma_wait3A_313 = arith.constant 0 : i32
    %dma_wait3A_314 = tpu.memref_slice %arg16[%add3A_310, %dma_wait3A_313] : memref<10240x64xf32, #tpu.memory_space<vmem_shared>> -> memref<32x64xf32, #tpu.memory_space<vmem_shared>>
    tpu.wait_dma2 semaphore(%arg25 : memref<!tpu.dma_semaphore, #tpu.memory_space<semaphore_mem>>) src(%arg18 : memref<32x64xf32, #tpu.memory_space<vmem>>) dst(%dma_wait3A_314 : memref<32x64xf32, #tpu.memory_space<vmem_shared>>)
    %add3A_315 = arith.constant 416 : i32
    %add3A_316 = arith.addi %mul3A_50, %add3A_315 : i32
    %dma_wait3A_317 = arith.constant 0 : i32
    %dma_wait3A_318 = tpu.memref_slice %arg16[%add3A_316, %dma_wait3A_317] : memref<10240x64xf32, #tpu.memory_space<vmem_shared>> -> memref<32x64xf32, #tpu.memory_space<vmem_shared>>
    %dma_wait3A_319 = arith.constant 0 : i32
    %dma_wait3A_320 = tpu.memref_slice %arg16[%add3A_316, %dma_wait3A_319] : memref<10240x64xf32, #tpu.memory_space<vmem_shared>> -> memref<32x64xf32, #tpu.memory_space<vmem_shared>>
    tpu.wait_dma2 semaphore(%arg25 : memref<!tpu.dma_semaphore, #tpu.memory_space<semaphore_mem>>) src(%arg18 : memref<32x64xf32, #tpu.memory_space<vmem>>) dst(%dma_wait3A_320 : memref<32x64xf32, #tpu.memory_space<vmem_shared>>)
    %add3A_321 = arith.constant 448 : i32
    %add3A_322 = arith.addi %mul3A_50, %add3A_321 : i32
    %dma_wait3A_323 = arith.constant 0 : i32
    %dma_wait3A_324 = tpu.memref_slice %arg16[%add3A_322, %dma_wait3A_323] : memref<10240x64xf32, #tpu.memory_space<vmem_shared>> -> memref<32x64xf32, #tpu.memory_space<vmem_shared>>
    %dma_wait3A_325 = arith.constant 0 : i32
    %dma_wait3A_326 = tpu.memref_slice %arg16[%add3A_322, %dma_wait3A_325] : memref<10240x64xf32, #tpu.memory_space<vmem_shared>> -> memref<32x64xf32, #tpu.memory_space<vmem_shared>>
    tpu.wait_dma2 semaphore(%arg25 : memref<!tpu.dma_semaphore, #tpu.memory_space<semaphore_mem>>) src(%arg18 : memref<32x64xf32, #tpu.memory_space<vmem>>) dst(%dma_wait3A_326 : memref<32x64xf32, #tpu.memory_space<vmem_shared>>)
    %add3A_327 = arith.constant 480 : i32
    %add3A_328 = arith.addi %mul3A_50, %add3A_327 : i32
    %dma_wait3A_329 = arith.constant 0 : i32
    %dma_wait3A_330 = tpu.memref_slice %arg16[%add3A_328, %dma_wait3A_329] : memref<10240x64xf32, #tpu.memory_space<vmem_shared>> -> memref<32x64xf32, #tpu.memory_space<vmem_shared>>
    %dma_wait3A_331 = arith.constant 0 : i32
    %dma_wait3A_332 = tpu.memref_slice %arg16[%add3A_328, %dma_wait3A_331] : memref<10240x64xf32, #tpu.memory_space<vmem_shared>> -> memref<32x64xf32, #tpu.memory_space<vmem_shared>>
    tpu.wait_dma2 semaphore(%arg25 : memref<!tpu.dma_semaphore, #tpu.memory_space<semaphore_mem>>) src(%arg18 : memref<32x64xf32, #tpu.memory_space<vmem>>) dst(%dma_wait3A_332 : memref<32x64xf32, #tpu.memory_space<vmem_shared>>)
    %add3A_333 = arith.constant 512 : i32
    %add3A_334 = arith.addi %mul3A_50, %add3A_333 : i32
    %dma_wait3A_335 = arith.constant 0 : i32
    %dma_wait3A_336 = tpu.memref_slice %arg16[%add3A_334, %dma_wait3A_335] : memref<10240x64xf32, #tpu.memory_space<vmem_shared>> -> memref<32x64xf32, #tpu.memory_space<vmem_shared>>
    %dma_wait3A_337 = arith.constant 0 : i32
    %dma_wait3A_338 = tpu.memref_slice %arg16[%add3A_334, %dma_wait3A_337] : memref<10240x64xf32, #tpu.memory_space<vmem_shared>> -> memref<32x64xf32, #tpu.memory_space<vmem_shared>>
    tpu.wait_dma2 semaphore(%arg25 : memref<!tpu.dma_semaphore, #tpu.memory_space<semaphore_mem>>) src(%arg18 : memref<32x64xf32, #tpu.memory_space<vmem>>) dst(%dma_wait3A_338 : memref<32x64xf32, #tpu.memory_space<vmem_shared>>)
    %add3A_339 = arith.constant 544 : i32
    %add3A_340 = arith.addi %mul3A_50, %add3A_339 : i32
    %dma_wait3A_341 = arith.constant 0 : i32
    %dma_wait3A_342 = tpu.memref_slice %arg16[%add3A_340, %dma_wait3A_341] : memref<10240x64xf32, #tpu.memory_space<vmem_shared>> -> memref<32x64xf32, #tpu.memory_space<vmem_shared>>
    %dma_wait3A_343 = arith.constant 0 : i32
    %dma_wait3A_344 = tpu.memref_slice %arg16[%add3A_340, %dma_wait3A_343] : memref<10240x64xf32, #tpu.memory_space<vmem_shared>> -> memref<32x64xf32, #tpu.memory_space<vmem_shared>>
    tpu.wait_dma2 semaphore(%arg25 : memref<!tpu.dma_semaphore, #tpu.memory_space<semaphore_mem>>) src(%arg18 : memref<32x64xf32, #tpu.memory_space<vmem>>) dst(%dma_wait3A_344 : memref<32x64xf32, #tpu.memory_space<vmem_shared>>)
    %add3A_345 = arith.constant 576 : i32
    %add3A_346 = arith.addi %mul3A_50, %add3A_345 : i32
    %dma_wait3A_347 = arith.constant 0 : i32
    %dma_wait3A_348 = tpu.memref_slice %arg16[%add3A_346, %dma_wait3A_347] : memref<10240x64xf32, #tpu.memory_space<vmem_shared>> -> memref<32x64xf32, #tpu.memory_space<vmem_shared>>
    %dma_wait3A_349 = arith.constant 0 : i32
    %dma_wait3A_350 = tpu.memref_slice %arg16[%add3A_346, %dma_wait3A_349] : memref<10240x64xf32, #tpu.memory_space<vmem_shared>> -> memref<32x64xf32, #tpu.memory_space<vmem_shared>>
    tpu.wait_dma2 semaphore(%arg25 : memref<!tpu.dma_semaphore, #tpu.memory_space<semaphore_mem>>) src(%arg18 : memref<32x64xf32, #tpu.memory_space<vmem>>) dst(%dma_wait3A_350 : memref<32x64xf32, #tpu.memory_space<vmem_shared>>)
    %add3A_351 = arith.constant 608 : i32
    %add3A_352 = arith.addi %mul3A_50, %add3A_351 : i32
    %dma_wait3A_353 = arith.constant 0 : i32
    %dma_wait3A_354 = tpu.memref_slice %arg16[%add3A_352, %dma_wait3A_353] : memref<10240x64xf32, #tpu.memory_space<vmem_shared>> -> memref<32x64xf32, #tpu.memory_space<vmem_shared>>
    %dma_wait3A_355 = arith.constant 0 : i32
    %dma_wait3A_356 = tpu.memref_slice %arg16[%add3A_352, %dma_wait3A_355] : memref<10240x64xf32, #tpu.memory_space<vmem_shared>> -> memref<32x64xf32, #tpu.memory_space<vmem_shared>>
    tpu.wait_dma2 semaphore(%arg25 : memref<!tpu.dma_semaphore, #tpu.memory_space<semaphore_mem>>) src(%arg18 : memref<32x64xf32, #tpu.memory_space<vmem>>) dst(%dma_wait3A_356 : memref<32x64xf32, #tpu.memory_space<vmem_shared>>)
    %add3A_357 = arith.constant 0 : i32
    %add3A_358 = arith.addi %mul3A_50, %add3A_357 : i32
    %dma_wait3A_359 = arith.constant 0 : i32
    %dma_wait3A_360 = tpu.memref_slice %arg17[%add3A_358, %dma_wait3A_359] : memref<10240x8xf32, #tpu.memory_space<vmem_shared>> -> memref<64x8xf32, #tpu.memory_space<vmem_shared>>
    %dma_wait3A_361 = arith.constant 0 : i32
    %dma_wait3A_362 = tpu.memref_slice %arg17[%add3A_358, %dma_wait3A_361] : memref<10240x8xf32, #tpu.memory_space<vmem_shared>> -> memref<64x8xf32, #tpu.memory_space<vmem_shared>>
    tpu.wait_dma2 semaphore(%arg26 : memref<!tpu.dma_semaphore, #tpu.memory_space<semaphore_mem>>) src(%arg19 : memref<64x8xf32, #tpu.memory_space<vmem>>) dst(%dma_wait3A_362 : memref<64x8xf32, #tpu.memory_space<vmem_shared>>)
    %add3A_363 = arith.constant 64 : i32
    %add3A_364 = arith.addi %mul3A_50, %add3A_363 : i32
    %dma_wait3A_365 = arith.constant 0 : i32
    %dma_wait3A_366 = tpu.memref_slice %arg17[%add3A_364, %dma_wait3A_365] : memref<10240x8xf32, #tpu.memory_space<vmem_shared>> -> memref<64x8xf32, #tpu.memory_space<vmem_shared>>
    %dma_wait3A_367 = arith.constant 0 : i32
    %dma_wait3A_368 = tpu.memref_slice %arg17[%add3A_364, %dma_wait3A_367] : memref<10240x8xf32, #tpu.memory_space<vmem_shared>> -> memref<64x8xf32, #tpu.memory_space<vmem_shared>>
    tpu.wait_dma2 semaphore(%arg26 : memref<!tpu.dma_semaphore, #tpu.memory_space<semaphore_mem>>) src(%arg19 : memref<64x8xf32, #tpu.memory_space<vmem>>) dst(%dma_wait3A_368 : memref<64x8xf32, #tpu.memory_space<vmem_shared>>)
    %add3A_369 = arith.constant 128 : i32
    %add3A_370 = arith.addi %mul3A_50, %add3A_369 : i32
    %dma_wait3A_371 = arith.constant 0 : i32
    %dma_wait3A_372 = tpu.memref_slice %arg17[%add3A_370, %dma_wait3A_371] : memref<10240x8xf32, #tpu.memory_space<vmem_shared>> -> memref<64x8xf32, #tpu.memory_space<vmem_shared>>
    %dma_wait3A_373 = arith.constant 0 : i32
    %dma_wait3A_374 = tpu.memref_slice %arg17[%add3A_370, %dma_wait3A_373] : memref<10240x8xf32, #tpu.memory_space<vmem_shared>> -> memref<64x8xf32, #tpu.memory_space<vmem_shared>>
    tpu.wait_dma2 semaphore(%arg26 : memref<!tpu.dma_semaphore, #tpu.memory_space<semaphore_mem>>) src(%arg19 : memref<64x8xf32, #tpu.memory_space<vmem>>) dst(%dma_wait3A_374 : memref<64x8xf32, #tpu.memory_space<vmem_shared>>)
    %add3A_375 = arith.constant 192 : i32
    %add3A_376 = arith.addi %mul3A_50, %add3A_375 : i32
    %dma_wait3A_377 = arith.constant 0 : i32
    %dma_wait3A_378 = tpu.memref_slice %arg17[%add3A_376, %dma_wait3A_377] : memref<10240x8xf32, #tpu.memory_space<vmem_shared>> -> memref<64x8xf32, #tpu.memory_space<vmem_shared>>
    %dma_wait3A_379 = arith.constant 0 : i32
    %dma_wait3A_380 = tpu.memref_slice %arg17[%add3A_376, %dma_wait3A_379] : memref<10240x8xf32, #tpu.memory_space<vmem_shared>> -> memref<64x8xf32, #tpu.memory_space<vmem_shared>>
    tpu.wait_dma2 semaphore(%arg26 : memref<!tpu.dma_semaphore, #tpu.memory_space<semaphore_mem>>) src(%arg19 : memref<64x8xf32, #tpu.memory_space<vmem>>) dst(%dma_wait3A_380 : memref<64x8xf32, #tpu.memory_space<vmem_shared>>)
    %add3A_381 = arith.constant 256 : i32
    %add3A_382 = arith.addi %mul3A_50, %add3A_381 : i32
    %dma_wait3A_383 = arith.constant 0 : i32
    %dma_wait3A_384 = tpu.memref_slice %arg17[%add3A_382, %dma_wait3A_383] : memref<10240x8xf32, #tpu.memory_space<vmem_shared>> -> memref<64x8xf32, #tpu.memory_space<vmem_shared>>
    %dma_wait3A_385 = arith.constant 0 : i32
    %dma_wait3A_386 = tpu.memref_slice %arg17[%add3A_382, %dma_wait3A_385] : memref<10240x8xf32, #tpu.memory_space<vmem_shared>> -> memref<64x8xf32, #tpu.memory_space<vmem_shared>>
    tpu.wait_dma2 semaphore(%arg26 : memref<!tpu.dma_semaphore, #tpu.memory_space<semaphore_mem>>) src(%arg19 : memref<64x8xf32, #tpu.memory_space<vmem>>) dst(%dma_wait3A_386 : memref<64x8xf32, #tpu.memory_space<vmem_shared>>)
    %add3A_387 = arith.constant 320 : i32
    %add3A_388 = arith.addi %mul3A_50, %add3A_387 : i32
    %dma_wait3A_389 = arith.constant 0 : i32
    %dma_wait3A_390 = tpu.memref_slice %arg17[%add3A_388, %dma_wait3A_389] : memref<10240x8xf32, #tpu.memory_space<vmem_shared>> -> memref<64x8xf32, #tpu.memory_space<vmem_shared>>
    %dma_wait3A_391 = arith.constant 0 : i32
    %dma_wait3A_392 = tpu.memref_slice %arg17[%add3A_388, %dma_wait3A_391] : memref<10240x8xf32, #tpu.memory_space<vmem_shared>> -> memref<64x8xf32, #tpu.memory_space<vmem_shared>>
    tpu.wait_dma2 semaphore(%arg26 : memref<!tpu.dma_semaphore, #tpu.memory_space<semaphore_mem>>) src(%arg19 : memref<64x8xf32, #tpu.memory_space<vmem>>) dst(%dma_wait3A_392 : memref<64x8xf32, #tpu.memory_space<vmem_shared>>)
    %add3A_393 = arith.constant 384 : i32
    %add3A_394 = arith.addi %mul3A_50, %add3A_393 : i32
    %dma_wait3A_395 = arith.constant 0 : i32
    %dma_wait3A_396 = tpu.memref_slice %arg17[%add3A_394, %dma_wait3A_395] : memref<10240x8xf32, #tpu.memory_space<vmem_shared>> -> memref<64x8xf32, #tpu.memory_space<vmem_shared>>
    %dma_wait3A_397 = arith.constant 0 : i32
    %dma_wait3A_398 = tpu.memref_slice %arg17[%add3A_394, %dma_wait3A_397] : memref<10240x8xf32, #tpu.memory_space<vmem_shared>> -> memref<64x8xf32, #tpu.memory_space<vmem_shared>>
    tpu.wait_dma2 semaphore(%arg26 : memref<!tpu.dma_semaphore, #tpu.memory_space<semaphore_mem>>) src(%arg19 : memref<64x8xf32, #tpu.memory_space<vmem>>) dst(%dma_wait3A_398 : memref<64x8xf32, #tpu.memory_space<vmem_shared>>)
    %add3A_399 = arith.constant 448 : i32
    %add3A_400 = arith.addi %mul3A_50, %add3A_399 : i32
    %dma_wait3A_401 = arith.constant 0 : i32
    %dma_wait3A_402 = tpu.memref_slice %arg17[%add3A_400, %dma_wait3A_401] : memref<10240x8xf32, #tpu.memory_space<vmem_shared>> -> memref<64x8xf32, #tpu.memory_space<vmem_shared>>
    %dma_wait3A_403 = arith.constant 0 : i32
    %dma_wait3A_404 = tpu.memref_slice %arg17[%add3A_400, %dma_wait3A_403] : memref<10240x8xf32, #tpu.memory_space<vmem_shared>> -> memref<64x8xf32, #tpu.memory_space<vmem_shared>>
    tpu.wait_dma2 semaphore(%arg26 : memref<!tpu.dma_semaphore, #tpu.memory_space<semaphore_mem>>) src(%arg19 : memref<64x8xf32, #tpu.memory_space<vmem>>) dst(%dma_wait3A_404 : memref<64x8xf32, #tpu.memory_space<vmem_shared>>)
    %add3A_405 = arith.constant 512 : i32
    %add3A_406 = arith.addi %mul3A_50, %add3A_405 : i32
    %dma_wait3A_407 = arith.constant 0 : i32
    %dma_wait3A_408 = tpu.memref_slice %arg17[%add3A_406, %dma_wait3A_407] : memref<10240x8xf32, #tpu.memory_space<vmem_shared>> -> memref<64x8xf32, #tpu.memory_space<vmem_shared>>
    %dma_wait3A_409 = arith.constant 0 : i32
    %dma_wait3A_410 = tpu.memref_slice %arg17[%add3A_406, %dma_wait3A_409] : memref<10240x8xf32, #tpu.memory_space<vmem_shared>> -> memref<64x8xf32, #tpu.memory_space<vmem_shared>>
    tpu.wait_dma2 semaphore(%arg26 : memref<!tpu.dma_semaphore, #tpu.memory_space<semaphore_mem>>) src(%arg19 : memref<64x8xf32, #tpu.memory_space<vmem>>) dst(%dma_wait3A_410 : memref<64x8xf32, #tpu.memory_space<vmem_shared>>)
    %add3A_411 = arith.constant 576 : i32
    %add3A_412 = arith.addi %mul3A_50, %add3A_411 : i32
    %dma_wait3A_413 = arith.constant 0 : i32
    %dma_wait3A_414 = tpu.memref_slice %arg17[%add3A_412, %dma_wait3A_413] : memref<10240x8xf32, #tpu.memory_space<vmem_shared>> -> memref<64x8xf32, #tpu.memory_space<vmem_shared>>
    %dma_wait3A_415 = arith.constant 0 : i32
    %dma_wait3A_416 = tpu.memref_slice %arg17[%add3A_412, %dma_wait3A_415] : memref<10240x8xf32, #tpu.memory_space<vmem_shared>> -> memref<64x8xf32, #tpu.memory_space<vmem_shared>>
    tpu.wait_dma2 semaphore(%arg26 : memref<!tpu.dma_semaphore, #tpu.memory_space<semaphore_mem>>) src(%arg19 : memref<64x8xf32, #tpu.memory_space<vmem>>) dst(%dma_wait3A_416 : memref<64x8xf32, #tpu.memory_space<vmem_shared>>)
    %barrier3A = arith.constant 0 : index
    tpu.barrier barrier_id(%barrier3A)
    %add3A_417 = arith.constant 0 : i32
    %add3A_418 = arith.addi %select_n3A, %add3A_417 : i32
    "tpu.region"() ({
      %run_scoped3A = tpu.sem_alloc : memref<!tpu.dma_semaphore, #tpu.memory_space<semaphore_mem>>
      %dma_start3A_1477 = arith.constant 0 : i32
      %dma_start3A_1478 = arith.constant 0 : i32
      %dma_start3A_1479 = tpu.memref_slice %arg21[%dma_start3A_1477, %dma_start3A_1478] : memref<40x128xi32, #tpu.memory_space<vmem>> -> memref<40x128xi32, #tpu.memory_space<vmem>>
      %dma_start3A_1480 = arith.constant 0 : i32
      %dma_start3A_1481 = tpu.memref_slice %arg4[%add3A_418, %dma_start3A_1480] : memref<1250x128xi32, #tpu.memory_space<hbm>> -> memref<40x128xi32, #tpu.memory_space<hbm>>
      %dma_start3A_1482 = arith.constant 0 : i32
      %dma_start3A_1483 = arith.constant 0 : i32
      %dma_start3A_1484 = tpu.memref_slice %arg21[%dma_start3A_1482, %dma_start3A_1483] : memref<40x128xi32, #tpu.memory_space<vmem>> -> memref<40x128xi32, #tpu.memory_space<vmem>>
      %dma_start3A_1485 = arith.constant 0 : i32
      %dma_start3A_1486 = tpu.memref_slice %arg4[%add3A_418, %dma_start3A_1485] : memref<1250x128xi32, #tpu.memory_space<hbm>> -> memref<40x128xi32, #tpu.memory_space<hbm>>
      tpu.enqueue_dma source(%dma_start3A_1486 : memref<40x128xi32, #tpu.memory_space<hbm>>) target(%dma_start3A_1484 : memref<40x128xi32, #tpu.memory_space<vmem>>) target_semaphore(%run_scoped3A : memref<!tpu.dma_semaphore, #tpu.memory_space<semaphore_mem>>)
      %dma_wait3A_1487 = arith.constant 0 : i32
      %dma_wait3A_1488 = arith.constant 0 : i32
      %dma_wait3A_1489 = tpu.memref_slice %arg21[%dma_wait3A_1487, %dma_wait3A_1488] : memref<40x128xi32, #tpu.memory_space<vmem>> -> memref<40x128xi32, #tpu.memory_space<vmem>>
      %dma_wait3A_1490 = arith.constant 0 : i32
      %dma_wait3A_1491 = tpu.memref_slice %arg4[%add3A_418, %dma_wait3A_1490] : memref<1250x128xi32, #tpu.memory_space<hbm>> -> memref<40x128xi32, #tpu.memory_space<hbm>>
      %dma_wait3A_1492 = arith.constant 0 : i32
      %dma_wait3A_1493 = arith.constant 0 : i32
      %dma_wait3A_1494 = tpu.memref_slice %arg21[%dma_wait3A_1492, %dma_wait3A_1493] : memref<40x128xi32, #tpu.memory_space<vmem>> -> memref<40x128xi32, #tpu.memory_space<vmem>>
      %dma_wait3A_1495 = arith.constant 0 : i32
      %dma_wait3A_1496 = tpu.memref_slice %arg4[%add3A_418, %dma_wait3A_1495] : memref<1250x128xi32, #tpu.memory_space<hbm>> -> memref<40x128xi32, #tpu.memory_space<hbm>>
      tpu.wait_dma2 semaphore(%run_scoped3A : memref<!tpu.dma_semaphore, #tpu.memory_space<semaphore_mem>>) src(%dma_wait3A_1496 : memref<40x128xi32, #tpu.memory_space<hbm>>) dst(%dma_wait3A_1494 : memref<40x128xi32, #tpu.memory_space<vmem>>)
      tpu.yield
    }) : () -> ()
    %add3A_419 = arith.constant 0 : i32
    %add3A_420 = arith.addi %select_n3A, %add3A_419 : i32
    "tpu.region"() ({
      %run_scoped3A = tpu.sem_alloc : memref<!tpu.dma_semaphore, #tpu.memory_space<semaphore_mem>>
      %dma_start3A_1477 = arith.constant 0 : i32
      %dma_start3A_1478 = arith.constant 0 : i32
      %dma_start3A_1479 = tpu.memref_slice %arg22[%dma_start3A_1477, %dma_start3A_1478] : memref<40x128xi32, #tpu.memory_space<vmem>> -> memref<40x128xi32, #tpu.memory_space<vmem>>
      %dma_start3A_1480 = arith.constant 0 : i32
      %dma_start3A_1481 = tpu.memref_slice %arg5[%add3A_420, %dma_start3A_1480] : memref<1250x128xi32, #tpu.memory_space<hbm>> -> memref<40x128xi32, #tpu.memory_space<hbm>>
      %dma_start3A_1482 = arith.constant 0 : i32
      %dma_start3A_1483 = arith.constant 0 : i32
      %dma_start3A_1484 = tpu.memref_slice %arg22[%dma_start3A_1482, %dma_start3A_1483] : memref<40x128xi32, #tpu.memory_space<vmem>> -> memref<40x128xi32, #tpu.memory_space<vmem>>
      %dma_start3A_1485 = arith.constant 0 : i32
      %dma_start3A_1486 = tpu.memref_slice %arg5[%add3A_420, %dma_start3A_1485] : memref<1250x128xi32, #tpu.memory_space<hbm>> -> memref<40x128xi32, #tpu.memory_space<hbm>>
      tpu.enqueue_dma source(%dma_start3A_1486 : memref<40x128xi32, #tpu.memory_space<hbm>>) target(%dma_start3A_1484 : memref<40x128xi32, #tpu.memory_space<vmem>>) target_semaphore(%run_scoped3A : memref<!tpu.dma_semaphore, #tpu.memory_space<semaphore_mem>>)
      %dma_wait3A_1487 = arith.constant 0 : i32
      %dma_wait3A_1488 = arith.constant 0 : i32
      %dma_wait3A_1489 = tpu.memref_slice %arg22[%dma_wait3A_1487, %dma_wait3A_1488] : memref<40x128xi32, #tpu.memory_space<vmem>> -> memref<40x128xi32, #tpu.memory_space<vmem>>
      %dma_wait3A_1490 = arith.constant 0 : i32
      %dma_wait3A_1491 = tpu.memref_slice %arg5[%add3A_420, %dma_wait3A_1490] : memref<1250x128xi32, #tpu.memory_space<hbm>> -> memref<40x128xi32, #tpu.memory_space<hbm>>
      %dma_wait3A_1492 = arith.constant 0 : i32
      %dma_wait3A_1493 = arith.constant 0 : i32
      %dma_wait3A_1494 = tpu.memref_slice %arg22[%dma_wait3A_1492, %dma_wait3A_1493] : memref<40x128xi32, #tpu.memory_space<vmem>> -> memref<40x128xi32, #tpu.memory_space<vmem>>
      %dma_wait3A_1495 = arith.constant 0 : i32
      %dma_wait3A_1496 = tpu.memref_slice %arg5[%add3A_420, %dma_wait3A_1495] : memref<1250x128xi32, #tpu.memory_space<hbm>> -> memref<40x128xi32, #tpu.memory_space<hbm>>
      tpu.wait_dma2 semaphore(%run_scoped3A : memref<!tpu.dma_semaphore, #tpu.memory_space<semaphore_mem>>) src(%dma_wait3A_1496 : memref<40x128xi32, #tpu.memory_space<hbm>>) dst(%dma_wait3A_1494 : memref<40x128xi32, #tpu.memory_space<vmem>>)
      tpu.yield
    }) : () -> ()
    %dma_start3A_421 = arith.constant 0 : i32
    %dma_start3A_422 = arith.constant 0 : i32
    %dma_start3A_423 = tpu.memref_slice %arg21[%dma_start3A_421, %dma_start3A_422] : memref<40x128xi32, #tpu.memory_space<vmem>> -> memref<1x128xi32, #tpu.memory_space<vmem>>
    %dma_start3A_424 = tpu.memref_squeeze %dma_start3A_423 : memref<1x128xi32, #tpu.memory_space<vmem>> -> memref<128xi32, #tpu.memory_space<vmem>>
    %dma_start3A_425 = arith.constant 0 : i32
    %dma_start3A_426 = arith.constant 0 : i32
    %dma_start3A_427 = tpu.memref_slice %arg15[%dma_start3A_425, %dma_start3A_426] : memref<10000x64xf32, #tpu.memory_space<vmem_shared>> -> memref<10000x64xf32, #tpu.memory_space<vmem_shared>>
    tpu.enqueue_indirect_dma source(%dma_start3A_427 : memref<10000x64xf32, #tpu.memory_space<vmem_shared>>) target(%arg23 : memref<128x64xf32, #tpu.memory_space<vmem>>) offsets(%dma_start3A_424 : memref<128xi32, #tpu.memory_space<vmem>>) semaphore(%arg25 : memref<!tpu.dma_semaphore, #tpu.memory_space<semaphore_mem>>)
    %scan3A = arith.constant 0 : i32
    %scan3A_428 = arith.constant 0 : i32
    %scan3A_429 = arith.constant 20 : i32
    %scan3A_430 = arith.addi %scan3A_428, %scan3A_429 : i32
    %scan3A_431 = arith.constant 1 : i32
    scf.for %scan3A_1477 = %scan3A_428 to %scan3A_430 step %scan3A_431  : i32 {
      %mul3A_1478 = arith.constant 2 : i32
      %mul3A_1479 = arith.muli %mul3A_1478, %scan3A_1477 : i32
      %add3A_1480 = arith.constant 1 : i32
      %add3A_1481 = arith.addi %mul3A_1479, %add3A_1480 : i32
      %dma_wait3A_1482 = arith.constant 0 : i32
      %dma_wait3A_1483 = tpu.memref_slice %arg21[%mul3A_1479, %dma_wait3A_1482] : memref<40x128xi32, #tpu.memory_space<vmem>> -> memref<1x128xi32, #tpu.memory_space<vmem>>
      %dma_wait3A_1484 = tpu.memref_squeeze %dma_wait3A_1483 : memref<1x128xi32, #tpu.memory_space<vmem>> -> memref<128xi32, #tpu.memory_space<vmem>>
      %dma_wait3A_1485 = arith.constant 0 : i32
      %dma_wait3A_1486 = arith.constant 0 : i32
      %dma_wait3A_1487 = tpu.memref_slice %arg15[%dma_wait3A_1485, %dma_wait3A_1486] : memref<10000x64xf32, #tpu.memory_space<vmem_shared>> -> memref<10000x64xf32, #tpu.memory_space<vmem_shared>>
      tpu.wait_indirect_dma semaphore(%arg25 : memref<!tpu.dma_semaphore, #tpu.memory_space<semaphore_mem>>) src(%dma_wait3A_1487 : memref<10000x64xf32, #tpu.memory_space<vmem_shared>>) dst(%arg23 : memref<128x64xf32, #tpu.memory_space<vmem>>)
      %dma_start3A_1488 = arith.constant 0 : i32
      %dma_start3A_1489 = tpu.memref_slice %arg22[%mul3A_1479, %dma_start3A_1488] : memref<40x128xi32, #tpu.memory_space<vmem>> -> memref<1x128xi32, #tpu.memory_space<vmem>>
      %dma_start3A_1490 = tpu.memref_squeeze %dma_start3A_1489 : memref<1x128xi32, #tpu.memory_space<vmem>> -> memref<128xi32, #tpu.memory_space<vmem>>
      %dma_start3A_1491 = arith.constant 0 : i32
      %dma_start3A_1492 = arith.constant 0 : i32
      %dma_start3A_1493 = tpu.memref_slice %arg16[%dma_start3A_1491, %dma_start3A_1492] : memref<10240x64xf32, #tpu.memory_space<vmem_shared>> -> memref<10240x64xf32, #tpu.memory_space<vmem_shared>>
      tpu.enqueue_indirect_dma source(%arg23 : memref<128x64xf32, #tpu.memory_space<vmem>>) target(%dma_start3A_1493 : memref<10240x64xf32, #tpu.memory_space<vmem_shared>>) offsets(%dma_start3A_1490 : memref<128xi32, #tpu.memory_space<vmem>>) semaphore(%arg27 : memref<!tpu.dma_semaphore, #tpu.memory_space<semaphore_mem>>) {add = true}
      %eq3A_1494 = arith.constant 0 : i32
      %eq3A_1495 = arith.cmpi eq, %arg0, %eq3A_1494 : i32
      %convert_element_type3A_1496 = arith.extui %eq3A_1495 : i1 to i32
      %cond3A_1497 = arith.constant 0 : i32
      %cond3A_1498 = arith.cmpi ne, %convert_element_type3A_1496, %cond3A_1497 : i32
      scf.if %cond3A_1498 {
        %dma_start3A_1532 = arith.constant 0 : i32
        %dma_start3A_1533 = tpu.memref_slice %arg22[%mul3A_1479, %dma_start3A_1532] : memref<40x128xi32, #tpu.memory_space<vmem>> -> memref<1x128xi32, #tpu.memory_space<vmem>>
        %dma_start3A_1534 = tpu.memref_squeeze %dma_start3A_1533 : memref<1x128xi32, #tpu.memory_space<vmem>> -> memref<128xi32, #tpu.memory_space<vmem>>
        %dma_start3A_1535 = arith.constant 0 : i32
        %dma_start3A_1536 = arith.constant 0 : i32
        %dma_start3A_1537 = tpu.memref_slice %arg17[%dma_start3A_1535, %dma_start3A_1536] : memref<10240x8xf32, #tpu.memory_space<vmem_shared>> -> memref<10240x8xf32, #tpu.memory_space<vmem_shared>>
        tpu.enqueue_indirect_dma source(%arg20 : memref<128x8xf32, #tpu.memory_space<vmem>>) target(%dma_start3A_1537 : memref<10240x8xf32, #tpu.memory_space<vmem_shared>>) offsets(%dma_start3A_1534 : memref<128xi32, #tpu.memory_space<vmem>>) semaphore(%arg27 : memref<!tpu.dma_semaphore, #tpu.memory_space<semaphore_mem>>) {add = true}
      } else {
      }
      %gt3A = arith.constant 0 : i32
      %gt3A_1499 = arith.cmpi sgt, %scan3A_1477, %gt3A : i32
      %convert_element_type3A_1500 = arith.extui %gt3A_1499 : i1 to i32
      %cond3A_1501 = arith.constant 0 : i32
      %cond3A_1502 = arith.cmpi ne, %convert_element_type3A_1500, %cond3A_1501 : i32
      scf.if %cond3A_1502 {
        %sub3A_1532 = arith.constant 2 : i32
        %sub3A_1533 = arith.subi %add3A_1481, %sub3A_1532 : i32
        %dma_wait3A_1534 = arith.constant 0 : i32
        %dma_wait3A_1535 = tpu.memref_slice %arg22[%sub3A_1533, %dma_wait3A_1534] : memref<40x128xi32, #tpu.memory_space<vmem>> -> memref<1x128xi32, #tpu.memory_space<vmem>>
        %dma_wait3A_1536 = tpu.memref_squeeze %dma_wait3A_1535 : memref<1x128xi32, #tpu.memory_space<vmem>> -> memref<128xi32, #tpu.memory_space<vmem>>
        %dma_wait3A_1537 = arith.constant 0 : i32
        %dma_wait3A_1538 = arith.constant 0 : i32
        %dma_wait3A_1539 = tpu.memref_slice %arg16[%dma_wait3A_1537, %dma_wait3A_1538] : memref<10240x64xf32, #tpu.memory_space<vmem_shared>> -> memref<10240x64xf32, #tpu.memory_space<vmem_shared>>
        tpu.wait_indirect_dma semaphore(%arg28 : memref<!tpu.dma_semaphore, #tpu.memory_space<semaphore_mem>>) src(%arg24 : memref<128x64xf32, #tpu.memory_space<vmem>>) dst(%dma_wait3A_1539 : memref<10240x64xf32, #tpu.memory_space<vmem_shared>>)
        %eq3A_1540 = arith.constant 1 : i32
        %eq3A_1541 = arith.cmpi eq, %arg0, %eq3A_1540 : i32
        %convert_element_type3A_1542 = arith.extui %eq3A_1541 : i1 to i32
        %cond3A_1543 = arith.constant 0 : i32
        %cond3A_1544 = arith.cmpi ne, %convert_element_type3A_1542, %cond3A_1543 : i32
        scf.if %cond3A_1544 {
          %dma_wait3A_1545 = arith.constant 0 : i32
          %dma_wait3A_1546 = tpu.memref_slice %arg22[%sub3A_1533, %dma_wait3A_1545] : memref<40x128xi32, #tpu.memory_space<vmem>> -> memref<1x128xi32, #tpu.memory_space<vmem>>
          %dma_wait3A_1547 = tpu.memref_squeeze %dma_wait3A_1546 : memref<1x128xi32, #tpu.memory_space<vmem>> -> memref<128xi32, #tpu.memory_space<vmem>>
          %dma_wait3A_1548 = arith.constant 0 : i32
          %dma_wait3A_1549 = arith.constant 0 : i32
          %dma_wait3A_1550 = tpu.memref_slice %arg17[%dma_wait3A_1548, %dma_wait3A_1549] : memref<10240x8xf32, #tpu.memory_space<vmem_shared>> -> memref<10240x8xf32, #tpu.memory_space<vmem_shared>>
          tpu.wait_indirect_dma semaphore(%arg28 : memref<!tpu.dma_semaphore, #tpu.memory_space<semaphore_mem>>) src(%arg20 : memref<128x8xf32, #tpu.memory_space<vmem>>) dst(%dma_wait3A_1550 : memref<10240x8xf32, #tpu.memory_space<vmem_shared>>)
        } else {
        }
      } else {
      }
      %dma_start3A_1503 = arith.constant 0 : i32
      %dma_start3A_1504 = tpu.memref_slice %arg21[%add3A_1481, %dma_start3A_1503] : memref<40x128xi32, #tpu.memory_space<vmem>> -> memref<1x128xi32, #tpu.memory_space<vmem>>
      %dma_start3A_1505 = tpu.memref_squeeze %dma_start3A_1504 : memref<1x128xi32, #tpu.memory_space<vmem>> -> memref<128xi32, #tpu.memory_space<vmem>>
      %dma_start3A_1506 = arith.constant 0 : i32
      %dma_start3A_1507 = arith.constant 0 : i32
      %dma_start3A_1508 = tpu.memref_slice %arg15[%dma_start3A_1506, %dma_start3A_1507] : memref<10000x64xf32, #tpu.memory_space<vmem_shared>> -> memref<10000x64xf32, #tpu.memory_space<vmem_shared>>
      tpu.enqueue_indirect_dma source(%dma_start3A_1508 : memref<10000x64xf32, #tpu.memory_space<vmem_shared>>) target(%arg24 : memref<128x64xf32, #tpu.memory_space<vmem>>) offsets(%dma_start3A_1505 : memref<128xi32, #tpu.memory_space<vmem>>) semaphore(%arg26 : memref<!tpu.dma_semaphore, #tpu.memory_space<semaphore_mem>>)
      %dma_wait3A_1509 = arith.constant 0 : i32
      %dma_wait3A_1510 = tpu.memref_slice %arg21[%add3A_1481, %dma_wait3A_1509] : memref<40x128xi32, #tpu.memory_space<vmem>> -> memref<1x128xi32, #tpu.memory_space<vmem>>
      %dma_wait3A_1511 = tpu.memref_squeeze %dma_wait3A_1510 : memref<1x128xi32, #tpu.memory_space<vmem>> -> memref<128xi32, #tpu.memory_space<vmem>>
      %dma_wait3A_1512 = arith.constant 0 : i32
      %dma_wait3A_1513 = arith.constant 0 : i32
      %dma_wait3A_1514 = tpu.memref_slice %arg15[%dma_wait3A_1512, %dma_wait3A_1513] : memref<10000x64xf32, #tpu.memory_space<vmem_shared>> -> memref<10000x64xf32, #tpu.memory_space<vmem_shared>>
      tpu.wait_indirect_dma semaphore(%arg26 : memref<!tpu.dma_semaphore, #tpu.memory_space<semaphore_mem>>) src(%dma_wait3A_1514 : memref<10000x64xf32, #tpu.memory_space<vmem_shared>>) dst(%arg24 : memref<128x64xf32, #tpu.memory_space<vmem>>)
      %dma_start3A_1515 = arith.constant 0 : i32
      %dma_start3A_1516 = tpu.memref_slice %arg22[%add3A_1481, %dma_start3A_1515] : memref<40x128xi32, #tpu.memory_space<vmem>> -> memref<1x128xi32, #tpu.memory_space<vmem>>
      %dma_start3A_1517 = tpu.memref_squeeze %dma_start3A_1516 : memref<1x128xi32, #tpu.memory_space<vmem>> -> memref<128xi32, #tpu.memory_space<vmem>>
      %dma_start3A_1518 = arith.constant 0 : i32
      %dma_start3A_1519 = arith.constant 0 : i32
      %dma_start3A_1520 = tpu.memref_slice %arg16[%dma_start3A_1518, %dma_start3A_1519] : memref<10240x64xf32, #tpu.memory_space<vmem_shared>> -> memref<10240x64xf32, #tpu.memory_space<vmem_shared>>
      tpu.enqueue_indirect_dma source(%arg24 : memref<128x64xf32, #tpu.memory_space<vmem>>) target(%dma_start3A_1520 : memref<10240x64xf32, #tpu.memory_space<vmem_shared>>) offsets(%dma_start3A_1517 : memref<128xi32, #tpu.memory_space<vmem>>) semaphore(%arg28 : memref<!tpu.dma_semaphore, #tpu.memory_space<semaphore_mem>>) {add = true}
      %eq3A_1521 = arith.constant 1 : i32
      %eq3A_1522 = arith.cmpi eq, %arg0, %eq3A_1521 : i32
      %convert_element_type3A_1523 = arith.extui %eq3A_1522 : i1 to i32
      %cond3A_1524 = arith.constant 0 : i32
      %cond3A_1525 = arith.cmpi ne, %convert_element_type3A_1523, %cond3A_1524 : i32
      scf.if %cond3A_1525 {
        %dma_start3A_1532 = arith.constant 0 : i32
        %dma_start3A_1533 = tpu.memref_slice %arg22[%add3A_1481, %dma_start3A_1532] : memref<40x128xi32, #tpu.memory_space<vmem>> -> memref<1x128xi32, #tpu.memory_space<vmem>>
        %dma_start3A_1534 = tpu.memref_squeeze %dma_start3A_1533 : memref<1x128xi32, #tpu.memory_space<vmem>> -> memref<128xi32, #tpu.memory_space<vmem>>
        %dma_start3A_1535 = arith.constant 0 : i32
        %dma_start3A_1536 = arith.constant 0 : i32
        %dma_start3A_1537 = tpu.memref_slice %arg17[%dma_start3A_1535, %dma_start3A_1536] : memref<10240x8xf32, #tpu.memory_space<vmem_shared>> -> memref<10240x8xf32, #tpu.memory_space<vmem_shared>>
        tpu.enqueue_indirect_dma source(%arg20 : memref<128x8xf32, #tpu.memory_space<vmem>>) target(%dma_start3A_1537 : memref<10240x8xf32, #tpu.memory_space<vmem_shared>>) offsets(%dma_start3A_1534 : memref<128xi32, #tpu.memory_space<vmem>>) semaphore(%arg28 : memref<!tpu.dma_semaphore, #tpu.memory_space<semaphore_mem>>) {add = true}
      } else {
      }
      %add3A_1526 = arith.constant 2 : i32
      %add3A_1527 = arith.addi %mul3A_1479, %add3A_1526 : i32
      %lt3A = arith.constant 40 : i32
      %lt3A_1528 = arith.cmpi slt, %add3A_1527, %lt3A : i32
      %convert_element_type3A_1529 = arith.extui %lt3A_1528 : i1 to i32
      %cond3A_1530 = arith.constant 0 : i32
      %cond3A_1531 = arith.cmpi ne, %convert_element_type3A_1529, %cond3A_1530 : i32
      scf.if %cond3A_1531 {
        %dma_wait3A_1532 = arith.constant 0 : i32
        %dma_wait3A_1533 = tpu.memref_slice %arg22[%mul3A_1479, %dma_wait3A_1532] : memref<40x128xi32, #tpu.memory_space<vmem>> -> memref<1x128xi32, #tpu.memory_space<vmem>>
        %dma_wait3A_1534 = tpu.memref_squeeze %dma_wait3A_1533 : memref<1x128xi32, #tpu.memory_space<vmem>> -> memref<128xi32, #tpu.memory_space<vmem>>
        %dma_wait3A_1535 = arith.constant 0 : i32
        %dma_wait3A_1536 = arith.constant 0 : i32
        %dma_wait3A_1537 = tpu.memref_slice %arg16[%dma_wait3A_1535, %dma_wait3A_1536] : memref<10240x64xf32, #tpu.memory_space<vmem_shared>> -> memref<10240x64xf32, #tpu.memory_space<vmem_shared>>
        tpu.wait_indirect_dma semaphore(%arg27 : memref<!tpu.dma_semaphore, #tpu.memory_space<semaphore_mem>>) src(%arg23 : memref<128x64xf32, #tpu.memory_space<vmem>>) dst(%dma_wait3A_1537 : memref<10240x64xf32, #tpu.memory_space<vmem_shared>>)
        %eq3A_1538 = arith.constant 0 : i32
        %eq3A_1539 = arith.cmpi eq, %arg0, %eq3A_1538 : i32
        %convert_element_type3A_1540 = arith.extui %eq3A_1539 : i1 to i32
        %cond3A_1541 = arith.constant 0 : i32
        %cond3A_1542 = arith.cmpi ne, %convert_element_type3A_1540, %cond3A_1541 : i32
        scf.if %cond3A_1542 {
          %dma_wait3A_1551 = arith.constant 0 : i32
          %dma_wait3A_1552 = tpu.memref_slice %arg22[%mul3A_1479, %dma_wait3A_1551] : memref<40x128xi32, #tpu.memory_space<vmem>> -> memref<1x128xi32, #tpu.memory_space<vmem>>
          %dma_wait3A_1553 = tpu.memref_squeeze %dma_wait3A_1552 : memref<1x128xi32, #tpu.memory_space<vmem>> -> memref<128xi32, #tpu.memory_space<vmem>>
          %dma_wait3A_1554 = arith.constant 0 : i32
          %dma_wait3A_1555 = arith.constant 0 : i32
          %dma_wait3A_1556 = tpu.memref_slice %arg17[%dma_wait3A_1554, %dma_wait3A_1555] : memref<10240x8xf32, #tpu.memory_space<vmem_shared>> -> memref<10240x8xf32, #tpu.memory_space<vmem_shared>>
          tpu.wait_indirect_dma semaphore(%arg27 : memref<!tpu.dma_semaphore, #tpu.memory_space<semaphore_mem>>) src(%arg20 : memref<128x8xf32, #tpu.memory_space<vmem>>) dst(%dma_wait3A_1556 : memref<10240x8xf32, #tpu.memory_space<vmem_shared>>)
        } else {
        }
        %add3A_1543 = arith.constant 2 : i32
        %add3A_1544 = arith.addi %mul3A_1479, %add3A_1543 : i32
        %dma_start3A_1545 = arith.constant 0 : i32
        %dma_start3A_1546 = tpu.memref_slice %arg21[%add3A_1544, %dma_start3A_1545] : memref<40x128xi32, #tpu.memory_space<vmem>> -> memref<1x128xi32, #tpu.memory_space<vmem>>
        %dma_start3A_1547 = tpu.memref_squeeze %dma_start3A_1546 : memref<1x128xi32, #tpu.memory_space<vmem>> -> memref<128xi32, #tpu.memory_space<vmem>>
        %dma_start3A_1548 = arith.constant 0 : i32
        %dma_start3A_1549 = arith.constant 0 : i32
        %dma_start3A_1550 = tpu.memref_slice %arg15[%dma_start3A_1548, %dma_start3A_1549] : memref<10000x64xf32, #tpu.memory_space<vmem_shared>> -> memref<10000x64xf32, #tpu.memory_space<vmem_shared>>
        tpu.enqueue_indirect_dma source(%dma_start3A_1550 : memref<10000x64xf32, #tpu.memory_space<vmem_shared>>) target(%arg23 : memref<128x64xf32, #tpu.memory_space<vmem>>) offsets(%dma_start3A_1547 : memref<128xi32, #tpu.memory_space<vmem>>) semaphore(%arg25 : memref<!tpu.dma_semaphore, #tpu.memory_space<semaphore_mem>>)
      } else {
      }
    }
    %scan3A_432 = arith.constant 20 : i32
    %dma_wait3A_433 = arith.constant 38 : i32
    %dma_wait3A_434 = arith.constant 0 : i32
    %dma_wait3A_435 = tpu.memref_slice %arg22[%dma_wait3A_433, %dma_wait3A_434] : memref<40x128xi32, #tpu.memory_space<vmem>> -> memref<1x128xi32, #tpu.memory_space<vmem>>
    %dma_wait3A_436 = tpu.memref_squeeze %dma_wait3A_435 : memref<1x128xi32, #tpu.memory_space<vmem>> -> memref<128xi32, #tpu.memory_space<vmem>>
    %dma_wait3A_437 = arith.constant 0 : i32
    %dma_wait3A_438 = arith.constant 0 : i32
    %dma_wait3A_439 = tpu.memref_slice %arg16[%dma_wait3A_437, %dma_wait3A_438] : memref<10240x64xf32, #tpu.memory_space<vmem_shared>> -> memref<10240x64xf32, #tpu.memory_space<vmem_shared>>
    tpu.wait_indirect_dma semaphore(%arg27 : memref<!tpu.dma_semaphore, #tpu.memory_space<semaphore_mem>>) src(%arg23 : memref<128x64xf32, #tpu.memory_space<vmem>>) dst(%dma_wait3A_439 : memref<10240x64xf32, #tpu.memory_space<vmem_shared>>)
    %eq3A = arith.constant 0 : i32
    %eq3A_440 = arith.cmpi eq, %arg0, %eq3A : i32
    %convert_element_type3A = arith.extui %eq3A_440 : i1 to i32
    %cond3A = arith.constant 0 : i32
    %cond3A_441 = arith.cmpi ne, %convert_element_type3A, %cond3A : i32
    scf.if %cond3A_441 {
      %dma_wait3A_1477 = arith.constant 38 : i32
      %dma_wait3A_1478 = arith.constant 0 : i32
      %dma_wait3A_1479 = tpu.memref_slice %arg22[%dma_wait3A_1477, %dma_wait3A_1478] : memref<40x128xi32, #tpu.memory_space<vmem>> -> memref<1x128xi32, #tpu.memory_space<vmem>>
      %dma_wait3A_1480 = tpu.memref_squeeze %dma_wait3A_1479 : memref<1x128xi32, #tpu.memory_space<vmem>> -> memref<128xi32, #tpu.memory_space<vmem>>
      %dma_wait3A_1481 = arith.constant 0 : i32
      %dma_wait3A_1482 = arith.constant 0 : i32
      %dma_wait3A_1483 = tpu.memref_slice %arg17[%dma_wait3A_1481, %dma_wait3A_1482] : memref<10240x8xf32, #tpu.memory_space<vmem_shared>> -> memref<10240x8xf32, #tpu.memory_space<vmem_shared>>
      tpu.wait_indirect_dma semaphore(%arg27 : memref<!tpu.dma_semaphore, #tpu.memory_space<semaphore_mem>>) src(%arg20 : memref<128x8xf32, #tpu.memory_space<vmem>>) dst(%dma_wait3A_1483 : memref<10240x8xf32, #tpu.memory_space<vmem_shared>>)
    } else {
    }
    %dma_wait3A_442 = arith.constant 39 : i32
    %dma_wait3A_443 = arith.constant 0 : i32
    %dma_wait3A_444 = tpu.memref_slice %arg22[%dma_wait3A_442, %dma_wait3A_443] : memref<40x128xi32, #tpu.memory_space<vmem>> -> memref<1x128xi32, #tpu.memory_space<vmem>>
    %dma_wait3A_445 = tpu.memref_squeeze %dma_wait3A_444 : memref<1x128xi32, #tpu.memory_space<vmem>> -> memref<128xi32, #tpu.memory_space<vmem>>
    %dma_wait3A_446 = arith.constant 0 : i32
    %dma_wait3A_447 = arith.constant 0 : i32
    %dma_wait3A_448 = tpu.memref_slice %arg16[%dma_wait3A_446, %dma_wait3A_447] : memref<10240x64xf32, #tpu.memory_space<vmem_shared>> -> memref<10240x64xf32, #tpu.memory_space<vmem_shared>>
    tpu.wait_indirect_dma semaphore(%arg28 : memref<!tpu.dma_semaphore, #tpu.memory_space<semaphore_mem>>) src(%arg24 : memref<128x64xf32, #tpu.memory_space<vmem>>) dst(%dma_wait3A_448 : memref<10240x64xf32, #tpu.memory_space<vmem_shared>>)
    %eq3A_449 = arith.constant 1 : i32
    %eq3A_450 = arith.cmpi eq, %arg0, %eq3A_449 : i32
    %convert_element_type3A_451 = arith.extui %eq3A_450 : i1 to i32
    %cond3A_452 = arith.constant 0 : i32
    %cond3A_453 = arith.cmpi ne, %convert_element_type3A_451, %cond3A_452 : i32
    scf.if %cond3A_453 {
      %dma_wait3A_1477 = arith.constant 39 : i32
      %dma_wait3A_1478 = arith.constant 0 : i32
      %dma_wait3A_1479 = tpu.memref_slice %arg22[%dma_wait3A_1477, %dma_wait3A_1478] : memref<40x128xi32, #tpu.memory_space<vmem>> -> memref<1x128xi32, #tpu.memory_space<vmem>>
      %dma_wait3A_1480 = tpu.memref_squeeze %dma_wait3A_1479 : memref<1x128xi32, #tpu.memory_space<vmem>> -> memref<128xi32, #tpu.memory_space<vmem>>
      %dma_wait3A_1481 = arith.constant 0 : i32
      %dma_wait3A_1482 = arith.constant 0 : i32
      %dma_wait3A_1483 = tpu.memref_slice %arg17[%dma_wait3A_1481, %dma_wait3A_1482] : memref<10240x8xf32, #tpu.memory_space<vmem_shared>> -> memref<10240x8xf32, #tpu.memory_space<vmem_shared>>
      tpu.wait_indirect_dma semaphore(%arg28 : memref<!tpu.dma_semaphore, #tpu.memory_space<semaphore_mem>>) src(%arg20 : memref<128x8xf32, #tpu.memory_space<vmem>>) dst(%dma_wait3A_1483 : memref<10240x8xf32, #tpu.memory_space<vmem_shared>>)
    } else {
    }
    %add3A_454 = arith.constant 40 : i32
    %add3A_455 = arith.addi %select_n3A, %add3A_454 : i32
    "tpu.region"() ({
      %run_scoped3A = tpu.sem_alloc : memref<!tpu.dma_semaphore, #tpu.memory_space<semaphore_mem>>
      %dma_start3A_1477 = arith.constant 0 : i32
      %dma_start3A_1478 = arith.constant 0 : i32
      %dma_start3A_1479 = tpu.memref_slice %arg21[%dma_start3A_1477, %dma_start3A_1478] : memref<40x128xi32, #tpu.memory_space<vmem>> -> memref<39x128xi32, #tpu.memory_space<vmem>>
      %dma_start3A_1480 = arith.constant 0 : i32
      %dma_start3A_1481 = tpu.memref_slice %arg4[%add3A_455, %dma_start3A_1480] : memref<1250x128xi32, #tpu.memory_space<hbm>> -> memref<39x128xi32, #tpu.memory_space<hbm>>
      %dma_start3A_1482 = arith.constant 0 : i32
      %dma_start3A_1483 = arith.constant 0 : i32
      %dma_start3A_1484 = tpu.memref_slice %arg21[%dma_start3A_1482, %dma_start3A_1483] : memref<40x128xi32, #tpu.memory_space<vmem>> -> memref<39x128xi32, #tpu.memory_space<vmem>>
      %dma_start3A_1485 = arith.constant 0 : i32
      %dma_start3A_1486 = tpu.memref_slice %arg4[%add3A_455, %dma_start3A_1485] : memref<1250x128xi32, #tpu.memory_space<hbm>> -> memref<39x128xi32, #tpu.memory_space<hbm>>
      tpu.enqueue_dma source(%dma_start3A_1486 : memref<39x128xi32, #tpu.memory_space<hbm>>) target(%dma_start3A_1484 : memref<39x128xi32, #tpu.memory_space<vmem>>) target_semaphore(%run_scoped3A : memref<!tpu.dma_semaphore, #tpu.memory_space<semaphore_mem>>)
      %dma_wait3A_1487 = arith.constant 0 : i32
      %dma_wait3A_1488 = arith.constant 0 : i32
      %dma_wait3A_1489 = tpu.memref_slice %arg21[%dma_wait3A_1487, %dma_wait3A_1488] : memref<40x128xi32, #tpu.memory_space<vmem>> -> memref<39x128xi32, #tpu.memory_space<vmem>>
      %dma_wait3A_1490 = arith.constant 0 : i32
      %dma_wait3A_1491 = tpu.memref_slice %arg4[%add3A_455, %dma_wait3A_1490] : memref<1250x128xi32, #tpu.memory_space<hbm>> -> memref<39x128xi32, #tpu.memory_space<hbm>>
      %dma_wait3A_1492 = arith.constant 0 : i32
      %dma_wait3A_1493 = arith.constant 0 : i32
      %dma_wait3A_1494 = tpu.memref_slice %arg21[%dma_wait3A_1492, %dma_wait3A_1493] : memref<40x128xi32, #tpu.memory_space<vmem>> -> memref<39x128xi32, #tpu.memory_space<vmem>>
      %dma_wait3A_1495 = arith.constant 0 : i32
      %dma_wait3A_1496 = tpu.memref_slice %arg4[%add3A_455, %dma_wait3A_1495] : memref<1250x128xi32, #tpu.memory_space<hbm>> -> memref<39x128xi32, #tpu.memory_space<hbm>>
      tpu.wait_dma2 semaphore(%run_scoped3A : memref<!tpu.dma_semaphore, #tpu.memory_space<semaphore_mem>>) src(%dma_wait3A_1496 : memref<39x128xi32, #tpu.memory_space<hbm>>) dst(%dma_wait3A_1494 : memref<39x128xi32, #tpu.memory_space<vmem>>)
      tpu.yield
    }) : () -> ()
    %add3A_456 = arith.constant 40 : i32
    %add3A_457 = arith.addi %select_n3A, %add3A_456 : i32
    "tpu.region"() ({
      %run_scoped3A = tpu.sem_alloc : memref<!tpu.dma_semaphore, #tpu.memory_space<semaphore_mem>>
      %dma_start3A_1477 = arith.constant 0 : i32
      %dma_start3A_1478 = arith.constant 0 : i32
      %dma_start3A_1479 = tpu.memref_slice %arg22[%dma_start3A_1477, %dma_start3A_1478] : memref<40x128xi32, #tpu.memory_space<vmem>> -> memref<39x128xi32, #tpu.memory_space<vmem>>
      %dma_start3A_1480 = arith.constant 0 : i32
      %dma_start3A_1481 = tpu.memref_slice %arg5[%add3A_457, %dma_start3A_1480] : memref<1250x128xi32, #tpu.memory_space<hbm>> -> memref<39x128xi32, #tpu.memory_space<hbm>>
      %dma_start3A_1482 = arith.constant 0 : i32
      %dma_start3A_1483 = arith.constant 0 : i32
      %dma_start3A_1484 = tpu.memref_slice %arg22[%dma_start3A_1482, %dma_start3A_1483] : memref<40x128xi32, #tpu.memory_space<vmem>> -> memref<39x128xi32, #tpu.memory_space<vmem>>
      %dma_start3A_1485 = arith.constant 0 : i32
      %dma_start3A_1486 = tpu.memref_slice %arg5[%add3A_457, %dma_start3A_1485] : memref<1250x128xi32, #tpu.memory_space<hbm>> -> memref<39x128xi32, #tpu.memory_space<hbm>>
      tpu.enqueue_dma source(%dma_start3A_1486 : memref<39x128xi32, #tpu.memory_space<hbm>>) target(%dma_start3A_1484 : memref<39x128xi32, #tpu.memory_space<vmem>>) target_semaphore(%run_scoped3A : memref<!tpu.dma_semaphore, #tpu.memory_space<semaphore_mem>>)
      %dma_wait3A_1487 = arith.constant 0 : i32
      %dma_wait3A_1488 = arith.constant 0 : i32
      %dma_wait3A_1489 = tpu.memref_slice %arg22[%dma_wait3A_1487, %dma_wait3A_1488] : memref<40x128xi32, #tpu.memory_space<vmem>> -> memref<39x128xi32, #tpu.memory_space<vmem>>
      %dma_wait3A_1490 = arith.constant 0 : i32
      %dma_wait3A_1491 = tpu.memref_slice %arg5[%add3A_457, %dma_wait3A_1490] : memref<1250x128xi32, #tpu.memory_space<hbm>> -> memref<39x128xi32, #tpu.memory_space<hbm>>
      %dma_wait3A_1492 = arith.constant 0 : i32
      %dma_wait3A_1493 = arith.constant 0 : i32
      %dma_wait3A_1494 = tpu.memref_slice %arg22[%dma_wait3A_1492, %dma_wait3A_1493] : memref<40x128xi32, #tpu.memory_space<vmem>> -> memref<39x128xi32, #tpu.memory_space<vmem>>
      %dma_wait3A_1495 = arith.constant 0 : i32
      %dma_wait3A_1496 = tpu.memref_slice %arg5[%add3A_457, %dma_wait3A_1495] : memref<1250x128xi32, #tpu.memory_space<hbm>> -> memref<39x128xi32, #tpu.memory_space<hbm>>
      tpu.wait_dma2 semaphore(%run_scoped3A : memref<!tpu.dma_semaphore, #tpu.memory_space<semaphore_mem>>) src(%dma_wait3A_1496 : memref<39x128xi32, #tpu.memory_space<hbm>>) dst(%dma_wait3A_1494 : memref<39x128xi32, #tpu.memory_space<vmem>>)
      tpu.yield
    }) : () -> ()
    %le3A = arith.constant 78 : i32
    %le3A_458 = arith.cmpi sle, %sub3A_44, %le3A : i32
    %convert_element_type3A_459 = arith.extui %le3A_458 : i1 to i32
    %cond3A_460 = arith.constant 0 : i32
    %cond3A_461 = arith.cmpi ne, %convert_element_type3A_459, %cond3A_460 : i32
    scf.if %cond3A_461 {
      %broadcast_in_dim3A = arith.constant 0 : i32
      %broadcast_in_dim3A_1477 = vector.broadcast %broadcast_in_dim3A : i32 to vector<16xi32>
      %swap3A = arith.constant 38 : i32
      %swap3A_1478 = arith.index_cast %swap3A : i32 to index
      %swap3A_1479 = arith.constant 0 : index
      %swap3A_1480 = tpu.vector_load %arg21[%swap3A_1478, %swap3A_1479] {strides = array<i32>} : memref<40x128xi32, #tpu.memory_space<vmem>>, vector<1x16xi32>,
      %swap3A_1481 = vector.shape_cast %swap3A_1480 : vector<1x16xi32> to vector<16xi32>
      %swap3A_1482 = vector.shape_cast %broadcast_in_dim3A_1477 : vector<16xi32> to vector<1x16xi32>
      tpu.vector_store %arg21[%swap3A_1478, %swap3A_1479], %swap3A_1482 {strides = array<i32>} : memref<40x128xi32, #tpu.memory_space<vmem>>, vector<1x16xi32>,
      %broadcast_in_dim3A_1483 = vector.broadcast %add3A_48 : i32 to vector<16xi32>
      %swap3A_1484 = arith.constant 38 : i32
      %swap3A_1485 = arith.index_cast %swap3A_1484 : i32 to index
      %swap3A_1486 = arith.constant 0 : index
      %swap3A_1487 = tpu.vector_load %arg22[%swap3A_1485, %swap3A_1486] {strides = array<i32>} : memref<40x128xi32, #tpu.memory_space<vmem>>, vector<1x16xi32>,
      %swap3A_1488 = vector.shape_cast %swap3A_1487 : vector<1x16xi32> to vector<16xi32>
      %swap3A_1489 = vector.shape_cast %broadcast_in_dim3A_1483 : vector<16xi32> to vector<1x16xi32>
      tpu.vector_store %arg22[%swap3A_1485, %swap3A_1486], %swap3A_1489 {strides = array<i32>} : memref<40x128xi32, #tpu.memory_space<vmem>>, vector<1x16xi32>,
      %broadcast_in_dim3A_1490 = arith.constant 0 : i32
      %broadcast_in_dim3A_1491 = vector.broadcast %broadcast_in_dim3A_1490 : i32 to vector<16xi32>
      %swap3A_1492 = arith.constant 38 : i32
      %swap3A_1493 = arith.index_cast %swap3A_1492 : i32 to index
      %swap3A_1494 = arith.constant 16 : index
      %swap3A_1495 = tpu.vector_load %arg21[%swap3A_1493, %swap3A_1494] {strides = array<i32>} : memref<40x128xi32, #tpu.memory_space<vmem>>, vector<1x16xi32>,
      %swap3A_1496 = vector.shape_cast %swap3A_1495 : vector<1x16xi32> to vector<16xi32>
      %swap3A_1497 = vector.shape_cast %broadcast_in_dim3A_1491 : vector<16xi32> to vector<1x16xi32>
      tpu.vector_store %arg21[%swap3A_1493, %swap3A_1494], %swap3A_1497 {strides = array<i32>} : memref<40x128xi32, #tpu.memory_space<vmem>>, vector<1x16xi32>,
      %broadcast_in_dim3A_1498 = vector.broadcast %add3A_48 : i32 to vector<16xi32>
      %swap3A_1499 = arith.constant 38 : i32
      %swap3A_1500 = arith.index_cast %swap3A_1499 : i32 to index
      %swap3A_1501 = arith.constant 16 : index
      %swap3A_1502 = tpu.vector_load %arg22[%swap3A_1500, %swap3A_1501] {strides = array<i32>} : memref<40x128xi32, #tpu.memory_space<vmem>>, vector<1x16xi32>,
      %swap3A_1503 = vector.shape_cast %swap3A_1502 : vector<1x16xi32> to vector<16xi32>
      %swap3A_1504 = vector.shape_cast %broadcast_in_dim3A_1498 : vector<16xi32> to vector<1x16xi32>
      tpu.vector_store %arg22[%swap3A_1500, %swap3A_1501], %swap3A_1504 {strides = array<i32>} : memref<40x128xi32, #tpu.memory_space<vmem>>, vector<1x16xi32>,
      %broadcast_in_dim3A_1505 = arith.constant 0 : i32
      %broadcast_in_dim3A_1506 = vector.broadcast %broadcast_in_dim3A_1505 : i32 to vector<16xi32>
      %swap3A_1507 = arith.constant 38 : i32
      %swap3A_1508 = arith.index_cast %swap3A_1507 : i32 to index
      %swap3A_1509 = arith.constant 32 : index
      %swap3A_1510 = tpu.vector_load %arg21[%swap3A_1508, %swap3A_1509] {strides = array<i32>} : memref<40x128xi32, #tpu.memory_space<vmem>>, vector<1x16xi32>,
      %swap3A_1511 = vector.shape_cast %swap3A_1510 : vector<1x16xi32> to vector<16xi32>
      %swap3A_1512 = vector.shape_cast %broadcast_in_dim3A_1506 : vector<16xi32> to vector<1x16xi32>
      tpu.vector_store %arg21[%swap3A_1508, %swap3A_1509], %swap3A_1512 {strides = array<i32>} : memref<40x128xi32, #tpu.memory_space<vmem>>, vector<1x16xi32>,
      %broadcast_in_dim3A_1513 = vector.broadcast %add3A_48 : i32 to vector<16xi32>
      %swap3A_1514 = arith.constant 38 : i32
      %swap3A_1515 = arith.index_cast %swap3A_1514 : i32 to index
      %swap3A_1516 = arith.constant 32 : index
      %swap3A_1517 = tpu.vector_load %arg22[%swap3A_1515, %swap3A_1516] {strides = array<i32>} : memref<40x128xi32, #tpu.memory_space<vmem>>, vector<1x16xi32>,
      %swap3A_1518 = vector.shape_cast %swap3A_1517 : vector<1x16xi32> to vector<16xi32>
      %swap3A_1519 = vector.shape_cast %broadcast_in_dim3A_1513 : vector<16xi32> to vector<1x16xi32>
      tpu.vector_store %arg22[%swap3A_1515, %swap3A_1516], %swap3A_1519 {strides = array<i32>} : memref<40x128xi32, #tpu.memory_space<vmem>>, vector<1x16xi32>,
      %broadcast_in_dim3A_1520 = arith.constant 0 : i32
      %broadcast_in_dim3A_1521 = vector.broadcast %broadcast_in_dim3A_1520 : i32 to vector<16xi32>
      %swap3A_1522 = arith.constant 38 : i32
      %swap3A_1523 = arith.index_cast %swap3A_1522 : i32 to index
      %swap3A_1524 = arith.constant 48 : index
      %swap3A_1525 = tpu.vector_load %arg21[%swap3A_1523, %swap3A_1524] {strides = array<i32>} : memref<40x128xi32, #tpu.memory_space<vmem>>, vector<1x16xi32>,
      %swap3A_1526 = vector.shape_cast %swap3A_1525 : vector<1x16xi32> to vector<16xi32>
      %swap3A_1527 = vector.shape_cast %broadcast_in_dim3A_1521 : vector<16xi32> to vector<1x16xi32>
      tpu.vector_store %arg21[%swap3A_1523, %swap3A_1524], %swap3A_1527 {strides = array<i32>} : memref<40x128xi32, #tpu.memory_space<vmem>>, vector<1x16xi32>,
      %broadcast_in_dim3A_1528 = vector.broadcast %add3A_48 : i32 to vector<16xi32>
      %swap3A_1529 = arith.constant 38 : i32
      %swap3A_1530 = arith.index_cast %swap3A_1529 : i32 to index
      %swap3A_1531 = arith.constant 48 : index
      %swap3A_1532 = tpu.vector_load %arg22[%swap3A_1530, %swap3A_1531] {strides = array<i32>} : memref<40x128xi32, #tpu.memory_space<vmem>>, vector<1x16xi32>,
      %swap3A_1533 = vector.shape_cast %swap3A_1532 : vector<1x16xi32> to vector<16xi32>
      %swap3A_1534 = vector.shape_cast %broadcast_in_dim3A_1528 : vector<16xi32> to vector<1x16xi32>
      tpu.vector_store %arg22[%swap3A_1530, %swap3A_1531], %swap3A_1534 {strides = array<i32>} : memref<40x128xi32, #tpu.memory_space<vmem>>, vector<1x16xi32>,
      %broadcast_in_dim3A_1535 = arith.constant 0 : i32
      %broadcast_in_dim3A_1536 = vector.broadcast %broadcast_in_dim3A_1535 : i32 to vector<16xi32>
      %swap3A_1537 = arith.constant 38 : i32
      %swap3A_1538 = arith.index_cast %swap3A_1537 : i32 to index
      %swap3A_1539 = arith.constant 64 : index
      %swap3A_1540 = tpu.vector_load %arg21[%swap3A_1538, %swap3A_1539] {strides = array<i32>} : memref<40x128xi32, #tpu.memory_space<vmem>>, vector<1x16xi32>,
      %swap3A_1541 = vector.shape_cast %swap3A_1540 : vector<1x16xi32> to vector<16xi32>
      %swap3A_1542 = vector.shape_cast %broadcast_in_dim3A_1536 : vector<16xi32> to vector<1x16xi32>
      tpu.vector_store %arg21[%swap3A_1538, %swap3A_1539], %swap3A_1542 {strides = array<i32>} : memref<40x128xi32, #tpu.memory_space<vmem>>, vector<1x16xi32>,
      %broadcast_in_dim3A_1543 = vector.broadcast %add3A_48 : i32 to vector<16xi32>
      %swap3A_1544 = arith.constant 38 : i32
      %swap3A_1545 = arith.index_cast %swap3A_1544 : i32 to index
      %swap3A_1546 = arith.constant 64 : index
      %swap3A_1547 = tpu.vector_load %arg22[%swap3A_1545, %swap3A_1546] {strides = array<i32>} : memref<40x128xi32, #tpu.memory_space<vmem>>, vector<1x16xi32>,
      %swap3A_1548 = vector.shape_cast %swap3A_1547 : vector<1x16xi32> to vector<16xi32>
      %swap3A_1549 = vector.shape_cast %broadcast_in_dim3A_1543 : vector<16xi32> to vector<1x16xi32>
      tpu.vector_store %arg22[%swap3A_1545, %swap3A_1546], %swap3A_1549 {strides = array<i32>} : memref<40x128xi32, #tpu.memory_space<vmem>>, vector<1x16xi32>,
      %broadcast_in_dim3A_1550 = arith.constant 0 : i32
      %broadcast_in_dim3A_1551 = vector.broadcast %broadcast_in_dim3A_1550 : i32 to vector<16xi32>
      %swap3A_1552 = arith.constant 38 : i32
      %swap3A_1553 = arith.index_cast %swap3A_1552 : i32 to index
      %swap3A_1554 = arith.constant 80 : index
      %swap3A_1555 = tpu.vector_load %arg21[%swap3A_1553, %swap3A_1554] {strides = array<i32>} : memref<40x128xi32, #tpu.memory_space<vmem>>, vector<1x16xi32>,
      %swap3A_1556 = vector.shape_cast %swap3A_1555 : vector<1x16xi32> to vector<16xi32>
      %swap3A_1557 = vector.shape_cast %broadcast_in_dim3A_1551 : vector<16xi32> to vector<1x16xi32>
      tpu.vector_store %arg21[%swap3A_1553, %swap3A_1554], %swap3A_1557 {strides = array<i32>} : memref<40x128xi32, #tpu.memory_space<vmem>>, vector<1x16xi32>,
      %broadcast_in_dim3A_1558 = vector.broadcast %add3A_48 : i32 to vector<16xi32>
      %swap3A_1559 = arith.constant 38 : i32
      %swap3A_1560 = arith.index_cast %swap3A_1559 : i32 to index
      %swap3A_1561 = arith.constant 80 : index
      %swap3A_1562 = tpu.vector_load %arg22[%swap3A_1560, %swap3A_1561] {strides = array<i32>} : memref<40x128xi32, #tpu.memory_space<vmem>>, vector<1x16xi32>,
      %swap3A_1563 = vector.shape_cast %swap3A_1562 : vector<1x16xi32> to vector<16xi32>
      %swap3A_1564 = vector.shape_cast %broadcast_in_dim3A_1558 : vector<16xi32> to vector<1x16xi32>
      tpu.vector_store %arg22[%swap3A_1560, %swap3A_1561], %swap3A_1564 {strides = array<i32>} : memref<40x128xi32, #tpu.memory_space<vmem>>, vector<1x16xi32>,
      %broadcast_in_dim3A_1565 = arith.constant 0 : i32
      %broadcast_in_dim3A_1566 = vector.broadcast %broadcast_in_dim3A_1565 : i32 to vector<16xi32>
      %swap3A_1567 = arith.constant 38 : i32
      %swap3A_1568 = arith.index_cast %swap3A_1567 : i32 to index
      %swap3A_1569 = arith.constant 96 : index
      %swap3A_1570 = tpu.vector_load %arg21[%swap3A_1568, %swap3A_1569] {strides = array<i32>} : memref<40x128xi32, #tpu.memory_space<vmem>>, vector<1x16xi32>,
      %swap3A_1571 = vector.shape_cast %swap3A_1570 : vector<1x16xi32> to vector<16xi32>
      %swap3A_1572 = vector.shape_cast %broadcast_in_dim3A_1566 : vector<16xi32> to vector<1x16xi32>
      tpu.vector_store %arg21[%swap3A_1568, %swap3A_1569], %swap3A_1572 {strides = array<i32>} : memref<40x128xi32, #tpu.memory_space<vmem>>, vector<1x16xi32>,
      %broadcast_in_dim3A_1573 = vector.broadcast %add3A_48 : i32 to vector<16xi32>
      %swap3A_1574 = arith.constant 38 : i32
      %swap3A_1575 = arith.index_cast %swap3A_1574 : i32 to index
      %swap3A_1576 = arith.constant 96 : index
      %swap3A_1577 = tpu.vector_load %arg22[%swap3A_1575, %swap3A_1576] {strides = array<i32>} : memref<40x128xi32, #tpu.memory_space<vmem>>, vector<1x16xi32>,
      %swap3A_1578 = vector.shape_cast %swap3A_1577 : vector<1x16xi32> to vector<16xi32>
      %swap3A_1579 = vector.shape_cast %broadcast_in_dim3A_1573 : vector<16xi32> to vector<1x16xi32>
      tpu.vector_store %arg22[%swap3A_1575, %swap3A_1576], %swap3A_1579 {strides = array<i32>} : memref<40x128xi32, #tpu.memory_space<vmem>>, vector<1x16xi32>,
      %broadcast_in_dim3A_1580 = arith.constant 0 : i32
      %broadcast_in_dim3A_1581 = vector.broadcast %broadcast_in_dim3A_1580 : i32 to vector<16xi32>
      %swap3A_1582 = arith.constant 38 : i32
      %swap3A_1583 = arith.index_cast %swap3A_1582 : i32 to index
      %swap3A_1584 = arith.constant 112 : index
      %swap3A_1585 = tpu.vector_load %arg21[%swap3A_1583, %swap3A_1584] {strides = array<i32>} : memref<40x128xi32, #tpu.memory_space<vmem>>, vector<1x16xi32>,
      %swap3A_1586 = vector.shape_cast %swap3A_1585 : vector<1x16xi32> to vector<16xi32>
      %swap3A_1587 = vector.shape_cast %broadcast_in_dim3A_1581 : vector<16xi32> to vector<1x16xi32>
      tpu.vector_store %arg21[%swap3A_1583, %swap3A_1584], %swap3A_1587 {strides = array<i32>} : memref<40x128xi32, #tpu.memory_space<vmem>>, vector<1x16xi32>,
      %broadcast_in_dim3A_1588 = vector.broadcast %add3A_48 : i32 to vector<16xi32>
      %swap3A_1589 = arith.constant 38 : i32
      %swap3A_1590 = arith.index_cast %swap3A_1589 : i32 to index
      %swap3A_1591 = arith.constant 112 : index
      %swap3A_1592 = tpu.vector_load %arg22[%swap3A_1590, %swap3A_1591] {strides = array<i32>} : memref<40x128xi32, #tpu.memory_space<vmem>>, vector<1x16xi32>,
      %swap3A_1593 = vector.shape_cast %swap3A_1592 : vector<1x16xi32> to vector<16xi32>
      %swap3A_1594 = vector.shape_cast %broadcast_in_dim3A_1588 : vector<16xi32> to vector<1x16xi32>
      tpu.vector_store %arg22[%swap3A_1590, %swap3A_1591], %swap3A_1594 {strides = array<i32>} : memref<40x128xi32, #tpu.memory_space<vmem>>, vector<1x16xi32>,
    } else {
    }
    %dma_start3A_462 = arith.constant 0 : i32
    %dma_start3A_463 = arith.constant 0 : i32
    %dma_start3A_464 = tpu.memref_slice %arg21[%dma_start3A_462, %dma_start3A_463] : memref<40x128xi32, #tpu.memory_space<vmem>> -> memref<1x128xi32, #tpu.memory_space<vmem>>
    %dma_start3A_465 = tpu.memref_squeeze %dma_start3A_464 : memref<1x128xi32, #tpu.memory_space<vmem>> -> memref<128xi32, #tpu.memory_space<vmem>>
    %dma_start3A_466 = arith.constant 0 : i32
    %dma_start3A_467 = arith.constant 0 : i32
    %dma_start3A_468 = tpu.memref_slice %arg15[%dma_start3A_466, %dma_start3A_467] : memref<10000x64xf32, #tpu.memory_space<vmem_shared>> -> memref<10000x64xf32, #tpu.memory_space<vmem_shared>>
    tpu.enqueue_indirect_dma source(%dma_start3A_468 : memref<10000x64xf32, #tpu.memory_space<vmem_shared>>) target(%arg23 : memref<128x64xf32, #tpu.memory_space<vmem>>) offsets(%dma_start3A_465 : memref<128xi32, #tpu.memory_space<vmem>>) semaphore(%arg25 : memref<!tpu.dma_semaphore, #tpu.memory_space<semaphore_mem>>)
    %scan3A_469 = arith.constant 0 : i32
    %scan3A_470 = arith.constant 0 : i32
    %scan3A_471 = arith.constant 19 : i32
    %scan3A_472 = arith.addi %scan3A_470, %scan3A_471 : i32
    %scan3A_473 = arith.constant 1 : i32
    scf.for %scan3A_1477 = %scan3A_470 to %scan3A_472 step %scan3A_473  : i32 {
      %mul3A_1478 = arith.constant 2 : i32
      %mul3A_1479 = arith.muli %mul3A_1478, %scan3A_1477 : i32
      %add3A_1480 = arith.constant 1 : i32
      %add3A_1481 = arith.addi %mul3A_1479, %add3A_1480 : i32
      %dma_wait3A_1482 = arith.constant 0 : i32
      %dma_wait3A_1483 = tpu.memref_slice %arg21[%mul3A_1479, %dma_wait3A_1482] : memref<40x128xi32, #tpu.memory_space<vmem>> -> memref<1x128xi32, #tpu.memory_space<vmem>>
      %dma_wait3A_1484 = tpu.memref_squeeze %dma_wait3A_1483 : memref<1x128xi32, #tpu.memory_space<vmem>> -> memref<128xi32, #tpu.memory_space<vmem>>
      %dma_wait3A_1485 = arith.constant 0 : i32
      %dma_wait3A_1486 = arith.constant 0 : i32
      %dma_wait3A_1487 = tpu.memref_slice %arg15[%dma_wait3A_1485, %dma_wait3A_1486] : memref<10000x64xf32, #tpu.memory_space<vmem_shared>> -> memref<10000x64xf32, #tpu.memory_space<vmem_shared>>
      tpu.wait_indirect_dma semaphore(%arg25 : memref<!tpu.dma_semaphore, #tpu.memory_space<semaphore_mem>>) src(%dma_wait3A_1487 : memref<10000x64xf32, #tpu.memory_space<vmem_shared>>) dst(%arg23 : memref<128x64xf32, #tpu.memory_space<vmem>>)
      %dma_start3A_1488 = arith.constant 0 : i32
      %dma_start3A_1489 = tpu.memref_slice %arg22[%mul3A_1479, %dma_start3A_1488] : memref<40x128xi32, #tpu.memory_space<vmem>> -> memref<1x128xi32, #tpu.memory_space<vmem>>
      %dma_start3A_1490 = tpu.memref_squeeze %dma_start3A_1489 : memref<1x128xi32, #tpu.memory_space<vmem>> -> memref<128xi32, #tpu.memory_space<vmem>>
      %dma_start3A_1491 = arith.constant 0 : i32
      %dma_start3A_1492 = arith.constant 0 : i32
      %dma_start3A_1493 = tpu.memref_slice %arg16[%dma_start3A_1491, %dma_start3A_1492] : memref<10240x64xf32, #tpu.memory_space<vmem_shared>> -> memref<10240x64xf32, #tpu.memory_space<vmem_shared>>
      tpu.enqueue_indirect_dma source(%arg23 : memref<128x64xf32, #tpu.memory_space<vmem>>) target(%dma_start3A_1493 : memref<10240x64xf32, #tpu.memory_space<vmem_shared>>) offsets(%dma_start3A_1490 : memref<128xi32, #tpu.memory_space<vmem>>) semaphore(%arg27 : memref<!tpu.dma_semaphore, #tpu.memory_space<semaphore_mem>>) {add = true}
      %eq3A_1494 = arith.constant 0 : i32
      %eq3A_1495 = arith.cmpi eq, %arg0, %eq3A_1494 : i32
      %convert_element_type3A_1496 = arith.extui %eq3A_1495 : i1 to i32
      %cond3A_1497 = arith.constant 0 : i32
      %cond3A_1498 = arith.cmpi ne, %convert_element_type3A_1496, %cond3A_1497 : i32
      scf.if %cond3A_1498 {
        %dma_start3A_1532 = arith.constant 0 : i32
        %dma_start3A_1533 = tpu.memref_slice %arg22[%mul3A_1479, %dma_start3A_1532] : memref<40x128xi32, #tpu.memory_space<vmem>> -> memref<1x128xi32, #tpu.memory_space<vmem>>
        %dma_start3A_1534 = tpu.memref_squeeze %dma_start3A_1533 : memref<1x128xi32, #tpu.memory_space<vmem>> -> memref<128xi32, #tpu.memory_space<vmem>>
        %dma_start3A_1535 = arith.constant 0 : i32
        %dma_start3A_1536 = arith.constant 0 : i32
        %dma_start3A_1537 = tpu.memref_slice %arg17[%dma_start3A_1535, %dma_start3A_1536] : memref<10240x8xf32, #tpu.memory_space<vmem_shared>> -> memref<10240x8xf32, #tpu.memory_space<vmem_shared>>
        tpu.enqueue_indirect_dma source(%arg20 : memref<128x8xf32, #tpu.memory_space<vmem>>) target(%dma_start3A_1537 : memref<10240x8xf32, #tpu.memory_space<vmem_shared>>) offsets(%dma_start3A_1534 : memref<128xi32, #tpu.memory_space<vmem>>) semaphore(%arg27 : memref<!tpu.dma_semaphore, #tpu.memory_space<semaphore_mem>>) {add = true}
      } else {
      }
      %gt3A = arith.constant 0 : i32
      %gt3A_1499 = arith.cmpi sgt, %scan3A_1477, %gt3A : i32
      %convert_element_type3A_1500 = arith.extui %gt3A_1499 : i1 to i32
      %cond3A_1501 = arith.constant 0 : i32
      %cond3A_1502 = arith.cmpi ne, %convert_element_type3A_1500, %cond3A_1501 : i32
      scf.if %cond3A_1502 {
        %sub3A_1532 = arith.constant 2 : i32
        %sub3A_1533 = arith.subi %add3A_1481, %sub3A_1532 : i32
        %dma_wait3A_1534 = arith.constant 0 : i32
        %dma_wait3A_1535 = tpu.memref_slice %arg22[%sub3A_1533, %dma_wait3A_1534] : memref<40x128xi32, #tpu.memory_space<vmem>> -> memref<1x128xi32, #tpu.memory_space<vmem>>
        %dma_wait3A_1536 = tpu.memref_squeeze %dma_wait3A_1535 : memref<1x128xi32, #tpu.memory_space<vmem>> -> memref<128xi32, #tpu.memory_space<vmem>>
        %dma_wait3A_1537 = arith.constant 0 : i32
        %dma_wait3A_1538 = arith.constant 0 : i32
        %dma_wait3A_1539 = tpu.memref_slice %arg16[%dma_wait3A_1537, %dma_wait3A_1538] : memref<10240x64xf32, #tpu.memory_space<vmem_shared>> -> memref<10240x64xf32, #tpu.memory_space<vmem_shared>>
        tpu.wait_indirect_dma semaphore(%arg28 : memref<!tpu.dma_semaphore, #tpu.memory_space<semaphore_mem>>) src(%arg24 : memref<128x64xf32, #tpu.memory_space<vmem>>) dst(%dma_wait3A_1539 : memref<10240x64xf32, #tpu.memory_space<vmem_shared>>)
        %eq3A_1540 = arith.constant 1 : i32
        %eq3A_1541 = arith.cmpi eq, %arg0, %eq3A_1540 : i32
        %convert_element_type3A_1542 = arith.extui %eq3A_1541 : i1 to i32
        %cond3A_1543 = arith.constant 0 : i32
        %cond3A_1544 = arith.cmpi ne, %convert_element_type3A_1542, %cond3A_1543 : i32
        scf.if %cond3A_1544 {
          %dma_wait3A_1545 = arith.constant 0 : i32
          %dma_wait3A_1546 = tpu.memref_slice %arg22[%sub3A_1533, %dma_wait3A_1545] : memref<40x128xi32, #tpu.memory_space<vmem>> -> memref<1x128xi32, #tpu.memory_space<vmem>>
          %dma_wait3A_1547 = tpu.memref_squeeze %dma_wait3A_1546 : memref<1x128xi32, #tpu.memory_space<vmem>> -> memref<128xi32, #tpu.memory_space<vmem>>
          %dma_wait3A_1548 = arith.constant 0 : i32
          %dma_wait3A_1549 = arith.constant 0 : i32
          %dma_wait3A_1550 = tpu.memref_slice %arg17[%dma_wait3A_1548, %dma_wait3A_1549] : memref<10240x8xf32, #tpu.memory_space<vmem_shared>> -> memref<10240x8xf32, #tpu.memory_space<vmem_shared>>
          tpu.wait_indirect_dma semaphore(%arg28 : memref<!tpu.dma_semaphore, #tpu.memory_space<semaphore_mem>>) src(%arg20 : memref<128x8xf32, #tpu.memory_space<vmem>>) dst(%dma_wait3A_1550 : memref<10240x8xf32, #tpu.memory_space<vmem_shared>>)
        } else {
        }
      } else {
      }
      %dma_start3A_1503 = arith.constant 0 : i32
      %dma_start3A_1504 = tpu.memref_slice %arg21[%add3A_1481, %dma_start3A_1503] : memref<40x128xi32, #tpu.memory_space<vmem>> -> memref<1x128xi32, #tpu.memory_space<vmem>>
      %dma_start3A_1505 = tpu.memref_squeeze %dma_start3A_1504 : memref<1x128xi32, #tpu.memory_space<vmem>> -> memref<128xi32, #tpu.memory_space<vmem>>
      %dma_start3A_1506 = arith.constant 0 : i32
      %dma_start3A_1507 = arith.constant 0 : i32
      %dma_start3A_1508 = tpu.memref_slice %arg15[%dma_start3A_1506, %dma_start3A_1507] : memref<10000x64xf32, #tpu.memory_space<vmem_shared>> -> memref<10000x64xf32, #tpu.memory_space<vmem_shared>>
      tpu.enqueue_indirect_dma source(%dma_start3A_1508 : memref<10000x64xf32, #tpu.memory_space<vmem_shared>>) target(%arg24 : memref<128x64xf32, #tpu.memory_space<vmem>>) offsets(%dma_start3A_1505 : memref<128xi32, #tpu.memory_space<vmem>>) semaphore(%arg26 : memref<!tpu.dma_semaphore, #tpu.memory_space<semaphore_mem>>)
      %dma_wait3A_1509 = arith.constant 0 : i32
      %dma_wait3A_1510 = tpu.memref_slice %arg21[%add3A_1481, %dma_wait3A_1509] : memref<40x128xi32, #tpu.memory_space<vmem>> -> memref<1x128xi32, #tpu.memory_space<vmem>>
      %dma_wait3A_1511 = tpu.memref_squeeze %dma_wait3A_1510 : memref<1x128xi32, #tpu.memory_space<vmem>> -> memref<128xi32, #tpu.memory_space<vmem>>
      %dma_wait3A_1512 = arith.constant 0 : i32
      %dma_wait3A_1513 = arith.constant 0 : i32
      %dma_wait3A_1514 = tpu.memref_slice %arg15[%dma_wait3A_1512, %dma_wait3A_1513] : memref<10000x64xf32, #tpu.memory_space<vmem_shared>> -> memref<10000x64xf32, #tpu.memory_space<vmem_shared>>
      tpu.wait_indirect_dma semaphore(%arg26 : memref<!tpu.dma_semaphore, #tpu.memory_space<semaphore_mem>>) src(%dma_wait3A_1514 : memref<10000x64xf32, #tpu.memory_space<vmem_shared>>) dst(%arg24 : memref<128x64xf32, #tpu.memory_space<vmem>>)
      %dma_start3A_1515 = arith.constant 0 : i32
      %dma_start3A_1516 = tpu.memref_slice %arg22[%add3A_1481, %dma_start3A_1515] : memref<40x128xi32, #tpu.memory_space<vmem>> -> memref<1x128xi32, #tpu.memory_space<vmem>>
      %dma_start3A_1517 = tpu.memref_squeeze %dma_start3A_1516 : memref<1x128xi32, #tpu.memory_space<vmem>> -> memref<128xi32, #tpu.memory_space<vmem>>
      %dma_start3A_1518 = arith.constant 0 : i32
      %dma_start3A_1519 = arith.constant 0 : i32
      %dma_start3A_1520 = tpu.memref_slice %arg16[%dma_start3A_1518, %dma_start3A_1519] : memref<10240x64xf32, #tpu.memory_space<vmem_shared>> -> memref<10240x64xf32, #tpu.memory_space<vmem_shared>>
      tpu.enqueue_indirect_dma source(%arg24 : memref<128x64xf32, #tpu.memory_space<vmem>>) target(%dma_start3A_1520 : memref<10240x64xf32, #tpu.memory_space<vmem_shared>>) offsets(%dma_start3A_1517 : memref<128xi32, #tpu.memory_space<vmem>>) semaphore(%arg28 : memref<!tpu.dma_semaphore, #tpu.memory_space<semaphore_mem>>) {add = true}
      %eq3A_1521 = arith.constant 1 : i32
      %eq3A_1522 = arith.cmpi eq, %arg0, %eq3A_1521 : i32
      %convert_element_type3A_1523 = arith.extui %eq3A_1522 : i1 to i32
      %cond3A_1524 = arith.constant 0 : i32
      %cond3A_1525 = arith.cmpi ne, %convert_element_type3A_1523, %cond3A_1524 : i32
      scf.if %cond3A_1525 {
        %dma_start3A_1532 = arith.constant 0 : i32
        %dma_start3A_1533 = tpu.memref_slice %arg22[%add3A_1481, %dma_start3A_1532] : memref<40x128xi32, #tpu.memory_space<vmem>> -> memref<1x128xi32, #tpu.memory_space<vmem>>
        %dma_start3A_1534 = tpu.memref_squeeze %dma_start3A_1533 : memref<1x128xi32, #tpu.memory_space<vmem>> -> memref<128xi32, #tpu.memory_space<vmem>>
        %dma_start3A_1535 = arith.constant 0 : i32
        %dma_start3A_1536 = arith.constant 0 : i32
        %dma_start3A_1537 = tpu.memref_slice %arg17[%dma_start3A_1535, %dma_start3A_1536] : memref<10240x8xf32, #tpu.memory_space<vmem_shared>> -> memref<10240x8xf32, #tpu.memory_space<vmem_shared>>
        tpu.enqueue_indirect_dma source(%arg20 : memref<128x8xf32, #tpu.memory_space<vmem>>) target(%dma_start3A_1537 : memref<10240x8xf32, #tpu.memory_space<vmem_shared>>) offsets(%dma_start3A_1534 : memref<128xi32, #tpu.memory_space<vmem>>) semaphore(%arg28 : memref<!tpu.dma_semaphore, #tpu.memory_space<semaphore_mem>>) {add = true}
      } else {
      }
      %add3A_1526 = arith.constant 2 : i32
      %add3A_1527 = arith.addi %mul3A_1479, %add3A_1526 : i32
      %lt3A = arith.constant 39 : i32
      %lt3A_1528 = arith.cmpi slt, %add3A_1527, %lt3A : i32
      %convert_element_type3A_1529 = arith.extui %lt3A_1528 : i1 to i32
      %cond3A_1530 = arith.constant 0 : i32
      %cond3A_1531 = arith.cmpi ne, %convert_element_type3A_1529, %cond3A_1530 : i32
      scf.if %cond3A_1531 {
        %dma_wait3A_1532 = arith.constant 0 : i32
        %dma_wait3A_1533 = tpu.memref_slice %arg22[%mul3A_1479, %dma_wait3A_1532] : memref<40x128xi32, #tpu.memory_space<vmem>> -> memref<1x128xi32, #tpu.memory_space<vmem>>
        %dma_wait3A_1534 = tpu.memref_squeeze %dma_wait3A_1533 : memref<1x128xi32, #tpu.memory_space<vmem>> -> memref<128xi32, #tpu.memory_space<vmem>>
        %dma_wait3A_1535 = arith.constant 0 : i32
        %dma_wait3A_1536 = arith.constant 0 : i32
        %dma_wait3A_1537 = tpu.memref_slice %arg16[%dma_wait3A_1535, %dma_wait3A_1536] : memref<10240x64xf32, #tpu.memory_space<vmem_shared>> -> memref<10240x64xf32, #tpu.memory_space<vmem_shared>>
        tpu.wait_indirect_dma semaphore(%arg27 : memref<!tpu.dma_semaphore, #tpu.memory_space<semaphore_mem>>) src(%arg23 : memref<128x64xf32, #tpu.memory_space<vmem>>) dst(%dma_wait3A_1537 : memref<10240x64xf32, #tpu.memory_space<vmem_shared>>)
        %eq3A_1538 = arith.constant 0 : i32
        %eq3A_1539 = arith.cmpi eq, %arg0, %eq3A_1538 : i32
        %convert_element_type3A_1540 = arith.extui %eq3A_1539 : i1 to i32
        %cond3A_1541 = arith.constant 0 : i32
        %cond3A_1542 = arith.cmpi ne, %convert_element_type3A_1540, %cond3A_1541 : i32
        scf.if %cond3A_1542 {
          %dma_wait3A_1551 = arith.constant 0 : i32
          %dma_wait3A_1552 = tpu.memref_slice %arg22[%mul3A_1479, %dma_wait3A_1551] : memref<40x128xi32, #tpu.memory_space<vmem>> -> memref<1x128xi32, #tpu.memory_space<vmem>>
          %dma_wait3A_1553 = tpu.memref_squeeze %dma_wait3A_1552 : memref<1x128xi32, #tpu.memory_space<vmem>> -> memref<128xi32, #tpu.memory_space<vmem>>
          %dma_wait3A_1554 = arith.constant 0 : i32
          %dma_wait3A_1555 = arith.constant 0 : i32
          %dma_wait3A_1556 = tpu.memref_slice %arg17[%dma_wait3A_1554, %dma_wait3A_1555] : memref<10240x8xf32, #tpu.memory_space<vmem_shared>> -> memref<10240x8xf32, #tpu.memory_space<vmem_shared>>
          tpu.wait_indirect_dma semaphore(%arg27 : memref<!tpu.dma_semaphore, #tpu.memory_space<semaphore_mem>>) src(%arg20 : memref<128x8xf32, #tpu.memory_space<vmem>>) dst(%dma_wait3A_1556 : memref<10240x8xf32, #tpu.memory_space<vmem_shared>>)
        } else {
        }
        %add3A_1543 = arith.constant 2 : i32
        %add3A_1544 = arith.addi %mul3A_1479, %add3A_1543 : i32
        %dma_start3A_1545 = arith.constant 0 : i32
        %dma_start3A_1546 = tpu.memref_slice %arg21[%add3A_1544, %dma_start3A_1545] : memref<40x128xi32, #tpu.memory_space<vmem>> -> memref<1x128xi32, #tpu.memory_space<vmem>>
        %dma_start3A_1547 = tpu.memref_squeeze %dma_start3A_1546 : memref<1x128xi32, #tpu.memory_space<vmem>> -> memref<128xi32, #tpu.memory_space<vmem>>
        %dma_start3A_1548 = arith.constant 0 : i32
        %dma_start3A_1549 = arith.constant 0 : i32
        %dma_start3A_1550 = tpu.memref_slice %arg15[%dma_start3A_1548, %dma_start3A_1549] : memref<10000x64xf32, #tpu.memory_space<vmem_shared>> -> memref<10000x64xf32, #tpu.memory_space<vmem_shared>>
        tpu.enqueue_indirect_dma source(%dma_start3A_1550 : memref<10000x64xf32, #tpu.memory_space<vmem_shared>>) target(%arg23 : memref<128x64xf32, #tpu.memory_space<vmem>>) offsets(%dma_start3A_1547 : memref<128xi32, #tpu.memory_space<vmem>>) semaphore(%arg25 : memref<!tpu.dma_semaphore, #tpu.memory_space<semaphore_mem>>)
      } else {
      }
    }
    %scan3A_474 = arith.constant 19 : i32
    %dma_wait3A_475 = arith.constant 38 : i32
    %dma_wait3A_476 = arith.constant 0 : i32
    %dma_wait3A_477 = tpu.memref_slice %arg21[%dma_wait3A_475, %dma_wait3A_476] : memref<40x128xi32, #tpu.memory_space<vmem>> -> memref<1x128xi32, #tpu.memory_space<vmem>>
    %dma_wait3A_478 = tpu.memref_squeeze %dma_wait3A_477 : memref<1x128xi32, #tpu.memory_space<vmem>> -> memref<128xi32, #tpu.memory_space<vmem>>
    %dma_wait3A_479 = arith.constant 0 : i32
    %dma_wait3A_480 = arith.constant 0 : i32
    %dma_wait3A_481 = tpu.memref_slice %arg15[%dma_wait3A_479, %dma_wait3A_480] : memref<10000x64xf32, #tpu.memory_space<vmem_shared>> -> memref<10000x64xf32, #tpu.memory_space<vmem_shared>>
    tpu.wait_indirect_dma semaphore(%arg25 : memref<!tpu.dma_semaphore, #tpu.memory_space<semaphore_mem>>) src(%dma_wait3A_481 : memref<10000x64xf32, #tpu.memory_space<vmem_shared>>) dst(%arg23 : memref<128x64xf32, #tpu.memory_space<vmem>>)
    %dma_start3A_482 = arith.constant 38 : i32
    %dma_start3A_483 = arith.constant 0 : i32
    %dma_start3A_484 = tpu.memref_slice %arg22[%dma_start3A_482, %dma_start3A_483] : memref<40x128xi32, #tpu.memory_space<vmem>> -> memref<1x128xi32, #tpu.memory_space<vmem>>
    %dma_start3A_485 = tpu.memref_squeeze %dma_start3A_484 : memref<1x128xi32, #tpu.memory_space<vmem>> -> memref<128xi32, #tpu.memory_space<vmem>>
    %dma_start3A_486 = arith.constant 0 : i32
    %dma_start3A_487 = arith.constant 0 : i32
    %dma_start3A_488 = tpu.memref_slice %arg16[%dma_start3A_486, %dma_start3A_487] : memref<10240x64xf32, #tpu.memory_space<vmem_shared>> -> memref<10240x64xf32, #tpu.memory_space<vmem_shared>>
    tpu.enqueue_indirect_dma source(%arg23 : memref<128x64xf32, #tpu.memory_space<vmem>>) target(%dma_start3A_488 : memref<10240x64xf32, #tpu.memory_space<vmem_shared>>) offsets(%dma_start3A_485 : memref<128xi32, #tpu.memory_space<vmem>>) semaphore(%arg27 : memref<!tpu.dma_semaphore, #tpu.memory_space<semaphore_mem>>) {add = true}
    %eq3A_489 = arith.constant 0 : i32
    %eq3A_490 = arith.cmpi eq, %arg0, %eq3A_489 : i32
    %convert_element_type3A_491 = arith.extui %eq3A_490 : i1 to i32
    %cond3A_492 = arith.constant 0 : i32
    %cond3A_493 = arith.cmpi ne, %convert_element_type3A_491, %cond3A_492 : i32
    scf.if %cond3A_493 {
      %dma_start3A_1477 = arith.constant 38 : i32
      %dma_start3A_1478 = arith.constant 0 : i32
      %dma_start3A_1479 = tpu.memref_slice %arg22[%dma_start3A_1477, %dma_start3A_1478] : memref<40x128xi32, #tpu.memory_space<vmem>> -> memref<1x128xi32, #tpu.memory_space<vmem>>
      %dma_start3A_1480 = tpu.memref_squeeze %dma_start3A_1479 : memref<1x128xi32, #tpu.memory_space<vmem>> -> memref<128xi32, #tpu.memory_space<vmem>>
      %dma_start3A_1481 = arith.constant 0 : i32
      %dma_start3A_1482 = arith.constant 0 : i32
      %dma_start3A_1483 = tpu.memref_slice %arg17[%dma_start3A_1481, %dma_start3A_1482] : memref<10240x8xf32, #tpu.memory_space<vmem_shared>> -> memref<10240x8xf32, #tpu.memory_space<vmem_shared>>
      tpu.enqueue_indirect_dma source(%arg20 : memref<128x8xf32, #tpu.memory_space<vmem>>) target(%dma_start3A_1483 : memref<10240x8xf32, #tpu.memory_space<vmem_shared>>) offsets(%dma_start3A_1480 : memref<128xi32, #tpu.memory_space<vmem>>) semaphore(%arg27 : memref<!tpu.dma_semaphore, #tpu.memory_space<semaphore_mem>>) {add = true}
    } else {
    }
    %dma_wait3A_494 = arith.constant 37 : i32
    %dma_wait3A_495 = arith.constant 0 : i32
    %dma_wait3A_496 = tpu.memref_slice %arg22[%dma_wait3A_494, %dma_wait3A_495] : memref<40x128xi32, #tpu.memory_space<vmem>> -> memref<1x128xi32, #tpu.memory_space<vmem>>
    %dma_wait3A_497 = tpu.memref_squeeze %dma_wait3A_496 : memref<1x128xi32, #tpu.memory_space<vmem>> -> memref<128xi32, #tpu.memory_space<vmem>>
    %dma_wait3A_498 = arith.constant 0 : i32
    %dma_wait3A_499 = arith.constant 0 : i32
    %dma_wait3A_500 = tpu.memref_slice %arg16[%dma_wait3A_498, %dma_wait3A_499] : memref<10240x64xf32, #tpu.memory_space<vmem_shared>> -> memref<10240x64xf32, #tpu.memory_space<vmem_shared>>
    tpu.wait_indirect_dma semaphore(%arg28 : memref<!tpu.dma_semaphore, #tpu.memory_space<semaphore_mem>>) src(%arg24 : memref<128x64xf32, #tpu.memory_space<vmem>>) dst(%dma_wait3A_500 : memref<10240x64xf32, #tpu.memory_space<vmem_shared>>)
    %eq3A_501 = arith.constant 1 : i32
    %eq3A_502 = arith.cmpi eq, %arg0, %eq3A_501 : i32
    %convert_element_type3A_503 = arith.extui %eq3A_502 : i1 to i32
    %cond3A_504 = arith.constant 0 : i32
    %cond3A_505 = arith.cmpi ne, %convert_element_type3A_503, %cond3A_504 : i32
    scf.if %cond3A_505 {
      %dma_wait3A_1477 = arith.constant 37 : i32
      %dma_wait3A_1478 = arith.constant 0 : i32
      %dma_wait3A_1479 = tpu.memref_slice %arg22[%dma_wait3A_1477, %dma_wait3A_1478] : memref<40x128xi32, #tpu.memory_space<vmem>> -> memref<1x128xi32, #tpu.memory_space<vmem>>
      %dma_wait3A_1480 = tpu.memref_squeeze %dma_wait3A_1479 : memref<1x128xi32, #tpu.memory_space<vmem>> -> memref<128xi32, #tpu.memory_space<vmem>>
      %dma_wait3A_1481 = arith.constant 0 : i32
      %dma_wait3A_1482 = arith.constant 0 : i32
      %dma_wait3A_1483 = tpu.memref_slice %arg17[%dma_wait3A_1481, %dma_wait3A_1482] : memref<10240x8xf32, #tpu.memory_space<vmem_shared>> -> memref<10240x8xf32, #tpu.memory_space<vmem_shared>>
      tpu.wait_indirect_dma semaphore(%arg28 : memref<!tpu.dma_semaphore, #tpu.memory_space<semaphore_mem>>) src(%arg20 : memref<128x8xf32, #tpu.memory_space<vmem>>) dst(%dma_wait3A_1483 : memref<10240x8xf32, #tpu.memory_space<vmem_shared>>)
    } else {
    }
    %dma_wait3A_506 = arith.constant 38 : i32
    %dma_wait3A_507 = arith.constant 0 : i32
    %dma_wait3A_508 = tpu.memref_slice %arg22[%dma_wait3A_506, %dma_wait3A_507] : memref<40x128xi32, #tpu.memory_space<vmem>> -> memref<1x128xi32, #tpu.memory_space<vmem>>
    %dma_wait3A_509 = tpu.memref_squeeze %dma_wait3A_508 : memref<1x128xi32, #tpu.memory_space<vmem>> -> memref<128xi32, #tpu.memory_space<vmem>>
    %dma_wait3A_510 = arith.constant 0 : i32
    %dma_wait3A_511 = arith.constant 0 : i32
    %dma_wait3A_512 = tpu.memref_slice %arg16[%dma_wait3A_510, %dma_wait3A_511] : memref<10240x64xf32, #tpu.memory_space<vmem_shared>> -> memref<10240x64xf32, #tpu.memory_space<vmem_shared>>
    tpu.wait_indirect_dma semaphore(%arg27 : memref<!tpu.dma_semaphore, #tpu.memory_space<semaphore_mem>>) src(%arg23 : memref<128x64xf32, #tpu.memory_space<vmem>>) dst(%dma_wait3A_512 : memref<10240x64xf32, #tpu.memory_space<vmem_shared>>)
    %eq3A_513 = arith.constant 0 : i32
    %eq3A_514 = arith.cmpi eq, %arg0, %eq3A_513 : i32
    %convert_element_type3A_515 = arith.extui %eq3A_514 : i1 to i32
    %cond3A_516 = arith.constant 0 : i32
    %cond3A_517 = arith.cmpi ne, %convert_element_type3A_515, %cond3A_516 : i32
    scf.if %cond3A_517 {
      %dma_wait3A_1477 = arith.constant 38 : i32
      %dma_wait3A_1478 = arith.constant 0 : i32
      %dma_wait3A_1479 = tpu.memref_slice %arg22[%dma_wait3A_1477, %dma_wait3A_1478] : memref<40x128xi32, #tpu.memory_space<vmem>> -> memref<1x128xi32, #tpu.memory_space<vmem>>
      %dma_wait3A_1480 = tpu.memref_squeeze %dma_wait3A_1479 : memref<1x128xi32, #tpu.memory_space<vmem>> -> memref<128xi32, #tpu.memory_space<vmem>>
      %dma_wait3A_1481 = arith.constant 0 : i32
      %dma_wait3A_1482 = arith.constant 0 : i32
      %dma_wait3A_1483 = tpu.memref_slice %arg17[%dma_wait3A_1481, %dma_wait3A_1482] : memref<10240x8xf32, #tpu.memory_space<vmem_shared>> -> memref<10240x8xf32, #tpu.memory_space<vmem_shared>>
      tpu.wait_indirect_dma semaphore(%arg27 : memref<!tpu.dma_semaphore, #tpu.memory_space<semaphore_mem>>) src(%arg20 : memref<128x8xf32, #tpu.memory_space<vmem>>) dst(%dma_wait3A_1483 : memref<10240x8xf32, #tpu.memory_space<vmem_shared>>)
    } else {
    }
    %barrier3A_518 = arith.constant 0 : index
    tpu.barrier barrier_id(%barrier3A_518)
    %mul3A_519 = arith.constant 10240 : i32
    %mul3A_520 = arith.muli %add3A_52, %mul3A_519 : i32
    %add3A_521 = arith.addi %mul3A_520, %mul3A_50 : i32
    "tpu.region"() ({
      %run_scoped3A = tpu.sem_alloc : memref<!tpu.dma_semaphore, #tpu.memory_space<semaphore_mem>>
      %dma_start3A_1477 = arith.constant 0 : i32
      %dma_start3A_1478 = tpu.memref_slice %arg13[%add3A_521, %dma_start3A_1477] : memref<61440x64xf32, #tpu.memory_space<hbm>> -> memref<640x64xf32, #tpu.memory_space<hbm>>
      %dma_start3A_1479 = arith.constant 0 : i32
      %dma_start3A_1480 = tpu.memref_slice %arg16[%mul3A_50, %dma_start3A_1479] : memref<10240x64xf32, #tpu.memory_space<vmem_shared>> -> memref<640x64xf32, #tpu.memory_space<vmem_shared>>
      tpu.enqueue_dma source(%dma_start3A_1480 : memref<640x64xf32, #tpu.memory_space<vmem_shared>>) target(%dma_start3A_1478 : memref<640x64xf32, #tpu.memory_space<hbm>>) target_semaphore(%run_scoped3A : memref<!tpu.dma_semaphore, #tpu.memory_space<semaphore_mem>>)
      %dma_wait3A_1481 = arith.constant 0 : i32
      %dma_wait3A_1482 = tpu.memref_slice %arg13[%add3A_521, %dma_wait3A_1481] : memref<61440x64xf32, #tpu.memory_space<hbm>> -> memref<640x64xf32, #tpu.memory_space<hbm>>
      %dma_wait3A_1483 = arith.constant 0 : i32
      %dma_wait3A_1484 = tpu.memref_slice %arg16[%mul3A_50, %dma_wait3A_1483] : memref<10240x64xf32, #tpu.memory_space<vmem_shared>> -> memref<640x64xf32, #tpu.memory_space<vmem_shared>>
      tpu.wait_dma2 semaphore(%run_scoped3A : memref<!tpu.dma_semaphore, #tpu.memory_space<semaphore_mem>>) src(%dma_wait3A_1484 : memref<640x64xf32, #tpu.memory_space<vmem_shared>>) dst(%dma_wait3A_1482 : memref<640x64xf32, #tpu.memory_space<hbm>>)
      tpu.yield
    }) : () -> ()
    "tpu.region"() ({
      %run_scoped3A = tpu.sem_alloc : memref<!tpu.dma_semaphore, #tpu.memory_space<semaphore_mem>>
      %dma_start3A_1477 = arith.constant 0 : i32
      %dma_start3A_1478 = tpu.memref_slice %arg14[%add3A_521, %dma_start3A_1477] : memref<61440x8xf32, #tpu.memory_space<hbm>> -> memref<640x8xf32, #tpu.memory_space<hbm>>
      %dma_start3A_1479 = arith.constant 0 : i32
      %dma_start3A_1480 = tpu.memref_slice %arg17[%mul3A_50, %dma_start3A_1479] : memref<10240x8xf32, #tpu.memory_space<vmem_shared>> -> memref<640x8xf32, #tpu.memory_space<vmem_shared>>
      tpu.enqueue_dma source(%dma_start3A_1480 : memref<640x8xf32, #tpu.memory_space<vmem_shared>>) target(%dma_start3A_1478 : memref<640x8xf32, #tpu.memory_space<hbm>>) target_semaphore(%run_scoped3A : memref<!tpu.dma_semaphore, #tpu.memory_space<semaphore_mem>>)
      %dma_wait3A_1481 = arith.constant 0 : i32
      %dma_wait3A_1482 = tpu.memref_slice %arg14[%add3A_521, %dma_wait3A_1481] : memref<61440x8xf32, #tpu.memory_space<hbm>> -> memref<640x8xf32, #tpu.memory_space<hbm>>
      %dma_wait3A_1483 = arith.constant 0 : i32
      %dma_wait3A_1484 = tpu.memref_slice %arg17[%mul3A_50, %dma_wait3A_1483] : memref<10240x8xf32, #tpu.memory_space<vmem_shared>> -> memref<640x8xf32, #tpu.memory_space<vmem_shared>>
      tpu.wait_dma2 semaphore(%run_scoped3A : memref<!tpu.dma_semaphore, #tpu.memory_space<semaphore_mem>>) src(%dma_wait3A_1484 : memref<640x8xf32, #tpu.memory_space<vmem_shared>>) dst(%dma_wait3A_1482 : memref<640x8xf32, #tpu.memory_space<hbm>>)
      tpu.yield
    }) : () -> ()
    %barrier3A_522 = arith.constant 0 : index
    tpu.barrier barrier_id(%barrier3A_522)
    %add3A_523 = arith.constant 4 : i32
    %add3A_524 = arith.addi %add3A_523, %arg0 : i32
    %add3A_525 = arith.constant 0 : i32
    %add3A_526 = arith.addi %mul3A_50, %add3A_525 : i32
    %dma_start3A_527 = arith.constant 0 : i32
    %dma_start3A_528 = tpu.memref_slice %arg16[%add3A_526, %dma_start3A_527] : memref<10240x64xf32, #tpu.memory_space<vmem_shared>> -> memref<32x64xf32, #tpu.memory_space<vmem_shared>>
    %dma_start3A_529 = arith.constant 0 : i32
    %dma_start3A_530 = tpu.memref_slice %arg16[%add3A_526, %dma_start3A_529] : memref<10240x64xf32, #tpu.memory_space<vmem_shared>> -> memref<32x64xf32, #tpu.memory_space<vmem_shared>>
    tpu.enqueue_dma source(%arg18 : memref<32x64xf32, #tpu.memory_space<vmem>>) target(%dma_start3A_530 : memref<32x64xf32, #tpu.memory_space<vmem_shared>>) target_semaphore(%arg25 : memref<!tpu.dma_semaphore, #tpu.memory_space<semaphore_mem>>)
    %add3A_531 = arith.constant 32 : i32
    %add3A_532 = arith.addi %mul3A_50, %add3A_531 : i32
    %dma_start3A_533 = arith.constant 0 : i32
    %dma_start3A_534 = tpu.memref_slice %arg16[%add3A_532, %dma_start3A_533] : memref<10240x64xf32, #tpu.memory_space<vmem_shared>> -> memref<32x64xf32, #tpu.memory_space<vmem_shared>>
    %dma_start3A_535 = arith.constant 0 : i32
    %dma_start3A_536 = tpu.memref_slice %arg16[%add3A_532, %dma_start3A_535] : memref<10240x64xf32, #tpu.memory_space<vmem_shared>> -> memref<32x64xf32, #tpu.memory_space<vmem_shared>>
    tpu.enqueue_dma source(%arg18 : memref<32x64xf32, #tpu.memory_space<vmem>>) target(%dma_start3A_536 : memref<32x64xf32, #tpu.memory_space<vmem_shared>>) target_semaphore(%arg25 : memref<!tpu.dma_semaphore, #tpu.memory_space<semaphore_mem>>)
    %add3A_537 = arith.constant 64 : i32
    %add3A_538 = arith.addi %mul3A_50, %add3A_537 : i32
    %dma_start3A_539 = arith.constant 0 : i32
    %dma_start3A_540 = tpu.memref_slice %arg16[%add3A_538, %dma_start3A_539] : memref<10240x64xf32, #tpu.memory_space<vmem_shared>> -> memref<32x64xf32, #tpu.memory_space<vmem_shared>>
    %dma_start3A_541 = arith.constant 0 : i32
    %dma_start3A_542 = tpu.memref_slice %arg16[%add3A_538, %dma_start3A_541] : memref<10240x64xf32, #tpu.memory_space<vmem_shared>> -> memref<32x64xf32, #tpu.memory_space<vmem_shared>>
    tpu.enqueue_dma source(%arg18 : memref<32x64xf32, #tpu.memory_space<vmem>>) target(%dma_start3A_542 : memref<32x64xf32, #tpu.memory_space<vmem_shared>>) target_semaphore(%arg25 : memref<!tpu.dma_semaphore, #tpu.memory_space<semaphore_mem>>)
    %add3A_543 = arith.constant 96 : i32
    %add3A_544 = arith.addi %mul3A_50, %add3A_543 : i32
    %dma_start3A_545 = arith.constant 0 : i32
    %dma_start3A_546 = tpu.memref_slice %arg16[%add3A_544, %dma_start3A_545] : memref<10240x64xf32, #tpu.memory_space<vmem_shared>> -> memref<32x64xf32, #tpu.memory_space<vmem_shared>>
    %dma_start3A_547 = arith.constant 0 : i32
    %dma_start3A_548 = tpu.memref_slice %arg16[%add3A_544, %dma_start3A_547] : memref<10240x64xf32, #tpu.memory_space<vmem_shared>> -> memref<32x64xf32, #tpu.memory_space<vmem_shared>>
    tpu.enqueue_dma source(%arg18 : memref<32x64xf32, #tpu.memory_space<vmem>>) target(%dma_start3A_548 : memref<32x64xf32, #tpu.memory_space<vmem_shared>>) target_semaphore(%arg25 : memref<!tpu.dma_semaphore, #tpu.memory_space<semaphore_mem>>)
    %add3A_549 = arith.constant 128 : i32
    %add3A_550 = arith.addi %mul3A_50, %add3A_549 : i32
    %dma_start3A_551 = arith.constant 0 : i32
    %dma_start3A_552 = tpu.memref_slice %arg16[%add3A_550, %dma_start3A_551] : memref<10240x64xf32, #tpu.memory_space<vmem_shared>> -> memref<32x64xf32, #tpu.memory_space<vmem_shared>>
    %dma_start3A_553 = arith.constant 0 : i32
    %dma_start3A_554 = tpu.memref_slice %arg16[%add3A_550, %dma_start3A_553] : memref<10240x64xf32, #tpu.memory_space<vmem_shared>> -> memref<32x64xf32, #tpu.memory_space<vmem_shared>>
    tpu.enqueue_dma source(%arg18 : memref<32x64xf32, #tpu.memory_space<vmem>>) target(%dma_start3A_554 : memref<32x64xf32, #tpu.memory_space<vmem_shared>>) target_semaphore(%arg25 : memref<!tpu.dma_semaphore, #tpu.memory_space<semaphore_mem>>)
    %add3A_555 = arith.constant 160 : i32
    %add3A_556 = arith.addi %mul3A_50, %add3A_555 : i32
    %dma_start3A_557 = arith.constant 0 : i32
    %dma_start3A_558 = tpu.memref_slice %arg16[%add3A_556, %dma_start3A_557] : memref<10240x64xf32, #tpu.memory_space<vmem_shared>> -> memref<32x64xf32, #tpu.memory_space<vmem_shared>>
    %dma_start3A_559 = arith.constant 0 : i32
    %dma_start3A_560 = tpu.memref_slice %arg16[%add3A_556, %dma_start3A_559] : memref<10240x64xf32, #tpu.memory_space<vmem_shared>> -> memref<32x64xf32, #tpu.memory_space<vmem_shared>>
    tpu.enqueue_dma source(%arg18 : memref<32x64xf32, #tpu.memory_space<vmem>>) target(%dma_start3A_560 : memref<32x64xf32, #tpu.memory_space<vmem_shared>>) target_semaphore(%arg25 : memref<!tpu.dma_semaphore, #tpu.memory_space<semaphore_mem>>)
    %add3A_561 = arith.constant 192 : i32
    %add3A_562 = arith.addi %mul3A_50, %add3A_561 : i32
    %dma_start3A_563 = arith.constant 0 : i32
    %dma_start3A_564 = tpu.memref_slice %arg16[%add3A_562, %dma_start3A_563] : memref<10240x64xf32, #tpu.memory_space<vmem_shared>> -> memref<32x64xf32, #tpu.memory_space<vmem_shared>>
    %dma_start3A_565 = arith.constant 0 : i32
    %dma_start3A_566 = tpu.memref_slice %arg16[%add3A_562, %dma_start3A_565] : memref<10240x64xf32, #tpu.memory_space<vmem_shared>> -> memref<32x64xf32, #tpu.memory_space<vmem_shared>>
    tpu.enqueue_dma source(%arg18 : memref<32x64xf32, #tpu.memory_space<vmem>>) target(%dma_start3A_566 : memref<32x64xf32, #tpu.memory_space<vmem_shared>>) target_semaphore(%arg25 : memref<!tpu.dma_semaphore, #tpu.memory_space<semaphore_mem>>)
    %add3A_567 = arith.constant 224 : i32
    %add3A_568 = arith.addi %mul3A_50, %add3A_567 : i32
    %dma_start3A_569 = arith.constant 0 : i32
    %dma_start3A_570 = tpu.memref_slice %arg16[%add3A_568, %dma_start3A_569] : memref<10240x64xf32, #tpu.memory_space<vmem_shared>> -> memref<32x64xf32, #tpu.memory_space<vmem_shared>>
    %dma_start3A_571 = arith.constant 0 : i32
    %dma_start3A_572 = tpu.memref_slice %arg16[%add3A_568, %dma_start3A_571] : memref<10240x64xf32, #tpu.memory_space<vmem_shared>> -> memref<32x64xf32, #tpu.memory_space<vmem_shared>>
    tpu.enqueue_dma source(%arg18 : memref<32x64xf32, #tpu.memory_space<vmem>>) target(%dma_start3A_572 : memref<32x64xf32, #tpu.memory_space<vmem_shared>>) target_semaphore(%arg25 : memref<!tpu.dma_semaphore, #tpu.memory_space<semaphore_mem>>)
    %add3A_573 = arith.constant 256 : i32
    %add3A_574 = arith.addi %mul3A_50, %add3A_573 : i32
    %dma_start3A_575 = arith.constant 0 : i32
    %dma_start3A_576 = tpu.memref_slice %arg16[%add3A_574, %dma_start3A_575] : memref<10240x64xf32, #tpu.memory_space<vmem_shared>> -> memref<32x64xf32, #tpu.memory_space<vmem_shared>>
    %dma_start3A_577 = arith.constant 0 : i32
    %dma_start3A_578 = tpu.memref_slice %arg16[%add3A_574, %dma_start3A_577] : memref<10240x64xf32, #tpu.memory_space<vmem_shared>> -> memref<32x64xf32, #tpu.memory_space<vmem_shared>>
    tpu.enqueue_dma source(%arg18 : memref<32x64xf32, #tpu.memory_space<vmem>>) target(%dma_start3A_578 : memref<32x64xf32, #tpu.memory_space<vmem_shared>>) target_semaphore(%arg25 : memref<!tpu.dma_semaphore, #tpu.memory_space<semaphore_mem>>)
    %add3A_579 = arith.constant 288 : i32
    %add3A_580 = arith.addi %mul3A_50, %add3A_579 : i32
    %dma_start3A_581 = arith.constant 0 : i32
    %dma_start3A_582 = tpu.memref_slice %arg16[%add3A_580, %dma_start3A_581] : memref<10240x64xf32, #tpu.memory_space<vmem_shared>> -> memref<32x64xf32, #tpu.memory_space<vmem_shared>>
    %dma_start3A_583 = arith.constant 0 : i32
    %dma_start3A_584 = tpu.memref_slice %arg16[%add3A_580, %dma_start3A_583] : memref<10240x64xf32, #tpu.memory_space<vmem_shared>> -> memref<32x64xf32, #tpu.memory_space<vmem_shared>>
    tpu.enqueue_dma source(%arg18 : memref<32x64xf32, #tpu.memory_space<vmem>>) target(%dma_start3A_584 : memref<32x64xf32, #tpu.memory_space<vmem_shared>>) target_semaphore(%arg25 : memref<!tpu.dma_semaphore, #tpu.memory_space<semaphore_mem>>)
    %add3A_585 = arith.constant 320 : i32
    %add3A_586 = arith.addi %mul3A_50, %add3A_585 : i32
    %dma_start3A_587 = arith.constant 0 : i32
    %dma_start3A_588 = tpu.memref_slice %arg16[%add3A_586, %dma_start3A_587] : memref<10240x64xf32, #tpu.memory_space<vmem_shared>> -> memref<32x64xf32, #tpu.memory_space<vmem_shared>>
    %dma_start3A_589 = arith.constant 0 : i32
    %dma_start3A_590 = tpu.memref_slice %arg16[%add3A_586, %dma_start3A_589] : memref<10240x64xf32, #tpu.memory_space<vmem_shared>> -> memref<32x64xf32, #tpu.memory_space<vmem_shared>>
    tpu.enqueue_dma source(%arg18 : memref<32x64xf32, #tpu.memory_space<vmem>>) target(%dma_start3A_590 : memref<32x64xf32, #tpu.memory_space<vmem_shared>>) target_semaphore(%arg25 : memref<!tpu.dma_semaphore, #tpu.memory_space<semaphore_mem>>)
    %add3A_591 = arith.constant 352 : i32
    %add3A_592 = arith.addi %mul3A_50, %add3A_591 : i32
    %dma_start3A_593 = arith.constant 0 : i32
    %dma_start3A_594 = tpu.memref_slice %arg16[%add3A_592, %dma_start3A_593] : memref<10240x64xf32, #tpu.memory_space<vmem_shared>> -> memref<32x64xf32, #tpu.memory_space<vmem_shared>>
    %dma_start3A_595 = arith.constant 0 : i32
    %dma_start3A_596 = tpu.memref_slice %arg16[%add3A_592, %dma_start3A_595] : memref<10240x64xf32, #tpu.memory_space<vmem_shared>> -> memref<32x64xf32, #tpu.memory_space<vmem_shared>>
    tpu.enqueue_dma source(%arg18 : memref<32x64xf32, #tpu.memory_space<vmem>>) target(%dma_start3A_596 : memref<32x64xf32, #tpu.memory_space<vmem_shared>>) target_semaphore(%arg25 : memref<!tpu.dma_semaphore, #tpu.memory_space<semaphore_mem>>)
    %add3A_597 = arith.constant 384 : i32
    %add3A_598 = arith.addi %mul3A_50, %add3A_597 : i32
    %dma_start3A_599 = arith.constant 0 : i32
    %dma_start3A_600 = tpu.memref_slice %arg16[%add3A_598, %dma_start3A_599] : memref<10240x64xf32, #tpu.memory_space<vmem_shared>> -> memref<32x64xf32, #tpu.memory_space<vmem_shared>>
    %dma_start3A_601 = arith.constant 0 : i32
    %dma_start3A_602 = tpu.memref_slice %arg16[%add3A_598, %dma_start3A_601] : memref<10240x64xf32, #tpu.memory_space<vmem_shared>> -> memref<32x64xf32, #tpu.memory_space<vmem_shared>>
    tpu.enqueue_dma source(%arg18 : memref<32x64xf32, #tpu.memory_space<vmem>>) target(%dma_start3A_602 : memref<32x64xf32, #tpu.memory_space<vmem_shared>>) target_semaphore(%arg25 : memref<!tpu.dma_semaphore, #tpu.memory_space<semaphore_mem>>)
    %add3A_603 = arith.constant 416 : i32
    %add3A_604 = arith.addi %mul3A_50, %add3A_603 : i32
    %dma_start3A_605 = arith.constant 0 : i32
    %dma_start3A_606 = tpu.memref_slice %arg16[%add3A_604, %dma_start3A_605] : memref<10240x64xf32, #tpu.memory_space<vmem_shared>> -> memref<32x64xf32, #tpu.memory_space<vmem_shared>>
    %dma_start3A_607 = arith.constant 0 : i32
    %dma_start3A_608 = tpu.memref_slice %arg16[%add3A_604, %dma_start3A_607] : memref<10240x64xf32, #tpu.memory_space<vmem_shared>> -> memref<32x64xf32, #tpu.memory_space<vmem_shared>>
    tpu.enqueue_dma source(%arg18 : memref<32x64xf32, #tpu.memory_space<vmem>>) target(%dma_start3A_608 : memref<32x64xf32, #tpu.memory_space<vmem_shared>>) target_semaphore(%arg25 : memref<!tpu.dma_semaphore, #tpu.memory_space<semaphore_mem>>)
    %add3A_609 = arith.constant 448 : i32
    %add3A_610 = arith.addi %mul3A_50, %add3A_609 : i32
    %dma_start3A_611 = arith.constant 0 : i32
    %dma_start3A_612 = tpu.memref_slice %arg16[%add3A_610, %dma_start3A_611] : memref<10240x64xf32, #tpu.memory_space<vmem_shared>> -> memref<32x64xf32, #tpu.memory_space<vmem_shared>>
    %dma_start3A_613 = arith.constant 0 : i32
    %dma_start3A_614 = tpu.memref_slice %arg16[%add3A_610, %dma_start3A_613] : memref<10240x64xf32, #tpu.memory_space<vmem_shared>> -> memref<32x64xf32, #tpu.memory_space<vmem_shared>>
    tpu.enqueue_dma source(%arg18 : memref<32x64xf32, #tpu.memory_space<vmem>>) target(%dma_start3A_614 : memref<32x64xf32, #tpu.memory_space<vmem_shared>>) target_semaphore(%arg25 : memref<!tpu.dma_semaphore, #tpu.memory_space<semaphore_mem>>)
    %add3A_615 = arith.constant 480 : i32
    %add3A_616 = arith.addi %mul3A_50, %add3A_615 : i32
    %dma_start3A_617 = arith.constant 0 : i32
    %dma_start3A_618 = tpu.memref_slice %arg16[%add3A_616, %dma_start3A_617] : memref<10240x64xf32, #tpu.memory_space<vmem_shared>> -> memref<32x64xf32, #tpu.memory_space<vmem_shared>>
    %dma_start3A_619 = arith.constant 0 : i32
    %dma_start3A_620 = tpu.memref_slice %arg16[%add3A_616, %dma_start3A_619] : memref<10240x64xf32, #tpu.memory_space<vmem_shared>> -> memref<32x64xf32, #tpu.memory_space<vmem_shared>>
    tpu.enqueue_dma source(%arg18 : memref<32x64xf32, #tpu.memory_space<vmem>>) target(%dma_start3A_620 : memref<32x64xf32, #tpu.memory_space<vmem_shared>>) target_semaphore(%arg25 : memref<!tpu.dma_semaphore, #tpu.memory_space<semaphore_mem>>)
    %add3A_621 = arith.constant 512 : i32
    %add3A_622 = arith.addi %mul3A_50, %add3A_621 : i32
    %dma_start3A_623 = arith.constant 0 : i32
    %dma_start3A_624 = tpu.memref_slice %arg16[%add3A_622, %dma_start3A_623] : memref<10240x64xf32, #tpu.memory_space<vmem_shared>> -> memref<32x64xf32, #tpu.memory_space<vmem_shared>>
    %dma_start3A_625 = arith.constant 0 : i32
    %dma_start3A_626 = tpu.memref_slice %arg16[%add3A_622, %dma_start3A_625] : memref<10240x64xf32, #tpu.memory_space<vmem_shared>> -> memref<32x64xf32, #tpu.memory_space<vmem_shared>>
    tpu.enqueue_dma source(%arg18 : memref<32x64xf32, #tpu.memory_space<vmem>>) target(%dma_start3A_626 : memref<32x64xf32, #tpu.memory_space<vmem_shared>>) target_semaphore(%arg25 : memref<!tpu.dma_semaphore, #tpu.memory_space<semaphore_mem>>)
    %add3A_627 = arith.constant 544 : i32
    %add3A_628 = arith.addi %mul3A_50, %add3A_627 : i32
    %dma_start3A_629 = arith.constant 0 : i32
    %dma_start3A_630 = tpu.memref_slice %arg16[%add3A_628, %dma_start3A_629] : memref<10240x64xf32, #tpu.memory_space<vmem_shared>> -> memref<32x64xf32, #tpu.memory_space<vmem_shared>>
    %dma_start3A_631 = arith.constant 0 : i32
    %dma_start3A_632 = tpu.memref_slice %arg16[%add3A_628, %dma_start3A_631] : memref<10240x64xf32, #tpu.memory_space<vmem_shared>> -> memref<32x64xf32, #tpu.memory_space<vmem_shared>>
    tpu.enqueue_dma source(%arg18 : memref<32x64xf32, #tpu.memory_space<vmem>>) target(%dma_start3A_632 : memref<32x64xf32, #tpu.memory_space<vmem_shared>>) target_semaphore(%arg25 : memref<!tpu.dma_semaphore, #tpu.memory_space<semaphore_mem>>)
    %add3A_633 = arith.constant 576 : i32
    %add3A_634 = arith.addi %mul3A_50, %add3A_633 : i32
    %dma_start3A_635 = arith.constant 0 : i32
    %dma_start3A_636 = tpu.memref_slice %arg16[%add3A_634, %dma_start3A_635] : memref<10240x64xf32, #tpu.memory_space<vmem_shared>> -> memref<32x64xf32, #tpu.memory_space<vmem_shared>>
    %dma_start3A_637 = arith.constant 0 : i32
    %dma_start3A_638 = tpu.memref_slice %arg16[%add3A_634, %dma_start3A_637] : memref<10240x64xf32, #tpu.memory_space<vmem_shared>> -> memref<32x64xf32, #tpu.memory_space<vmem_shared>>
    tpu.enqueue_dma source(%arg18 : memref<32x64xf32, #tpu.memory_space<vmem>>) target(%dma_start3A_638 : memref<32x64xf32, #tpu.memory_space<vmem_shared>>) target_semaphore(%arg25 : memref<!tpu.dma_semaphore, #tpu.memory_space<semaphore_mem>>)
    %add3A_639 = arith.constant 608 : i32
    %add3A_640 = arith.addi %mul3A_50, %add3A_639 : i32
    %dma_start3A_641 = arith.constant 0 : i32
    %dma_start3A_642 = tpu.memref_slice %arg16[%add3A_640, %dma_start3A_641] : memref<10240x64xf32, #tpu.memory_space<vmem_shared>> -> memref<32x64xf32, #tpu.memory_space<vmem_shared>>
    %dma_start3A_643 = arith.constant 0 : i32
    %dma_start3A_644 = tpu.memref_slice %arg16[%add3A_640, %dma_start3A_643] : memref<10240x64xf32, #tpu.memory_space<vmem_shared>> -> memref<32x64xf32, #tpu.memory_space<vmem_shared>>
    tpu.enqueue_dma source(%arg18 : memref<32x64xf32, #tpu.memory_space<vmem>>) target(%dma_start3A_644 : memref<32x64xf32, #tpu.memory_space<vmem_shared>>) target_semaphore(%arg25 : memref<!tpu.dma_semaphore, #tpu.memory_space<semaphore_mem>>)
    %add3A_645 = arith.constant 0 : i32
    %add3A_646 = arith.addi %mul3A_50, %add3A_645 : i32
    %dma_start3A_647 = arith.constant 0 : i32
    %dma_start3A_648 = tpu.memref_slice %arg17[%add3A_646, %dma_start3A_647] : memref<10240x8xf32, #tpu.memory_space<vmem_shared>> -> memref<64x8xf32, #tpu.memory_space<vmem_shared>>
    %dma_start3A_649 = arith.constant 0 : i32
    %dma_start3A_650 = tpu.memref_slice %arg17[%add3A_646, %dma_start3A_649] : memref<10240x8xf32, #tpu.memory_space<vmem_shared>> -> memref<64x8xf32, #tpu.memory_space<vmem_shared>>
    tpu.enqueue_dma source(%arg19 : memref<64x8xf32, #tpu.memory_space<vmem>>) target(%dma_start3A_650 : memref<64x8xf32, #tpu.memory_space<vmem_shared>>) target_semaphore(%arg26 : memref<!tpu.dma_semaphore, #tpu.memory_space<semaphore_mem>>)
    %add3A_651 = arith.constant 64 : i32
    %add3A_652 = arith.addi %mul3A_50, %add3A_651 : i32
    %dma_start3A_653 = arith.constant 0 : i32
    %dma_start3A_654 = tpu.memref_slice %arg17[%add3A_652, %dma_start3A_653] : memref<10240x8xf32, #tpu.memory_space<vmem_shared>> -> memref<64x8xf32, #tpu.memory_space<vmem_shared>>
    %dma_start3A_655 = arith.constant 0 : i32
    %dma_start3A_656 = tpu.memref_slice %arg17[%add3A_652, %dma_start3A_655] : memref<10240x8xf32, #tpu.memory_space<vmem_shared>> -> memref<64x8xf32, #tpu.memory_space<vmem_shared>>
    tpu.enqueue_dma source(%arg19 : memref<64x8xf32, #tpu.memory_space<vmem>>) target(%dma_start3A_656 : memref<64x8xf32, #tpu.memory_space<vmem_shared>>) target_semaphore(%arg26 : memref<!tpu.dma_semaphore, #tpu.memory_space<semaphore_mem>>)
    %add3A_657 = arith.constant 128 : i32
    %add3A_658 = arith.addi %mul3A_50, %add3A_657 : i32
    %dma_start3A_659 = arith.constant 0 : i32
    %dma_start3A_660 = tpu.memref_slice %arg17[%add3A_658, %dma_start3A_659] : memref<10240x8xf32, #tpu.memory_space<vmem_shared>> -> memref<64x8xf32, #tpu.memory_space<vmem_shared>>
    %dma_start3A_661 = arith.constant 0 : i32
    %dma_start3A_662 = tpu.memref_slice %arg17[%add3A_658, %dma_start3A_661] : memref<10240x8xf32, #tpu.memory_space<vmem_shared>> -> memref<64x8xf32, #tpu.memory_space<vmem_shared>>
    tpu.enqueue_dma source(%arg19 : memref<64x8xf32, #tpu.memory_space<vmem>>) target(%dma_start3A_662 : memref<64x8xf32, #tpu.memory_space<vmem_shared>>) target_semaphore(%arg26 : memref<!tpu.dma_semaphore, #tpu.memory_space<semaphore_mem>>)
    %add3A_663 = arith.constant 192 : i32
    %add3A_664 = arith.addi %mul3A_50, %add3A_663 : i32
    %dma_start3A_665 = arith.constant 0 : i32
    %dma_start3A_666 = tpu.memref_slice %arg17[%add3A_664, %dma_start3A_665] : memref<10240x8xf32, #tpu.memory_space<vmem_shared>> -> memref<64x8xf32, #tpu.memory_space<vmem_shared>>
    %dma_start3A_667 = arith.constant 0 : i32
    %dma_start3A_668 = tpu.memref_slice %arg17[%add3A_664, %dma_start3A_667] : memref<10240x8xf32, #tpu.memory_space<vmem_shared>> -> memref<64x8xf32, #tpu.memory_space<vmem_shared>>
    tpu.enqueue_dma source(%arg19 : memref<64x8xf32, #tpu.memory_space<vmem>>) target(%dma_start3A_668 : memref<64x8xf32, #tpu.memory_space<vmem_shared>>) target_semaphore(%arg26 : memref<!tpu.dma_semaphore, #tpu.memory_space<semaphore_mem>>)
    %add3A_669 = arith.constant 256 : i32
    %add3A_670 = arith.addi %mul3A_50, %add3A_669 : i32
    %dma_start3A_671 = arith.constant 0 : i32
    %dma_start3A_672 = tpu.memref_slice %arg17[%add3A_670, %dma_start3A_671] : memref<10240x8xf32, #tpu.memory_space<vmem_shared>> -> memref<64x8xf32, #tpu.memory_space<vmem_shared>>
    %dma_start3A_673 = arith.constant 0 : i32
    %dma_start3A_674 = tpu.memref_slice %arg17[%add3A_670, %dma_start3A_673] : memref<10240x8xf32, #tpu.memory_space<vmem_shared>> -> memref<64x8xf32, #tpu.memory_space<vmem_shared>>
    tpu.enqueue_dma source(%arg19 : memref<64x8xf32, #tpu.memory_space<vmem>>) target(%dma_start3A_674 : memref<64x8xf32, #tpu.memory_space<vmem_shared>>) target_semaphore(%arg26 : memref<!tpu.dma_semaphore, #tpu.memory_space<semaphore_mem>>)
    %add3A_675 = arith.constant 320 : i32
    %add3A_676 = arith.addi %mul3A_50, %add3A_675 : i32
    %dma_start3A_677 = arith.constant 0 : i32
    %dma_start3A_678 = tpu.memref_slice %arg17[%add3A_676, %dma_start3A_677] : memref<10240x8xf32, #tpu.memory_space<vmem_shared>> -> memref<64x8xf32, #tpu.memory_space<vmem_shared>>
    %dma_start3A_679 = arith.constant 0 : i32
    %dma_start3A_680 = tpu.memref_slice %arg17[%add3A_676, %dma_start3A_679] : memref<10240x8xf32, #tpu.memory_space<vmem_shared>> -> memref<64x8xf32, #tpu.memory_space<vmem_shared>>
    tpu.enqueue_dma source(%arg19 : memref<64x8xf32, #tpu.memory_space<vmem>>) target(%dma_start3A_680 : memref<64x8xf32, #tpu.memory_space<vmem_shared>>) target_semaphore(%arg26 : memref<!tpu.dma_semaphore, #tpu.memory_space<semaphore_mem>>)
    %add3A_681 = arith.constant 384 : i32
    %add3A_682 = arith.addi %mul3A_50, %add3A_681 : i32
    %dma_start3A_683 = arith.constant 0 : i32
    %dma_start3A_684 = tpu.memref_slice %arg17[%add3A_682, %dma_start3A_683] : memref<10240x8xf32, #tpu.memory_space<vmem_shared>> -> memref<64x8xf32, #tpu.memory_space<vmem_shared>>
    %dma_start3A_685 = arith.constant 0 : i32
    %dma_start3A_686 = tpu.memref_slice %arg17[%add3A_682, %dma_start3A_685] : memref<10240x8xf32, #tpu.memory_space<vmem_shared>> -> memref<64x8xf32, #tpu.memory_space<vmem_shared>>
    tpu.enqueue_dma source(%arg19 : memref<64x8xf32, #tpu.memory_space<vmem>>) target(%dma_start3A_686 : memref<64x8xf32, #tpu.memory_space<vmem_shared>>) target_semaphore(%arg26 : memref<!tpu.dma_semaphore, #tpu.memory_space<semaphore_mem>>)
    %add3A_687 = arith.constant 448 : i32
    %add3A_688 = arith.addi %mul3A_50, %add3A_687 : i32
    %dma_start3A_689 = arith.constant 0 : i32
    %dma_start3A_690 = tpu.memref_slice %arg17[%add3A_688, %dma_start3A_689] : memref<10240x8xf32, #tpu.memory_space<vmem_shared>> -> memref<64x8xf32, #tpu.memory_space<vmem_shared>>
    %dma_start3A_691 = arith.constant 0 : i32
    %dma_start3A_692 = tpu.memref_slice %arg17[%add3A_688, %dma_start3A_691] : memref<10240x8xf32, #tpu.memory_space<vmem_shared>> -> memref<64x8xf32, #tpu.memory_space<vmem_shared>>
    tpu.enqueue_dma source(%arg19 : memref<64x8xf32, #tpu.memory_space<vmem>>) target(%dma_start3A_692 : memref<64x8xf32, #tpu.memory_space<vmem_shared>>) target_semaphore(%arg26 : memref<!tpu.dma_semaphore, #tpu.memory_space<semaphore_mem>>)
    %add3A_693 = arith.constant 512 : i32
    %add3A_694 = arith.addi %mul3A_50, %add3A_693 : i32
    %dma_start3A_695 = arith.constant 0 : i32
    %dma_start3A_696 = tpu.memref_slice %arg17[%add3A_694, %dma_start3A_695] : memref<10240x8xf32, #tpu.memory_space<vmem_shared>> -> memref<64x8xf32, #tpu.memory_space<vmem_shared>>
    %dma_start3A_697 = arith.constant 0 : i32
    %dma_start3A_698 = tpu.memref_slice %arg17[%add3A_694, %dma_start3A_697] : memref<10240x8xf32, #tpu.memory_space<vmem_shared>> -> memref<64x8xf32, #tpu.memory_space<vmem_shared>>
    tpu.enqueue_dma source(%arg19 : memref<64x8xf32, #tpu.memory_space<vmem>>) target(%dma_start3A_698 : memref<64x8xf32, #tpu.memory_space<vmem_shared>>) target_semaphore(%arg26 : memref<!tpu.dma_semaphore, #tpu.memory_space<semaphore_mem>>)
    %add3A_699 = arith.constant 576 : i32
    %add3A_700 = arith.addi %mul3A_50, %add3A_699 : i32
    %dma_start3A_701 = arith.constant 0 : i32
    %dma_start3A_702 = tpu.memref_slice %arg17[%add3A_700, %dma_start3A_701] : memref<10240x8xf32, #tpu.memory_space<vmem_shared>> -> memref<64x8xf32, #tpu.memory_space<vmem_shared>>
    %dma_start3A_703 = arith.constant 0 : i32
    %dma_start3A_704 = tpu.memref_slice %arg17[%add3A_700, %dma_start3A_703] : memref<10240x8xf32, #tpu.memory_space<vmem_shared>> -> memref<64x8xf32, #tpu.memory_space<vmem_shared>>
    tpu.enqueue_dma source(%arg19 : memref<64x8xf32, #tpu.memory_space<vmem>>) target(%dma_start3A_704 : memref<64x8xf32, #tpu.memory_space<vmem_shared>>) target_semaphore(%arg26 : memref<!tpu.dma_semaphore, #tpu.memory_space<semaphore_mem>>)
    %add3A_705 = arith.constant 0 : i32
    %add3A_706 = arith.addi %mul3A_50, %add3A_705 : i32
    %dma_wait3A_707 = arith.constant 0 : i32
    %dma_wait3A_708 = tpu.memref_slice %arg16[%add3A_706, %dma_wait3A_707] : memref<10240x64xf32, #tpu.memory_space<vmem_shared>> -> memref<32x64xf32, #tpu.memory_space<vmem_shared>>
    %dma_wait3A_709 = arith.constant 0 : i32
    %dma_wait3A_710 = tpu.memref_slice %arg16[%add3A_706, %dma_wait3A_709] : memref<10240x64xf32, #tpu.memory_space<vmem_shared>> -> memref<32x64xf32, #tpu.memory_space<vmem_shared>>
    tpu.wait_dma2 semaphore(%arg25 : memref<!tpu.dma_semaphore, #tpu.memory_space<semaphore_mem>>) src(%arg18 : memref<32x64xf32, #tpu.memory_space<vmem>>) dst(%dma_wait3A_710 : memref<32x64xf32, #tpu.memory_space<vmem_shared>>)
    %add3A_711 = arith.constant 32 : i32
    %add3A_712 = arith.addi %mul3A_50, %add3A_711 : i32
    %dma_wait3A_713 = arith.constant 0 : i32
    %dma_wait3A_714 = tpu.memref_slice %arg16[%add3A_712, %dma_wait3A_713] : memref<10240x64xf32, #tpu.memory_space<vmem_shared>> -> memref<32x64xf32, #tpu.memory_space<vmem_shared>>
    %dma_wait3A_715 = arith.constant 0 : i32
    %dma_wait3A_716 = tpu.memref_slice %arg16[%add3A_712, %dma_wait3A_715] : memref<10240x64xf32, #tpu.memory_space<vmem_shared>> -> memref<32x64xf32, #tpu.memory_space<vmem_shared>>
    tpu.wait_dma2 semaphore(%arg25 : memref<!tpu.dma_semaphore, #tpu.memory_space<semaphore_mem>>) src(%arg18 : memref<32x64xf32, #tpu.memory_space<vmem>>) dst(%dma_wait3A_716 : memref<32x64xf32, #tpu.memory_space<vmem_shared>>)
    %add3A_717 = arith.constant 64 : i32
    %add3A_718 = arith.addi %mul3A_50, %add3A_717 : i32
    %dma_wait3A_719 = arith.constant 0 : i32
    %dma_wait3A_720 = tpu.memref_slice %arg16[%add3A_718, %dma_wait3A_719] : memref<10240x64xf32, #tpu.memory_space<vmem_shared>> -> memref<32x64xf32, #tpu.memory_space<vmem_shared>>
    %dma_wait3A_721 = arith.constant 0 : i32
    %dma_wait3A_722 = tpu.memref_slice %arg16[%add3A_718, %dma_wait3A_721] : memref<10240x64xf32, #tpu.memory_space<vmem_shared>> -> memref<32x64xf32, #tpu.memory_space<vmem_shared>>
    tpu.wait_dma2 semaphore(%arg25 : memref<!tpu.dma_semaphore, #tpu.memory_space<semaphore_mem>>) src(%arg18 : memref<32x64xf32, #tpu.memory_space<vmem>>) dst(%dma_wait3A_722 : memref<32x64xf32, #tpu.memory_space<vmem_shared>>)
    %add3A_723 = arith.constant 96 : i32
    %add3A_724 = arith.addi %mul3A_50, %add3A_723 : i32
    %dma_wait3A_725 = arith.constant 0 : i32
    %dma_wait3A_726 = tpu.memref_slice %arg16[%add3A_724, %dma_wait3A_725] : memref<10240x64xf32, #tpu.memory_space<vmem_shared>> -> memref<32x64xf32, #tpu.memory_space<vmem_shared>>
    %dma_wait3A_727 = arith.constant 0 : i32
    %dma_wait3A_728 = tpu.memref_slice %arg16[%add3A_724, %dma_wait3A_727] : memref<10240x64xf32, #tpu.memory_space<vmem_shared>> -> memref<32x64xf32, #tpu.memory_space<vmem_shared>>
    tpu.wait_dma2 semaphore(%arg25 : memref<!tpu.dma_semaphore, #tpu.memory_space<semaphore_mem>>) src(%arg18 : memref<32x64xf32, #tpu.memory_space<vmem>>) dst(%dma_wait3A_728 : memref<32x64xf32, #tpu.memory_space<vmem_shared>>)
    %add3A_729 = arith.constant 128 : i32
    %add3A_730 = arith.addi %mul3A_50, %add3A_729 : i32
    %dma_wait3A_731 = arith.constant 0 : i32
    %dma_wait3A_732 = tpu.memref_slice %arg16[%add3A_730, %dma_wait3A_731] : memref<10240x64xf32, #tpu.memory_space<vmem_shared>> -> memref<32x64xf32, #tpu.memory_space<vmem_shared>>
    %dma_wait3A_733 = arith.constant 0 : i32
    %dma_wait3A_734 = tpu.memref_slice %arg16[%add3A_730, %dma_wait3A_733] : memref<10240x64xf32, #tpu.memory_space<vmem_shared>> -> memref<32x64xf32, #tpu.memory_space<vmem_shared>>
    tpu.wait_dma2 semaphore(%arg25 : memref<!tpu.dma_semaphore, #tpu.memory_space<semaphore_mem>>) src(%arg18 : memref<32x64xf32, #tpu.memory_space<vmem>>) dst(%dma_wait3A_734 : memref<32x64xf32, #tpu.memory_space<vmem_shared>>)
    %add3A_735 = arith.constant 160 : i32
    %add3A_736 = arith.addi %mul3A_50, %add3A_735 : i32
    %dma_wait3A_737 = arith.constant 0 : i32
    %dma_wait3A_738 = tpu.memref_slice %arg16[%add3A_736, %dma_wait3A_737] : memref<10240x64xf32, #tpu.memory_space<vmem_shared>> -> memref<32x64xf32, #tpu.memory_space<vmem_shared>>
    %dma_wait3A_739 = arith.constant 0 : i32
    %dma_wait3A_740 = tpu.memref_slice %arg16[%add3A_736, %dma_wait3A_739] : memref<10240x64xf32, #tpu.memory_space<vmem_shared>> -> memref<32x64xf32, #tpu.memory_space<vmem_shared>>
    tpu.wait_dma2 semaphore(%arg25 : memref<!tpu.dma_semaphore, #tpu.memory_space<semaphore_mem>>) src(%arg18 : memref<32x64xf32, #tpu.memory_space<vmem>>) dst(%dma_wait3A_740 : memref<32x64xf32, #tpu.memory_space<vmem_shared>>)
    %add3A_741 = arith.constant 192 : i32
    %add3A_742 = arith.addi %mul3A_50, %add3A_741 : i32
    %dma_wait3A_743 = arith.constant 0 : i32
    %dma_wait3A_744 = tpu.memref_slice %arg16[%add3A_742, %dma_wait3A_743] : memref<10240x64xf32, #tpu.memory_space<vmem_shared>> -> memref<32x64xf32, #tpu.memory_space<vmem_shared>>
    %dma_wait3A_745 = arith.constant 0 : i32
    %dma_wait3A_746 = tpu.memref_slice %arg16[%add3A_742, %dma_wait3A_745] : memref<10240x64xf32, #tpu.memory_space<vmem_shared>> -> memref<32x64xf32, #tpu.memory_space<vmem_shared>>
    tpu.wait_dma2 semaphore(%arg25 : memref<!tpu.dma_semaphore, #tpu.memory_space<semaphore_mem>>) src(%arg18 : memref<32x64xf32, #tpu.memory_space<vmem>>) dst(%dma_wait3A_746 : memref<32x64xf32, #tpu.memory_space<vmem_shared>>)
    %add3A_747 = arith.constant 224 : i32
    %add3A_748 = arith.addi %mul3A_50, %add3A_747 : i32
    %dma_wait3A_749 = arith.constant 0 : i32
    %dma_wait3A_750 = tpu.memref_slice %arg16[%add3A_748, %dma_wait3A_749] : memref<10240x64xf32, #tpu.memory_space<vmem_shared>> -> memref<32x64xf32, #tpu.memory_space<vmem_shared>>
    %dma_wait3A_751 = arith.constant 0 : i32
    %dma_wait3A_752 = tpu.memref_slice %arg16[%add3A_748, %dma_wait3A_751] : memref<10240x64xf32, #tpu.memory_space<vmem_shared>> -> memref<32x64xf32, #tpu.memory_space<vmem_shared>>
    tpu.wait_dma2 semaphore(%arg25 : memref<!tpu.dma_semaphore, #tpu.memory_space<semaphore_mem>>) src(%arg18 : memref<32x64xf32, #tpu.memory_space<vmem>>) dst(%dma_wait3A_752 : memref<32x64xf32, #tpu.memory_space<vmem_shared>>)
    %add3A_753 = arith.constant 256 : i32
    %add3A_754 = arith.addi %mul3A_50, %add3A_753 : i32
    %dma_wait3A_755 = arith.constant 0 : i32
    %dma_wait3A_756 = tpu.memref_slice %arg16[%add3A_754, %dma_wait3A_755] : memref<10240x64xf32, #tpu.memory_space<vmem_shared>> -> memref<32x64xf32, #tpu.memory_space<vmem_shared>>
    %dma_wait3A_757 = arith.constant 0 : i32
    %dma_wait3A_758 = tpu.memref_slice %arg16[%add3A_754, %dma_wait3A_757] : memref<10240x64xf32, #tpu.memory_space<vmem_shared>> -> memref<32x64xf32, #tpu.memory_space<vmem_shared>>
    tpu.wait_dma2 semaphore(%arg25 : memref<!tpu.dma_semaphore, #tpu.memory_space<semaphore_mem>>) src(%arg18 : memref<32x64xf32, #tpu.memory_space<vmem>>) dst(%dma_wait3A_758 : memref<32x64xf32, #tpu.memory_space<vmem_shared>>)
    %add3A_759 = arith.constant 288 : i32
    %add3A_760 = arith.addi %mul3A_50, %add3A_759 : i32
    %dma_wait3A_761 = arith.constant 0 : i32
    %dma_wait3A_762 = tpu.memref_slice %arg16[%add3A_760, %dma_wait3A_761] : memref<10240x64xf32, #tpu.memory_space<vmem_shared>> -> memref<32x64xf32, #tpu.memory_space<vmem_shared>>
    %dma_wait3A_763 = arith.constant 0 : i32
    %dma_wait3A_764 = tpu.memref_slice %arg16[%add3A_760, %dma_wait3A_763] : memref<10240x64xf32, #tpu.memory_space<vmem_shared>> -> memref<32x64xf32, #tpu.memory_space<vmem_shared>>
    tpu.wait_dma2 semaphore(%arg25 : memref<!tpu.dma_semaphore, #tpu.memory_space<semaphore_mem>>) src(%arg18 : memref<32x64xf32, #tpu.memory_space<vmem>>) dst(%dma_wait3A_764 : memref<32x64xf32, #tpu.memory_space<vmem_shared>>)
    %add3A_765 = arith.constant 320 : i32
    %add3A_766 = arith.addi %mul3A_50, %add3A_765 : i32
    %dma_wait3A_767 = arith.constant 0 : i32
    %dma_wait3A_768 = tpu.memref_slice %arg16[%add3A_766, %dma_wait3A_767] : memref<10240x64xf32, #tpu.memory_space<vmem_shared>> -> memref<32x64xf32, #tpu.memory_space<vmem_shared>>
    %dma_wait3A_769 = arith.constant 0 : i32
    %dma_wait3A_770 = tpu.memref_slice %arg16[%add3A_766, %dma_wait3A_769] : memref<10240x64xf32, #tpu.memory_space<vmem_shared>> -> memref<32x64xf32, #tpu.memory_space<vmem_shared>>
    tpu.wait_dma2 semaphore(%arg25 : memref<!tpu.dma_semaphore, #tpu.memory_space<semaphore_mem>>) src(%arg18 : memref<32x64xf32, #tpu.memory_space<vmem>>) dst(%dma_wait3A_770 : memref<32x64xf32, #tpu.memory_space<vmem_shared>>)
    %add3A_771 = arith.constant 352 : i32
    %add3A_772 = arith.addi %mul3A_50, %add3A_771 : i32
    %dma_wait3A_773 = arith.constant 0 : i32
    %dma_wait3A_774 = tpu.memref_slice %arg16[%add3A_772, %dma_wait3A_773] : memref<10240x64xf32, #tpu.memory_space<vmem_shared>> -> memref<32x64xf32, #tpu.memory_space<vmem_shared>>
    %dma_wait3A_775 = arith.constant 0 : i32
    %dma_wait3A_776 = tpu.memref_slice %arg16[%add3A_772, %dma_wait3A_775] : memref<10240x64xf32, #tpu.memory_space<vmem_shared>> -> memref<32x64xf32, #tpu.memory_space<vmem_shared>>
    tpu.wait_dma2 semaphore(%arg25 : memref<!tpu.dma_semaphore, #tpu.memory_space<semaphore_mem>>) src(%arg18 : memref<32x64xf32, #tpu.memory_space<vmem>>) dst(%dma_wait3A_776 : memref<32x64xf32, #tpu.memory_space<vmem_shared>>)
    %add3A_777 = arith.constant 384 : i32
    %add3A_778 = arith.addi %mul3A_50, %add3A_777 : i32
    %dma_wait3A_779 = arith.constant 0 : i32
    %dma_wait3A_780 = tpu.memref_slice %arg16[%add3A_778, %dma_wait3A_779] : memref<10240x64xf32, #tpu.memory_space<vmem_shared>> -> memref<32x64xf32, #tpu.memory_space<vmem_shared>>
    %dma_wait3A_781 = arith.constant 0 : i32
    %dma_wait3A_782 = tpu.memref_slice %arg16[%add3A_778, %dma_wait3A_781] : memref<10240x64xf32, #tpu.memory_space<vmem_shared>> -> memref<32x64xf32, #tpu.memory_space<vmem_shared>>
    tpu.wait_dma2 semaphore(%arg25 : memref<!tpu.dma_semaphore, #tpu.memory_space<semaphore_mem>>) src(%arg18 : memref<32x64xf32, #tpu.memory_space<vmem>>) dst(%dma_wait3A_782 : memref<32x64xf32, #tpu.memory_space<vmem_shared>>)
    %add3A_783 = arith.constant 416 : i32
    %add3A_784 = arith.addi %mul3A_50, %add3A_783 : i32
    %dma_wait3A_785 = arith.constant 0 : i32
    %dma_wait3A_786 = tpu.memref_slice %arg16[%add3A_784, %dma_wait3A_785] : memref<10240x64xf32, #tpu.memory_space<vmem_shared>> -> memref<32x64xf32, #tpu.memory_space<vmem_shared>>
    %dma_wait3A_787 = arith.constant 0 : i32
    %dma_wait3A_788 = tpu.memref_slice %arg16[%add3A_784, %dma_wait3A_787] : memref<10240x64xf32, #tpu.memory_space<vmem_shared>> -> memref<32x64xf32, #tpu.memory_space<vmem_shared>>
    tpu.wait_dma2 semaphore(%arg25 : memref<!tpu.dma_semaphore, #tpu.memory_space<semaphore_mem>>) src(%arg18 : memref<32x64xf32, #tpu.memory_space<vmem>>) dst(%dma_wait3A_788 : memref<32x64xf32, #tpu.memory_space<vmem_shared>>)
    %add3A_789 = arith.constant 448 : i32
    %add3A_790 = arith.addi %mul3A_50, %add3A_789 : i32
    %dma_wait3A_791 = arith.constant 0 : i32
    %dma_wait3A_792 = tpu.memref_slice %arg16[%add3A_790, %dma_wait3A_791] : memref<10240x64xf32, #tpu.memory_space<vmem_shared>> -> memref<32x64xf32, #tpu.memory_space<vmem_shared>>
    %dma_wait3A_793 = arith.constant 0 : i32
    %dma_wait3A_794 = tpu.memref_slice %arg16[%add3A_790, %dma_wait3A_793] : memref<10240x64xf32, #tpu.memory_space<vmem_shared>> -> memref<32x64xf32, #tpu.memory_space<vmem_shared>>
    tpu.wait_dma2 semaphore(%arg25 : memref<!tpu.dma_semaphore, #tpu.memory_space<semaphore_mem>>) src(%arg18 : memref<32x64xf32, #tpu.memory_space<vmem>>) dst(%dma_wait3A_794 : memref<32x64xf32, #tpu.memory_space<vmem_shared>>)
    %add3A_795 = arith.constant 480 : i32
    %add3A_796 = arith.addi %mul3A_50, %add3A_795 : i32
    %dma_wait3A_797 = arith.constant 0 : i32
    %dma_wait3A_798 = tpu.memref_slice %arg16[%add3A_796, %dma_wait3A_797] : memref<10240x64xf32, #tpu.memory_space<vmem_shared>> -> memref<32x64xf32, #tpu.memory_space<vmem_shared>>
    %dma_wait3A_799 = arith.constant 0 : i32
    %dma_wait3A_800 = tpu.memref_slice %arg16[%add3A_796, %dma_wait3A_799] : memref<10240x64xf32, #tpu.memory_space<vmem_shared>> -> memref<32x64xf32, #tpu.memory_space<vmem_shared>>
    tpu.wait_dma2 semaphore(%arg25 : memref<!tpu.dma_semaphore, #tpu.memory_space<semaphore_mem>>) src(%arg18 : memref<32x64xf32, #tpu.memory_space<vmem>>) dst(%dma_wait3A_800 : memref<32x64xf32, #tpu.memory_space<vmem_shared>>)
    %add3A_801 = arith.constant 512 : i32
    %add3A_802 = arith.addi %mul3A_50, %add3A_801 : i32
    %dma_wait3A_803 = arith.constant 0 : i32
    %dma_wait3A_804 = tpu.memref_slice %arg16[%add3A_802, %dma_wait3A_803] : memref<10240x64xf32, #tpu.memory_space<vmem_shared>> -> memref<32x64xf32, #tpu.memory_space<vmem_shared>>
    %dma_wait3A_805 = arith.constant 0 : i32
    %dma_wait3A_806 = tpu.memref_slice %arg16[%add3A_802, %dma_wait3A_805] : memref<10240x64xf32, #tpu.memory_space<vmem_shared>> -> memref<32x64xf32, #tpu.memory_space<vmem_shared>>
    tpu.wait_dma2 semaphore(%arg25 : memref<!tpu.dma_semaphore, #tpu.memory_space<semaphore_mem>>) src(%arg18 : memref<32x64xf32, #tpu.memory_space<vmem>>) dst(%dma_wait3A_806 : memref<32x64xf32, #tpu.memory_space<vmem_shared>>)
    %add3A_807 = arith.constant 544 : i32
    %add3A_808 = arith.addi %mul3A_50, %add3A_807 : i32
    %dma_wait3A_809 = arith.constant 0 : i32
    %dma_wait3A_810 = tpu.memref_slice %arg16[%add3A_808, %dma_wait3A_809] : memref<10240x64xf32, #tpu.memory_space<vmem_shared>> -> memref<32x64xf32, #tpu.memory_space<vmem_shared>>
    %dma_wait3A_811 = arith.constant 0 : i32
    %dma_wait3A_812 = tpu.memref_slice %arg16[%add3A_808, %dma_wait3A_811] : memref<10240x64xf32, #tpu.memory_space<vmem_shared>> -> memref<32x64xf32, #tpu.memory_space<vmem_shared>>
    tpu.wait_dma2 semaphore(%arg25 : memref<!tpu.dma_semaphore, #tpu.memory_space<semaphore_mem>>) src(%arg18 : memref<32x64xf32, #tpu.memory_space<vmem>>) dst(%dma_wait3A_812 : memref<32x64xf32, #tpu.memory_space<vmem_shared>>)
    %add3A_813 = arith.constant 576 : i32
    %add3A_814 = arith.addi %mul3A_50, %add3A_813 : i32
    %dma_wait3A_815 = arith.constant 0 : i32
    %dma_wait3A_816 = tpu.memref_slice %arg16[%add3A_814, %dma_wait3A_815] : memref<10240x64xf32, #tpu.memory_space<vmem_shared>> -> memref<32x64xf32, #tpu.memory_space<vmem_shared>>
    %dma_wait3A_817 = arith.constant 0 : i32
    %dma_wait3A_818 = tpu.memref_slice %arg16[%add3A_814, %dma_wait3A_817] : memref<10240x64xf32, #tpu.memory_space<vmem_shared>> -> memref<32x64xf32, #tpu.memory_space<vmem_shared>>
    tpu.wait_dma2 semaphore(%arg25 : memref<!tpu.dma_semaphore, #tpu.memory_space<semaphore_mem>>) src(%arg18 : memref<32x64xf32, #tpu.memory_space<vmem>>) dst(%dma_wait3A_818 : memref<32x64xf32, #tpu.memory_space<vmem_shared>>)
    %add3A_819 = arith.constant 608 : i32
    %add3A_820 = arith.addi %mul3A_50, %add3A_819 : i32
    %dma_wait3A_821 = arith.constant 0 : i32
    %dma_wait3A_822 = tpu.memref_slice %arg16[%add3A_820, %dma_wait3A_821] : memref<10240x64xf32, #tpu.memory_space<vmem_shared>> -> memref<32x64xf32, #tpu.memory_space<vmem_shared>>
    %dma_wait3A_823 = arith.constant 0 : i32
    %dma_wait3A_824 = tpu.memref_slice %arg16[%add3A_820, %dma_wait3A_823] : memref<10240x64xf32, #tpu.memory_space<vmem_shared>> -> memref<32x64xf32, #tpu.memory_space<vmem_shared>>
    tpu.wait_dma2 semaphore(%arg25 : memref<!tpu.dma_semaphore, #tpu.memory_space<semaphore_mem>>) src(%arg18 : memref<32x64xf32, #tpu.memory_space<vmem>>) dst(%dma_wait3A_824 : memref<32x64xf32, #tpu.memory_space<vmem_shared>>)
    %add3A_825 = arith.constant 0 : i32
    %add3A_826 = arith.addi %mul3A_50, %add3A_825 : i32
    %dma_wait3A_827 = arith.constant 0 : i32
    %dma_wait3A_828 = tpu.memref_slice %arg17[%add3A_826, %dma_wait3A_827] : memref<10240x8xf32, #tpu.memory_space<vmem_shared>> -> memref<64x8xf32, #tpu.memory_space<vmem_shared>>
    %dma_wait3A_829 = arith.constant 0 : i32
    %dma_wait3A_830 = tpu.memref_slice %arg17[%add3A_826, %dma_wait3A_829] : memref<10240x8xf32, #tpu.memory_space<vmem_shared>> -> memref<64x8xf32, #tpu.memory_space<vmem_shared>>
    tpu.wait_dma2 semaphore(%arg26 : memref<!tpu.dma_semaphore, #tpu.memory_space<semaphore_mem>>) src(%arg19 : memref<64x8xf32, #tpu.memory_space<vmem>>) dst(%dma_wait3A_830 : memref<64x8xf32, #tpu.memory_space<vmem_shared>>)
    %add3A_831 = arith.constant 64 : i32
    %add3A_832 = arith.addi %mul3A_50, %add3A_831 : i32
    %dma_wait3A_833 = arith.constant 0 : i32
    %dma_wait3A_834 = tpu.memref_slice %arg17[%add3A_832, %dma_wait3A_833] : memref<10240x8xf32, #tpu.memory_space<vmem_shared>> -> memref<64x8xf32, #tpu.memory_space<vmem_shared>>
    %dma_wait3A_835 = arith.constant 0 : i32
    %dma_wait3A_836 = tpu.memref_slice %arg17[%add3A_832, %dma_wait3A_835] : memref<10240x8xf32, #tpu.memory_space<vmem_shared>> -> memref<64x8xf32, #tpu.memory_space<vmem_shared>>
    tpu.wait_dma2 semaphore(%arg26 : memref<!tpu.dma_semaphore, #tpu.memory_space<semaphore_mem>>) src(%arg19 : memref<64x8xf32, #tpu.memory_space<vmem>>) dst(%dma_wait3A_836 : memref<64x8xf32, #tpu.memory_space<vmem_shared>>)
    %add3A_837 = arith.constant 128 : i32
    %add3A_838 = arith.addi %mul3A_50, %add3A_837 : i32
    %dma_wait3A_839 = arith.constant 0 : i32
    %dma_wait3A_840 = tpu.memref_slice %arg17[%add3A_838, %dma_wait3A_839] : memref<10240x8xf32, #tpu.memory_space<vmem_shared>> -> memref<64x8xf32, #tpu.memory_space<vmem_shared>>
    %dma_wait3A_841 = arith.constant 0 : i32
    %dma_wait3A_842 = tpu.memref_slice %arg17[%add3A_838, %dma_wait3A_841] : memref<10240x8xf32, #tpu.memory_space<vmem_shared>> -> memref<64x8xf32, #tpu.memory_space<vmem_shared>>
    tpu.wait_dma2 semaphore(%arg26 : memref<!tpu.dma_semaphore, #tpu.memory_space<semaphore_mem>>) src(%arg19 : memref<64x8xf32, #tpu.memory_space<vmem>>) dst(%dma_wait3A_842 : memref<64x8xf32, #tpu.memory_space<vmem_shared>>)
    %add3A_843 = arith.constant 192 : i32
    %add3A_844 = arith.addi %mul3A_50, %add3A_843 : i32
    %dma_wait3A_845 = arith.constant 0 : i32
    %dma_wait3A_846 = tpu.memref_slice %arg17[%add3A_844, %dma_wait3A_845] : memref<10240x8xf32, #tpu.memory_space<vmem_shared>> -> memref<64x8xf32, #tpu.memory_space<vmem_shared>>
    %dma_wait3A_847 = arith.constant 0 : i32
    %dma_wait3A_848 = tpu.memref_slice %arg17[%add3A_844, %dma_wait3A_847] : memref<10240x8xf32, #tpu.memory_space<vmem_shared>> -> memref<64x8xf32, #tpu.memory_space<vmem_shared>>
    tpu.wait_dma2 semaphore(%arg26 : memref<!tpu.dma_semaphore, #tpu.memory_space<semaphore_mem>>) src(%arg19 : memref<64x8xf32, #tpu.memory_space<vmem>>) dst(%dma_wait3A_848 : memref<64x8xf32, #tpu.memory_space<vmem_shared>>)
    %add3A_849 = arith.constant 256 : i32
    %add3A_850 = arith.addi %mul3A_50, %add3A_849 : i32
    %dma_wait3A_851 = arith.constant 0 : i32
    %dma_wait3A_852 = tpu.memref_slice %arg17[%add3A_850, %dma_wait3A_851] : memref<10240x8xf32, #tpu.memory_space<vmem_shared>> -> memref<64x8xf32, #tpu.memory_space<vmem_shared>>
    %dma_wait3A_853 = arith.constant 0 : i32
    %dma_wait3A_854 = tpu.memref_slice %arg17[%add3A_850, %dma_wait3A_853] : memref<10240x8xf32, #tpu.memory_space<vmem_shared>> -> memref<64x8xf32, #tpu.memory_space<vmem_shared>>
    tpu.wait_dma2 semaphore(%arg26 : memref<!tpu.dma_semaphore, #tpu.memory_space<semaphore_mem>>) src(%arg19 : memref<64x8xf32, #tpu.memory_space<vmem>>) dst(%dma_wait3A_854 : memref<64x8xf32, #tpu.memory_space<vmem_shared>>)
    %add3A_855 = arith.constant 320 : i32
    %add3A_856 = arith.addi %mul3A_50, %add3A_855 : i32
    %dma_wait3A_857 = arith.constant 0 : i32
    %dma_wait3A_858 = tpu.memref_slice %arg17[%add3A_856, %dma_wait3A_857] : memref<10240x8xf32, #tpu.memory_space<vmem_shared>> -> memref<64x8xf32, #tpu.memory_space<vmem_shared>>
    %dma_wait3A_859 = arith.constant 0 : i32
    %dma_wait3A_860 = tpu.memref_slice %arg17[%add3A_856, %dma_wait3A_859] : memref<10240x8xf32, #tpu.memory_space<vmem_shared>> -> memref<64x8xf32, #tpu.memory_space<vmem_shared>>
    tpu.wait_dma2 semaphore(%arg26 : memref<!tpu.dma_semaphore, #tpu.memory_space<semaphore_mem>>) src(%arg19 : memref<64x8xf32, #tpu.memory_space<vmem>>) dst(%dma_wait3A_860 : memref<64x8xf32, #tpu.memory_space<vmem_shared>>)
    %add3A_861 = arith.constant 384 : i32
    %add3A_862 = arith.addi %mul3A_50, %add3A_861 : i32
    %dma_wait3A_863 = arith.constant 0 : i32
    %dma_wait3A_864 = tpu.memref_slice %arg17[%add3A_862, %dma_wait3A_863] : memref<10240x8xf32, #tpu.memory_space<vmem_shared>> -> memref<64x8xf32, #tpu.memory_space<vmem_shared>>
    %dma_wait3A_865 = arith.constant 0 : i32
    %dma_wait3A_866 = tpu.memref_slice %arg17[%add3A_862, %dma_wait3A_865] : memref<10240x8xf32, #tpu.memory_space<vmem_shared>> -> memref<64x8xf32, #tpu.memory_space<vmem_shared>>
    tpu.wait_dma2 semaphore(%arg26 : memref<!tpu.dma_semaphore, #tpu.memory_space<semaphore_mem>>) src(%arg19 : memref<64x8xf32, #tpu.memory_space<vmem>>) dst(%dma_wait3A_866 : memref<64x8xf32, #tpu.memory_space<vmem_shared>>)
    %add3A_867 = arith.constant 448 : i32
    %add3A_868 = arith.addi %mul3A_50, %add3A_867 : i32
    %dma_wait3A_869 = arith.constant 0 : i32
    %dma_wait3A_870 = tpu.memref_slice %arg17[%add3A_868, %dma_wait3A_869] : memref<10240x8xf32, #tpu.memory_space<vmem_shared>> -> memref<64x8xf32, #tpu.memory_space<vmem_shared>>
    %dma_wait3A_871 = arith.constant 0 : i32
    %dma_wait3A_872 = tpu.memref_slice %arg17[%add3A_868, %dma_wait3A_871] : memref<10240x8xf32, #tpu.memory_space<vmem_shared>> -> memref<64x8xf32, #tpu.memory_space<vmem_shared>>
    tpu.wait_dma2 semaphore(%arg26 : memref<!tpu.dma_semaphore, #tpu.memory_space<semaphore_mem>>) src(%arg19 : memref<64x8xf32, #tpu.memory_space<vmem>>) dst(%dma_wait3A_872 : memref<64x8xf32, #tpu.memory_space<vmem_shared>>)
    %add3A_873 = arith.constant 512 : i32
    %add3A_874 = arith.addi %mul3A_50, %add3A_873 : i32
    %dma_wait3A_875 = arith.constant 0 : i32
    %dma_wait3A_876 = tpu.memref_slice %arg17[%add3A_874, %dma_wait3A_875] : memref<10240x8xf32, #tpu.memory_space<vmem_shared>> -> memref<64x8xf32, #tpu.memory_space<vmem_shared>>
    %dma_wait3A_877 = arith.constant 0 : i32
    %dma_wait3A_878 = tpu.memref_slice %arg17[%add3A_874, %dma_wait3A_877] : memref<10240x8xf32, #tpu.memory_space<vmem_shared>> -> memref<64x8xf32, #tpu.memory_space<vmem_shared>>
    tpu.wait_dma2 semaphore(%arg26 : memref<!tpu.dma_semaphore, #tpu.memory_space<semaphore_mem>>) src(%arg19 : memref<64x8xf32, #tpu.memory_space<vmem>>) dst(%dma_wait3A_878 : memref<64x8xf32, #tpu.memory_space<vmem_shared>>)
    %add3A_879 = arith.constant 576 : i32
    %add3A_880 = arith.addi %mul3A_50, %add3A_879 : i32
    %dma_wait3A_881 = arith.constant 0 : i32
    %dma_wait3A_882 = tpu.memref_slice %arg17[%add3A_880, %dma_wait3A_881] : memref<10240x8xf32, #tpu.memory_space<vmem_shared>> -> memref<64x8xf32, #tpu.memory_space<vmem_shared>>
    %dma_wait3A_883 = arith.constant 0 : i32
    %dma_wait3A_884 = tpu.memref_slice %arg17[%add3A_880, %dma_wait3A_883] : memref<10240x8xf32, #tpu.memory_space<vmem_shared>> -> memref<64x8xf32, #tpu.memory_space<vmem_shared>>
    tpu.wait_dma2 semaphore(%arg26 : memref<!tpu.dma_semaphore, #tpu.memory_space<semaphore_mem>>) src(%arg19 : memref<64x8xf32, #tpu.memory_space<vmem>>) dst(%dma_wait3A_884 : memref<64x8xf32, #tpu.memory_space<vmem_shared>>)
    %barrier3A_885 = arith.constant 0 : index
    tpu.barrier barrier_id(%barrier3A_885)
    %add3A_886 = arith.constant 0 : i32
    %add3A_887 = arith.addi %select_n3A, %add3A_886 : i32
    "tpu.region"() ({
      %run_scoped3A = tpu.sem_alloc : memref<!tpu.dma_semaphore, #tpu.memory_space<semaphore_mem>>
      %dma_start3A_1477 = arith.constant 0 : i32
      %dma_start3A_1478 = arith.constant 0 : i32
      %dma_start3A_1479 = tpu.memref_slice %arg21[%dma_start3A_1477, %dma_start3A_1478] : memref<40x128xi32, #tpu.memory_space<vmem>> -> memref<40x128xi32, #tpu.memory_space<vmem>>
      %dma_start3A_1480 = arith.constant 0 : i32
      %dma_start3A_1481 = tpu.memref_slice %arg8[%add3A_887, %dma_start3A_1480] : memref<1250x128xi32, #tpu.memory_space<hbm>> -> memref<40x128xi32, #tpu.memory_space<hbm>>
      %dma_start3A_1482 = arith.constant 0 : i32
      %dma_start3A_1483 = arith.constant 0 : i32
      %dma_start3A_1484 = tpu.memref_slice %arg21[%dma_start3A_1482, %dma_start3A_1483] : memref<40x128xi32, #tpu.memory_space<vmem>> -> memref<40x128xi32, #tpu.memory_space<vmem>>
      %dma_start3A_1485 = arith.constant 0 : i32
      %dma_start3A_1486 = tpu.memref_slice %arg8[%add3A_887, %dma_start3A_1485] : memref<1250x128xi32, #tpu.memory_space<hbm>> -> memref<40x128xi32, #tpu.memory_space<hbm>>
      tpu.enqueue_dma source(%dma_start3A_1486 : memref<40x128xi32, #tpu.memory_space<hbm>>) target(%dma_start3A_1484 : memref<40x128xi32, #tpu.memory_space<vmem>>) target_semaphore(%run_scoped3A : memref<!tpu.dma_semaphore, #tpu.memory_space<semaphore_mem>>)
      %dma_wait3A_1487 = arith.constant 0 : i32
      %dma_wait3A_1488 = arith.constant 0 : i32
      %dma_wait3A_1489 = tpu.memref_slice %arg21[%dma_wait3A_1487, %dma_wait3A_1488] : memref<40x128xi32, #tpu.memory_space<vmem>> -> memref<40x128xi32, #tpu.memory_space<vmem>>
      %dma_wait3A_1490 = arith.constant 0 : i32
      %dma_wait3A_1491 = tpu.memref_slice %arg8[%add3A_887, %dma_wait3A_1490] : memref<1250x128xi32, #tpu.memory_space<hbm>> -> memref<40x128xi32, #tpu.memory_space<hbm>>
      %dma_wait3A_1492 = arith.constant 0 : i32
      %dma_wait3A_1493 = arith.constant 0 : i32
      %dma_wait3A_1494 = tpu.memref_slice %arg21[%dma_wait3A_1492, %dma_wait3A_1493] : memref<40x128xi32, #tpu.memory_space<vmem>> -> memref<40x128xi32, #tpu.memory_space<vmem>>
      %dma_wait3A_1495 = arith.constant 0 : i32
      %dma_wait3A_1496 = tpu.memref_slice %arg8[%add3A_887, %dma_wait3A_1495] : memref<1250x128xi32, #tpu.memory_space<hbm>> -> memref<40x128xi32, #tpu.memory_space<hbm>>
      tpu.wait_dma2 semaphore(%run_scoped3A : memref<!tpu.dma_semaphore, #tpu.memory_space<semaphore_mem>>) src(%dma_wait3A_1496 : memref<40x128xi32, #tpu.memory_space<hbm>>) dst(%dma_wait3A_1494 : memref<40x128xi32, #tpu.memory_space<vmem>>)
      tpu.yield
    }) : () -> ()
    %add3A_888 = arith.constant 0 : i32
    %add3A_889 = arith.addi %select_n3A, %add3A_888 : i32
    "tpu.region"() ({
      %run_scoped3A = tpu.sem_alloc : memref<!tpu.dma_semaphore, #tpu.memory_space<semaphore_mem>>
      %dma_start3A_1477 = arith.constant 0 : i32
      %dma_start3A_1478 = arith.constant 0 : i32
      %dma_start3A_1479 = tpu.memref_slice %arg22[%dma_start3A_1477, %dma_start3A_1478] : memref<40x128xi32, #tpu.memory_space<vmem>> -> memref<40x128xi32, #tpu.memory_space<vmem>>
      %dma_start3A_1480 = arith.constant 0 : i32
      %dma_start3A_1481 = tpu.memref_slice %arg9[%add3A_889, %dma_start3A_1480] : memref<1250x128xi32, #tpu.memory_space<hbm>> -> memref<40x128xi32, #tpu.memory_space<hbm>>
      %dma_start3A_1482 = arith.constant 0 : i32
      %dma_start3A_1483 = arith.constant 0 : i32
      %dma_start3A_1484 = tpu.memref_slice %arg22[%dma_start3A_1482, %dma_start3A_1483] : memref<40x128xi32, #tpu.memory_space<vmem>> -> memref<40x128xi32, #tpu.memory_space<vmem>>
      %dma_start3A_1485 = arith.constant 0 : i32
      %dma_start3A_1486 = tpu.memref_slice %arg9[%add3A_889, %dma_start3A_1485] : memref<1250x128xi32, #tpu.memory_space<hbm>> -> memref<40x128xi32, #tpu.memory_space<hbm>>
      tpu.enqueue_dma source(%dma_start3A_1486 : memref<40x128xi32, #tpu.memory_space<hbm>>) target(%dma_start3A_1484 : memref<40x128xi32, #tpu.memory_space<vmem>>) target_semaphore(%run_scoped3A : memref<!tpu.dma_semaphore, #tpu.memory_space<semaphore_mem>>)
      %dma_wait3A_1487 = arith.constant 0 : i32
      %dma_wait3A_1488 = arith.constant 0 : i32
      %dma_wait3A_1489 = tpu.memref_slice %arg22[%dma_wait3A_1487, %dma_wait3A_1488] : memref<40x128xi32, #tpu.memory_space<vmem>> -> memref<40x128xi32, #tpu.memory_space<vmem>>
      %dma_wait3A_1490 = arith.constant 0 : i32
      %dma_wait3A_1491 = tpu.memref_slice %arg9[%add3A_889, %dma_wait3A_1490] : memref<1250x128xi32, #tpu.memory_space<hbm>> -> memref<40x128xi32, #tpu.memory_space<hbm>>
      %dma_wait3A_1492 = arith.constant 0 : i32
      %dma_wait3A_1493 = arith.constant 0 : i32
      %dma_wait3A_1494 = tpu.memref_slice %arg22[%dma_wait3A_1492, %dma_wait3A_1493] : memref<40x128xi32, #tpu.memory_space<vmem>> -> memref<40x128xi32, #tpu.memory_space<vmem>>
      %dma_wait3A_1495 = arith.constant 0 : i32
      %dma_wait3A_1496 = tpu.memref_slice %arg9[%add3A_889, %dma_wait3A_1495] : memref<1250x128xi32, #tpu.memory_space<hbm>> -> memref<40x128xi32, #tpu.memory_space<hbm>>
      tpu.wait_dma2 semaphore(%run_scoped3A : memref<!tpu.dma_semaphore, #tpu.memory_space<semaphore_mem>>) src(%dma_wait3A_1496 : memref<40x128xi32, #tpu.memory_space<hbm>>) dst(%dma_wait3A_1494 : memref<40x128xi32, #tpu.memory_space<vmem>>)
      tpu.yield
    }) : () -> ()
    %dma_start3A_890 = arith.constant 0 : i32
    %dma_start3A_891 = arith.constant 0 : i32
    %dma_start3A_892 = tpu.memref_slice %arg21[%dma_start3A_890, %dma_start3A_891] : memref<40x128xi32, #tpu.memory_space<vmem>> -> memref<1x128xi32, #tpu.memory_space<vmem>>
    %dma_start3A_893 = tpu.memref_squeeze %dma_start3A_892 : memref<1x128xi32, #tpu.memory_space<vmem>> -> memref<128xi32, #tpu.memory_space<vmem>>
    %dma_start3A_894 = arith.constant 0 : i32
    %dma_start3A_895 = arith.constant 0 : i32
    %dma_start3A_896 = tpu.memref_slice %arg15[%dma_start3A_894, %dma_start3A_895] : memref<10000x64xf32, #tpu.memory_space<vmem_shared>> -> memref<10000x64xf32, #tpu.memory_space<vmem_shared>>
    tpu.enqueue_indirect_dma source(%dma_start3A_896 : memref<10000x64xf32, #tpu.memory_space<vmem_shared>>) target(%arg23 : memref<128x64xf32, #tpu.memory_space<vmem>>) offsets(%dma_start3A_893 : memref<128xi32, #tpu.memory_space<vmem>>) semaphore(%arg25 : memref<!tpu.dma_semaphore, #tpu.memory_space<semaphore_mem>>)
    %scan3A_897 = arith.constant 0 : i32
    %scan3A_898 = arith.constant 0 : i32
    %scan3A_899 = arith.constant 20 : i32
    %scan3A_900 = arith.addi %scan3A_898, %scan3A_899 : i32
    %scan3A_901 = arith.constant 1 : i32
    scf.for %scan3A_1477 = %scan3A_898 to %scan3A_900 step %scan3A_901  : i32 {
      %mul3A_1478 = arith.constant 2 : i32
      %mul3A_1479 = arith.muli %mul3A_1478, %scan3A_1477 : i32
      %add3A_1480 = arith.constant 1 : i32
      %add3A_1481 = arith.addi %mul3A_1479, %add3A_1480 : i32
      %dma_wait3A_1482 = arith.constant 0 : i32
      %dma_wait3A_1483 = tpu.memref_slice %arg21[%mul3A_1479, %dma_wait3A_1482] : memref<40x128xi32, #tpu.memory_space<vmem>> -> memref<1x128xi32, #tpu.memory_space<vmem>>
      %dma_wait3A_1484 = tpu.memref_squeeze %dma_wait3A_1483 : memref<1x128xi32, #tpu.memory_space<vmem>> -> memref<128xi32, #tpu.memory_space<vmem>>
      %dma_wait3A_1485 = arith.constant 0 : i32
      %dma_wait3A_1486 = arith.constant 0 : i32
      %dma_wait3A_1487 = tpu.memref_slice %arg15[%dma_wait3A_1485, %dma_wait3A_1486] : memref<10000x64xf32, #tpu.memory_space<vmem_shared>> -> memref<10000x64xf32, #tpu.memory_space<vmem_shared>>
      tpu.wait_indirect_dma semaphore(%arg25 : memref<!tpu.dma_semaphore, #tpu.memory_space<semaphore_mem>>) src(%dma_wait3A_1487 : memref<10000x64xf32, #tpu.memory_space<vmem_shared>>) dst(%arg23 : memref<128x64xf32, #tpu.memory_space<vmem>>)
      %dma_start3A_1488 = arith.constant 0 : i32
      %dma_start3A_1489 = tpu.memref_slice %arg22[%mul3A_1479, %dma_start3A_1488] : memref<40x128xi32, #tpu.memory_space<vmem>> -> memref<1x128xi32, #tpu.memory_space<vmem>>
      %dma_start3A_1490 = tpu.memref_squeeze %dma_start3A_1489 : memref<1x128xi32, #tpu.memory_space<vmem>> -> memref<128xi32, #tpu.memory_space<vmem>>
      %dma_start3A_1491 = arith.constant 0 : i32
      %dma_start3A_1492 = arith.constant 0 : i32
      %dma_start3A_1493 = tpu.memref_slice %arg16[%dma_start3A_1491, %dma_start3A_1492] : memref<10240x64xf32, #tpu.memory_space<vmem_shared>> -> memref<10240x64xf32, #tpu.memory_space<vmem_shared>>
      tpu.enqueue_indirect_dma source(%arg23 : memref<128x64xf32, #tpu.memory_space<vmem>>) target(%dma_start3A_1493 : memref<10240x64xf32, #tpu.memory_space<vmem_shared>>) offsets(%dma_start3A_1490 : memref<128xi32, #tpu.memory_space<vmem>>) semaphore(%arg27 : memref<!tpu.dma_semaphore, #tpu.memory_space<semaphore_mem>>) {add = true}
      %eq3A_1494 = arith.constant 0 : i32
      %eq3A_1495 = arith.cmpi eq, %arg0, %eq3A_1494 : i32
      %convert_element_type3A_1496 = arith.extui %eq3A_1495 : i1 to i32
      %cond3A_1497 = arith.constant 0 : i32
      %cond3A_1498 = arith.cmpi ne, %convert_element_type3A_1496, %cond3A_1497 : i32
      scf.if %cond3A_1498 {
        %dma_start3A_1532 = arith.constant 0 : i32
        %dma_start3A_1533 = tpu.memref_slice %arg22[%mul3A_1479, %dma_start3A_1532] : memref<40x128xi32, #tpu.memory_space<vmem>> -> memref<1x128xi32, #tpu.memory_space<vmem>>
        %dma_start3A_1534 = tpu.memref_squeeze %dma_start3A_1533 : memref<1x128xi32, #tpu.memory_space<vmem>> -> memref<128xi32, #tpu.memory_space<vmem>>
        %dma_start3A_1535 = arith.constant 0 : i32
        %dma_start3A_1536 = arith.constant 0 : i32
        %dma_start3A_1537 = tpu.memref_slice %arg17[%dma_start3A_1535, %dma_start3A_1536] : memref<10240x8xf32, #tpu.memory_space<vmem_shared>> -> memref<10240x8xf32, #tpu.memory_space<vmem_shared>>
        tpu.enqueue_indirect_dma source(%arg20 : memref<128x8xf32, #tpu.memory_space<vmem>>) target(%dma_start3A_1537 : memref<10240x8xf32, #tpu.memory_space<vmem_shared>>) offsets(%dma_start3A_1534 : memref<128xi32, #tpu.memory_space<vmem>>) semaphore(%arg27 : memref<!tpu.dma_semaphore, #tpu.memory_space<semaphore_mem>>) {add = true}
      } else {
      }
      %gt3A = arith.constant 0 : i32
      %gt3A_1499 = arith.cmpi sgt, %scan3A_1477, %gt3A : i32
      %convert_element_type3A_1500 = arith.extui %gt3A_1499 : i1 to i32
      %cond3A_1501 = arith.constant 0 : i32
      %cond3A_1502 = arith.cmpi ne, %convert_element_type3A_1500, %cond3A_1501 : i32
      scf.if %cond3A_1502 {
        %sub3A_1532 = arith.constant 2 : i32
        %sub3A_1533 = arith.subi %add3A_1481, %sub3A_1532 : i32
        %dma_wait3A_1534 = arith.constant 0 : i32
        %dma_wait3A_1535 = tpu.memref_slice %arg22[%sub3A_1533, %dma_wait3A_1534] : memref<40x128xi32, #tpu.memory_space<vmem>> -> memref<1x128xi32, #tpu.memory_space<vmem>>
        %dma_wait3A_1536 = tpu.memref_squeeze %dma_wait3A_1535 : memref<1x128xi32, #tpu.memory_space<vmem>> -> memref<128xi32, #tpu.memory_space<vmem>>
        %dma_wait3A_1537 = arith.constant 0 : i32
        %dma_wait3A_1538 = arith.constant 0 : i32
        %dma_wait3A_1539 = tpu.memref_slice %arg16[%dma_wait3A_1537, %dma_wait3A_1538] : memref<10240x64xf32, #tpu.memory_space<vmem_shared>> -> memref<10240x64xf32, #tpu.memory_space<vmem_shared>>
        tpu.wait_indirect_dma semaphore(%arg28 : memref<!tpu.dma_semaphore, #tpu.memory_space<semaphore_mem>>) src(%arg24 : memref<128x64xf32, #tpu.memory_space<vmem>>) dst(%dma_wait3A_1539 : memref<10240x64xf32, #tpu.memory_space<vmem_shared>>)
        %eq3A_1540 = arith.constant 1 : i32
        %eq3A_1541 = arith.cmpi eq, %arg0, %eq3A_1540 : i32
        %convert_element_type3A_1542 = arith.extui %eq3A_1541 : i1 to i32
        %cond3A_1543 = arith.constant 0 : i32
        %cond3A_1544 = arith.cmpi ne, %convert_element_type3A_1542, %cond3A_1543 : i32
        scf.if %cond3A_1544 {
          %dma_wait3A_1545 = arith.constant 0 : i32
          %dma_wait3A_1546 = tpu.memref_slice %arg22[%sub3A_1533, %dma_wait3A_1545] : memref<40x128xi32, #tpu.memory_space<vmem>> -> memref<1x128xi32, #tpu.memory_space<vmem>>
          %dma_wait3A_1547 = tpu.memref_squeeze %dma_wait3A_1546 : memref<1x128xi32, #tpu.memory_space<vmem>> -> memref<128xi32, #tpu.memory_space<vmem>>
          %dma_wait3A_1548 = arith.constant 0 : i32
          %dma_wait3A_1549 = arith.constant 0 : i32
          %dma_wait3A_1550 = tpu.memref_slice %arg17[%dma_wait3A_1548, %dma_wait3A_1549] : memref<10240x8xf32, #tpu.memory_space<vmem_shared>> -> memref<10240x8xf32, #tpu.memory_space<vmem_shared>>
          tpu.wait_indirect_dma semaphore(%arg28 : memref<!tpu.dma_semaphore, #tpu.memory_space<semaphore_mem>>) src(%arg20 : memref<128x8xf32, #tpu.memory_space<vmem>>) dst(%dma_wait3A_1550 : memref<10240x8xf32, #tpu.memory_space<vmem_shared>>)
        } else {
        }
      } else {
      }
      %dma_start3A_1503 = arith.constant 0 : i32
      %dma_start3A_1504 = tpu.memref_slice %arg21[%add3A_1481, %dma_start3A_1503] : memref<40x128xi32, #tpu.memory_space<vmem>> -> memref<1x128xi32, #tpu.memory_space<vmem>>
      %dma_start3A_1505 = tpu.memref_squeeze %dma_start3A_1504 : memref<1x128xi32, #tpu.memory_space<vmem>> -> memref<128xi32, #tpu.memory_space<vmem>>
      %dma_start3A_1506 = arith.constant 0 : i32
      %dma_start3A_1507 = arith.constant 0 : i32
      %dma_start3A_1508 = tpu.memref_slice %arg15[%dma_start3A_1506, %dma_start3A_1507] : memref<10000x64xf32, #tpu.memory_space<vmem_shared>> -> memref<10000x64xf32, #tpu.memory_space<vmem_shared>>
      tpu.enqueue_indirect_dma source(%dma_start3A_1508 : memref<10000x64xf32, #tpu.memory_space<vmem_shared>>) target(%arg24 : memref<128x64xf32, #tpu.memory_space<vmem>>) offsets(%dma_start3A_1505 : memref<128xi32, #tpu.memory_space<vmem>>) semaphore(%arg26 : memref<!tpu.dma_semaphore, #tpu.memory_space<semaphore_mem>>)
      %dma_wait3A_1509 = arith.constant 0 : i32
      %dma_wait3A_1510 = tpu.memref_slice %arg21[%add3A_1481, %dma_wait3A_1509] : memref<40x128xi32, #tpu.memory_space<vmem>> -> memref<1x128xi32, #tpu.memory_space<vmem>>
      %dma_wait3A_1511 = tpu.memref_squeeze %dma_wait3A_1510 : memref<1x128xi32, #tpu.memory_space<vmem>> -> memref<128xi32, #tpu.memory_space<vmem>>
      %dma_wait3A_1512 = arith.constant 0 : i32
      %dma_wait3A_1513 = arith.constant 0 : i32
      %dma_wait3A_1514 = tpu.memref_slice %arg15[%dma_wait3A_1512, %dma_wait3A_1513] : memref<10000x64xf32, #tpu.memory_space<vmem_shared>> -> memref<10000x64xf32, #tpu.memory_space<vmem_shared>>
      tpu.wait_indirect_dma semaphore(%arg26 : memref<!tpu.dma_semaphore, #tpu.memory_space<semaphore_mem>>) src(%dma_wait3A_1514 : memref<10000x64xf32, #tpu.memory_space<vmem_shared>>) dst(%arg24 : memref<128x64xf32, #tpu.memory_space<vmem>>)
      %dma_start3A_1515 = arith.constant 0 : i32
      %dma_start3A_1516 = tpu.memref_slice %arg22[%add3A_1481, %dma_start3A_1515] : memref<40x128xi32, #tpu.memory_space<vmem>> -> memref<1x128xi32, #tpu.memory_space<vmem>>
      %dma_start3A_1517 = tpu.memref_squeeze %dma_start3A_1516 : memref<1x128xi32, #tpu.memory_space<vmem>> -> memref<128xi32, #tpu.memory_space<vmem>>
      %dma_start3A_1518 = arith.constant 0 : i32
      %dma_start3A_1519 = arith.constant 0 : i32
      %dma_start3A_1520 = tpu.memref_slice %arg16[%dma_start3A_1518, %dma_start3A_1519] : memref<10240x64xf32, #tpu.memory_space<vmem_shared>> -> memref<10240x64xf32, #tpu.memory_space<vmem_shared>>
      tpu.enqueue_indirect_dma source(%arg24 : memref<128x64xf32, #tpu.memory_space<vmem>>) target(%dma_start3A_1520 : memref<10240x64xf32, #tpu.memory_space<vmem_shared>>) offsets(%dma_start3A_1517 : memref<128xi32, #tpu.memory_space<vmem>>) semaphore(%arg28 : memref<!tpu.dma_semaphore, #tpu.memory_space<semaphore_mem>>) {add = true}
      %eq3A_1521 = arith.constant 1 : i32
      %eq3A_1522 = arith.cmpi eq, %arg0, %eq3A_1521 : i32
      %convert_element_type3A_1523 = arith.extui %eq3A_1522 : i1 to i32
      %cond3A_1524 = arith.constant 0 : i32
      %cond3A_1525 = arith.cmpi ne, %convert_element_type3A_1523, %cond3A_1524 : i32
      scf.if %cond3A_1525 {
        %dma_start3A_1532 = arith.constant 0 : i32
        %dma_start3A_1533 = tpu.memref_slice %arg22[%add3A_1481, %dma_start3A_1532] : memref<40x128xi32, #tpu.memory_space<vmem>> -> memref<1x128xi32, #tpu.memory_space<vmem>>
        %dma_start3A_1534 = tpu.memref_squeeze %dma_start3A_1533 : memref<1x128xi32, #tpu.memory_space<vmem>> -> memref<128xi32, #tpu.memory_space<vmem>>
        %dma_start3A_1535 = arith.constant 0 : i32
        %dma_start3A_1536 = arith.constant 0 : i32
        %dma_start3A_1537 = tpu.memref_slice %arg17[%dma_start3A_1535, %dma_start3A_1536] : memref<10240x8xf32, #tpu.memory_space<vmem_shared>> -> memref<10240x8xf32, #tpu.memory_space<vmem_shared>>
        tpu.enqueue_indirect_dma source(%arg20 : memref<128x8xf32, #tpu.memory_space<vmem>>) target(%dma_start3A_1537 : memref<10240x8xf32, #tpu.memory_space<vmem_shared>>) offsets(%dma_start3A_1534 : memref<128xi32, #tpu.memory_space<vmem>>) semaphore(%arg28 : memref<!tpu.dma_semaphore, #tpu.memory_space<semaphore_mem>>) {add = true}
      } else {
      }
      %add3A_1526 = arith.constant 2 : i32
      %add3A_1527 = arith.addi %mul3A_1479, %add3A_1526 : i32
      %lt3A = arith.constant 40 : i32
      %lt3A_1528 = arith.cmpi slt, %add3A_1527, %lt3A : i32
      %convert_element_type3A_1529 = arith.extui %lt3A_1528 : i1 to i32
      %cond3A_1530 = arith.constant 0 : i32
      %cond3A_1531 = arith.cmpi ne, %convert_element_type3A_1529, %cond3A_1530 : i32
      scf.if %cond3A_1531 {
        %dma_wait3A_1532 = arith.constant 0 : i32
        %dma_wait3A_1533 = tpu.memref_slice %arg22[%mul3A_1479, %dma_wait3A_1532] : memref<40x128xi32, #tpu.memory_space<vmem>> -> memref<1x128xi32, #tpu.memory_space<vmem>>
        %dma_wait3A_1534 = tpu.memref_squeeze %dma_wait3A_1533 : memref<1x128xi32, #tpu.memory_space<vmem>> -> memref<128xi32, #tpu.memory_space<vmem>>
        %dma_wait3A_1535 = arith.constant 0 : i32
        %dma_wait3A_1536 = arith.constant 0 : i32
        %dma_wait3A_1537 = tpu.memref_slice %arg16[%dma_wait3A_1535, %dma_wait3A_1536] : memref<10240x64xf32, #tpu.memory_space<vmem_shared>> -> memref<10240x64xf32, #tpu.memory_space<vmem_shared>>
        tpu.wait_indirect_dma semaphore(%arg27 : memref<!tpu.dma_semaphore, #tpu.memory_space<semaphore_mem>>) src(%arg23 : memref<128x64xf32, #tpu.memory_space<vmem>>) dst(%dma_wait3A_1537 : memref<10240x64xf32, #tpu.memory_space<vmem_shared>>)
        %eq3A_1538 = arith.constant 0 : i32
        %eq3A_1539 = arith.cmpi eq, %arg0, %eq3A_1538 : i32
        %convert_element_type3A_1540 = arith.extui %eq3A_1539 : i1 to i32
        %cond3A_1541 = arith.constant 0 : i32
        %cond3A_1542 = arith.cmpi ne, %convert_element_type3A_1540, %cond3A_1541 : i32
        scf.if %cond3A_1542 {
          %dma_wait3A_1551 = arith.constant 0 : i32
          %dma_wait3A_1552 = tpu.memref_slice %arg22[%mul3A_1479, %dma_wait3A_1551] : memref<40x128xi32, #tpu.memory_space<vmem>> -> memref<1x128xi32, #tpu.memory_space<vmem>>
          %dma_wait3A_1553 = tpu.memref_squeeze %dma_wait3A_1552 : memref<1x128xi32, #tpu.memory_space<vmem>> -> memref<128xi32, #tpu.memory_space<vmem>>
          %dma_wait3A_1554 = arith.constant 0 : i32
          %dma_wait3A_1555 = arith.constant 0 : i32
          %dma_wait3A_1556 = tpu.memref_slice %arg17[%dma_wait3A_1554, %dma_wait3A_1555] : memref<10240x8xf32, #tpu.memory_space<vmem_shared>> -> memref<10240x8xf32, #tpu.memory_space<vmem_shared>>
          tpu.wait_indirect_dma semaphore(%arg27 : memref<!tpu.dma_semaphore, #tpu.memory_space<semaphore_mem>>) src(%arg20 : memref<128x8xf32, #tpu.memory_space<vmem>>) dst(%dma_wait3A_1556 : memref<10240x8xf32, #tpu.memory_space<vmem_shared>>)
        } else {
        }
        %add3A_1543 = arith.constant 2 : i32
        %add3A_1544 = arith.addi %mul3A_1479, %add3A_1543 : i32
        %dma_start3A_1545 = arith.constant 0 : i32
        %dma_start3A_1546 = tpu.memref_slice %arg21[%add3A_1544, %dma_start3A_1545] : memref<40x128xi32, #tpu.memory_space<vmem>> -> memref<1x128xi32, #tpu.memory_space<vmem>>
        %dma_start3A_1547 = tpu.memref_squeeze %dma_start3A_1546 : memref<1x128xi32, #tpu.memory_space<vmem>> -> memref<128xi32, #tpu.memory_space<vmem>>
        %dma_start3A_1548 = arith.constant 0 : i32
        %dma_start3A_1549 = arith.constant 0 : i32
        %dma_start3A_1550 = tpu.memref_slice %arg15[%dma_start3A_1548, %dma_start3A_1549] : memref<10000x64xf32, #tpu.memory_space<vmem_shared>> -> memref<10000x64xf32, #tpu.memory_space<vmem_shared>>
        tpu.enqueue_indirect_dma source(%dma_start3A_1550 : memref<10000x64xf32, #tpu.memory_space<vmem_shared>>) target(%arg23 : memref<128x64xf32, #tpu.memory_space<vmem>>) offsets(%dma_start3A_1547 : memref<128xi32, #tpu.memory_space<vmem>>) semaphore(%arg25 : memref<!tpu.dma_semaphore, #tpu.memory_space<semaphore_mem>>)
      } else {
      }
    }
    %scan3A_902 = arith.constant 20 : i32
    %dma_wait3A_903 = arith.constant 38 : i32
    %dma_wait3A_904 = arith.constant 0 : i32
    %dma_wait3A_905 = tpu.memref_slice %arg22[%dma_wait3A_903, %dma_wait3A_904] : memref<40x128xi32, #tpu.memory_space<vmem>> -> memref<1x128xi32, #tpu.memory_space<vmem>>
    %dma_wait3A_906 = tpu.memref_squeeze %dma_wait3A_905 : memref<1x128xi32, #tpu.memory_space<vmem>> -> memref<128xi32, #tpu.memory_space<vmem>>
    %dma_wait3A_907 = arith.constant 0 : i32
    %dma_wait3A_908 = arith.constant 0 : i32
    %dma_wait3A_909 = tpu.memref_slice %arg16[%dma_wait3A_907, %dma_wait3A_908] : memref<10240x64xf32, #tpu.memory_space<vmem_shared>> -> memref<10240x64xf32, #tpu.memory_space<vmem_shared>>
    tpu.wait_indirect_dma semaphore(%arg27 : memref<!tpu.dma_semaphore, #tpu.memory_space<semaphore_mem>>) src(%arg23 : memref<128x64xf32, #tpu.memory_space<vmem>>) dst(%dma_wait3A_909 : memref<10240x64xf32, #tpu.memory_space<vmem_shared>>)
    %eq3A_910 = arith.constant 0 : i32
    %eq3A_911 = arith.cmpi eq, %arg0, %eq3A_910 : i32
    %convert_element_type3A_912 = arith.extui %eq3A_911 : i1 to i32
    %cond3A_913 = arith.constant 0 : i32
    %cond3A_914 = arith.cmpi ne, %convert_element_type3A_912, %cond3A_913 : i32
    scf.if %cond3A_914 {
      %dma_wait3A_1477 = arith.constant 38 : i32
      %dma_wait3A_1478 = arith.constant 0 : i32
      %dma_wait3A_1479 = tpu.memref_slice %arg22[%dma_wait3A_1477, %dma_wait3A_1478] : memref<40x128xi32, #tpu.memory_space<vmem>> -> memref<1x128xi32, #tpu.memory_space<vmem>>
      %dma_wait3A_1480 = tpu.memref_squeeze %dma_wait3A_1479 : memref<1x128xi32, #tpu.memory_space<vmem>> -> memref<128xi32, #tpu.memory_space<vmem>>
      %dma_wait3A_1481 = arith.constant 0 : i32
      %dma_wait3A_1482 = arith.constant 0 : i32
      %dma_wait3A_1483 = tpu.memref_slice %arg17[%dma_wait3A_1481, %dma_wait3A_1482] : memref<10240x8xf32, #tpu.memory_space<vmem_shared>> -> memref<10240x8xf32, #tpu.memory_space<vmem_shared>>
      tpu.wait_indirect_dma semaphore(%arg27 : memref<!tpu.dma_semaphore, #tpu.memory_space<semaphore_mem>>) src(%arg20 : memref<128x8xf32, #tpu.memory_space<vmem>>) dst(%dma_wait3A_1483 : memref<10240x8xf32, #tpu.memory_space<vmem_shared>>)
    } else {
    }
    %dma_wait3A_915 = arith.constant 39 : i32
    %dma_wait3A_916 = arith.constant 0 : i32
    %dma_wait3A_917 = tpu.memref_slice %arg22[%dma_wait3A_915, %dma_wait3A_916] : memref<40x128xi32, #tpu.memory_space<vmem>> -> memref<1x128xi32, #tpu.memory_space<vmem>>
    %dma_wait3A_918 = tpu.memref_squeeze %dma_wait3A_917 : memref<1x128xi32, #tpu.memory_space<vmem>> -> memref<128xi32, #tpu.memory_space<vmem>>
    %dma_wait3A_919 = arith.constant 0 : i32
    %dma_wait3A_920 = arith.constant 0 : i32
    %dma_wait3A_921 = tpu.memref_slice %arg16[%dma_wait3A_919, %dma_wait3A_920] : memref<10240x64xf32, #tpu.memory_space<vmem_shared>> -> memref<10240x64xf32, #tpu.memory_space<vmem_shared>>
    tpu.wait_indirect_dma semaphore(%arg28 : memref<!tpu.dma_semaphore, #tpu.memory_space<semaphore_mem>>) src(%arg24 : memref<128x64xf32, #tpu.memory_space<vmem>>) dst(%dma_wait3A_921 : memref<10240x64xf32, #tpu.memory_space<vmem_shared>>)
    %eq3A_922 = arith.constant 1 : i32
    %eq3A_923 = arith.cmpi eq, %arg0, %eq3A_922 : i32
    %convert_element_type3A_924 = arith.extui %eq3A_923 : i1 to i32
    %cond3A_925 = arith.constant 0 : i32
    %cond3A_926 = arith.cmpi ne, %convert_element_type3A_924, %cond3A_925 : i32
    scf.if %cond3A_926 {
      %dma_wait3A_1477 = arith.constant 39 : i32
      %dma_wait3A_1478 = arith.constant 0 : i32
      %dma_wait3A_1479 = tpu.memref_slice %arg22[%dma_wait3A_1477, %dma_wait3A_1478] : memref<40x128xi32, #tpu.memory_space<vmem>> -> memref<1x128xi32, #tpu.memory_space<vmem>>
      %dma_wait3A_1480 = tpu.memref_squeeze %dma_wait3A_1479 : memref<1x128xi32, #tpu.memory_space<vmem>> -> memref<128xi32, #tpu.memory_space<vmem>>
      %dma_wait3A_1481 = arith.constant 0 : i32
      %dma_wait3A_1482 = arith.constant 0 : i32
      %dma_wait3A_1483 = tpu.memref_slice %arg17[%dma_wait3A_1481, %dma_wait3A_1482] : memref<10240x8xf32, #tpu.memory_space<vmem_shared>> -> memref<10240x8xf32, #tpu.memory_space<vmem_shared>>
      tpu.wait_indirect_dma semaphore(%arg28 : memref<!tpu.dma_semaphore, #tpu.memory_space<semaphore_mem>>) src(%arg20 : memref<128x8xf32, #tpu.memory_space<vmem>>) dst(%dma_wait3A_1483 : memref<10240x8xf32, #tpu.memory_space<vmem_shared>>)
    } else {
    }
    %add3A_927 = arith.constant 40 : i32
    %add3A_928 = arith.addi %select_n3A, %add3A_927 : i32
    "tpu.region"() ({
      %run_scoped3A = tpu.sem_alloc : memref<!tpu.dma_semaphore, #tpu.memory_space<semaphore_mem>>
      %dma_start3A_1477 = arith.constant 0 : i32
      %dma_start3A_1478 = arith.constant 0 : i32
      %dma_start3A_1479 = tpu.memref_slice %arg21[%dma_start3A_1477, %dma_start3A_1478] : memref<40x128xi32, #tpu.memory_space<vmem>> -> memref<39x128xi32, #tpu.memory_space<vmem>>
      %dma_start3A_1480 = arith.constant 0 : i32
      %dma_start3A_1481 = tpu.memref_slice %arg8[%add3A_928, %dma_start3A_1480] : memref<1250x128xi32, #tpu.memory_space<hbm>> -> memref<39x128xi32, #tpu.memory_space<hbm>>
      %dma_start3A_1482 = arith.constant 0 : i32
      %dma_start3A_1483 = arith.constant 0 : i32
      %dma_start3A_1484 = tpu.memref_slice %arg21[%dma_start3A_1482, %dma_start3A_1483] : memref<40x128xi32, #tpu.memory_space<vmem>> -> memref<39x128xi32, #tpu.memory_space<vmem>>
      %dma_start3A_1485 = arith.constant 0 : i32
      %dma_start3A_1486 = tpu.memref_slice %arg8[%add3A_928, %dma_start3A_1485] : memref<1250x128xi32, #tpu.memory_space<hbm>> -> memref<39x128xi32, #tpu.memory_space<hbm>>
      tpu.enqueue_dma source(%dma_start3A_1486 : memref<39x128xi32, #tpu.memory_space<hbm>>) target(%dma_start3A_1484 : memref<39x128xi32, #tpu.memory_space<vmem>>) target_semaphore(%run_scoped3A : memref<!tpu.dma_semaphore, #tpu.memory_space<semaphore_mem>>)
      %dma_wait3A_1487 = arith.constant 0 : i32
      %dma_wait3A_1488 = arith.constant 0 : i32
      %dma_wait3A_1489 = tpu.memref_slice %arg21[%dma_wait3A_1487, %dma_wait3A_1488] : memref<40x128xi32, #tpu.memory_space<vmem>> -> memref<39x128xi32, #tpu.memory_space<vmem>>
      %dma_wait3A_1490 = arith.constant 0 : i32
      %dma_wait3A_1491 = tpu.memref_slice %arg8[%add3A_928, %dma_wait3A_1490] : memref<1250x128xi32, #tpu.memory_space<hbm>> -> memref<39x128xi32, #tpu.memory_space<hbm>>
      %dma_wait3A_1492 = arith.constant 0 : i32
      %dma_wait3A_1493 = arith.constant 0 : i32
      %dma_wait3A_1494 = tpu.memref_slice %arg21[%dma_wait3A_1492, %dma_wait3A_1493] : memref<40x128xi32, #tpu.memory_space<vmem>> -> memref<39x128xi32, #tpu.memory_space<vmem>>
      %dma_wait3A_1495 = arith.constant 0 : i32
      %dma_wait3A_1496 = tpu.memref_slice %arg8[%add3A_928, %dma_wait3A_1495] : memref<1250x128xi32, #tpu.memory_space<hbm>> -> memref<39x128xi32, #tpu.memory_space<hbm>>
      tpu.wait_dma2 semaphore(%run_scoped3A : memref<!tpu.dma_semaphore, #tpu.memory_space<semaphore_mem>>) src(%dma_wait3A_1496 : memref<39x128xi32, #tpu.memory_space<hbm>>) dst(%dma_wait3A_1494 : memref<39x128xi32, #tpu.memory_space<vmem>>)
      tpu.yield
    }) : () -> ()
    %add3A_929 = arith.constant 40 : i32
    %add3A_930 = arith.addi %select_n3A, %add3A_929 : i32
    "tpu.region"() ({
      %run_scoped3A = tpu.sem_alloc : memref<!tpu.dma_semaphore, #tpu.memory_space<semaphore_mem>>
      %dma_start3A_1477 = arith.constant 0 : i32
      %dma_start3A_1478 = arith.constant 0 : i32
      %dma_start3A_1479 = tpu.memref_slice %arg22[%dma_start3A_1477, %dma_start3A_1478] : memref<40x128xi32, #tpu.memory_space<vmem>> -> memref<39x128xi32, #tpu.memory_space<vmem>>
      %dma_start3A_1480 = arith.constant 0 : i32
      %dma_start3A_1481 = tpu.memref_slice %arg9[%add3A_930, %dma_start3A_1480] : memref<1250x128xi32, #tpu.memory_space<hbm>> -> memref<39x128xi32, #tpu.memory_space<hbm>>
      %dma_start3A_1482 = arith.constant 0 : i32
      %dma_start3A_1483 = arith.constant 0 : i32
      %dma_start3A_1484 = tpu.memref_slice %arg22[%dma_start3A_1482, %dma_start3A_1483] : memref<40x128xi32, #tpu.memory_space<vmem>> -> memref<39x128xi32, #tpu.memory_space<vmem>>
      %dma_start3A_1485 = arith.constant 0 : i32
      %dma_start3A_1486 = tpu.memref_slice %arg9[%add3A_930, %dma_start3A_1485] : memref<1250x128xi32, #tpu.memory_space<hbm>> -> memref<39x128xi32, #tpu.memory_space<hbm>>
      tpu.enqueue_dma source(%dma_start3A_1486 : memref<39x128xi32, #tpu.memory_space<hbm>>) target(%dma_start3A_1484 : memref<39x128xi32, #tpu.memory_space<vmem>>) target_semaphore(%run_scoped3A : memref<!tpu.dma_semaphore, #tpu.memory_space<semaphore_mem>>)
      %dma_wait3A_1487 = arith.constant 0 : i32
      %dma_wait3A_1488 = arith.constant 0 : i32
      %dma_wait3A_1489 = tpu.memref_slice %arg22[%dma_wait3A_1487, %dma_wait3A_1488] : memref<40x128xi32, #tpu.memory_space<vmem>> -> memref<39x128xi32, #tpu.memory_space<vmem>>
      %dma_wait3A_1490 = arith.constant 0 : i32
      %dma_wait3A_1491 = tpu.memref_slice %arg9[%add3A_930, %dma_wait3A_1490] : memref<1250x128xi32, #tpu.memory_space<hbm>> -> memref<39x128xi32, #tpu.memory_space<hbm>>
      %dma_wait3A_1492 = arith.constant 0 : i32
      %dma_wait3A_1493 = arith.constant 0 : i32
      %dma_wait3A_1494 = tpu.memref_slice %arg22[%dma_wait3A_1492, %dma_wait3A_1493] : memref<40x128xi32, #tpu.memory_space<vmem>> -> memref<39x128xi32, #tpu.memory_space<vmem>>
      %dma_wait3A_1495 = arith.constant 0 : i32
      %dma_wait3A_1496 = tpu.memref_slice %arg9[%add3A_930, %dma_wait3A_1495] : memref<1250x128xi32, #tpu.memory_space<hbm>> -> memref<39x128xi32, #tpu.memory_space<hbm>>
      tpu.wait_dma2 semaphore(%run_scoped3A : memref<!tpu.dma_semaphore, #tpu.memory_space<semaphore_mem>>) src(%dma_wait3A_1496 : memref<39x128xi32, #tpu.memory_space<hbm>>) dst(%dma_wait3A_1494 : memref<39x128xi32, #tpu.memory_space<vmem>>)
      tpu.yield
    }) : () -> ()
    %le3A_931 = arith.constant 78 : i32
    %le3A_932 = arith.cmpi sle, %sub3A_44, %le3A_931 : i32
    %convert_element_type3A_933 = arith.extui %le3A_932 : i1 to i32
    %cond3A_934 = arith.constant 0 : i32
    %cond3A_935 = arith.cmpi ne, %convert_element_type3A_933, %cond3A_934 : i32
    scf.if %cond3A_935 {
      %broadcast_in_dim3A = arith.constant 0 : i32
      %broadcast_in_dim3A_1477 = vector.broadcast %broadcast_in_dim3A : i32 to vector<16xi32>
      %swap3A = arith.constant 38 : i32
      %swap3A_1478 = arith.index_cast %swap3A : i32 to index
      %swap3A_1479 = arith.constant 0 : index
      %swap3A_1480 = tpu.vector_load %arg21[%swap3A_1478, %swap3A_1479] {strides = array<i32>} : memref<40x128xi32, #tpu.memory_space<vmem>>, vector<1x16xi32>,
      %swap3A_1481 = vector.shape_cast %swap3A_1480 : vector<1x16xi32> to vector<16xi32>
      %swap3A_1482 = vector.shape_cast %broadcast_in_dim3A_1477 : vector<16xi32> to vector<1x16xi32>
      tpu.vector_store %arg21[%swap3A_1478, %swap3A_1479], %swap3A_1482 {strides = array<i32>} : memref<40x128xi32, #tpu.memory_space<vmem>>, vector<1x16xi32>,
      %broadcast_in_dim3A_1483 = vector.broadcast %add3A_48 : i32 to vector<16xi32>
      %swap3A_1484 = arith.constant 38 : i32
      %swap3A_1485 = arith.index_cast %swap3A_1484 : i32 to index
      %swap3A_1486 = arith.constant 0 : index
      %swap3A_1487 = tpu.vector_load %arg22[%swap3A_1485, %swap3A_1486] {strides = array<i32>} : memref<40x128xi32, #tpu.memory_space<vmem>>, vector<1x16xi32>,
      %swap3A_1488 = vector.shape_cast %swap3A_1487 : vector<1x16xi32> to vector<16xi32>
      %swap3A_1489 = vector.shape_cast %broadcast_in_dim3A_1483 : vector<16xi32> to vector<1x16xi32>
      tpu.vector_store %arg22[%swap3A_1485, %swap3A_1486], %swap3A_1489 {strides = array<i32>} : memref<40x128xi32, #tpu.memory_space<vmem>>, vector<1x16xi32>,
      %broadcast_in_dim3A_1490 = arith.constant 0 : i32
      %broadcast_in_dim3A_1491 = vector.broadcast %broadcast_in_dim3A_1490 : i32 to vector<16xi32>
      %swap3A_1492 = arith.constant 38 : i32
      %swap3A_1493 = arith.index_cast %swap3A_1492 : i32 to index
      %swap3A_1494 = arith.constant 16 : index
      %swap3A_1495 = tpu.vector_load %arg21[%swap3A_1493, %swap3A_1494] {strides = array<i32>} : memref<40x128xi32, #tpu.memory_space<vmem>>, vector<1x16xi32>,
      %swap3A_1496 = vector.shape_cast %swap3A_1495 : vector<1x16xi32> to vector<16xi32>
      %swap3A_1497 = vector.shape_cast %broadcast_in_dim3A_1491 : vector<16xi32> to vector<1x16xi32>
      tpu.vector_store %arg21[%swap3A_1493, %swap3A_1494], %swap3A_1497 {strides = array<i32>} : memref<40x128xi32, #tpu.memory_space<vmem>>, vector<1x16xi32>,
      %broadcast_in_dim3A_1498 = vector.broadcast %add3A_48 : i32 to vector<16xi32>
      %swap3A_1499 = arith.constant 38 : i32
      %swap3A_1500 = arith.index_cast %swap3A_1499 : i32 to index
      %swap3A_1501 = arith.constant 16 : index
      %swap3A_1502 = tpu.vector_load %arg22[%swap3A_1500, %swap3A_1501] {strides = array<i32>} : memref<40x128xi32, #tpu.memory_space<vmem>>, vector<1x16xi32>,
      %swap3A_1503 = vector.shape_cast %swap3A_1502 : vector<1x16xi32> to vector<16xi32>
      %swap3A_1504 = vector.shape_cast %broadcast_in_dim3A_1498 : vector<16xi32> to vector<1x16xi32>
      tpu.vector_store %arg22[%swap3A_1500, %swap3A_1501], %swap3A_1504 {strides = array<i32>} : memref<40x128xi32, #tpu.memory_space<vmem>>, vector<1x16xi32>,
      %broadcast_in_dim3A_1505 = arith.constant 0 : i32
      %broadcast_in_dim3A_1506 = vector.broadcast %broadcast_in_dim3A_1505 : i32 to vector<16xi32>
      %swap3A_1507 = arith.constant 38 : i32
      %swap3A_1508 = arith.index_cast %swap3A_1507 : i32 to index
      %swap3A_1509 = arith.constant 32 : index
      %swap3A_1510 = tpu.vector_load %arg21[%swap3A_1508, %swap3A_1509] {strides = array<i32>} : memref<40x128xi32, #tpu.memory_space<vmem>>, vector<1x16xi32>,
      %swap3A_1511 = vector.shape_cast %swap3A_1510 : vector<1x16xi32> to vector<16xi32>
      %swap3A_1512 = vector.shape_cast %broadcast_in_dim3A_1506 : vector<16xi32> to vector<1x16xi32>
      tpu.vector_store %arg21[%swap3A_1508, %swap3A_1509], %swap3A_1512 {strides = array<i32>} : memref<40x128xi32, #tpu.memory_space<vmem>>, vector<1x16xi32>,
      %broadcast_in_dim3A_1513 = vector.broadcast %add3A_48 : i32 to vector<16xi32>
      %swap3A_1514 = arith.constant 38 : i32
      %swap3A_1515 = arith.index_cast %swap3A_1514 : i32 to index
      %swap3A_1516 = arith.constant 32 : index
      %swap3A_1517 = tpu.vector_load %arg22[%swap3A_1515, %swap3A_1516] {strides = array<i32>} : memref<40x128xi32, #tpu.memory_space<vmem>>, vector<1x16xi32>,
      %swap3A_1518 = vector.shape_cast %swap3A_1517 : vector<1x16xi32> to vector<16xi32>
      %swap3A_1519 = vector.shape_cast %broadcast_in_dim3A_1513 : vector<16xi32> to vector<1x16xi32>
      tpu.vector_store %arg22[%swap3A_1515, %swap3A_1516], %swap3A_1519 {strides = array<i32>} : memref<40x128xi32, #tpu.memory_space<vmem>>, vector<1x16xi32>,
      %broadcast_in_dim3A_1520 = arith.constant 0 : i32
      %broadcast_in_dim3A_1521 = vector.broadcast %broadcast_in_dim3A_1520 : i32 to vector<16xi32>
      %swap3A_1522 = arith.constant 38 : i32
      %swap3A_1523 = arith.index_cast %swap3A_1522 : i32 to index
      %swap3A_1524 = arith.constant 48 : index
      %swap3A_1525 = tpu.vector_load %arg21[%swap3A_1523, %swap3A_1524] {strides = array<i32>} : memref<40x128xi32, #tpu.memory_space<vmem>>, vector<1x16xi32>,
      %swap3A_1526 = vector.shape_cast %swap3A_1525 : vector<1x16xi32> to vector<16xi32>
      %swap3A_1527 = vector.shape_cast %broadcast_in_dim3A_1521 : vector<16xi32> to vector<1x16xi32>
      tpu.vector_store %arg21[%swap3A_1523, %swap3A_1524], %swap3A_1527 {strides = array<i32>} : memref<40x128xi32, #tpu.memory_space<vmem>>, vector<1x16xi32>,
      %broadcast_in_dim3A_1528 = vector.broadcast %add3A_48 : i32 to vector<16xi32>
      %swap3A_1529 = arith.constant 38 : i32
      %swap3A_1530 = arith.index_cast %swap3A_1529 : i32 to index
      %swap3A_1531 = arith.constant 48 : index
      %swap3A_1532 = tpu.vector_load %arg22[%swap3A_1530, %swap3A_1531] {strides = array<i32>} : memref<40x128xi32, #tpu.memory_space<vmem>>, vector<1x16xi32>,
      %swap3A_1533 = vector.shape_cast %swap3A_1532 : vector<1x16xi32> to vector<16xi32>
      %swap3A_1534 = vector.shape_cast %broadcast_in_dim3A_1528 : vector<16xi32> to vector<1x16xi32>
      tpu.vector_store %arg22[%swap3A_1530, %swap3A_1531], %swap3A_1534 {strides = array<i32>} : memref<40x128xi32, #tpu.memory_space<vmem>>, vector<1x16xi32>,
      %broadcast_in_dim3A_1535 = arith.constant 0 : i32
      %broadcast_in_dim3A_1536 = vector.broadcast %broadcast_in_dim3A_1535 : i32 to vector<16xi32>
      %swap3A_1537 = arith.constant 38 : i32
      %swap3A_1538 = arith.index_cast %swap3A_1537 : i32 to index
      %swap3A_1539 = arith.constant 64 : index
      %swap3A_1540 = tpu.vector_load %arg21[%swap3A_1538, %swap3A_1539] {strides = array<i32>} : memref<40x128xi32, #tpu.memory_space<vmem>>, vector<1x16xi32>,
      %swap3A_1541 = vector.shape_cast %swap3A_1540 : vector<1x16xi32> to vector<16xi32>
      %swap3A_1542 = vector.shape_cast %broadcast_in_dim3A_1536 : vector<16xi32> to vector<1x16xi32>
      tpu.vector_store %arg21[%swap3A_1538, %swap3A_1539], %swap3A_1542 {strides = array<i32>} : memref<40x128xi32, #tpu.memory_space<vmem>>, vector<1x16xi32>,
      %broadcast_in_dim3A_1543 = vector.broadcast %add3A_48 : i32 to vector<16xi32>
      %swap3A_1544 = arith.constant 38 : i32
      %swap3A_1545 = arith.index_cast %swap3A_1544 : i32 to index
      %swap3A_1546 = arith.constant 64 : index
      %swap3A_1547 = tpu.vector_load %arg22[%swap3A_1545, %swap3A_1546] {strides = array<i32>} : memref<40x128xi32, #tpu.memory_space<vmem>>, vector<1x16xi32>,
      %swap3A_1548 = vector.shape_cast %swap3A_1547 : vector<1x16xi32> to vector<16xi32>
      %swap3A_1549 = vector.shape_cast %broadcast_in_dim3A_1543 : vector<16xi32> to vector<1x16xi32>
      tpu.vector_store %arg22[%swap3A_1545, %swap3A_1546], %swap3A_1549 {strides = array<i32>} : memref<40x128xi32, #tpu.memory_space<vmem>>, vector<1x16xi32>,
      %broadcast_in_dim3A_1550 = arith.constant 0 : i32
      %broadcast_in_dim3A_1551 = vector.broadcast %broadcast_in_dim3A_1550 : i32 to vector<16xi32>
      %swap3A_1552 = arith.constant 38 : i32
      %swap3A_1553 = arith.index_cast %swap3A_1552 : i32 to index
      %swap3A_1554 = arith.constant 80 : index
      %swap3A_1555 = tpu.vector_load %arg21[%swap3A_1553, %swap3A_1554] {strides = array<i32>} : memref<40x128xi32, #tpu.memory_space<vmem>>, vector<1x16xi32>,
      %swap3A_1556 = vector.shape_cast %swap3A_1555 : vector<1x16xi32> to vector<16xi32>
      %swap3A_1557 = vector.shape_cast %broadcast_in_dim3A_1551 : vector<16xi32> to vector<1x16xi32>
      tpu.vector_store %arg21[%swap3A_1553, %swap3A_1554], %swap3A_1557 {strides = array<i32>} : memref<40x128xi32, #tpu.memory_space<vmem>>, vector<1x16xi32>,
      %broadcast_in_dim3A_1558 = vector.broadcast %add3A_48 : i32 to vector<16xi32>
      %swap3A_1559 = arith.constant 38 : i32
      %swap3A_1560 = arith.index_cast %swap3A_1559 : i32 to index
      %swap3A_1561 = arith.constant 80 : index
      %swap3A_1562 = tpu.vector_load %arg22[%swap3A_1560, %swap3A_1561] {strides = array<i32>} : memref<40x128xi32, #tpu.memory_space<vmem>>, vector<1x16xi32>,
      %swap3A_1563 = vector.shape_cast %swap3A_1562 : vector<1x16xi32> to vector<16xi32>
      %swap3A_1564 = vector.shape_cast %broadcast_in_dim3A_1558 : vector<16xi32> to vector<1x16xi32>
      tpu.vector_store %arg22[%swap3A_1560, %swap3A_1561], %swap3A_1564 {strides = array<i32>} : memref<40x128xi32, #tpu.memory_space<vmem>>, vector<1x16xi32>,
      %broadcast_in_dim3A_1565 = arith.constant 0 : i32
      %broadcast_in_dim3A_1566 = vector.broadcast %broadcast_in_dim3A_1565 : i32 to vector<16xi32>
      %swap3A_1567 = arith.constant 38 : i32
      %swap3A_1568 = arith.index_cast %swap3A_1567 : i32 to index
      %swap3A_1569 = arith.constant 96 : index
      %swap3A_1570 = tpu.vector_load %arg21[%swap3A_1568, %swap3A_1569] {strides = array<i32>} : memref<40x128xi32, #tpu.memory_space<vmem>>, vector<1x16xi32>,
      %swap3A_1571 = vector.shape_cast %swap3A_1570 : vector<1x16xi32> to vector<16xi32>
      %swap3A_1572 = vector.shape_cast %broadcast_in_dim3A_1566 : vector<16xi32> to vector<1x16xi32>
      tpu.vector_store %arg21[%swap3A_1568, %swap3A_1569], %swap3A_1572 {strides = array<i32>} : memref<40x128xi32, #tpu.memory_space<vmem>>, vector<1x16xi32>,
      %broadcast_in_dim3A_1573 = vector.broadcast %add3A_48 : i32 to vector<16xi32>
      %swap3A_1574 = arith.constant 38 : i32
      %swap3A_1575 = arith.index_cast %swap3A_1574 : i32 to index
      %swap3A_1576 = arith.constant 96 : index
      %swap3A_1577 = tpu.vector_load %arg22[%swap3A_1575, %swap3A_1576] {strides = array<i32>} : memref<40x128xi32, #tpu.memory_space<vmem>>, vector<1x16xi32>,
      %swap3A_1578 = vector.shape_cast %swap3A_1577 : vector<1x16xi32> to vector<16xi32>
      %swap3A_1579 = vector.shape_cast %broadcast_in_dim3A_1573 : vector<16xi32> to vector<1x16xi32>
      tpu.vector_store %arg22[%swap3A_1575, %swap3A_1576], %swap3A_1579 {strides = array<i32>} : memref<40x128xi32, #tpu.memory_space<vmem>>, vector<1x16xi32>,
      %broadcast_in_dim3A_1580 = arith.constant 0 : i32
      %broadcast_in_dim3A_1581 = vector.broadcast %broadcast_in_dim3A_1580 : i32 to vector<16xi32>
      %swap3A_1582 = arith.constant 38 : i32
      %swap3A_1583 = arith.index_cast %swap3A_1582 : i32 to index
      %swap3A_1584 = arith.constant 112 : index
      %swap3A_1585 = tpu.vector_load %arg21[%swap3A_1583, %swap3A_1584] {strides = array<i32>} : memref<40x128xi32, #tpu.memory_space<vmem>>, vector<1x16xi32>,
      %swap3A_1586 = vector.shape_cast %swap3A_1585 : vector<1x16xi32> to vector<16xi32>
      %swap3A_1587 = vector.shape_cast %broadcast_in_dim3A_1581 : vector<16xi32> to vector<1x16xi32>
      tpu.vector_store %arg21[%swap3A_1583, %swap3A_1584], %swap3A_1587 {strides = array<i32>} : memref<40x128xi32, #tpu.memory_space<vmem>>, vector<1x16xi32>,
      %broadcast_in_dim3A_1588 = vector.broadcast %add3A_48 : i32 to vector<16xi32>
      %swap3A_1589 = arith.constant 38 : i32
      %swap3A_1590 = arith.index_cast %swap3A_1589 : i32 to index
      %swap3A_1591 = arith.constant 112 : index
      %swap3A_1592 = tpu.vector_load %arg22[%swap3A_1590, %swap3A_1591] {strides = array<i32>} : memref<40x128xi32, #tpu.memory_space<vmem>>, vector<1x16xi32>,
      %swap3A_1593 = vector.shape_cast %swap3A_1592 : vector<1x16xi32> to vector<16xi32>
      %swap3A_1594 = vector.shape_cast %broadcast_in_dim3A_1588 : vector<16xi32> to vector<1x16xi32>
      tpu.vector_store %arg22[%swap3A_1590, %swap3A_1591], %swap3A_1594 {strides = array<i32>} : memref<40x128xi32, #tpu.memory_space<vmem>>, vector<1x16xi32>,
    } else {
    }
    %dma_start3A_936 = arith.constant 0 : i32
    %dma_start3A_937 = arith.constant 0 : i32
    %dma_start3A_938 = tpu.memref_slice %arg21[%dma_start3A_936, %dma_start3A_937] : memref<40x128xi32, #tpu.memory_space<vmem>> -> memref<1x128xi32, #tpu.memory_space<vmem>>
    %dma_start3A_939 = tpu.memref_squeeze %dma_start3A_938 : memref<1x128xi32, #tpu.memory_space<vmem>> -> memref<128xi32, #tpu.memory_space<vmem>>
    %dma_start3A_940 = arith.constant 0 : i32
    %dma_start3A_941 = arith.constant 0 : i32
    %dma_start3A_942 = tpu.memref_slice %arg15[%dma_start3A_940, %dma_start3A_941] : memref<10000x64xf32, #tpu.memory_space<vmem_shared>> -> memref<10000x64xf32, #tpu.memory_space<vmem_shared>>
    tpu.enqueue_indirect_dma source(%dma_start3A_942 : memref<10000x64xf32, #tpu.memory_space<vmem_shared>>) target(%arg23 : memref<128x64xf32, #tpu.memory_space<vmem>>) offsets(%dma_start3A_939 : memref<128xi32, #tpu.memory_space<vmem>>) semaphore(%arg25 : memref<!tpu.dma_semaphore, #tpu.memory_space<semaphore_mem>>)
    %scan3A_943 = arith.constant 0 : i32
    %scan3A_944 = arith.constant 0 : i32
    %scan3A_945 = arith.constant 19 : i32
    %scan3A_946 = arith.addi %scan3A_944, %scan3A_945 : i32
    %scan3A_947 = arith.constant 1 : i32
    scf.for %scan3A_1477 = %scan3A_944 to %scan3A_946 step %scan3A_947  : i32 {
      %mul3A_1478 = arith.constant 2 : i32
      %mul3A_1479 = arith.muli %mul3A_1478, %scan3A_1477 : i32
      %add3A_1480 = arith.constant 1 : i32
      %add3A_1481 = arith.addi %mul3A_1479, %add3A_1480 : i32
      %dma_wait3A_1482 = arith.constant 0 : i32
      %dma_wait3A_1483 = tpu.memref_slice %arg21[%mul3A_1479, %dma_wait3A_1482] : memref<40x128xi32, #tpu.memory_space<vmem>> -> memref<1x128xi32, #tpu.memory_space<vmem>>
      %dma_wait3A_1484 = tpu.memref_squeeze %dma_wait3A_1483 : memref<1x128xi32, #tpu.memory_space<vmem>> -> memref<128xi32, #tpu.memory_space<vmem>>
      %dma_wait3A_1485 = arith.constant 0 : i32
      %dma_wait3A_1486 = arith.constant 0 : i32
      %dma_wait3A_1487 = tpu.memref_slice %arg15[%dma_wait3A_1485, %dma_wait3A_1486] : memref<10000x64xf32, #tpu.memory_space<vmem_shared>> -> memref<10000x64xf32, #tpu.memory_space<vmem_shared>>
      tpu.wait_indirect_dma semaphore(%arg25 : memref<!tpu.dma_semaphore, #tpu.memory_space<semaphore_mem>>) src(%dma_wait3A_1487 : memref<10000x64xf32, #tpu.memory_space<vmem_shared>>) dst(%arg23 : memref<128x64xf32, #tpu.memory_space<vmem>>)
      %dma_start3A_1488 = arith.constant 0 : i32
      %dma_start3A_1489 = tpu.memref_slice %arg22[%mul3A_1479, %dma_start3A_1488] : memref<40x128xi32, #tpu.memory_space<vmem>> -> memref<1x128xi32, #tpu.memory_space<vmem>>
      %dma_start3A_1490 = tpu.memref_squeeze %dma_start3A_1489 : memref<1x128xi32, #tpu.memory_space<vmem>> -> memref<128xi32, #tpu.memory_space<vmem>>
      %dma_start3A_1491 = arith.constant 0 : i32
      %dma_start3A_1492 = arith.constant 0 : i32
      %dma_start3A_1493 = tpu.memref_slice %arg16[%dma_start3A_1491, %dma_start3A_1492] : memref<10240x64xf32, #tpu.memory_space<vmem_shared>> -> memref<10240x64xf32, #tpu.memory_space<vmem_shared>>
      tpu.enqueue_indirect_dma source(%arg23 : memref<128x64xf32, #tpu.memory_space<vmem>>) target(%dma_start3A_1493 : memref<10240x64xf32, #tpu.memory_space<vmem_shared>>) offsets(%dma_start3A_1490 : memref<128xi32, #tpu.memory_space<vmem>>) semaphore(%arg27 : memref<!tpu.dma_semaphore, #tpu.memory_space<semaphore_mem>>) {add = true}
      %eq3A_1494 = arith.constant 0 : i32
      %eq3A_1495 = arith.cmpi eq, %arg0, %eq3A_1494 : i32
      %convert_element_type3A_1496 = arith.extui %eq3A_1495 : i1 to i32
      %cond3A_1497 = arith.constant 0 : i32
      %cond3A_1498 = arith.cmpi ne, %convert_element_type3A_1496, %cond3A_1497 : i32
      scf.if %cond3A_1498 {
        %dma_start3A_1532 = arith.constant 0 : i32
        %dma_start3A_1533 = tpu.memref_slice %arg22[%mul3A_1479, %dma_start3A_1532] : memref<40x128xi32, #tpu.memory_space<vmem>> -> memref<1x128xi32, #tpu.memory_space<vmem>>
        %dma_start3A_1534 = tpu.memref_squeeze %dma_start3A_1533 : memref<1x128xi32, #tpu.memory_space<vmem>> -> memref<128xi32, #tpu.memory_space<vmem>>
        %dma_start3A_1535 = arith.constant 0 : i32
        %dma_start3A_1536 = arith.constant 0 : i32
        %dma_start3A_1537 = tpu.memref_slice %arg17[%dma_start3A_1535, %dma_start3A_1536] : memref<10240x8xf32, #tpu.memory_space<vmem_shared>> -> memref<10240x8xf32, #tpu.memory_space<vmem_shared>>
        tpu.enqueue_indirect_dma source(%arg20 : memref<128x8xf32, #tpu.memory_space<vmem>>) target(%dma_start3A_1537 : memref<10240x8xf32, #tpu.memory_space<vmem_shared>>) offsets(%dma_start3A_1534 : memref<128xi32, #tpu.memory_space<vmem>>) semaphore(%arg27 : memref<!tpu.dma_semaphore, #tpu.memory_space<semaphore_mem>>) {add = true}
      } else {
      }
      %gt3A = arith.constant 0 : i32
      %gt3A_1499 = arith.cmpi sgt, %scan3A_1477, %gt3A : i32
      %convert_element_type3A_1500 = arith.extui %gt3A_1499 : i1 to i32
      %cond3A_1501 = arith.constant 0 : i32
      %cond3A_1502 = arith.cmpi ne, %convert_element_type3A_1500, %cond3A_1501 : i32
      scf.if %cond3A_1502 {
        %sub3A_1532 = arith.constant 2 : i32
        %sub3A_1533 = arith.subi %add3A_1481, %sub3A_1532 : i32
        %dma_wait3A_1534 = arith.constant 0 : i32
        %dma_wait3A_1535 = tpu.memref_slice %arg22[%sub3A_1533, %dma_wait3A_1534] : memref<40x128xi32, #tpu.memory_space<vmem>> -> memref<1x128xi32, #tpu.memory_space<vmem>>
        %dma_wait3A_1536 = tpu.memref_squeeze %dma_wait3A_1535 : memref<1x128xi32, #tpu.memory_space<vmem>> -> memref<128xi32, #tpu.memory_space<vmem>>
        %dma_wait3A_1537 = arith.constant 0 : i32
        %dma_wait3A_1538 = arith.constant 0 : i32
        %dma_wait3A_1539 = tpu.memref_slice %arg16[%dma_wait3A_1537, %dma_wait3A_1538] : memref<10240x64xf32, #tpu.memory_space<vmem_shared>> -> memref<10240x64xf32, #tpu.memory_space<vmem_shared>>
        tpu.wait_indirect_dma semaphore(%arg28 : memref<!tpu.dma_semaphore, #tpu.memory_space<semaphore_mem>>) src(%arg24 : memref<128x64xf32, #tpu.memory_space<vmem>>) dst(%dma_wait3A_1539 : memref<10240x64xf32, #tpu.memory_space<vmem_shared>>)
        %eq3A_1540 = arith.constant 1 : i32
        %eq3A_1541 = arith.cmpi eq, %arg0, %eq3A_1540 : i32
        %convert_element_type3A_1542 = arith.extui %eq3A_1541 : i1 to i32
        %cond3A_1543 = arith.constant 0 : i32
        %cond3A_1544 = arith.cmpi ne, %convert_element_type3A_1542, %cond3A_1543 : i32
        scf.if %cond3A_1544 {
          %dma_wait3A_1545 = arith.constant 0 : i32
          %dma_wait3A_1546 = tpu.memref_slice %arg22[%sub3A_1533, %dma_wait3A_1545] : memref<40x128xi32, #tpu.memory_space<vmem>> -> memref<1x128xi32, #tpu.memory_space<vmem>>
          %dma_wait3A_1547 = tpu.memref_squeeze %dma_wait3A_1546 : memref<1x128xi32, #tpu.memory_space<vmem>> -> memref<128xi32, #tpu.memory_space<vmem>>
          %dma_wait3A_1548 = arith.constant 0 : i32
          %dma_wait3A_1549 = arith.constant 0 : i32
          %dma_wait3A_1550 = tpu.memref_slice %arg17[%dma_wait3A_1548, %dma_wait3A_1549] : memref<10240x8xf32, #tpu.memory_space<vmem_shared>> -> memref<10240x8xf32, #tpu.memory_space<vmem_shared>>
          tpu.wait_indirect_dma semaphore(%arg28 : memref<!tpu.dma_semaphore, #tpu.memory_space<semaphore_mem>>) src(%arg20 : memref<128x8xf32, #tpu.memory_space<vmem>>) dst(%dma_wait3A_1550 : memref<10240x8xf32, #tpu.memory_space<vmem_shared>>)
        } else {
        }
      } else {
      }
      %dma_start3A_1503 = arith.constant 0 : i32
      %dma_start3A_1504 = tpu.memref_slice %arg21[%add3A_1481, %dma_start3A_1503] : memref<40x128xi32, #tpu.memory_space<vmem>> -> memref<1x128xi32, #tpu.memory_space<vmem>>
      %dma_start3A_1505 = tpu.memref_squeeze %dma_start3A_1504 : memref<1x128xi32, #tpu.memory_space<vmem>> -> memref<128xi32, #tpu.memory_space<vmem>>
      %dma_start3A_1506 = arith.constant 0 : i32
      %dma_start3A_1507 = arith.constant 0 : i32
      %dma_start3A_1508 = tpu.memref_slice %arg15[%dma_start3A_1506, %dma_start3A_1507] : memref<10000x64xf32, #tpu.memory_space<vmem_shared>> -> memref<10000x64xf32, #tpu.memory_space<vmem_shared>>
      tpu.enqueue_indirect_dma source(%dma_start3A_1508 : memref<10000x64xf32, #tpu.memory_space<vmem_shared>>) target(%arg24 : memref<128x64xf32, #tpu.memory_space<vmem>>) offsets(%dma_start3A_1505 : memref<128xi32, #tpu.memory_space<vmem>>) semaphore(%arg26 : memref<!tpu.dma_semaphore, #tpu.memory_space<semaphore_mem>>)
      %dma_wait3A_1509 = arith.constant 0 : i32
      %dma_wait3A_1510 = tpu.memref_slice %arg21[%add3A_1481, %dma_wait3A_1509] : memref<40x128xi32, #tpu.memory_space<vmem>> -> memref<1x128xi32, #tpu.memory_space<vmem>>
      %dma_wait3A_1511 = tpu.memref_squeeze %dma_wait3A_1510 : memref<1x128xi32, #tpu.memory_space<vmem>> -> memref<128xi32, #tpu.memory_space<vmem>>
      %dma_wait3A_1512 = arith.constant 0 : i32
      %dma_wait3A_1513 = arith.constant 0 : i32
      %dma_wait3A_1514 = tpu.memref_slice %arg15[%dma_wait3A_1512, %dma_wait3A_1513] : memref<10000x64xf32, #tpu.memory_space<vmem_shared>> -> memref<10000x64xf32, #tpu.memory_space<vmem_shared>>
      tpu.wait_indirect_dma semaphore(%arg26 : memref<!tpu.dma_semaphore, #tpu.memory_space<semaphore_mem>>) src(%dma_wait3A_1514 : memref<10000x64xf32, #tpu.memory_space<vmem_shared>>) dst(%arg24 : memref<128x64xf32, #tpu.memory_space<vmem>>)
      %dma_start3A_1515 = arith.constant 0 : i32
      %dma_start3A_1516 = tpu.memref_slice %arg22[%add3A_1481, %dma_start3A_1515] : memref<40x128xi32, #tpu.memory_space<vmem>> -> memref<1x128xi32, #tpu.memory_space<vmem>>
      %dma_start3A_1517 = tpu.memref_squeeze %dma_start3A_1516 : memref<1x128xi32, #tpu.memory_space<vmem>> -> memref<128xi32, #tpu.memory_space<vmem>>
      %dma_start3A_1518 = arith.constant 0 : i32
      %dma_start3A_1519 = arith.constant 0 : i32
      %dma_start3A_1520 = tpu.memref_slice %arg16[%dma_start3A_1518, %dma_start3A_1519] : memref<10240x64xf32, #tpu.memory_space<vmem_shared>> -> memref<10240x64xf32, #tpu.memory_space<vmem_shared>>
      tpu.enqueue_indirect_dma source(%arg24 : memref<128x64xf32, #tpu.memory_space<vmem>>) target(%dma_start3A_1520 : memref<10240x64xf32, #tpu.memory_space<vmem_shared>>) offsets(%dma_start3A_1517 : memref<128xi32, #tpu.memory_space<vmem>>) semaphore(%arg28 : memref<!tpu.dma_semaphore, #tpu.memory_space<semaphore_mem>>) {add = true}
      %eq3A_1521 = arith.constant 1 : i32
      %eq3A_1522 = arith.cmpi eq, %arg0, %eq3A_1521 : i32
      %convert_element_type3A_1523 = arith.extui %eq3A_1522 : i1 to i32
      %cond3A_1524 = arith.constant 0 : i32
      %cond3A_1525 = arith.cmpi ne, %convert_element_type3A_1523, %cond3A_1524 : i32
      scf.if %cond3A_1525 {
        %dma_start3A_1532 = arith.constant 0 : i32
        %dma_start3A_1533 = tpu.memref_slice %arg22[%add3A_1481, %dma_start3A_1532] : memref<40x128xi32, #tpu.memory_space<vmem>> -> memref<1x128xi32, #tpu.memory_space<vmem>>
        %dma_start3A_1534 = tpu.memref_squeeze %dma_start3A_1533 : memref<1x128xi32, #tpu.memory_space<vmem>> -> memref<128xi32, #tpu.memory_space<vmem>>
        %dma_start3A_1535 = arith.constant 0 : i32
        %dma_start3A_1536 = arith.constant 0 : i32
        %dma_start3A_1537 = tpu.memref_slice %arg17[%dma_start3A_1535, %dma_start3A_1536] : memref<10240x8xf32, #tpu.memory_space<vmem_shared>> -> memref<10240x8xf32, #tpu.memory_space<vmem_shared>>
        tpu.enqueue_indirect_dma source(%arg20 : memref<128x8xf32, #tpu.memory_space<vmem>>) target(%dma_start3A_1537 : memref<10240x8xf32, #tpu.memory_space<vmem_shared>>) offsets(%dma_start3A_1534 : memref<128xi32, #tpu.memory_space<vmem>>) semaphore(%arg28 : memref<!tpu.dma_semaphore, #tpu.memory_space<semaphore_mem>>) {add = true}
      } else {
      }
      %add3A_1526 = arith.constant 2 : i32
      %add3A_1527 = arith.addi %mul3A_1479, %add3A_1526 : i32
      %lt3A = arith.constant 39 : i32
      %lt3A_1528 = arith.cmpi slt, %add3A_1527, %lt3A : i32
      %convert_element_type3A_1529 = arith.extui %lt3A_1528 : i1 to i32
      %cond3A_1530 = arith.constant 0 : i32
      %cond3A_1531 = arith.cmpi ne, %convert_element_type3A_1529, %cond3A_1530 : i32
      scf.if %cond3A_1531 {
        %dma_wait3A_1532 = arith.constant 0 : i32
        %dma_wait3A_1533 = tpu.memref_slice %arg22[%mul3A_1479, %dma_wait3A_1532] : memref<40x128xi32, #tpu.memory_space<vmem>> -> memref<1x128xi32, #tpu.memory_space<vmem>>
        %dma_wait3A_1534 = tpu.memref_squeeze %dma_wait3A_1533 : memref<1x128xi32, #tpu.memory_space<vmem>> -> memref<128xi32, #tpu.memory_space<vmem>>
        %dma_wait3A_1535 = arith.constant 0 : i32
        %dma_wait3A_1536 = arith.constant 0 : i32
        %dma_wait3A_1537 = tpu.memref_slice %arg16[%dma_wait3A_1535, %dma_wait3A_1536] : memref<10240x64xf32, #tpu.memory_space<vmem_shared>> -> memref<10240x64xf32, #tpu.memory_space<vmem_shared>>
        tpu.wait_indirect_dma semaphore(%arg27 : memref<!tpu.dma_semaphore, #tpu.memory_space<semaphore_mem>>) src(%arg23 : memref<128x64xf32, #tpu.memory_space<vmem>>) dst(%dma_wait3A_1537 : memref<10240x64xf32, #tpu.memory_space<vmem_shared>>)
        %eq3A_1538 = arith.constant 0 : i32
        %eq3A_1539 = arith.cmpi eq, %arg0, %eq3A_1538 : i32
        %convert_element_type3A_1540 = arith.extui %eq3A_1539 : i1 to i32
        %cond3A_1541 = arith.constant 0 : i32
        %cond3A_1542 = arith.cmpi ne, %convert_element_type3A_1540, %cond3A_1541 : i32
        scf.if %cond3A_1542 {
          %dma_wait3A_1551 = arith.constant 0 : i32
          %dma_wait3A_1552 = tpu.memref_slice %arg22[%mul3A_1479, %dma_wait3A_1551] : memref<40x128xi32, #tpu.memory_space<vmem>> -> memref<1x128xi32, #tpu.memory_space<vmem>>
          %dma_wait3A_1553 = tpu.memref_squeeze %dma_wait3A_1552 : memref<1x128xi32, #tpu.memory_space<vmem>> -> memref<128xi32, #tpu.memory_space<vmem>>
          %dma_wait3A_1554 = arith.constant 0 : i32
          %dma_wait3A_1555 = arith.constant 0 : i32
          %dma_wait3A_1556 = tpu.memref_slice %arg17[%dma_wait3A_1554, %dma_wait3A_1555] : memref<10240x8xf32, #tpu.memory_space<vmem_shared>> -> memref<10240x8xf32, #tpu.memory_space<vmem_shared>>
          tpu.wait_indirect_dma semaphore(%arg27 : memref<!tpu.dma_semaphore, #tpu.memory_space<semaphore_mem>>) src(%arg20 : memref<128x8xf32, #tpu.memory_space<vmem>>) dst(%dma_wait3A_1556 : memref<10240x8xf32, #tpu.memory_space<vmem_shared>>)
        } else {
        }
        %add3A_1543 = arith.constant 2 : i32
        %add3A_1544 = arith.addi %mul3A_1479, %add3A_1543 : i32
        %dma_start3A_1545 = arith.constant 0 : i32
        %dma_start3A_1546 = tpu.memref_slice %arg21[%add3A_1544, %dma_start3A_1545] : memref<40x128xi32, #tpu.memory_space<vmem>> -> memref<1x128xi32, #tpu.memory_space<vmem>>
        %dma_start3A_1547 = tpu.memref_squeeze %dma_start3A_1546 : memref<1x128xi32, #tpu.memory_space<vmem>> -> memref<128xi32, #tpu.memory_space<vmem>>
        %dma_start3A_1548 = arith.constant 0 : i32
        %dma_start3A_1549 = arith.constant 0 : i32
        %dma_start3A_1550 = tpu.memref_slice %arg15[%dma_start3A_1548, %dma_start3A_1549] : memref<10000x64xf32, #tpu.memory_space<vmem_shared>> -> memref<10000x64xf32, #tpu.memory_space<vmem_shared>>
        tpu.enqueue_indirect_dma source(%dma_start3A_1550 : memref<10000x64xf32, #tpu.memory_space<vmem_shared>>) target(%arg23 : memref<128x64xf32, #tpu.memory_space<vmem>>) offsets(%dma_start3A_1547 : memref<128xi32, #tpu.memory_space<vmem>>) semaphore(%arg25 : memref<!tpu.dma_semaphore, #tpu.memory_space<semaphore_mem>>)
      } else {
      }
    }
    %scan3A_948 = arith.constant 19 : i32
    %dma_wait3A_949 = arith.constant 38 : i32
    %dma_wait3A_950 = arith.constant 0 : i32
    %dma_wait3A_951 = tpu.memref_slice %arg21[%dma_wait3A_949, %dma_wait3A_950] : memref<40x128xi32, #tpu.memory_space<vmem>> -> memref<1x128xi32, #tpu.memory_space<vmem>>
    %dma_wait3A_952 = tpu.memref_squeeze %dma_wait3A_951 : memref<1x128xi32, #tpu.memory_space<vmem>> -> memref<128xi32, #tpu.memory_space<vmem>>
    %dma_wait3A_953 = arith.constant 0 : i32
    %dma_wait3A_954 = arith.constant 0 : i32
    %dma_wait3A_955 = tpu.memref_slice %arg15[%dma_wait3A_953, %dma_wait3A_954] : memref<10000x64xf32, #tpu.memory_space<vmem_shared>> -> memref<10000x64xf32, #tpu.memory_space<vmem_shared>>
    tpu.wait_indirect_dma semaphore(%arg25 : memref<!tpu.dma_semaphore, #tpu.memory_space<semaphore_mem>>) src(%dma_wait3A_955 : memref<10000x64xf32, #tpu.memory_space<vmem_shared>>) dst(%arg23 : memref<128x64xf32, #tpu.memory_space<vmem>>)
    %dma_start3A_956 = arith.constant 38 : i32
    %dma_start3A_957 = arith.constant 0 : i32
    %dma_start3A_958 = tpu.memref_slice %arg22[%dma_start3A_956, %dma_start3A_957] : memref<40x128xi32, #tpu.memory_space<vmem>> -> memref<1x128xi32, #tpu.memory_space<vmem>>
    %dma_start3A_959 = tpu.memref_squeeze %dma_start3A_958 : memref<1x128xi32, #tpu.memory_space<vmem>> -> memref<128xi32, #tpu.memory_space<vmem>>
    %dma_start3A_960 = arith.constant 0 : i32
    %dma_start3A_961 = arith.constant 0 : i32
    %dma_start3A_962 = tpu.memref_slice %arg16[%dma_start3A_960, %dma_start3A_961] : memref<10240x64xf32, #tpu.memory_space<vmem_shared>> -> memref<10240x64xf32, #tpu.memory_space<vmem_shared>>
    tpu.enqueue_indirect_dma source(%arg23 : memref<128x64xf32, #tpu.memory_space<vmem>>) target(%dma_start3A_962 : memref<10240x64xf32, #tpu.memory_space<vmem_shared>>) offsets(%dma_start3A_959 : memref<128xi32, #tpu.memory_space<vmem>>) semaphore(%arg27 : memref<!tpu.dma_semaphore, #tpu.memory_space<semaphore_mem>>) {add = true}
    %eq3A_963 = arith.constant 0 : i32
    %eq3A_964 = arith.cmpi eq, %arg0, %eq3A_963 : i32
    %convert_element_type3A_965 = arith.extui %eq3A_964 : i1 to i32
    %cond3A_966 = arith.constant 0 : i32
    %cond3A_967 = arith.cmpi ne, %convert_element_type3A_965, %cond3A_966 : i32
    scf.if %cond3A_967 {
      %dma_start3A_1477 = arith.constant 38 : i32
      %dma_start3A_1478 = arith.constant 0 : i32
      %dma_start3A_1479 = tpu.memref_slice %arg22[%dma_start3A_1477, %dma_start3A_1478] : memref<40x128xi32, #tpu.memory_space<vmem>> -> memref<1x128xi32, #tpu.memory_space<vmem>>
      %dma_start3A_1480 = tpu.memref_squeeze %dma_start3A_1479 : memref<1x128xi32, #tpu.memory_space<vmem>> -> memref<128xi32, #tpu.memory_space<vmem>>
      %dma_start3A_1481 = arith.constant 0 : i32
      %dma_start3A_1482 = arith.constant 0 : i32
      %dma_start3A_1483 = tpu.memref_slice %arg17[%dma_start3A_1481, %dma_start3A_1482] : memref<10240x8xf32, #tpu.memory_space<vmem_shared>> -> memref<10240x8xf32, #tpu.memory_space<vmem_shared>>
      tpu.enqueue_indirect_dma source(%arg20 : memref<128x8xf32, #tpu.memory_space<vmem>>) target(%dma_start3A_1483 : memref<10240x8xf32, #tpu.memory_space<vmem_shared>>) offsets(%dma_start3A_1480 : memref<128xi32, #tpu.memory_space<vmem>>) semaphore(%arg27 : memref<!tpu.dma_semaphore, #tpu.memory_space<semaphore_mem>>) {add = true}
    } else {
    }
    %dma_wait3A_968 = arith.constant 37 : i32
    %dma_wait3A_969 = arith.constant 0 : i32
    %dma_wait3A_970 = tpu.memref_slice %arg22[%dma_wait3A_968, %dma_wait3A_969] : memref<40x128xi32, #tpu.memory_space<vmem>> -> memref<1x128xi32, #tpu.memory_space<vmem>>
    %dma_wait3A_971 = tpu.memref_squeeze %dma_wait3A_970 : memref<1x128xi32, #tpu.memory_space<vmem>> -> memref<128xi32, #tpu.memory_space<vmem>>
    %dma_wait3A_972 = arith.constant 0 : i32
    %dma_wait3A_973 = arith.constant 0 : i32
    %dma_wait3A_974 = tpu.memref_slice %arg16[%dma_wait3A_972, %dma_wait3A_973] : memref<10240x64xf32, #tpu.memory_space<vmem_shared>> -> memref<10240x64xf32, #tpu.memory_space<vmem_shared>>
    tpu.wait_indirect_dma semaphore(%arg28 : memref<!tpu.dma_semaphore, #tpu.memory_space<semaphore_mem>>) src(%arg24 : memref<128x64xf32, #tpu.memory_space<vmem>>) dst(%dma_wait3A_974 : memref<10240x64xf32, #tpu.memory_space<vmem_shared>>)
    %eq3A_975 = arith.constant 1 : i32
    %eq3A_976 = arith.cmpi eq, %arg0, %eq3A_975 : i32
    %convert_element_type3A_977 = arith.extui %eq3A_976 : i1 to i32
    %cond3A_978 = arith.constant 0 : i32
    %cond3A_979 = arith.cmpi ne, %convert_element_type3A_977, %cond3A_978 : i32
    scf.if %cond3A_979 {
      %dma_wait3A_1477 = arith.constant 37 : i32
      %dma_wait3A_1478 = arith.constant 0 : i32
      %dma_wait3A_1479 = tpu.memref_slice %arg22[%dma_wait3A_1477, %dma_wait3A_1478] : memref<40x128xi32, #tpu.memory_space<vmem>> -> memref<1x128xi32, #tpu.memory_space<vmem>>
      %dma_wait3A_1480 = tpu.memref_squeeze %dma_wait3A_1479 : memref<1x128xi32, #tpu.memory_space<vmem>> -> memref<128xi32, #tpu.memory_space<vmem>>
      %dma_wait3A_1481 = arith.constant 0 : i32
      %dma_wait3A_1482 = arith.constant 0 : i32
      %dma_wait3A_1483 = tpu.memref_slice %arg17[%dma_wait3A_1481, %dma_wait3A_1482] : memref<10240x8xf32, #tpu.memory_space<vmem_shared>> -> memref<10240x8xf32, #tpu.memory_space<vmem_shared>>
      tpu.wait_indirect_dma semaphore(%arg28 : memref<!tpu.dma_semaphore, #tpu.memory_space<semaphore_mem>>) src(%arg20 : memref<128x8xf32, #tpu.memory_space<vmem>>) dst(%dma_wait3A_1483 : memref<10240x8xf32, #tpu.memory_space<vmem_shared>>)
    } else {
    }
    %dma_wait3A_980 = arith.constant 38 : i32
    %dma_wait3A_981 = arith.constant 0 : i32
    %dma_wait3A_982 = tpu.memref_slice %arg22[%dma_wait3A_980, %dma_wait3A_981] : memref<40x128xi32, #tpu.memory_space<vmem>> -> memref<1x128xi32, #tpu.memory_space<vmem>>
    %dma_wait3A_983 = tpu.memref_squeeze %dma_wait3A_982 : memref<1x128xi32, #tpu.memory_space<vmem>> -> memref<128xi32, #tpu.memory_space<vmem>>
    %dma_wait3A_984 = arith.constant 0 : i32
    %dma_wait3A_985 = arith.constant 0 : i32
    %dma_wait3A_986 = tpu.memref_slice %arg16[%dma_wait3A_984, %dma_wait3A_985] : memref<10240x64xf32, #tpu.memory_space<vmem_shared>> -> memref<10240x64xf32, #tpu.memory_space<vmem_shared>>
    tpu.wait_indirect_dma semaphore(%arg27 : memref<!tpu.dma_semaphore, #tpu.memory_space<semaphore_mem>>) src(%arg23 : memref<128x64xf32, #tpu.memory_space<vmem>>) dst(%dma_wait3A_986 : memref<10240x64xf32, #tpu.memory_space<vmem_shared>>)
    %eq3A_987 = arith.constant 0 : i32
    %eq3A_988 = arith.cmpi eq, %arg0, %eq3A_987 : i32
    %convert_element_type3A_989 = arith.extui %eq3A_988 : i1 to i32
    %cond3A_990 = arith.constant 0 : i32
    %cond3A_991 = arith.cmpi ne, %convert_element_type3A_989, %cond3A_990 : i32
    scf.if %cond3A_991 {
      %dma_wait3A_1477 = arith.constant 38 : i32
      %dma_wait3A_1478 = arith.constant 0 : i32
      %dma_wait3A_1479 = tpu.memref_slice %arg22[%dma_wait3A_1477, %dma_wait3A_1478] : memref<40x128xi32, #tpu.memory_space<vmem>> -> memref<1x128xi32, #tpu.memory_space<vmem>>
      %dma_wait3A_1480 = tpu.memref_squeeze %dma_wait3A_1479 : memref<1x128xi32, #tpu.memory_space<vmem>> -> memref<128xi32, #tpu.memory_space<vmem>>
      %dma_wait3A_1481 = arith.constant 0 : i32
      %dma_wait3A_1482 = arith.constant 0 : i32
      %dma_wait3A_1483 = tpu.memref_slice %arg17[%dma_wait3A_1481, %dma_wait3A_1482] : memref<10240x8xf32, #tpu.memory_space<vmem_shared>> -> memref<10240x8xf32, #tpu.memory_space<vmem_shared>>
      tpu.wait_indirect_dma semaphore(%arg27 : memref<!tpu.dma_semaphore, #tpu.memory_space<semaphore_mem>>) src(%arg20 : memref<128x8xf32, #tpu.memory_space<vmem>>) dst(%dma_wait3A_1483 : memref<10240x8xf32, #tpu.memory_space<vmem_shared>>)
    } else {
    }
    %barrier3A_992 = arith.constant 0 : index
    tpu.barrier barrier_id(%barrier3A_992)
    %mul3A_993 = arith.constant 10240 : i32
    %mul3A_994 = arith.muli %add3A_524, %mul3A_993 : i32
    %add3A_995 = arith.addi %mul3A_994, %mul3A_50 : i32
    "tpu.region"() ({
      %run_scoped3A = tpu.sem_alloc : memref<!tpu.dma_semaphore, #tpu.memory_space<semaphore_mem>>
      %dma_start3A_1477 = arith.constant 0 : i32
      %dma_start3A_1478 = tpu.memref_slice %arg13[%add3A_995, %dma_start3A_1477] : memref<61440x64xf32, #tpu.memory_space<hbm>> -> memref<640x64xf32, #tpu.memory_space<hbm>>
      %dma_start3A_1479 = arith.constant 0 : i32
      %dma_start3A_1480 = tpu.memref_slice %arg16[%mul3A_50, %dma_start3A_1479] : memref<10240x64xf32, #tpu.memory_space<vmem_shared>> -> memref<640x64xf32, #tpu.memory_space<vmem_shared>>
      tpu.enqueue_dma source(%dma_start3A_1480 : memref<640x64xf32, #tpu.memory_space<vmem_shared>>) target(%dma_start3A_1478 : memref<640x64xf32, #tpu.memory_space<hbm>>) target_semaphore(%run_scoped3A : memref<!tpu.dma_semaphore, #tpu.memory_space<semaphore_mem>>)
      %dma_wait3A_1481 = arith.constant 0 : i32
      %dma_wait3A_1482 = tpu.memref_slice %arg13[%add3A_995, %dma_wait3A_1481] : memref<61440x64xf32, #tpu.memory_space<hbm>> -> memref<640x64xf32, #tpu.memory_space<hbm>>
      %dma_wait3A_1483 = arith.constant 0 : i32
      %dma_wait3A_1484 = tpu.memref_slice %arg16[%mul3A_50, %dma_wait3A_1483] : memref<10240x64xf32, #tpu.memory_space<vmem_shared>> -> memref<640x64xf32, #tpu.memory_space<vmem_shared>>
      tpu.wait_dma2 semaphore(%run_scoped3A : memref<!tpu.dma_semaphore, #tpu.memory_space<semaphore_mem>>) src(%dma_wait3A_1484 : memref<640x64xf32, #tpu.memory_space<vmem_shared>>) dst(%dma_wait3A_1482 : memref<640x64xf32, #tpu.memory_space<hbm>>)
      tpu.yield
    }) : () -> ()
    "tpu.region"() ({
      %run_scoped3A = tpu.sem_alloc : memref<!tpu.dma_semaphore, #tpu.memory_space<semaphore_mem>>
      %dma_start3A_1477 = arith.constant 0 : i32
      %dma_start3A_1478 = tpu.memref_slice %arg14[%add3A_995, %dma_start3A_1477] : memref<61440x8xf32, #tpu.memory_space<hbm>> -> memref<640x8xf32, #tpu.memory_space<hbm>>
      %dma_start3A_1479 = arith.constant 0 : i32
      %dma_start3A_1480 = tpu.memref_slice %arg17[%mul3A_50, %dma_start3A_1479] : memref<10240x8xf32, #tpu.memory_space<vmem_shared>> -> memref<640x8xf32, #tpu.memory_space<vmem_shared>>
      tpu.enqueue_dma source(%dma_start3A_1480 : memref<640x8xf32, #tpu.memory_space<vmem_shared>>) target(%dma_start3A_1478 : memref<640x8xf32, #tpu.memory_space<hbm>>) target_semaphore(%run_scoped3A : memref<!tpu.dma_semaphore, #tpu.memory_space<semaphore_mem>>)
      %dma_wait3A_1481 = arith.constant 0 : i32
      %dma_wait3A_1482 = tpu.memref_slice %arg14[%add3A_995, %dma_wait3A_1481] : memref<61440x8xf32, #tpu.memory_space<hbm>> -> memref<640x8xf32, #tpu.memory_space<hbm>>
      %dma_wait3A_1483 = arith.constant 0 : i32
      %dma_wait3A_1484 = tpu.memref_slice %arg17[%mul3A_50, %dma_wait3A_1483] : memref<10240x8xf32, #tpu.memory_space<vmem_shared>> -> memref<640x8xf32, #tpu.memory_space<vmem_shared>>
      tpu.wait_dma2 semaphore(%run_scoped3A : memref<!tpu.dma_semaphore, #tpu.memory_space<semaphore_mem>>) src(%dma_wait3A_1484 : memref<640x8xf32, #tpu.memory_space<vmem_shared>>) dst(%dma_wait3A_1482 : memref<640x8xf32, #tpu.memory_space<hbm>>)
      tpu.yield
    }) : () -> ()
    %barrier3A_996 = arith.constant 0 : index
    tpu.barrier barrier_id(%barrier3A_996)
    %add3A_997 = arith.constant 2 : i32
    %add3A_998 = arith.addi %add3A_997, %arg0 : i32
    %mul3A_999 = arith.constant 625 : i32
    %mul3A_1000 = arith.muli %arg1, %mul3A_999 : i32
    %mul3A_1001 = arith.constant 64 : i32
    %mul3A_1002 = arith.muli %arg0, %mul3A_1001 : i32
    %mul3A_1003 = arith.constant 625 : i32
    %mul3A_1004 = arith.muli %arg1, %mul3A_1003 : i32
    "tpu.region"() ({
      %run_scoped3A = tpu.sem_alloc : memref<!tpu.dma_semaphore, #tpu.memory_space<semaphore_mem>>
      %dma_start3A_1477 = arith.constant 0 : i32
      %dma_start3A_1478 = tpu.memref_slice %arg15[%mul3A_1004, %dma_start3A_1477] : memref<10000x64xf32, #tpu.memory_space<vmem_shared>> -> memref<625x64xf32, #tpu.memory_space<vmem_shared>>
      %dma_start3A_1479 = tpu.memref_slice %arg3[%mul3A_1000, %mul3A_1002] : memref<10000x128xf32, #tpu.memory_space<hbm>> -> memref<625x64xf32, #tpu.memory_space<hbm>>
      tpu.enqueue_dma source(%dma_start3A_1479 : memref<625x64xf32, #tpu.memory_space<hbm>>) target(%dma_start3A_1478 : memref<625x64xf32, #tpu.memory_space<vmem_shared>>) target_semaphore(%run_scoped3A : memref<!tpu.dma_semaphore, #tpu.memory_space<semaphore_mem>>)
      %dma_wait3A_1480 = arith.constant 0 : i32
      %dma_wait3A_1481 = tpu.memref_slice %arg15[%mul3A_1004, %dma_wait3A_1480] : memref<10000x64xf32, #tpu.memory_space<vmem_shared>> -> memref<625x64xf32, #tpu.memory_space<vmem_shared>>
      %dma_wait3A_1482 = tpu.memref_slice %arg3[%mul3A_1000, %mul3A_1002] : memref<10000x128xf32, #tpu.memory_space<hbm>> -> memref<625x64xf32, #tpu.memory_space<hbm>>
      tpu.wait_dma2 semaphore(%run_scoped3A : memref<!tpu.dma_semaphore, #tpu.memory_space<semaphore_mem>>) src(%dma_wait3A_1482 : memref<625x64xf32, #tpu.memory_space<hbm>>) dst(%dma_wait3A_1481 : memref<625x64xf32, #tpu.memory_space<vmem_shared>>)
      tpu.yield
    }) : () -> ()
    %add3A_1005 = arith.constant 0 : i32
    %add3A_1006 = arith.addi %mul3A_50, %add3A_1005 : i32
    %dma_start3A_1007 = arith.constant 0 : i32
    %dma_start3A_1008 = tpu.memref_slice %arg16[%add3A_1006, %dma_start3A_1007] : memref<10240x64xf32, #tpu.memory_space<vmem_shared>> -> memref<32x64xf32, #tpu.memory_space<vmem_shared>>
    %dma_start3A_1009 = arith.constant 0 : i32
    %dma_start3A_1010 = tpu.memref_slice %arg16[%add3A_1006, %dma_start3A_1009] : memref<10240x64xf32, #tpu.memory_space<vmem_shared>> -> memref<32x64xf32, #tpu.memory_space<vmem_shared>>
    tpu.enqueue_dma source(%arg18 : memref<32x64xf32, #tpu.memory_space<vmem>>) target(%dma_start3A_1010 : memref<32x64xf32, #tpu.memory_space<vmem_shared>>) target_semaphore(%arg25 : memref<!tpu.dma_semaphore, #tpu.memory_space<semaphore_mem>>)
    %add3A_1011 = arith.constant 32 : i32
    %add3A_1012 = arith.addi %mul3A_50, %add3A_1011 : i32
    %dma_start3A_1013 = arith.constant 0 : i32
    %dma_start3A_1014 = tpu.memref_slice %arg16[%add3A_1012, %dma_start3A_1013] : memref<10240x64xf32, #tpu.memory_space<vmem_shared>> -> memref<32x64xf32, #tpu.memory_space<vmem_shared>>
    %dma_start3A_1015 = arith.constant 0 : i32
    %dma_start3A_1016 = tpu.memref_slice %arg16[%add3A_1012, %dma_start3A_1015] : memref<10240x64xf32, #tpu.memory_space<vmem_shared>> -> memref<32x64xf32, #tpu.memory_space<vmem_shared>>
    tpu.enqueue_dma source(%arg18 : memref<32x64xf32, #tpu.memory_space<vmem>>) target(%dma_start3A_1016 : memref<32x64xf32, #tpu.memory_space<vmem_shared>>) target_semaphore(%arg25 : memref<!tpu.dma_semaphore, #tpu.memory_space<semaphore_mem>>)
    %add3A_1017 = arith.constant 64 : i32
    %add3A_1018 = arith.addi %mul3A_50, %add3A_1017 : i32
    %dma_start3A_1019 = arith.constant 0 : i32
    %dma_start3A_1020 = tpu.memref_slice %arg16[%add3A_1018, %dma_start3A_1019] : memref<10240x64xf32, #tpu.memory_space<vmem_shared>> -> memref<32x64xf32, #tpu.memory_space<vmem_shared>>
    %dma_start3A_1021 = arith.constant 0 : i32
    %dma_start3A_1022 = tpu.memref_slice %arg16[%add3A_1018, %dma_start3A_1021] : memref<10240x64xf32, #tpu.memory_space<vmem_shared>> -> memref<32x64xf32, #tpu.memory_space<vmem_shared>>
    tpu.enqueue_dma source(%arg18 : memref<32x64xf32, #tpu.memory_space<vmem>>) target(%dma_start3A_1022 : memref<32x64xf32, #tpu.memory_space<vmem_shared>>) target_semaphore(%arg25 : memref<!tpu.dma_semaphore, #tpu.memory_space<semaphore_mem>>)
    %add3A_1023 = arith.constant 96 : i32
    %add3A_1024 = arith.addi %mul3A_50, %add3A_1023 : i32
    %dma_start3A_1025 = arith.constant 0 : i32
    %dma_start3A_1026 = tpu.memref_slice %arg16[%add3A_1024, %dma_start3A_1025] : memref<10240x64xf32, #tpu.memory_space<vmem_shared>> -> memref<32x64xf32, #tpu.memory_space<vmem_shared>>
    %dma_start3A_1027 = arith.constant 0 : i32
    %dma_start3A_1028 = tpu.memref_slice %arg16[%add3A_1024, %dma_start3A_1027] : memref<10240x64xf32, #tpu.memory_space<vmem_shared>> -> memref<32x64xf32, #tpu.memory_space<vmem_shared>>
    tpu.enqueue_dma source(%arg18 : memref<32x64xf32, #tpu.memory_space<vmem>>) target(%dma_start3A_1028 : memref<32x64xf32, #tpu.memory_space<vmem_shared>>) target_semaphore(%arg25 : memref<!tpu.dma_semaphore, #tpu.memory_space<semaphore_mem>>)
    %add3A_1029 = arith.constant 128 : i32
    %add3A_1030 = arith.addi %mul3A_50, %add3A_1029 : i32
    %dma_start3A_1031 = arith.constant 0 : i32
    %dma_start3A_1032 = tpu.memref_slice %arg16[%add3A_1030, %dma_start3A_1031] : memref<10240x64xf32, #tpu.memory_space<vmem_shared>> -> memref<32x64xf32, #tpu.memory_space<vmem_shared>>
    %dma_start3A_1033 = arith.constant 0 : i32
    %dma_start3A_1034 = tpu.memref_slice %arg16[%add3A_1030, %dma_start3A_1033] : memref<10240x64xf32, #tpu.memory_space<vmem_shared>> -> memref<32x64xf32, #tpu.memory_space<vmem_shared>>
    tpu.enqueue_dma source(%arg18 : memref<32x64xf32, #tpu.memory_space<vmem>>) target(%dma_start3A_1034 : memref<32x64xf32, #tpu.memory_space<vmem_shared>>) target_semaphore(%arg25 : memref<!tpu.dma_semaphore, #tpu.memory_space<semaphore_mem>>)
    %add3A_1035 = arith.constant 160 : i32
    %add3A_1036 = arith.addi %mul3A_50, %add3A_1035 : i32
    %dma_start3A_1037 = arith.constant 0 : i32
    %dma_start3A_1038 = tpu.memref_slice %arg16[%add3A_1036, %dma_start3A_1037] : memref<10240x64xf32, #tpu.memory_space<vmem_shared>> -> memref<32x64xf32, #tpu.memory_space<vmem_shared>>
    %dma_start3A_1039 = arith.constant 0 : i32
    %dma_start3A_1040 = tpu.memref_slice %arg16[%add3A_1036, %dma_start3A_1039] : memref<10240x64xf32, #tpu.memory_space<vmem_shared>> -> memref<32x64xf32, #tpu.memory_space<vmem_shared>>
    tpu.enqueue_dma source(%arg18 : memref<32x64xf32, #tpu.memory_space<vmem>>) target(%dma_start3A_1040 : memref<32x64xf32, #tpu.memory_space<vmem_shared>>) target_semaphore(%arg25 : memref<!tpu.dma_semaphore, #tpu.memory_space<semaphore_mem>>)
    %add3A_1041 = arith.constant 192 : i32
    %add3A_1042 = arith.addi %mul3A_50, %add3A_1041 : i32
    %dma_start3A_1043 = arith.constant 0 : i32
    %dma_start3A_1044 = tpu.memref_slice %arg16[%add3A_1042, %dma_start3A_1043] : memref<10240x64xf32, #tpu.memory_space<vmem_shared>> -> memref<32x64xf32, #tpu.memory_space<vmem_shared>>
    %dma_start3A_1045 = arith.constant 0 : i32
    %dma_start3A_1046 = tpu.memref_slice %arg16[%add3A_1042, %dma_start3A_1045] : memref<10240x64xf32, #tpu.memory_space<vmem_shared>> -> memref<32x64xf32, #tpu.memory_space<vmem_shared>>
    tpu.enqueue_dma source(%arg18 : memref<32x64xf32, #tpu.memory_space<vmem>>) target(%dma_start3A_1046 : memref<32x64xf32, #tpu.memory_space<vmem_shared>>) target_semaphore(%arg25 : memref<!tpu.dma_semaphore, #tpu.memory_space<semaphore_mem>>)
    %add3A_1047 = arith.constant 224 : i32
    %add3A_1048 = arith.addi %mul3A_50, %add3A_1047 : i32
    %dma_start3A_1049 = arith.constant 0 : i32
    %dma_start3A_1050 = tpu.memref_slice %arg16[%add3A_1048, %dma_start3A_1049] : memref<10240x64xf32, #tpu.memory_space<vmem_shared>> -> memref<32x64xf32, #tpu.memory_space<vmem_shared>>
    %dma_start3A_1051 = arith.constant 0 : i32
    %dma_start3A_1052 = tpu.memref_slice %arg16[%add3A_1048, %dma_start3A_1051] : memref<10240x64xf32, #tpu.memory_space<vmem_shared>> -> memref<32x64xf32, #tpu.memory_space<vmem_shared>>
    tpu.enqueue_dma source(%arg18 : memref<32x64xf32, #tpu.memory_space<vmem>>) target(%dma_start3A_1052 : memref<32x64xf32, #tpu.memory_space<vmem_shared>>) target_semaphore(%arg25 : memref<!tpu.dma_semaphore, #tpu.memory_space<semaphore_mem>>)
    %add3A_1053 = arith.constant 256 : i32
    %add3A_1054 = arith.addi %mul3A_50, %add3A_1053 : i32
    %dma_start3A_1055 = arith.constant 0 : i32
    %dma_start3A_1056 = tpu.memref_slice %arg16[%add3A_1054, %dma_start3A_1055] : memref<10240x64xf32, #tpu.memory_space<vmem_shared>> -> memref<32x64xf32, #tpu.memory_space<vmem_shared>>
    %dma_start3A_1057 = arith.constant 0 : i32
    %dma_start3A_1058 = tpu.memref_slice %arg16[%add3A_1054, %dma_start3A_1057] : memref<10240x64xf32, #tpu.memory_space<vmem_shared>> -> memref<32x64xf32, #tpu.memory_space<vmem_shared>>
    tpu.enqueue_dma source(%arg18 : memref<32x64xf32, #tpu.memory_space<vmem>>) target(%dma_start3A_1058 : memref<32x64xf32, #tpu.memory_space<vmem_shared>>) target_semaphore(%arg25 : memref<!tpu.dma_semaphore, #tpu.memory_space<semaphore_mem>>)
    %add3A_1059 = arith.constant 288 : i32
    %add3A_1060 = arith.addi %mul3A_50, %add3A_1059 : i32
    %dma_start3A_1061 = arith.constant 0 : i32
    %dma_start3A_1062 = tpu.memref_slice %arg16[%add3A_1060, %dma_start3A_1061] : memref<10240x64xf32, #tpu.memory_space<vmem_shared>> -> memref<32x64xf32, #tpu.memory_space<vmem_shared>>
    %dma_start3A_1063 = arith.constant 0 : i32
    %dma_start3A_1064 = tpu.memref_slice %arg16[%add3A_1060, %dma_start3A_1063] : memref<10240x64xf32, #tpu.memory_space<vmem_shared>> -> memref<32x64xf32, #tpu.memory_space<vmem_shared>>
    tpu.enqueue_dma source(%arg18 : memref<32x64xf32, #tpu.memory_space<vmem>>) target(%dma_start3A_1064 : memref<32x64xf32, #tpu.memory_space<vmem_shared>>) target_semaphore(%arg25 : memref<!tpu.dma_semaphore, #tpu.memory_space<semaphore_mem>>)
    %add3A_1065 = arith.constant 320 : i32
    %add3A_1066 = arith.addi %mul3A_50, %add3A_1065 : i32
    %dma_start3A_1067 = arith.constant 0 : i32
    %dma_start3A_1068 = tpu.memref_slice %arg16[%add3A_1066, %dma_start3A_1067] : memref<10240x64xf32, #tpu.memory_space<vmem_shared>> -> memref<32x64xf32, #tpu.memory_space<vmem_shared>>
    %dma_start3A_1069 = arith.constant 0 : i32
    %dma_start3A_1070 = tpu.memref_slice %arg16[%add3A_1066, %dma_start3A_1069] : memref<10240x64xf32, #tpu.memory_space<vmem_shared>> -> memref<32x64xf32, #tpu.memory_space<vmem_shared>>
    tpu.enqueue_dma source(%arg18 : memref<32x64xf32, #tpu.memory_space<vmem>>) target(%dma_start3A_1070 : memref<32x64xf32, #tpu.memory_space<vmem_shared>>) target_semaphore(%arg25 : memref<!tpu.dma_semaphore, #tpu.memory_space<semaphore_mem>>)
    %add3A_1071 = arith.constant 352 : i32
    %add3A_1072 = arith.addi %mul3A_50, %add3A_1071 : i32
    %dma_start3A_1073 = arith.constant 0 : i32
    %dma_start3A_1074 = tpu.memref_slice %arg16[%add3A_1072, %dma_start3A_1073] : memref<10240x64xf32, #tpu.memory_space<vmem_shared>> -> memref<32x64xf32, #tpu.memory_space<vmem_shared>>
    %dma_start3A_1075 = arith.constant 0 : i32
    %dma_start3A_1076 = tpu.memref_slice %arg16[%add3A_1072, %dma_start3A_1075] : memref<10240x64xf32, #tpu.memory_space<vmem_shared>> -> memref<32x64xf32, #tpu.memory_space<vmem_shared>>
    tpu.enqueue_dma source(%arg18 : memref<32x64xf32, #tpu.memory_space<vmem>>) target(%dma_start3A_1076 : memref<32x64xf32, #tpu.memory_space<vmem_shared>>) target_semaphore(%arg25 : memref<!tpu.dma_semaphore, #tpu.memory_space<semaphore_mem>>)
    %add3A_1077 = arith.constant 384 : i32
    %add3A_1078 = arith.addi %mul3A_50, %add3A_1077 : i32
    %dma_start3A_1079 = arith.constant 0 : i32
    %dma_start3A_1080 = tpu.memref_slice %arg16[%add3A_1078, %dma_start3A_1079] : memref<10240x64xf32, #tpu.memory_space<vmem_shared>> -> memref<32x64xf32, #tpu.memory_space<vmem_shared>>
    %dma_start3A_1081 = arith.constant 0 : i32
    %dma_start3A_1082 = tpu.memref_slice %arg16[%add3A_1078, %dma_start3A_1081] : memref<10240x64xf32, #tpu.memory_space<vmem_shared>> -> memref<32x64xf32, #tpu.memory_space<vmem_shared>>
    tpu.enqueue_dma source(%arg18 : memref<32x64xf32, #tpu.memory_space<vmem>>) target(%dma_start3A_1082 : memref<32x64xf32, #tpu.memory_space<vmem_shared>>) target_semaphore(%arg25 : memref<!tpu.dma_semaphore, #tpu.memory_space<semaphore_mem>>)
    %add3A_1083 = arith.constant 416 : i32
    %add3A_1084 = arith.addi %mul3A_50, %add3A_1083 : i32
    %dma_start3A_1085 = arith.constant 0 : i32
    %dma_start3A_1086 = tpu.memref_slice %arg16[%add3A_1084, %dma_start3A_1085] : memref<10240x64xf32, #tpu.memory_space<vmem_shared>> -> memref<32x64xf32, #tpu.memory_space<vmem_shared>>
    %dma_start3A_1087 = arith.constant 0 : i32
    %dma_start3A_1088 = tpu.memref_slice %arg16[%add3A_1084, %dma_start3A_1087] : memref<10240x64xf32, #tpu.memory_space<vmem_shared>> -> memref<32x64xf32, #tpu.memory_space<vmem_shared>>
    tpu.enqueue_dma source(%arg18 : memref<32x64xf32, #tpu.memory_space<vmem>>) target(%dma_start3A_1088 : memref<32x64xf32, #tpu.memory_space<vmem_shared>>) target_semaphore(%arg25 : memref<!tpu.dma_semaphore, #tpu.memory_space<semaphore_mem>>)
    %add3A_1089 = arith.constant 448 : i32
    %add3A_1090 = arith.addi %mul3A_50, %add3A_1089 : i32
    %dma_start3A_1091 = arith.constant 0 : i32
    %dma_start3A_1092 = tpu.memref_slice %arg16[%add3A_1090, %dma_start3A_1091] : memref<10240x64xf32, #tpu.memory_space<vmem_shared>> -> memref<32x64xf32, #tpu.memory_space<vmem_shared>>
    %dma_start3A_1093 = arith.constant 0 : i32
    %dma_start3A_1094 = tpu.memref_slice %arg16[%add3A_1090, %dma_start3A_1093] : memref<10240x64xf32, #tpu.memory_space<vmem_shared>> -> memref<32x64xf32, #tpu.memory_space<vmem_shared>>
    tpu.enqueue_dma source(%arg18 : memref<32x64xf32, #tpu.memory_space<vmem>>) target(%dma_start3A_1094 : memref<32x64xf32, #tpu.memory_space<vmem_shared>>) target_semaphore(%arg25 : memref<!tpu.dma_semaphore, #tpu.memory_space<semaphore_mem>>)
    %add3A_1095 = arith.constant 480 : i32
    %add3A_1096 = arith.addi %mul3A_50, %add3A_1095 : i32
    %dma_start3A_1097 = arith.constant 0 : i32
    %dma_start3A_1098 = tpu.memref_slice %arg16[%add3A_1096, %dma_start3A_1097] : memref<10240x64xf32, #tpu.memory_space<vmem_shared>> -> memref<32x64xf32, #tpu.memory_space<vmem_shared>>
    %dma_start3A_1099 = arith.constant 0 : i32
    %dma_start3A_1100 = tpu.memref_slice %arg16[%add3A_1096, %dma_start3A_1099] : memref<10240x64xf32, #tpu.memory_space<vmem_shared>> -> memref<32x64xf32, #tpu.memory_space<vmem_shared>>
    tpu.enqueue_dma source(%arg18 : memref<32x64xf32, #tpu.memory_space<vmem>>) target(%dma_start3A_1100 : memref<32x64xf32, #tpu.memory_space<vmem_shared>>) target_semaphore(%arg25 : memref<!tpu.dma_semaphore, #tpu.memory_space<semaphore_mem>>)
    %add3A_1101 = arith.constant 512 : i32
    %add3A_1102 = arith.addi %mul3A_50, %add3A_1101 : i32
    %dma_start3A_1103 = arith.constant 0 : i32
    %dma_start3A_1104 = tpu.memref_slice %arg16[%add3A_1102, %dma_start3A_1103] : memref<10240x64xf32, #tpu.memory_space<vmem_shared>> -> memref<32x64xf32, #tpu.memory_space<vmem_shared>>
    %dma_start3A_1105 = arith.constant 0 : i32
    %dma_start3A_1106 = tpu.memref_slice %arg16[%add3A_1102, %dma_start3A_1105] : memref<10240x64xf32, #tpu.memory_space<vmem_shared>> -> memref<32x64xf32, #tpu.memory_space<vmem_shared>>
    tpu.enqueue_dma source(%arg18 : memref<32x64xf32, #tpu.memory_space<vmem>>) target(%dma_start3A_1106 : memref<32x64xf32, #tpu.memory_space<vmem_shared>>) target_semaphore(%arg25 : memref<!tpu.dma_semaphore, #tpu.memory_space<semaphore_mem>>)
    %add3A_1107 = arith.constant 544 : i32
    %add3A_1108 = arith.addi %mul3A_50, %add3A_1107 : i32
    %dma_start3A_1109 = arith.constant 0 : i32
    %dma_start3A_1110 = tpu.memref_slice %arg16[%add3A_1108, %dma_start3A_1109] : memref<10240x64xf32, #tpu.memory_space<vmem_shared>> -> memref<32x64xf32, #tpu.memory_space<vmem_shared>>
    %dma_start3A_1111 = arith.constant 0 : i32
    %dma_start3A_1112 = tpu.memref_slice %arg16[%add3A_1108, %dma_start3A_1111] : memref<10240x64xf32, #tpu.memory_space<vmem_shared>> -> memref<32x64xf32, #tpu.memory_space<vmem_shared>>
    tpu.enqueue_dma source(%arg18 : memref<32x64xf32, #tpu.memory_space<vmem>>) target(%dma_start3A_1112 : memref<32x64xf32, #tpu.memory_space<vmem_shared>>) target_semaphore(%arg25 : memref<!tpu.dma_semaphore, #tpu.memory_space<semaphore_mem>>)
    %add3A_1113 = arith.constant 576 : i32
    %add3A_1114 = arith.addi %mul3A_50, %add3A_1113 : i32
    %dma_start3A_1115 = arith.constant 0 : i32
    %dma_start3A_1116 = tpu.memref_slice %arg16[%add3A_1114, %dma_start3A_1115] : memref<10240x64xf32, #tpu.memory_space<vmem_shared>> -> memref<32x64xf32, #tpu.memory_space<vmem_shared>>
    %dma_start3A_1117 = arith.constant 0 : i32
    %dma_start3A_1118 = tpu.memref_slice %arg16[%add3A_1114, %dma_start3A_1117] : memref<10240x64xf32, #tpu.memory_space<vmem_shared>> -> memref<32x64xf32, #tpu.memory_space<vmem_shared>>
    tpu.enqueue_dma source(%arg18 : memref<32x64xf32, #tpu.memory_space<vmem>>) target(%dma_start3A_1118 : memref<32x64xf32, #tpu.memory_space<vmem_shared>>) target_semaphore(%arg25 : memref<!tpu.dma_semaphore, #tpu.memory_space<semaphore_mem>>)
    %add3A_1119 = arith.constant 608 : i32
    %add3A_1120 = arith.addi %mul3A_50, %add3A_1119 : i32
    %dma_start3A_1121 = arith.constant 0 : i32
    %dma_start3A_1122 = tpu.memref_slice %arg16[%add3A_1120, %dma_start3A_1121] : memref<10240x64xf32, #tpu.memory_space<vmem_shared>> -> memref<32x64xf32, #tpu.memory_space<vmem_shared>>
    %dma_start3A_1123 = arith.constant 0 : i32
    %dma_start3A_1124 = tpu.memref_slice %arg16[%add3A_1120, %dma_start3A_1123] : memref<10240x64xf32, #tpu.memory_space<vmem_shared>> -> memref<32x64xf32, #tpu.memory_space<vmem_shared>>
    tpu.enqueue_dma source(%arg18 : memref<32x64xf32, #tpu.memory_space<vmem>>) target(%dma_start3A_1124 : memref<32x64xf32, #tpu.memory_space<vmem_shared>>) target_semaphore(%arg25 : memref<!tpu.dma_semaphore, #tpu.memory_space<semaphore_mem>>)
    %add3A_1125 = arith.constant 0 : i32
    %add3A_1126 = arith.addi %mul3A_50, %add3A_1125 : i32
    %dma_start3A_1127 = arith.constant 0 : i32
    %dma_start3A_1128 = tpu.memref_slice %arg17[%add3A_1126, %dma_start3A_1127] : memref<10240x8xf32, #tpu.memory_space<vmem_shared>> -> memref<64x8xf32, #tpu.memory_space<vmem_shared>>
    %dma_start3A_1129 = arith.constant 0 : i32
    %dma_start3A_1130 = tpu.memref_slice %arg17[%add3A_1126, %dma_start3A_1129] : memref<10240x8xf32, #tpu.memory_space<vmem_shared>> -> memref<64x8xf32, #tpu.memory_space<vmem_shared>>
    tpu.enqueue_dma source(%arg19 : memref<64x8xf32, #tpu.memory_space<vmem>>) target(%dma_start3A_1130 : memref<64x8xf32, #tpu.memory_space<vmem_shared>>) target_semaphore(%arg26 : memref<!tpu.dma_semaphore, #tpu.memory_space<semaphore_mem>>)
    %add3A_1131 = arith.constant 64 : i32
    %add3A_1132 = arith.addi %mul3A_50, %add3A_1131 : i32
    %dma_start3A_1133 = arith.constant 0 : i32
    %dma_start3A_1134 = tpu.memref_slice %arg17[%add3A_1132, %dma_start3A_1133] : memref<10240x8xf32, #tpu.memory_space<vmem_shared>> -> memref<64x8xf32, #tpu.memory_space<vmem_shared>>
    %dma_start3A_1135 = arith.constant 0 : i32
    %dma_start3A_1136 = tpu.memref_slice %arg17[%add3A_1132, %dma_start3A_1135] : memref<10240x8xf32, #tpu.memory_space<vmem_shared>> -> memref<64x8xf32, #tpu.memory_space<vmem_shared>>
    tpu.enqueue_dma source(%arg19 : memref<64x8xf32, #tpu.memory_space<vmem>>) target(%dma_start3A_1136 : memref<64x8xf32, #tpu.memory_space<vmem_shared>>) target_semaphore(%arg26 : memref<!tpu.dma_semaphore, #tpu.memory_space<semaphore_mem>>)
    %add3A_1137 = arith.constant 128 : i32
    %add3A_1138 = arith.addi %mul3A_50, %add3A_1137 : i32
    %dma_start3A_1139 = arith.constant 0 : i32
    %dma_start3A_1140 = tpu.memref_slice %arg17[%add3A_1138, %dma_start3A_1139] : memref<10240x8xf32, #tpu.memory_space<vmem_shared>> -> memref<64x8xf32, #tpu.memory_space<vmem_shared>>
    %dma_start3A_1141 = arith.constant 0 : i32
    %dma_start3A_1142 = tpu.memref_slice %arg17[%add3A_1138, %dma_start3A_1141] : memref<10240x8xf32, #tpu.memory_space<vmem_shared>> -> memref<64x8xf32, #tpu.memory_space<vmem_shared>>
    tpu.enqueue_dma source(%arg19 : memref<64x8xf32, #tpu.memory_space<vmem>>) target(%dma_start3A_1142 : memref<64x8xf32, #tpu.memory_space<vmem_shared>>) target_semaphore(%arg26 : memref<!tpu.dma_semaphore, #tpu.memory_space<semaphore_mem>>)
    %add3A_1143 = arith.constant 192 : i32
    %add3A_1144 = arith.addi %mul3A_50, %add3A_1143 : i32
    %dma_start3A_1145 = arith.constant 0 : i32
    %dma_start3A_1146 = tpu.memref_slice %arg17[%add3A_1144, %dma_start3A_1145] : memref<10240x8xf32, #tpu.memory_space<vmem_shared>> -> memref<64x8xf32, #tpu.memory_space<vmem_shared>>
    %dma_start3A_1147 = arith.constant 0 : i32
    %dma_start3A_1148 = tpu.memref_slice %arg17[%add3A_1144, %dma_start3A_1147] : memref<10240x8xf32, #tpu.memory_space<vmem_shared>> -> memref<64x8xf32, #tpu.memory_space<vmem_shared>>
    tpu.enqueue_dma source(%arg19 : memref<64x8xf32, #tpu.memory_space<vmem>>) target(%dma_start3A_1148 : memref<64x8xf32, #tpu.memory_space<vmem_shared>>) target_semaphore(%arg26 : memref<!tpu.dma_semaphore, #tpu.memory_space<semaphore_mem>>)
    %add3A_1149 = arith.constant 256 : i32
    %add3A_1150 = arith.addi %mul3A_50, %add3A_1149 : i32
    %dma_start3A_1151 = arith.constant 0 : i32
    %dma_start3A_1152 = tpu.memref_slice %arg17[%add3A_1150, %dma_start3A_1151] : memref<10240x8xf32, #tpu.memory_space<vmem_shared>> -> memref<64x8xf32, #tpu.memory_space<vmem_shared>>
    %dma_start3A_1153 = arith.constant 0 : i32
    %dma_start3A_1154 = tpu.memref_slice %arg17[%add3A_1150, %dma_start3A_1153] : memref<10240x8xf32, #tpu.memory_space<vmem_shared>> -> memref<64x8xf32, #tpu.memory_space<vmem_shared>>
    tpu.enqueue_dma source(%arg19 : memref<64x8xf32, #tpu.memory_space<vmem>>) target(%dma_start3A_1154 : memref<64x8xf32, #tpu.memory_space<vmem_shared>>) target_semaphore(%arg26 : memref<!tpu.dma_semaphore, #tpu.memory_space<semaphore_mem>>)
    %add3A_1155 = arith.constant 320 : i32
    %add3A_1156 = arith.addi %mul3A_50, %add3A_1155 : i32
    %dma_start3A_1157 = arith.constant 0 : i32
    %dma_start3A_1158 = tpu.memref_slice %arg17[%add3A_1156, %dma_start3A_1157] : memref<10240x8xf32, #tpu.memory_space<vmem_shared>> -> memref<64x8xf32, #tpu.memory_space<vmem_shared>>
    %dma_start3A_1159 = arith.constant 0 : i32
    %dma_start3A_1160 = tpu.memref_slice %arg17[%add3A_1156, %dma_start3A_1159] : memref<10240x8xf32, #tpu.memory_space<vmem_shared>> -> memref<64x8xf32, #tpu.memory_space<vmem_shared>>
    tpu.enqueue_dma source(%arg19 : memref<64x8xf32, #tpu.memory_space<vmem>>) target(%dma_start3A_1160 : memref<64x8xf32, #tpu.memory_space<vmem_shared>>) target_semaphore(%arg26 : memref<!tpu.dma_semaphore, #tpu.memory_space<semaphore_mem>>)
    %add3A_1161 = arith.constant 384 : i32
    %add3A_1162 = arith.addi %mul3A_50, %add3A_1161 : i32
    %dma_start3A_1163 = arith.constant 0 : i32
    %dma_start3A_1164 = tpu.memref_slice %arg17[%add3A_1162, %dma_start3A_1163] : memref<10240x8xf32, #tpu.memory_space<vmem_shared>> -> memref<64x8xf32, #tpu.memory_space<vmem_shared>>
    %dma_start3A_1165 = arith.constant 0 : i32
    %dma_start3A_1166 = tpu.memref_slice %arg17[%add3A_1162, %dma_start3A_1165] : memref<10240x8xf32, #tpu.memory_space<vmem_shared>> -> memref<64x8xf32, #tpu.memory_space<vmem_shared>>
    tpu.enqueue_dma source(%arg19 : memref<64x8xf32, #tpu.memory_space<vmem>>) target(%dma_start3A_1166 : memref<64x8xf32, #tpu.memory_space<vmem_shared>>) target_semaphore(%arg26 : memref<!tpu.dma_semaphore, #tpu.memory_space<semaphore_mem>>)
    %add3A_1167 = arith.constant 448 : i32
    %add3A_1168 = arith.addi %mul3A_50, %add3A_1167 : i32
    %dma_start3A_1169 = arith.constant 0 : i32
    %dma_start3A_1170 = tpu.memref_slice %arg17[%add3A_1168, %dma_start3A_1169] : memref<10240x8xf32, #tpu.memory_space<vmem_shared>> -> memref<64x8xf32, #tpu.memory_space<vmem_shared>>
    %dma_start3A_1171 = arith.constant 0 : i32
    %dma_start3A_1172 = tpu.memref_slice %arg17[%add3A_1168, %dma_start3A_1171] : memref<10240x8xf32, #tpu.memory_space<vmem_shared>> -> memref<64x8xf32, #tpu.memory_space<vmem_shared>>
    tpu.enqueue_dma source(%arg19 : memref<64x8xf32, #tpu.memory_space<vmem>>) target(%dma_start3A_1172 : memref<64x8xf32, #tpu.memory_space<vmem_shared>>) target_semaphore(%arg26 : memref<!tpu.dma_semaphore, #tpu.memory_space<semaphore_mem>>)
    %add3A_1173 = arith.constant 512 : i32
    %add3A_1174 = arith.addi %mul3A_50, %add3A_1173 : i32
    %dma_start3A_1175 = arith.constant 0 : i32
    %dma_start3A_1176 = tpu.memref_slice %arg17[%add3A_1174, %dma_start3A_1175] : memref<10240x8xf32, #tpu.memory_space<vmem_shared>> -> memref<64x8xf32, #tpu.memory_space<vmem_shared>>
    %dma_start3A_1177 = arith.constant 0 : i32
    %dma_start3A_1178 = tpu.memref_slice %arg17[%add3A_1174, %dma_start3A_1177] : memref<10240x8xf32, #tpu.memory_space<vmem_shared>> -> memref<64x8xf32, #tpu.memory_space<vmem_shared>>
    tpu.enqueue_dma source(%arg19 : memref<64x8xf32, #tpu.memory_space<vmem>>) target(%dma_start3A_1178 : memref<64x8xf32, #tpu.memory_space<vmem_shared>>) target_semaphore(%arg26 : memref<!tpu.dma_semaphore, #tpu.memory_space<semaphore_mem>>)
    %add3A_1179 = arith.constant 576 : i32
    %add3A_1180 = arith.addi %mul3A_50, %add3A_1179 : i32
    %dma_start3A_1181 = arith.constant 0 : i32
    %dma_start3A_1182 = tpu.memref_slice %arg17[%add3A_1180, %dma_start3A_1181] : memref<10240x8xf32, #tpu.memory_space<vmem_shared>> -> memref<64x8xf32, #tpu.memory_space<vmem_shared>>
    %dma_start3A_1183 = arith.constant 0 : i32
    %dma_start3A_1184 = tpu.memref_slice %arg17[%add3A_1180, %dma_start3A_1183] : memref<10240x8xf32, #tpu.memory_space<vmem_shared>> -> memref<64x8xf32, #tpu.memory_space<vmem_shared>>
    tpu.enqueue_dma source(%arg19 : memref<64x8xf32, #tpu.memory_space<vmem>>) target(%dma_start3A_1184 : memref<64x8xf32, #tpu.memory_space<vmem_shared>>) target_semaphore(%arg26 : memref<!tpu.dma_semaphore, #tpu.memory_space<semaphore_mem>>)
    %add3A_1185 = arith.constant 0 : i32
    %add3A_1186 = arith.addi %mul3A_50, %add3A_1185 : i32
    %dma_wait3A_1187 = arith.constant 0 : i32
    %dma_wait3A_1188 = tpu.memref_slice %arg16[%add3A_1186, %dma_wait3A_1187] : memref<10240x64xf32, #tpu.memory_space<vmem_shared>> -> memref<32x64xf32, #tpu.memory_space<vmem_shared>>
    %dma_wait3A_1189 = arith.constant 0 : i32
    %dma_wait3A_1190 = tpu.memref_slice %arg16[%add3A_1186, %dma_wait3A_1189] : memref<10240x64xf32, #tpu.memory_space<vmem_shared>> -> memref<32x64xf32, #tpu.memory_space<vmem_shared>>
    tpu.wait_dma2 semaphore(%arg25 : memref<!tpu.dma_semaphore, #tpu.memory_space<semaphore_mem>>) src(%arg18 : memref<32x64xf32, #tpu.memory_space<vmem>>) dst(%dma_wait3A_1190 : memref<32x64xf32, #tpu.memory_space<vmem_shared>>)
    %add3A_1191 = arith.constant 32 : i32
    %add3A_1192 = arith.addi %mul3A_50, %add3A_1191 : i32
    %dma_wait3A_1193 = arith.constant 0 : i32
    %dma_wait3A_1194 = tpu.memref_slice %arg16[%add3A_1192, %dma_wait3A_1193] : memref<10240x64xf32, #tpu.memory_space<vmem_shared>> -> memref<32x64xf32, #tpu.memory_space<vmem_shared>>
    %dma_wait3A_1195 = arith.constant 0 : i32
    %dma_wait3A_1196 = tpu.memref_slice %arg16[%add3A_1192, %dma_wait3A_1195] : memref<10240x64xf32, #tpu.memory_space<vmem_shared>> -> memref<32x64xf32, #tpu.memory_space<vmem_shared>>
    tpu.wait_dma2 semaphore(%arg25 : memref<!tpu.dma_semaphore, #tpu.memory_space<semaphore_mem>>) src(%arg18 : memref<32x64xf32, #tpu.memory_space<vmem>>) dst(%dma_wait3A_1196 : memref<32x64xf32, #tpu.memory_space<vmem_shared>>)
    %add3A_1197 = arith.constant 64 : i32
    %add3A_1198 = arith.addi %mul3A_50, %add3A_1197 : i32
    %dma_wait3A_1199 = arith.constant 0 : i32
    %dma_wait3A_1200 = tpu.memref_slice %arg16[%add3A_1198, %dma_wait3A_1199] : memref<10240x64xf32, #tpu.memory_space<vmem_shared>> -> memref<32x64xf32, #tpu.memory_space<vmem_shared>>
    %dma_wait3A_1201 = arith.constant 0 : i32
    %dma_wait3A_1202 = tpu.memref_slice %arg16[%add3A_1198, %dma_wait3A_1201] : memref<10240x64xf32, #tpu.memory_space<vmem_shared>> -> memref<32x64xf32, #tpu.memory_space<vmem_shared>>
    tpu.wait_dma2 semaphore(%arg25 : memref<!tpu.dma_semaphore, #tpu.memory_space<semaphore_mem>>) src(%arg18 : memref<32x64xf32, #tpu.memory_space<vmem>>) dst(%dma_wait3A_1202 : memref<32x64xf32, #tpu.memory_space<vmem_shared>>)
    %add3A_1203 = arith.constant 96 : i32
    %add3A_1204 = arith.addi %mul3A_50, %add3A_1203 : i32
    %dma_wait3A_1205 = arith.constant 0 : i32
    %dma_wait3A_1206 = tpu.memref_slice %arg16[%add3A_1204, %dma_wait3A_1205] : memref<10240x64xf32, #tpu.memory_space<vmem_shared>> -> memref<32x64xf32, #tpu.memory_space<vmem_shared>>
    %dma_wait3A_1207 = arith.constant 0 : i32
    %dma_wait3A_1208 = tpu.memref_slice %arg16[%add3A_1204, %dma_wait3A_1207] : memref<10240x64xf32, #tpu.memory_space<vmem_shared>> -> memref<32x64xf32, #tpu.memory_space<vmem_shared>>
    tpu.wait_dma2 semaphore(%arg25 : memref<!tpu.dma_semaphore, #tpu.memory_space<semaphore_mem>>) src(%arg18 : memref<32x64xf32, #tpu.memory_space<vmem>>) dst(%dma_wait3A_1208 : memref<32x64xf32, #tpu.memory_space<vmem_shared>>)
    %add3A_1209 = arith.constant 128 : i32
    %add3A_1210 = arith.addi %mul3A_50, %add3A_1209 : i32
    %dma_wait3A_1211 = arith.constant 0 : i32
    %dma_wait3A_1212 = tpu.memref_slice %arg16[%add3A_1210, %dma_wait3A_1211] : memref<10240x64xf32, #tpu.memory_space<vmem_shared>> -> memref<32x64xf32, #tpu.memory_space<vmem_shared>>
    %dma_wait3A_1213 = arith.constant 0 : i32
    %dma_wait3A_1214 = tpu.memref_slice %arg16[%add3A_1210, %dma_wait3A_1213] : memref<10240x64xf32, #tpu.memory_space<vmem_shared>> -> memref<32x64xf32, #tpu.memory_space<vmem_shared>>
    tpu.wait_dma2 semaphore(%arg25 : memref<!tpu.dma_semaphore, #tpu.memory_space<semaphore_mem>>) src(%arg18 : memref<32x64xf32, #tpu.memory_space<vmem>>) dst(%dma_wait3A_1214 : memref<32x64xf32, #tpu.memory_space<vmem_shared>>)
    %add3A_1215 = arith.constant 160 : i32
    %add3A_1216 = arith.addi %mul3A_50, %add3A_1215 : i32
    %dma_wait3A_1217 = arith.constant 0 : i32
    %dma_wait3A_1218 = tpu.memref_slice %arg16[%add3A_1216, %dma_wait3A_1217] : memref<10240x64xf32, #tpu.memory_space<vmem_shared>> -> memref<32x64xf32, #tpu.memory_space<vmem_shared>>
    %dma_wait3A_1219 = arith.constant 0 : i32
    %dma_wait3A_1220 = tpu.memref_slice %arg16[%add3A_1216, %dma_wait3A_1219] : memref<10240x64xf32, #tpu.memory_space<vmem_shared>> -> memref<32x64xf32, #tpu.memory_space<vmem_shared>>
    tpu.wait_dma2 semaphore(%arg25 : memref<!tpu.dma_semaphore, #tpu.memory_space<semaphore_mem>>) src(%arg18 : memref<32x64xf32, #tpu.memory_space<vmem>>) dst(%dma_wait3A_1220 : memref<32x64xf32, #tpu.memory_space<vmem_shared>>)
    %add3A_1221 = arith.constant 192 : i32
    %add3A_1222 = arith.addi %mul3A_50, %add3A_1221 : i32
    %dma_wait3A_1223 = arith.constant 0 : i32
    %dma_wait3A_1224 = tpu.memref_slice %arg16[%add3A_1222, %dma_wait3A_1223] : memref<10240x64xf32, #tpu.memory_space<vmem_shared>> -> memref<32x64xf32, #tpu.memory_space<vmem_shared>>
    %dma_wait3A_1225 = arith.constant 0 : i32
    %dma_wait3A_1226 = tpu.memref_slice %arg16[%add3A_1222, %dma_wait3A_1225] : memref<10240x64xf32, #tpu.memory_space<vmem_shared>> -> memref<32x64xf32, #tpu.memory_space<vmem_shared>>
    tpu.wait_dma2 semaphore(%arg25 : memref<!tpu.dma_semaphore, #tpu.memory_space<semaphore_mem>>) src(%arg18 : memref<32x64xf32, #tpu.memory_space<vmem>>) dst(%dma_wait3A_1226 : memref<32x64xf32, #tpu.memory_space<vmem_shared>>)
    %add3A_1227 = arith.constant 224 : i32
    %add3A_1228 = arith.addi %mul3A_50, %add3A_1227 : i32
    %dma_wait3A_1229 = arith.constant 0 : i32
    %dma_wait3A_1230 = tpu.memref_slice %arg16[%add3A_1228, %dma_wait3A_1229] : memref<10240x64xf32, #tpu.memory_space<vmem_shared>> -> memref<32x64xf32, #tpu.memory_space<vmem_shared>>
    %dma_wait3A_1231 = arith.constant 0 : i32
    %dma_wait3A_1232 = tpu.memref_slice %arg16[%add3A_1228, %dma_wait3A_1231] : memref<10240x64xf32, #tpu.memory_space<vmem_shared>> -> memref<32x64xf32, #tpu.memory_space<vmem_shared>>
    tpu.wait_dma2 semaphore(%arg25 : memref<!tpu.dma_semaphore, #tpu.memory_space<semaphore_mem>>) src(%arg18 : memref<32x64xf32, #tpu.memory_space<vmem>>) dst(%dma_wait3A_1232 : memref<32x64xf32, #tpu.memory_space<vmem_shared>>)
    %add3A_1233 = arith.constant 256 : i32
    %add3A_1234 = arith.addi %mul3A_50, %add3A_1233 : i32
    %dma_wait3A_1235 = arith.constant 0 : i32
    %dma_wait3A_1236 = tpu.memref_slice %arg16[%add3A_1234, %dma_wait3A_1235] : memref<10240x64xf32, #tpu.memory_space<vmem_shared>> -> memref<32x64xf32, #tpu.memory_space<vmem_shared>>
    %dma_wait3A_1237 = arith.constant 0 : i32
    %dma_wait3A_1238 = tpu.memref_slice %arg16[%add3A_1234, %dma_wait3A_1237] : memref<10240x64xf32, #tpu.memory_space<vmem_shared>> -> memref<32x64xf32, #tpu.memory_space<vmem_shared>>
    tpu.wait_dma2 semaphore(%arg25 : memref<!tpu.dma_semaphore, #tpu.memory_space<semaphore_mem>>) src(%arg18 : memref<32x64xf32, #tpu.memory_space<vmem>>) dst(%dma_wait3A_1238 : memref<32x64xf32, #tpu.memory_space<vmem_shared>>)
    %add3A_1239 = arith.constant 288 : i32
    %add3A_1240 = arith.addi %mul3A_50, %add3A_1239 : i32
    %dma_wait3A_1241 = arith.constant 0 : i32
    %dma_wait3A_1242 = tpu.memref_slice %arg16[%add3A_1240, %dma_wait3A_1241] : memref<10240x64xf32, #tpu.memory_space<vmem_shared>> -> memref<32x64xf32, #tpu.memory_space<vmem_shared>>
    %dma_wait3A_1243 = arith.constant 0 : i32
    %dma_wait3A_1244 = tpu.memref_slice %arg16[%add3A_1240, %dma_wait3A_1243] : memref<10240x64xf32, #tpu.memory_space<vmem_shared>> -> memref<32x64xf32, #tpu.memory_space<vmem_shared>>
    tpu.wait_dma2 semaphore(%arg25 : memref<!tpu.dma_semaphore, #tpu.memory_space<semaphore_mem>>) src(%arg18 : memref<32x64xf32, #tpu.memory_space<vmem>>) dst(%dma_wait3A_1244 : memref<32x64xf32, #tpu.memory_space<vmem_shared>>)
    %add3A_1245 = arith.constant 320 : i32
    %add3A_1246 = arith.addi %mul3A_50, %add3A_1245 : i32
    %dma_wait3A_1247 = arith.constant 0 : i32
    %dma_wait3A_1248 = tpu.memref_slice %arg16[%add3A_1246, %dma_wait3A_1247] : memref<10240x64xf32, #tpu.memory_space<vmem_shared>> -> memref<32x64xf32, #tpu.memory_space<vmem_shared>>
    %dma_wait3A_1249 = arith.constant 0 : i32
    %dma_wait3A_1250 = tpu.memref_slice %arg16[%add3A_1246, %dma_wait3A_1249] : memref<10240x64xf32, #tpu.memory_space<vmem_shared>> -> memref<32x64xf32, #tpu.memory_space<vmem_shared>>
    tpu.wait_dma2 semaphore(%arg25 : memref<!tpu.dma_semaphore, #tpu.memory_space<semaphore_mem>>) src(%arg18 : memref<32x64xf32, #tpu.memory_space<vmem>>) dst(%dma_wait3A_1250 : memref<32x64xf32, #tpu.memory_space<vmem_shared>>)
    %add3A_1251 = arith.constant 352 : i32
    %add3A_1252 = arith.addi %mul3A_50, %add3A_1251 : i32
    %dma_wait3A_1253 = arith.constant 0 : i32
    %dma_wait3A_1254 = tpu.memref_slice %arg16[%add3A_1252, %dma_wait3A_1253] : memref<10240x64xf32, #tpu.memory_space<vmem_shared>> -> memref<32x64xf32, #tpu.memory_space<vmem_shared>>
    %dma_wait3A_1255 = arith.constant 0 : i32
    %dma_wait3A_1256 = tpu.memref_slice %arg16[%add3A_1252, %dma_wait3A_1255] : memref<10240x64xf32, #tpu.memory_space<vmem_shared>> -> memref<32x64xf32, #tpu.memory_space<vmem_shared>>
    tpu.wait_dma2 semaphore(%arg25 : memref<!tpu.dma_semaphore, #tpu.memory_space<semaphore_mem>>) src(%arg18 : memref<32x64xf32, #tpu.memory_space<vmem>>) dst(%dma_wait3A_1256 : memref<32x64xf32, #tpu.memory_space<vmem_shared>>)
    %add3A_1257 = arith.constant 384 : i32
    %add3A_1258 = arith.addi %mul3A_50, %add3A_1257 : i32
    %dma_wait3A_1259 = arith.constant 0 : i32
    %dma_wait3A_1260 = tpu.memref_slice %arg16[%add3A_1258, %dma_wait3A_1259] : memref<10240x64xf32, #tpu.memory_space<vmem_shared>> -> memref<32x64xf32, #tpu.memory_space<vmem_shared>>
    %dma_wait3A_1261 = arith.constant 0 : i32
    %dma_wait3A_1262 = tpu.memref_slice %arg16[%add3A_1258, %dma_wait3A_1261] : memref<10240x64xf32, #tpu.memory_space<vmem_shared>> -> memref<32x64xf32, #tpu.memory_space<vmem_shared>>
    tpu.wait_dma2 semaphore(%arg25 : memref<!tpu.dma_semaphore, #tpu.memory_space<semaphore_mem>>) src(%arg18 : memref<32x64xf32, #tpu.memory_space<vmem>>) dst(%dma_wait3A_1262 : memref<32x64xf32, #tpu.memory_space<vmem_shared>>)
    %add3A_1263 = arith.constant 416 : i32
    %add3A_1264 = arith.addi %mul3A_50, %add3A_1263 : i32
    %dma_wait3A_1265 = arith.constant 0 : i32
    %dma_wait3A_1266 = tpu.memref_slice %arg16[%add3A_1264, %dma_wait3A_1265] : memref<10240x64xf32, #tpu.memory_space<vmem_shared>> -> memref<32x64xf32, #tpu.memory_space<vmem_shared>>
    %dma_wait3A_1267 = arith.constant 0 : i32
    %dma_wait3A_1268 = tpu.memref_slice %arg16[%add3A_1264, %dma_wait3A_1267] : memref<10240x64xf32, #tpu.memory_space<vmem_shared>> -> memref<32x64xf32, #tpu.memory_space<vmem_shared>>
    tpu.wait_dma2 semaphore(%arg25 : memref<!tpu.dma_semaphore, #tpu.memory_space<semaphore_mem>>) src(%arg18 : memref<32x64xf32, #tpu.memory_space<vmem>>) dst(%dma_wait3A_1268 : memref<32x64xf32, #tpu.memory_space<vmem_shared>>)
    %add3A_1269 = arith.constant 448 : i32
    %add3A_1270 = arith.addi %mul3A_50, %add3A_1269 : i32
    %dma_wait3A_1271 = arith.constant 0 : i32
    %dma_wait3A_1272 = tpu.memref_slice %arg16[%add3A_1270, %dma_wait3A_1271] : memref<10240x64xf32, #tpu.memory_space<vmem_shared>> -> memref<32x64xf32, #tpu.memory_space<vmem_shared>>
    %dma_wait3A_1273 = arith.constant 0 : i32
    %dma_wait3A_1274 = tpu.memref_slice %arg16[%add3A_1270, %dma_wait3A_1273] : memref<10240x64xf32, #tpu.memory_space<vmem_shared>> -> memref<32x64xf32, #tpu.memory_space<vmem_shared>>
    tpu.wait_dma2 semaphore(%arg25 : memref<!tpu.dma_semaphore, #tpu.memory_space<semaphore_mem>>) src(%arg18 : memref<32x64xf32, #tpu.memory_space<vmem>>) dst(%dma_wait3A_1274 : memref<32x64xf32, #tpu.memory_space<vmem_shared>>)
    %add3A_1275 = arith.constant 480 : i32
    %add3A_1276 = arith.addi %mul3A_50, %add3A_1275 : i32
    %dma_wait3A_1277 = arith.constant 0 : i32
    %dma_wait3A_1278 = tpu.memref_slice %arg16[%add3A_1276, %dma_wait3A_1277] : memref<10240x64xf32, #tpu.memory_space<vmem_shared>> -> memref<32x64xf32, #tpu.memory_space<vmem_shared>>
    %dma_wait3A_1279 = arith.constant 0 : i32
    %dma_wait3A_1280 = tpu.memref_slice %arg16[%add3A_1276, %dma_wait3A_1279] : memref<10240x64xf32, #tpu.memory_space<vmem_shared>> -> memref<32x64xf32, #tpu.memory_space<vmem_shared>>
    tpu.wait_dma2 semaphore(%arg25 : memref<!tpu.dma_semaphore, #tpu.memory_space<semaphore_mem>>) src(%arg18 : memref<32x64xf32, #tpu.memory_space<vmem>>) dst(%dma_wait3A_1280 : memref<32x64xf32, #tpu.memory_space<vmem_shared>>)
    %add3A_1281 = arith.constant 512 : i32
    %add3A_1282 = arith.addi %mul3A_50, %add3A_1281 : i32
    %dma_wait3A_1283 = arith.constant 0 : i32
    %dma_wait3A_1284 = tpu.memref_slice %arg16[%add3A_1282, %dma_wait3A_1283] : memref<10240x64xf32, #tpu.memory_space<vmem_shared>> -> memref<32x64xf32, #tpu.memory_space<vmem_shared>>
    %dma_wait3A_1285 = arith.constant 0 : i32
    %dma_wait3A_1286 = tpu.memref_slice %arg16[%add3A_1282, %dma_wait3A_1285] : memref<10240x64xf32, #tpu.memory_space<vmem_shared>> -> memref<32x64xf32, #tpu.memory_space<vmem_shared>>
    tpu.wait_dma2 semaphore(%arg25 : memref<!tpu.dma_semaphore, #tpu.memory_space<semaphore_mem>>) src(%arg18 : memref<32x64xf32, #tpu.memory_space<vmem>>) dst(%dma_wait3A_1286 : memref<32x64xf32, #tpu.memory_space<vmem_shared>>)
    %add3A_1287 = arith.constant 544 : i32
    %add3A_1288 = arith.addi %mul3A_50, %add3A_1287 : i32
    %dma_wait3A_1289 = arith.constant 0 : i32
    %dma_wait3A_1290 = tpu.memref_slice %arg16[%add3A_1288, %dma_wait3A_1289] : memref<10240x64xf32, #tpu.memory_space<vmem_shared>> -> memref<32x64xf32, #tpu.memory_space<vmem_shared>>
    %dma_wait3A_1291 = arith.constant 0 : i32
    %dma_wait3A_1292 = tpu.memref_slice %arg16[%add3A_1288, %dma_wait3A_1291] : memref<10240x64xf32, #tpu.memory_space<vmem_shared>> -> memref<32x64xf32, #tpu.memory_space<vmem_shared>>
    tpu.wait_dma2 semaphore(%arg25 : memref<!tpu.dma_semaphore, #tpu.memory_space<semaphore_mem>>) src(%arg18 : memref<32x64xf32, #tpu.memory_space<vmem>>) dst(%dma_wait3A_1292 : memref<32x64xf32, #tpu.memory_space<vmem_shared>>)
    %add3A_1293 = arith.constant 576 : i32
    %add3A_1294 = arith.addi %mul3A_50, %add3A_1293 : i32
    %dma_wait3A_1295 = arith.constant 0 : i32
    %dma_wait3A_1296 = tpu.memref_slice %arg16[%add3A_1294, %dma_wait3A_1295] : memref<10240x64xf32, #tpu.memory_space<vmem_shared>> -> memref<32x64xf32, #tpu.memory_space<vmem_shared>>
    %dma_wait3A_1297 = arith.constant 0 : i32
    %dma_wait3A_1298 = tpu.memref_slice %arg16[%add3A_1294, %dma_wait3A_1297] : memref<10240x64xf32, #tpu.memory_space<vmem_shared>> -> memref<32x64xf32, #tpu.memory_space<vmem_shared>>
    tpu.wait_dma2 semaphore(%arg25 : memref<!tpu.dma_semaphore, #tpu.memory_space<semaphore_mem>>) src(%arg18 : memref<32x64xf32, #tpu.memory_space<vmem>>) dst(%dma_wait3A_1298 : memref<32x64xf32, #tpu.memory_space<vmem_shared>>)
    %add3A_1299 = arith.constant 608 : i32
    %add3A_1300 = arith.addi %mul3A_50, %add3A_1299 : i32
    %dma_wait3A_1301 = arith.constant 0 : i32
    %dma_wait3A_1302 = tpu.memref_slice %arg16[%add3A_1300, %dma_wait3A_1301] : memref<10240x64xf32, #tpu.memory_space<vmem_shared>> -> memref<32x64xf32, #tpu.memory_space<vmem_shared>>
    %dma_wait3A_1303 = arith.constant 0 : i32
    %dma_wait3A_1304 = tpu.memref_slice %arg16[%add3A_1300, %dma_wait3A_1303] : memref<10240x64xf32, #tpu.memory_space<vmem_shared>> -> memref<32x64xf32, #tpu.memory_space<vmem_shared>>
    tpu.wait_dma2 semaphore(%arg25 : memref<!tpu.dma_semaphore, #tpu.memory_space<semaphore_mem>>) src(%arg18 : memref<32x64xf32, #tpu.memory_space<vmem>>) dst(%dma_wait3A_1304 : memref<32x64xf32, #tpu.memory_space<vmem_shared>>)
    %add3A_1305 = arith.constant 0 : i32
    %add3A_1306 = arith.addi %mul3A_50, %add3A_1305 : i32
    %dma_wait3A_1307 = arith.constant 0 : i32
    %dma_wait3A_1308 = tpu.memref_slice %arg17[%add3A_1306, %dma_wait3A_1307] : memref<10240x8xf32, #tpu.memory_space<vmem_shared>> -> memref<64x8xf32, #tpu.memory_space<vmem_shared>>
    %dma_wait3A_1309 = arith.constant 0 : i32
    %dma_wait3A_1310 = tpu.memref_slice %arg17[%add3A_1306, %dma_wait3A_1309] : memref<10240x8xf32, #tpu.memory_space<vmem_shared>> -> memref<64x8xf32, #tpu.memory_space<vmem_shared>>
    tpu.wait_dma2 semaphore(%arg26 : memref<!tpu.dma_semaphore, #tpu.memory_space<semaphore_mem>>) src(%arg19 : memref<64x8xf32, #tpu.memory_space<vmem>>) dst(%dma_wait3A_1310 : memref<64x8xf32, #tpu.memory_space<vmem_shared>>)
    %add3A_1311 = arith.constant 64 : i32
    %add3A_1312 = arith.addi %mul3A_50, %add3A_1311 : i32
    %dma_wait3A_1313 = arith.constant 0 : i32
    %dma_wait3A_1314 = tpu.memref_slice %arg17[%add3A_1312, %dma_wait3A_1313] : memref<10240x8xf32, #tpu.memory_space<vmem_shared>> -> memref<64x8xf32, #tpu.memory_space<vmem_shared>>
    %dma_wait3A_1315 = arith.constant 0 : i32
    %dma_wait3A_1316 = tpu.memref_slice %arg17[%add3A_1312, %dma_wait3A_1315] : memref<10240x8xf32, #tpu.memory_space<vmem_shared>> -> memref<64x8xf32, #tpu.memory_space<vmem_shared>>
    tpu.wait_dma2 semaphore(%arg26 : memref<!tpu.dma_semaphore, #tpu.memory_space<semaphore_mem>>) src(%arg19 : memref<64x8xf32, #tpu.memory_space<vmem>>) dst(%dma_wait3A_1316 : memref<64x8xf32, #tpu.memory_space<vmem_shared>>)
    %add3A_1317 = arith.constant 128 : i32
    %add3A_1318 = arith.addi %mul3A_50, %add3A_1317 : i32
    %dma_wait3A_1319 = arith.constant 0 : i32
    %dma_wait3A_1320 = tpu.memref_slice %arg17[%add3A_1318, %dma_wait3A_1319] : memref<10240x8xf32, #tpu.memory_space<vmem_shared>> -> memref<64x8xf32, #tpu.memory_space<vmem_shared>>
    %dma_wait3A_1321 = arith.constant 0 : i32
    %dma_wait3A_1322 = tpu.memref_slice %arg17[%add3A_1318, %dma_wait3A_1321] : memref<10240x8xf32, #tpu.memory_space<vmem_shared>> -> memref<64x8xf32, #tpu.memory_space<vmem_shared>>
    tpu.wait_dma2 semaphore(%arg26 : memref<!tpu.dma_semaphore, #tpu.memory_space<semaphore_mem>>) src(%arg19 : memref<64x8xf32, #tpu.memory_space<vmem>>) dst(%dma_wait3A_1322 : memref<64x8xf32, #tpu.memory_space<vmem_shared>>)
    %add3A_1323 = arith.constant 192 : i32
    %add3A_1324 = arith.addi %mul3A_50, %add3A_1323 : i32
    %dma_wait3A_1325 = arith.constant 0 : i32
    %dma_wait3A_1326 = tpu.memref_slice %arg17[%add3A_1324, %dma_wait3A_1325] : memref<10240x8xf32, #tpu.memory_space<vmem_shared>> -> memref<64x8xf32, #tpu.memory_space<vmem_shared>>
    %dma_wait3A_1327 = arith.constant 0 : i32
    %dma_wait3A_1328 = tpu.memref_slice %arg17[%add3A_1324, %dma_wait3A_1327] : memref<10240x8xf32, #tpu.memory_space<vmem_shared>> -> memref<64x8xf32, #tpu.memory_space<vmem_shared>>
    tpu.wait_dma2 semaphore(%arg26 : memref<!tpu.dma_semaphore, #tpu.memory_space<semaphore_mem>>) src(%arg19 : memref<64x8xf32, #tpu.memory_space<vmem>>) dst(%dma_wait3A_1328 : memref<64x8xf32, #tpu.memory_space<vmem_shared>>)
    %add3A_1329 = arith.constant 256 : i32
    %add3A_1330 = arith.addi %mul3A_50, %add3A_1329 : i32
    %dma_wait3A_1331 = arith.constant 0 : i32
    %dma_wait3A_1332 = tpu.memref_slice %arg17[%add3A_1330, %dma_wait3A_1331] : memref<10240x8xf32, #tpu.memory_space<vmem_shared>> -> memref<64x8xf32, #tpu.memory_space<vmem_shared>>
    %dma_wait3A_1333 = arith.constant 0 : i32
    %dma_wait3A_1334 = tpu.memref_slice %arg17[%add3A_1330, %dma_wait3A_1333] : memref<10240x8xf32, #tpu.memory_space<vmem_shared>> -> memref<64x8xf32, #tpu.memory_space<vmem_shared>>
    tpu.wait_dma2 semaphore(%arg26 : memref<!tpu.dma_semaphore, #tpu.memory_space<semaphore_mem>>) src(%arg19 : memref<64x8xf32, #tpu.memory_space<vmem>>) dst(%dma_wait3A_1334 : memref<64x8xf32, #tpu.memory_space<vmem_shared>>)
    %add3A_1335 = arith.constant 320 : i32
    %add3A_1336 = arith.addi %mul3A_50, %add3A_1335 : i32
    %dma_wait3A_1337 = arith.constant 0 : i32
    %dma_wait3A_1338 = tpu.memref_slice %arg17[%add3A_1336, %dma_wait3A_1337] : memref<10240x8xf32, #tpu.memory_space<vmem_shared>> -> memref<64x8xf32, #tpu.memory_space<vmem_shared>>
    %dma_wait3A_1339 = arith.constant 0 : i32
    %dma_wait3A_1340 = tpu.memref_slice %arg17[%add3A_1336, %dma_wait3A_1339] : memref<10240x8xf32, #tpu.memory_space<vmem_shared>> -> memref<64x8xf32, #tpu.memory_space<vmem_shared>>
    tpu.wait_dma2 semaphore(%arg26 : memref<!tpu.dma_semaphore, #tpu.memory_space<semaphore_mem>>) src(%arg19 : memref<64x8xf32, #tpu.memory_space<vmem>>) dst(%dma_wait3A_1340 : memref<64x8xf32, #tpu.memory_space<vmem_shared>>)
    %add3A_1341 = arith.constant 384 : i32
    %add3A_1342 = arith.addi %mul3A_50, %add3A_1341 : i32
    %dma_wait3A_1343 = arith.constant 0 : i32
    %dma_wait3A_1344 = tpu.memref_slice %arg17[%add3A_1342, %dma_wait3A_1343] : memref<10240x8xf32, #tpu.memory_space<vmem_shared>> -> memref<64x8xf32, #tpu.memory_space<vmem_shared>>
    %dma_wait3A_1345 = arith.constant 0 : i32
    %dma_wait3A_1346 = tpu.memref_slice %arg17[%add3A_1342, %dma_wait3A_1345] : memref<10240x8xf32, #tpu.memory_space<vmem_shared>> -> memref<64x8xf32, #tpu.memory_space<vmem_shared>>
    tpu.wait_dma2 semaphore(%arg26 : memref<!tpu.dma_semaphore, #tpu.memory_space<semaphore_mem>>) src(%arg19 : memref<64x8xf32, #tpu.memory_space<vmem>>) dst(%dma_wait3A_1346 : memref<64x8xf32, #tpu.memory_space<vmem_shared>>)
    %add3A_1347 = arith.constant 448 : i32
    %add3A_1348 = arith.addi %mul3A_50, %add3A_1347 : i32
    %dma_wait3A_1349 = arith.constant 0 : i32
    %dma_wait3A_1350 = tpu.memref_slice %arg17[%add3A_1348, %dma_wait3A_1349] : memref<10240x8xf32, #tpu.memory_space<vmem_shared>> -> memref<64x8xf32, #tpu.memory_space<vmem_shared>>
    %dma_wait3A_1351 = arith.constant 0 : i32
    %dma_wait3A_1352 = tpu.memref_slice %arg17[%add3A_1348, %dma_wait3A_1351] : memref<10240x8xf32, #tpu.memory_space<vmem_shared>> -> memref<64x8xf32, #tpu.memory_space<vmem_shared>>
    tpu.wait_dma2 semaphore(%arg26 : memref<!tpu.dma_semaphore, #tpu.memory_space<semaphore_mem>>) src(%arg19 : memref<64x8xf32, #tpu.memory_space<vmem>>) dst(%dma_wait3A_1352 : memref<64x8xf32, #tpu.memory_space<vmem_shared>>)
    %add3A_1353 = arith.constant 512 : i32
    %add3A_1354 = arith.addi %mul3A_50, %add3A_1353 : i32
    %dma_wait3A_1355 = arith.constant 0 : i32
    %dma_wait3A_1356 = tpu.memref_slice %arg17[%add3A_1354, %dma_wait3A_1355] : memref<10240x8xf32, #tpu.memory_space<vmem_shared>> -> memref<64x8xf32, #tpu.memory_space<vmem_shared>>
    %dma_wait3A_1357 = arith.constant 0 : i32
    %dma_wait3A_1358 = tpu.memref_slice %arg17[%add3A_1354, %dma_wait3A_1357] : memref<10240x8xf32, #tpu.memory_space<vmem_shared>> -> memref<64x8xf32, #tpu.memory_space<vmem_shared>>
    tpu.wait_dma2 semaphore(%arg26 : memref<!tpu.dma_semaphore, #tpu.memory_space<semaphore_mem>>) src(%arg19 : memref<64x8xf32, #tpu.memory_space<vmem>>) dst(%dma_wait3A_1358 : memref<64x8xf32, #tpu.memory_space<vmem_shared>>)
    %add3A_1359 = arith.constant 576 : i32
    %add3A_1360 = arith.addi %mul3A_50, %add3A_1359 : i32
    %dma_wait3A_1361 = arith.constant 0 : i32
    %dma_wait3A_1362 = tpu.memref_slice %arg17[%add3A_1360, %dma_wait3A_1361] : memref<10240x8xf32, #tpu.memory_space<vmem_shared>> -> memref<64x8xf32, #tpu.memory_space<vmem_shared>>
    %dma_wait3A_1363 = arith.constant 0 : i32
    %dma_wait3A_1364 = tpu.memref_slice %arg17[%add3A_1360, %dma_wait3A_1363] : memref<10240x8xf32, #tpu.memory_space<vmem_shared>> -> memref<64x8xf32, #tpu.memory_space<vmem_shared>>
    tpu.wait_dma2 semaphore(%arg26 : memref<!tpu.dma_semaphore, #tpu.memory_space<semaphore_mem>>) src(%arg19 : memref<64x8xf32, #tpu.memory_space<vmem>>) dst(%dma_wait3A_1364 : memref<64x8xf32, #tpu.memory_space<vmem_shared>>)
    %barrier3A_1365 = arith.constant 0 : index
    tpu.barrier barrier_id(%barrier3A_1365)
    %add3A_1366 = arith.constant 0 : i32
    %add3A_1367 = arith.addi %select_n3A, %add3A_1366 : i32
    "tpu.region"() ({
      %run_scoped3A = tpu.sem_alloc : memref<!tpu.dma_semaphore, #tpu.memory_space<semaphore_mem>>
      %dma_start3A_1477 = arith.constant 0 : i32
      %dma_start3A_1478 = arith.constant 0 : i32
      %dma_start3A_1479 = tpu.memref_slice %arg21[%dma_start3A_1477, %dma_start3A_1478] : memref<40x128xi32, #tpu.memory_space<vmem>> -> memref<40x128xi32, #tpu.memory_space<vmem>>
      %dma_start3A_1480 = arith.constant 0 : i32
      %dma_start3A_1481 = tpu.memref_slice %arg6[%add3A_1367, %dma_start3A_1480] : memref<1250x128xi32, #tpu.memory_space<hbm>> -> memref<40x128xi32, #tpu.memory_space<hbm>>
      %dma_start3A_1482 = arith.constant 0 : i32
      %dma_start3A_1483 = arith.constant 0 : i32
      %dma_start3A_1484 = tpu.memref_slice %arg21[%dma_start3A_1482, %dma_start3A_1483] : memref<40x128xi32, #tpu.memory_space<vmem>> -> memref<40x128xi32, #tpu.memory_space<vmem>>
      %dma_start3A_1485 = arith.constant 0 : i32
      %dma_start3A_1486 = tpu.memref_slice %arg6[%add3A_1367, %dma_start3A_1485] : memref<1250x128xi32, #tpu.memory_space<hbm>> -> memref<40x128xi32, #tpu.memory_space<hbm>>
      tpu.enqueue_dma source(%dma_start3A_1486 : memref<40x128xi32, #tpu.memory_space<hbm>>) target(%dma_start3A_1484 : memref<40x128xi32, #tpu.memory_space<vmem>>) target_semaphore(%run_scoped3A : memref<!tpu.dma_semaphore, #tpu.memory_space<semaphore_mem>>)
      %dma_wait3A_1487 = arith.constant 0 : i32
      %dma_wait3A_1488 = arith.constant 0 : i32
      %dma_wait3A_1489 = tpu.memref_slice %arg21[%dma_wait3A_1487, %dma_wait3A_1488] : memref<40x128xi32, #tpu.memory_space<vmem>> -> memref<40x128xi32, #tpu.memory_space<vmem>>
      %dma_wait3A_1490 = arith.constant 0 : i32
      %dma_wait3A_1491 = tpu.memref_slice %arg6[%add3A_1367, %dma_wait3A_1490] : memref<1250x128xi32, #tpu.memory_space<hbm>> -> memref<40x128xi32, #tpu.memory_space<hbm>>
      %dma_wait3A_1492 = arith.constant 0 : i32
      %dma_wait3A_1493 = arith.constant 0 : i32
      %dma_wait3A_1494 = tpu.memref_slice %arg21[%dma_wait3A_1492, %dma_wait3A_1493] : memref<40x128xi32, #tpu.memory_space<vmem>> -> memref<40x128xi32, #tpu.memory_space<vmem>>
      %dma_wait3A_1495 = arith.constant 0 : i32
      %dma_wait3A_1496 = tpu.memref_slice %arg6[%add3A_1367, %dma_wait3A_1495] : memref<1250x128xi32, #tpu.memory_space<hbm>> -> memref<40x128xi32, #tpu.memory_space<hbm>>
      tpu.wait_dma2 semaphore(%run_scoped3A : memref<!tpu.dma_semaphore, #tpu.memory_space<semaphore_mem>>) src(%dma_wait3A_1496 : memref<40x128xi32, #tpu.memory_space<hbm>>) dst(%dma_wait3A_1494 : memref<40x128xi32, #tpu.memory_space<vmem>>)
      tpu.yield
    }) : () -> ()
    %add3A_1368 = arith.constant 0 : i32
    %add3A_1369 = arith.addi %select_n3A, %add3A_1368 : i32
    "tpu.region"() ({
      %run_scoped3A = tpu.sem_alloc : memref<!tpu.dma_semaphore, #tpu.memory_space<semaphore_mem>>
      %dma_start3A_1477 = arith.constant 0 : i32
      %dma_start3A_1478 = arith.constant 0 : i32
      %dma_start3A_1479 = tpu.memref_slice %arg22[%dma_start3A_1477, %dma_start3A_1478] : memref<40x128xi32, #tpu.memory_space<vmem>> -> memref<40x128xi32, #tpu.memory_space<vmem>>
      %dma_start3A_1480 = arith.constant 0 : i32
      %dma_start3A_1481 = tpu.memref_slice %arg7[%add3A_1369, %dma_start3A_1480] : memref<1250x128xi32, #tpu.memory_space<hbm>> -> memref<40x128xi32, #tpu.memory_space<hbm>>
      %dma_start3A_1482 = arith.constant 0 : i32
      %dma_start3A_1483 = arith.constant 0 : i32
      %dma_start3A_1484 = tpu.memref_slice %arg22[%dma_start3A_1482, %dma_start3A_1483] : memref<40x128xi32, #tpu.memory_space<vmem>> -> memref<40x128xi32, #tpu.memory_space<vmem>>
      %dma_start3A_1485 = arith.constant 0 : i32
      %dma_start3A_1486 = tpu.memref_slice %arg7[%add3A_1369, %dma_start3A_1485] : memref<1250x128xi32, #tpu.memory_space<hbm>> -> memref<40x128xi32, #tpu.memory_space<hbm>>
      tpu.enqueue_dma source(%dma_start3A_1486 : memref<40x128xi32, #tpu.memory_space<hbm>>) target(%dma_start3A_1484 : memref<40x128xi32, #tpu.memory_space<vmem>>) target_semaphore(%run_scoped3A : memref<!tpu.dma_semaphore, #tpu.memory_space<semaphore_mem>>)
      %dma_wait3A_1487 = arith.constant 0 : i32
      %dma_wait3A_1488 = arith.constant 0 : i32
      %dma_wait3A_1489 = tpu.memref_slice %arg22[%dma_wait3A_1487, %dma_wait3A_1488] : memref<40x128xi32, #tpu.memory_space<vmem>> -> memref<40x128xi32, #tpu.memory_space<vmem>>
      %dma_wait3A_1490 = arith.constant 0 : i32
      %dma_wait3A_1491 = tpu.memref_slice %arg7[%add3A_1369, %dma_wait3A_1490] : memref<1250x128xi32, #tpu.memory_space<hbm>> -> memref<40x128xi32, #tpu.memory_space<hbm>>
      %dma_wait3A_1492 = arith.constant 0 : i32
      %dma_wait3A_1493 = arith.constant 0 : i32
      %dma_wait3A_1494 = tpu.memref_slice %arg22[%dma_wait3A_1492, %dma_wait3A_1493] : memref<40x128xi32, #tpu.memory_space<vmem>> -> memref<40x128xi32, #tpu.memory_space<vmem>>
      %dma_wait3A_1495 = arith.constant 0 : i32
      %dma_wait3A_1496 = tpu.memref_slice %arg7[%add3A_1369, %dma_wait3A_1495] : memref<1250x128xi32, #tpu.memory_space<hbm>> -> memref<40x128xi32, #tpu.memory_space<hbm>>
      tpu.wait_dma2 semaphore(%run_scoped3A : memref<!tpu.dma_semaphore, #tpu.memory_space<semaphore_mem>>) src(%dma_wait3A_1496 : memref<40x128xi32, #tpu.memory_space<hbm>>) dst(%dma_wait3A_1494 : memref<40x128xi32, #tpu.memory_space<vmem>>)
      tpu.yield
    }) : () -> ()
    %dma_start3A_1370 = arith.constant 0 : i32
    %dma_start3A_1371 = arith.constant 0 : i32
    %dma_start3A_1372 = tpu.memref_slice %arg21[%dma_start3A_1370, %dma_start3A_1371] : memref<40x128xi32, #tpu.memory_space<vmem>> -> memref<1x128xi32, #tpu.memory_space<vmem>>
    %dma_start3A_1373 = tpu.memref_squeeze %dma_start3A_1372 : memref<1x128xi32, #tpu.memory_space<vmem>> -> memref<128xi32, #tpu.memory_space<vmem>>
    %dma_start3A_1374 = arith.constant 0 : i32
    %dma_start3A_1375 = arith.constant 0 : i32
    %dma_start3A_1376 = tpu.memref_slice %arg15[%dma_start3A_1374, %dma_start3A_1375] : memref<10000x64xf32, #tpu.memory_space<vmem_shared>> -> memref<10000x64xf32, #tpu.memory_space<vmem_shared>>
    tpu.enqueue_indirect_dma source(%dma_start3A_1376 : memref<10000x64xf32, #tpu.memory_space<vmem_shared>>) target(%arg23 : memref<128x64xf32, #tpu.memory_space<vmem>>) offsets(%dma_start3A_1373 : memref<128xi32, #tpu.memory_space<vmem>>) semaphore(%arg25 : memref<!tpu.dma_semaphore, #tpu.memory_space<semaphore_mem>>)
    %scan3A_1377 = arith.constant 0 : i32
    %scan3A_1378 = arith.constant 0 : i32
    %scan3A_1379 = arith.constant 20 : i32
    %scan3A_1380 = arith.addi %scan3A_1378, %scan3A_1379 : i32
    %scan3A_1381 = arith.constant 1 : i32
    scf.for %scan3A_1477 = %scan3A_1378 to %scan3A_1380 step %scan3A_1381  : i32 {
      %mul3A_1478 = arith.constant 2 : i32
      %mul3A_1479 = arith.muli %mul3A_1478, %scan3A_1477 : i32
      %add3A_1480 = arith.constant 1 : i32
      %add3A_1481 = arith.addi %mul3A_1479, %add3A_1480 : i32
      %dma_wait3A_1482 = arith.constant 0 : i32
      %dma_wait3A_1483 = tpu.memref_slice %arg21[%mul3A_1479, %dma_wait3A_1482] : memref<40x128xi32, #tpu.memory_space<vmem>> -> memref<1x128xi32, #tpu.memory_space<vmem>>
      %dma_wait3A_1484 = tpu.memref_squeeze %dma_wait3A_1483 : memref<1x128xi32, #tpu.memory_space<vmem>> -> memref<128xi32, #tpu.memory_space<vmem>>
      %dma_wait3A_1485 = arith.constant 0 : i32
      %dma_wait3A_1486 = arith.constant 0 : i32
      %dma_wait3A_1487 = tpu.memref_slice %arg15[%dma_wait3A_1485, %dma_wait3A_1486] : memref<10000x64xf32, #tpu.memory_space<vmem_shared>> -> memref<10000x64xf32, #tpu.memory_space<vmem_shared>>
      tpu.wait_indirect_dma semaphore(%arg25 : memref<!tpu.dma_semaphore, #tpu.memory_space<semaphore_mem>>) src(%dma_wait3A_1487 : memref<10000x64xf32, #tpu.memory_space<vmem_shared>>) dst(%arg23 : memref<128x64xf32, #tpu.memory_space<vmem>>)
      %dma_start3A_1488 = arith.constant 0 : i32
      %dma_start3A_1489 = tpu.memref_slice %arg22[%mul3A_1479, %dma_start3A_1488] : memref<40x128xi32, #tpu.memory_space<vmem>> -> memref<1x128xi32, #tpu.memory_space<vmem>>
      %dma_start3A_1490 = tpu.memref_squeeze %dma_start3A_1489 : memref<1x128xi32, #tpu.memory_space<vmem>> -> memref<128xi32, #tpu.memory_space<vmem>>
      %dma_start3A_1491 = arith.constant 0 : i32
      %dma_start3A_1492 = arith.constant 0 : i32
      %dma_start3A_1493 = tpu.memref_slice %arg16[%dma_start3A_1491, %dma_start3A_1492] : memref<10240x64xf32, #tpu.memory_space<vmem_shared>> -> memref<10240x64xf32, #tpu.memory_space<vmem_shared>>
      tpu.enqueue_indirect_dma source(%arg23 : memref<128x64xf32, #tpu.memory_space<vmem>>) target(%dma_start3A_1493 : memref<10240x64xf32, #tpu.memory_space<vmem_shared>>) offsets(%dma_start3A_1490 : memref<128xi32, #tpu.memory_space<vmem>>) semaphore(%arg27 : memref<!tpu.dma_semaphore, #tpu.memory_space<semaphore_mem>>) {add = true}
      %eq3A_1494 = arith.constant 0 : i32
      %eq3A_1495 = arith.cmpi eq, %arg0, %eq3A_1494 : i32
      %convert_element_type3A_1496 = arith.extui %eq3A_1495 : i1 to i32
      %cond3A_1497 = arith.constant 0 : i32
      %cond3A_1498 = arith.cmpi ne, %convert_element_type3A_1496, %cond3A_1497 : i32
      scf.if %cond3A_1498 {
        %dma_start3A_1532 = arith.constant 0 : i32
        %dma_start3A_1533 = tpu.memref_slice %arg22[%mul3A_1479, %dma_start3A_1532] : memref<40x128xi32, #tpu.memory_space<vmem>> -> memref<1x128xi32, #tpu.memory_space<vmem>>
        %dma_start3A_1534 = tpu.memref_squeeze %dma_start3A_1533 : memref<1x128xi32, #tpu.memory_space<vmem>> -> memref<128xi32, #tpu.memory_space<vmem>>
        %dma_start3A_1535 = arith.constant 0 : i32
        %dma_start3A_1536 = arith.constant 0 : i32
        %dma_start3A_1537 = tpu.memref_slice %arg17[%dma_start3A_1535, %dma_start3A_1536] : memref<10240x8xf32, #tpu.memory_space<vmem_shared>> -> memref<10240x8xf32, #tpu.memory_space<vmem_shared>>
        tpu.enqueue_indirect_dma source(%arg20 : memref<128x8xf32, #tpu.memory_space<vmem>>) target(%dma_start3A_1537 : memref<10240x8xf32, #tpu.memory_space<vmem_shared>>) offsets(%dma_start3A_1534 : memref<128xi32, #tpu.memory_space<vmem>>) semaphore(%arg27 : memref<!tpu.dma_semaphore, #tpu.memory_space<semaphore_mem>>) {add = true}
      } else {
      }
      %gt3A = arith.constant 0 : i32
      %gt3A_1499 = arith.cmpi sgt, %scan3A_1477, %gt3A : i32
      %convert_element_type3A_1500 = arith.extui %gt3A_1499 : i1 to i32
      %cond3A_1501 = arith.constant 0 : i32
      %cond3A_1502 = arith.cmpi ne, %convert_element_type3A_1500, %cond3A_1501 : i32
      scf.if %cond3A_1502 {
        %sub3A_1532 = arith.constant 2 : i32
        %sub3A_1533 = arith.subi %add3A_1481, %sub3A_1532 : i32
        %dma_wait3A_1534 = arith.constant 0 : i32
        %dma_wait3A_1535 = tpu.memref_slice %arg22[%sub3A_1533, %dma_wait3A_1534] : memref<40x128xi32, #tpu.memory_space<vmem>> -> memref<1x128xi32, #tpu.memory_space<vmem>>
        %dma_wait3A_1536 = tpu.memref_squeeze %dma_wait3A_1535 : memref<1x128xi32, #tpu.memory_space<vmem>> -> memref<128xi32, #tpu.memory_space<vmem>>
        %dma_wait3A_1537 = arith.constant 0 : i32
        %dma_wait3A_1538 = arith.constant 0 : i32
        %dma_wait3A_1539 = tpu.memref_slice %arg16[%dma_wait3A_1537, %dma_wait3A_1538] : memref<10240x64xf32, #tpu.memory_space<vmem_shared>> -> memref<10240x64xf32, #tpu.memory_space<vmem_shared>>
        tpu.wait_indirect_dma semaphore(%arg28 : memref<!tpu.dma_semaphore, #tpu.memory_space<semaphore_mem>>) src(%arg24 : memref<128x64xf32, #tpu.memory_space<vmem>>) dst(%dma_wait3A_1539 : memref<10240x64xf32, #tpu.memory_space<vmem_shared>>)
        %eq3A_1540 = arith.constant 1 : i32
        %eq3A_1541 = arith.cmpi eq, %arg0, %eq3A_1540 : i32
        %convert_element_type3A_1542 = arith.extui %eq3A_1541 : i1 to i32
        %cond3A_1543 = arith.constant 0 : i32
        %cond3A_1544 = arith.cmpi ne, %convert_element_type3A_1542, %cond3A_1543 : i32
        scf.if %cond3A_1544 {
          %dma_wait3A_1545 = arith.constant 0 : i32
          %dma_wait3A_1546 = tpu.memref_slice %arg22[%sub3A_1533, %dma_wait3A_1545] : memref<40x128xi32, #tpu.memory_space<vmem>> -> memref<1x128xi32, #tpu.memory_space<vmem>>
          %dma_wait3A_1547 = tpu.memref_squeeze %dma_wait3A_1546 : memref<1x128xi32, #tpu.memory_space<vmem>> -> memref<128xi32, #tpu.memory_space<vmem>>
          %dma_wait3A_1548 = arith.constant 0 : i32
          %dma_wait3A_1549 = arith.constant 0 : i32
          %dma_wait3A_1550 = tpu.memref_slice %arg17[%dma_wait3A_1548, %dma_wait3A_1549] : memref<10240x8xf32, #tpu.memory_space<vmem_shared>> -> memref<10240x8xf32, #tpu.memory_space<vmem_shared>>
          tpu.wait_indirect_dma semaphore(%arg28 : memref<!tpu.dma_semaphore, #tpu.memory_space<semaphore_mem>>) src(%arg20 : memref<128x8xf32, #tpu.memory_space<vmem>>) dst(%dma_wait3A_1550 : memref<10240x8xf32, #tpu.memory_space<vmem_shared>>)
        } else {
        }
      } else {
      }
      %dma_start3A_1503 = arith.constant 0 : i32
      %dma_start3A_1504 = tpu.memref_slice %arg21[%add3A_1481, %dma_start3A_1503] : memref<40x128xi32, #tpu.memory_space<vmem>> -> memref<1x128xi32, #tpu.memory_space<vmem>>
      %dma_start3A_1505 = tpu.memref_squeeze %dma_start3A_1504 : memref<1x128xi32, #tpu.memory_space<vmem>> -> memref<128xi32, #tpu.memory_space<vmem>>
      %dma_start3A_1506 = arith.constant 0 : i32
      %dma_start3A_1507 = arith.constant 0 : i32
      %dma_start3A_1508 = tpu.memref_slice %arg15[%dma_start3A_1506, %dma_start3A_1507] : memref<10000x64xf32, #tpu.memory_space<vmem_shared>> -> memref<10000x64xf32, #tpu.memory_space<vmem_shared>>
      tpu.enqueue_indirect_dma source(%dma_start3A_1508 : memref<10000x64xf32, #tpu.memory_space<vmem_shared>>) target(%arg24 : memref<128x64xf32, #tpu.memory_space<vmem>>) offsets(%dma_start3A_1505 : memref<128xi32, #tpu.memory_space<vmem>>) semaphore(%arg26 : memref<!tpu.dma_semaphore, #tpu.memory_space<semaphore_mem>>)
      %dma_wait3A_1509 = arith.constant 0 : i32
      %dma_wait3A_1510 = tpu.memref_slice %arg21[%add3A_1481, %dma_wait3A_1509] : memref<40x128xi32, #tpu.memory_space<vmem>> -> memref<1x128xi32, #tpu.memory_space<vmem>>
      %dma_wait3A_1511 = tpu.memref_squeeze %dma_wait3A_1510 : memref<1x128xi32, #tpu.memory_space<vmem>> -> memref<128xi32, #tpu.memory_space<vmem>>
      %dma_wait3A_1512 = arith.constant 0 : i32
      %dma_wait3A_1513 = arith.constant 0 : i32
      %dma_wait3A_1514 = tpu.memref_slice %arg15[%dma_wait3A_1512, %dma_wait3A_1513] : memref<10000x64xf32, #tpu.memory_space<vmem_shared>> -> memref<10000x64xf32, #tpu.memory_space<vmem_shared>>
      tpu.wait_indirect_dma semaphore(%arg26 : memref<!tpu.dma_semaphore, #tpu.memory_space<semaphore_mem>>) src(%dma_wait3A_1514 : memref<10000x64xf32, #tpu.memory_space<vmem_shared>>) dst(%arg24 : memref<128x64xf32, #tpu.memory_space<vmem>>)
      %dma_start3A_1515 = arith.constant 0 : i32
      %dma_start3A_1516 = tpu.memref_slice %arg22[%add3A_1481, %dma_start3A_1515] : memref<40x128xi32, #tpu.memory_space<vmem>> -> memref<1x128xi32, #tpu.memory_space<vmem>>
      %dma_start3A_1517 = tpu.memref_squeeze %dma_start3A_1516 : memref<1x128xi32, #tpu.memory_space<vmem>> -> memref<128xi32, #tpu.memory_space<vmem>>
      %dma_start3A_1518 = arith.constant 0 : i32
      %dma_start3A_1519 = arith.constant 0 : i32
      %dma_start3A_1520 = tpu.memref_slice %arg16[%dma_start3A_1518, %dma_start3A_1519] : memref<10240x64xf32, #tpu.memory_space<vmem_shared>> -> memref<10240x64xf32, #tpu.memory_space<vmem_shared>>
      tpu.enqueue_indirect_dma source(%arg24 : memref<128x64xf32, #tpu.memory_space<vmem>>) target(%dma_start3A_1520 : memref<10240x64xf32, #tpu.memory_space<vmem_shared>>) offsets(%dma_start3A_1517 : memref<128xi32, #tpu.memory_space<vmem>>) semaphore(%arg28 : memref<!tpu.dma_semaphore, #tpu.memory_space<semaphore_mem>>) {add = true}
      %eq3A_1521 = arith.constant 1 : i32
      %eq3A_1522 = arith.cmpi eq, %arg0, %eq3A_1521 : i32
      %convert_element_type3A_1523 = arith.extui %eq3A_1522 : i1 to i32
      %cond3A_1524 = arith.constant 0 : i32
      %cond3A_1525 = arith.cmpi ne, %convert_element_type3A_1523, %cond3A_1524 : i32
      scf.if %cond3A_1525 {
        %dma_start3A_1532 = arith.constant 0 : i32
        %dma_start3A_1533 = tpu.memref_slice %arg22[%add3A_1481, %dma_start3A_1532] : memref<40x128xi32, #tpu.memory_space<vmem>> -> memref<1x128xi32, #tpu.memory_space<vmem>>
        %dma_start3A_1534 = tpu.memref_squeeze %dma_start3A_1533 : memref<1x128xi32, #tpu.memory_space<vmem>> -> memref<128xi32, #tpu.memory_space<vmem>>
        %dma_start3A_1535 = arith.constant 0 : i32
        %dma_start3A_1536 = arith.constant 0 : i32
        %dma_start3A_1537 = tpu.memref_slice %arg17[%dma_start3A_1535, %dma_start3A_1536] : memref<10240x8xf32, #tpu.memory_space<vmem_shared>> -> memref<10240x8xf32, #tpu.memory_space<vmem_shared>>
        tpu.enqueue_indirect_dma source(%arg20 : memref<128x8xf32, #tpu.memory_space<vmem>>) target(%dma_start3A_1537 : memref<10240x8xf32, #tpu.memory_space<vmem_shared>>) offsets(%dma_start3A_1534 : memref<128xi32, #tpu.memory_space<vmem>>) semaphore(%arg28 : memref<!tpu.dma_semaphore, #tpu.memory_space<semaphore_mem>>) {add = true}
      } else {
      }
      %add3A_1526 = arith.constant 2 : i32
      %add3A_1527 = arith.addi %mul3A_1479, %add3A_1526 : i32
      %lt3A = arith.constant 40 : i32
      %lt3A_1528 = arith.cmpi slt, %add3A_1527, %lt3A : i32
      %convert_element_type3A_1529 = arith.extui %lt3A_1528 : i1 to i32
      %cond3A_1530 = arith.constant 0 : i32
      %cond3A_1531 = arith.cmpi ne, %convert_element_type3A_1529, %cond3A_1530 : i32
      scf.if %cond3A_1531 {
        %dma_wait3A_1532 = arith.constant 0 : i32
        %dma_wait3A_1533 = tpu.memref_slice %arg22[%mul3A_1479, %dma_wait3A_1532] : memref<40x128xi32, #tpu.memory_space<vmem>> -> memref<1x128xi32, #tpu.memory_space<vmem>>
        %dma_wait3A_1534 = tpu.memref_squeeze %dma_wait3A_1533 : memref<1x128xi32, #tpu.memory_space<vmem>> -> memref<128xi32, #tpu.memory_space<vmem>>
        %dma_wait3A_1535 = arith.constant 0 : i32
        %dma_wait3A_1536 = arith.constant 0 : i32
        %dma_wait3A_1537 = tpu.memref_slice %arg16[%dma_wait3A_1535, %dma_wait3A_1536] : memref<10240x64xf32, #tpu.memory_space<vmem_shared>> -> memref<10240x64xf32, #tpu.memory_space<vmem_shared>>
        tpu.wait_indirect_dma semaphore(%arg27 : memref<!tpu.dma_semaphore, #tpu.memory_space<semaphore_mem>>) src(%arg23 : memref<128x64xf32, #tpu.memory_space<vmem>>) dst(%dma_wait3A_1537 : memref<10240x64xf32, #tpu.memory_space<vmem_shared>>)
        %eq3A_1538 = arith.constant 0 : i32
        %eq3A_1539 = arith.cmpi eq, %arg0, %eq3A_1538 : i32
        %convert_element_type3A_1540 = arith.extui %eq3A_1539 : i1 to i32
        %cond3A_1541 = arith.constant 0 : i32
        %cond3A_1542 = arith.cmpi ne, %convert_element_type3A_1540, %cond3A_1541 : i32
        scf.if %cond3A_1542 {
          %dma_wait3A_1551 = arith.constant 0 : i32
          %dma_wait3A_1552 = tpu.memref_slice %arg22[%mul3A_1479, %dma_wait3A_1551] : memref<40x128xi32, #tpu.memory_space<vmem>> -> memref<1x128xi32, #tpu.memory_space<vmem>>
          %dma_wait3A_1553 = tpu.memref_squeeze %dma_wait3A_1552 : memref<1x128xi32, #tpu.memory_space<vmem>> -> memref<128xi32, #tpu.memory_space<vmem>>
          %dma_wait3A_1554 = arith.constant 0 : i32
          %dma_wait3A_1555 = arith.constant 0 : i32
          %dma_wait3A_1556 = tpu.memref_slice %arg17[%dma_wait3A_1554, %dma_wait3A_1555] : memref<10240x8xf32, #tpu.memory_space<vmem_shared>> -> memref<10240x8xf32, #tpu.memory_space<vmem_shared>>
          tpu.wait_indirect_dma semaphore(%arg27 : memref<!tpu.dma_semaphore, #tpu.memory_space<semaphore_mem>>) src(%arg20 : memref<128x8xf32, #tpu.memory_space<vmem>>) dst(%dma_wait3A_1556 : memref<10240x8xf32, #tpu.memory_space<vmem_shared>>)
        } else {
        }
        %add3A_1543 = arith.constant 2 : i32
        %add3A_1544 = arith.addi %mul3A_1479, %add3A_1543 : i32
        %dma_start3A_1545 = arith.constant 0 : i32
        %dma_start3A_1546 = tpu.memref_slice %arg21[%add3A_1544, %dma_start3A_1545] : memref<40x128xi32, #tpu.memory_space<vmem>> -> memref<1x128xi32, #tpu.memory_space<vmem>>
        %dma_start3A_1547 = tpu.memref_squeeze %dma_start3A_1546 : memref<1x128xi32, #tpu.memory_space<vmem>> -> memref<128xi32, #tpu.memory_space<vmem>>
        %dma_start3A_1548 = arith.constant 0 : i32
        %dma_start3A_1549 = arith.constant 0 : i32
        %dma_start3A_1550 = tpu.memref_slice %arg15[%dma_start3A_1548, %dma_start3A_1549] : memref<10000x64xf32, #tpu.memory_space<vmem_shared>> -> memref<10000x64xf32, #tpu.memory_space<vmem_shared>>
        tpu.enqueue_indirect_dma source(%dma_start3A_1550 : memref<10000x64xf32, #tpu.memory_space<vmem_shared>>) target(%arg23 : memref<128x64xf32, #tpu.memory_space<vmem>>) offsets(%dma_start3A_1547 : memref<128xi32, #tpu.memory_space<vmem>>) semaphore(%arg25 : memref<!tpu.dma_semaphore, #tpu.memory_space<semaphore_mem>>)
      } else {
      }
    }
    %scan3A_1382 = arith.constant 20 : i32
    %dma_wait3A_1383 = arith.constant 38 : i32
    %dma_wait3A_1384 = arith.constant 0 : i32
    %dma_wait3A_1385 = tpu.memref_slice %arg22[%dma_wait3A_1383, %dma_wait3A_1384] : memref<40x128xi32, #tpu.memory_space<vmem>> -> memref<1x128xi32, #tpu.memory_space<vmem>>
    %dma_wait3A_1386 = tpu.memref_squeeze %dma_wait3A_1385 : memref<1x128xi32, #tpu.memory_space<vmem>> -> memref<128xi32, #tpu.memory_space<vmem>>
    %dma_wait3A_1387 = arith.constant 0 : i32
    %dma_wait3A_1388 = arith.constant 0 : i32
    %dma_wait3A_1389 = tpu.memref_slice %arg16[%dma_wait3A_1387, %dma_wait3A_1388] : memref<10240x64xf32, #tpu.memory_space<vmem_shared>> -> memref<10240x64xf32, #tpu.memory_space<vmem_shared>>
    tpu.wait_indirect_dma semaphore(%arg27 : memref<!tpu.dma_semaphore, #tpu.memory_space<semaphore_mem>>) src(%arg23 : memref<128x64xf32, #tpu.memory_space<vmem>>) dst(%dma_wait3A_1389 : memref<10240x64xf32, #tpu.memory_space<vmem_shared>>)
    %eq3A_1390 = arith.constant 0 : i32
    %eq3A_1391 = arith.cmpi eq, %arg0, %eq3A_1390 : i32
    %convert_element_type3A_1392 = arith.extui %eq3A_1391 : i1 to i32
    %cond3A_1393 = arith.constant 0 : i32
    %cond3A_1394 = arith.cmpi ne, %convert_element_type3A_1392, %cond3A_1393 : i32
    scf.if %cond3A_1394 {
      %dma_wait3A_1477 = arith.constant 38 : i32
      %dma_wait3A_1478 = arith.constant 0 : i32
      %dma_wait3A_1479 = tpu.memref_slice %arg22[%dma_wait3A_1477, %dma_wait3A_1478] : memref<40x128xi32, #tpu.memory_space<vmem>> -> memref<1x128xi32, #tpu.memory_space<vmem>>
      %dma_wait3A_1480 = tpu.memref_squeeze %dma_wait3A_1479 : memref<1x128xi32, #tpu.memory_space<vmem>> -> memref<128xi32, #tpu.memory_space<vmem>>
      %dma_wait3A_1481 = arith.constant 0 : i32
      %dma_wait3A_1482 = arith.constant 0 : i32
      %dma_wait3A_1483 = tpu.memref_slice %arg17[%dma_wait3A_1481, %dma_wait3A_1482] : memref<10240x8xf32, #tpu.memory_space<vmem_shared>> -> memref<10240x8xf32, #tpu.memory_space<vmem_shared>>
      tpu.wait_indirect_dma semaphore(%arg27 : memref<!tpu.dma_semaphore, #tpu.memory_space<semaphore_mem>>) src(%arg20 : memref<128x8xf32, #tpu.memory_space<vmem>>) dst(%dma_wait3A_1483 : memref<10240x8xf32, #tpu.memory_space<vmem_shared>>)
    } else {
    }
    %dma_wait3A_1395 = arith.constant 39 : i32
    %dma_wait3A_1396 = arith.constant 0 : i32
    %dma_wait3A_1397 = tpu.memref_slice %arg22[%dma_wait3A_1395, %dma_wait3A_1396] : memref<40x128xi32, #tpu.memory_space<vmem>> -> memref<1x128xi32, #tpu.memory_space<vmem>>
    %dma_wait3A_1398 = tpu.memref_squeeze %dma_wait3A_1397 : memref<1x128xi32, #tpu.memory_space<vmem>> -> memref<128xi32, #tpu.memory_space<vmem>>
    %dma_wait3A_1399 = arith.constant 0 : i32
    %dma_wait3A_1400 = arith.constant 0 : i32
    %dma_wait3A_1401 = tpu.memref_slice %arg16[%dma_wait3A_1399, %dma_wait3A_1400] : memref<10240x64xf32, #tpu.memory_space<vmem_shared>> -> memref<10240x64xf32, #tpu.memory_space<vmem_shared>>
    tpu.wait_indirect_dma semaphore(%arg28 : memref<!tpu.dma_semaphore, #tpu.memory_space<semaphore_mem>>) src(%arg24 : memref<128x64xf32, #tpu.memory_space<vmem>>) dst(%dma_wait3A_1401 : memref<10240x64xf32, #tpu.memory_space<vmem_shared>>)
    %eq3A_1402 = arith.constant 1 : i32
    %eq3A_1403 = arith.cmpi eq, %arg0, %eq3A_1402 : i32
    %convert_element_type3A_1404 = arith.extui %eq3A_1403 : i1 to i32
    %cond3A_1405 = arith.constant 0 : i32
    %cond3A_1406 = arith.cmpi ne, %convert_element_type3A_1404, %cond3A_1405 : i32
    scf.if %cond3A_1406 {
      %dma_wait3A_1477 = arith.constant 39 : i32
      %dma_wait3A_1478 = arith.constant 0 : i32
      %dma_wait3A_1479 = tpu.memref_slice %arg22[%dma_wait3A_1477, %dma_wait3A_1478] : memref<40x128xi32, #tpu.memory_space<vmem>> -> memref<1x128xi32, #tpu.memory_space<vmem>>
      %dma_wait3A_1480 = tpu.memref_squeeze %dma_wait3A_1479 : memref<1x128xi32, #tpu.memory_space<vmem>> -> memref<128xi32, #tpu.memory_space<vmem>>
      %dma_wait3A_1481 = arith.constant 0 : i32
      %dma_wait3A_1482 = arith.constant 0 : i32
      %dma_wait3A_1483 = tpu.memref_slice %arg17[%dma_wait3A_1481, %dma_wait3A_1482] : memref<10240x8xf32, #tpu.memory_space<vmem_shared>> -> memref<10240x8xf32, #tpu.memory_space<vmem_shared>>
      tpu.wait_indirect_dma semaphore(%arg28 : memref<!tpu.dma_semaphore, #tpu.memory_space<semaphore_mem>>) src(%arg20 : memref<128x8xf32, #tpu.memory_space<vmem>>) dst(%dma_wait3A_1483 : memref<10240x8xf32, #tpu.memory_space<vmem_shared>>)
    } else {
    }
    %add3A_1407 = arith.constant 40 : i32
    %add3A_1408 = arith.addi %select_n3A, %add3A_1407 : i32
    "tpu.region"() ({
      %run_scoped3A = tpu.sem_alloc : memref<!tpu.dma_semaphore, #tpu.memory_space<semaphore_mem>>
      %dma_start3A_1477 = arith.constant 0 : i32
      %dma_start3A_1478 = arith.constant 0 : i32
      %dma_start3A_1479 = tpu.memref_slice %arg21[%dma_start3A_1477, %dma_start3A_1478] : memref<40x128xi32, #tpu.memory_space<vmem>> -> memref<39x128xi32, #tpu.memory_space<vmem>>
      %dma_start3A_1480 = arith.constant 0 : i32
      %dma_start3A_1481 = tpu.memref_slice %arg6[%add3A_1408, %dma_start3A_1480] : memref<1250x128xi32, #tpu.memory_space<hbm>> -> memref<39x128xi32, #tpu.memory_space<hbm>>
      %dma_start3A_1482 = arith.constant 0 : i32
      %dma_start3A_1483 = arith.constant 0 : i32
      %dma_start3A_1484 = tpu.memref_slice %arg21[%dma_start3A_1482, %dma_start3A_1483] : memref<40x128xi32, #tpu.memory_space<vmem>> -> memref<39x128xi32, #tpu.memory_space<vmem>>
      %dma_start3A_1485 = arith.constant 0 : i32
      %dma_start3A_1486 = tpu.memref_slice %arg6[%add3A_1408, %dma_start3A_1485] : memref<1250x128xi32, #tpu.memory_space<hbm>> -> memref<39x128xi32, #tpu.memory_space<hbm>>
      tpu.enqueue_dma source(%dma_start3A_1486 : memref<39x128xi32, #tpu.memory_space<hbm>>) target(%dma_start3A_1484 : memref<39x128xi32, #tpu.memory_space<vmem>>) target_semaphore(%run_scoped3A : memref<!tpu.dma_semaphore, #tpu.memory_space<semaphore_mem>>)
      %dma_wait3A_1487 = arith.constant 0 : i32
      %dma_wait3A_1488 = arith.constant 0 : i32
      %dma_wait3A_1489 = tpu.memref_slice %arg21[%dma_wait3A_1487, %dma_wait3A_1488] : memref<40x128xi32, #tpu.memory_space<vmem>> -> memref<39x128xi32, #tpu.memory_space<vmem>>
      %dma_wait3A_1490 = arith.constant 0 : i32
      %dma_wait3A_1491 = tpu.memref_slice %arg6[%add3A_1408, %dma_wait3A_1490] : memref<1250x128xi32, #tpu.memory_space<hbm>> -> memref<39x128xi32, #tpu.memory_space<hbm>>
      %dma_wait3A_1492 = arith.constant 0 : i32
      %dma_wait3A_1493 = arith.constant 0 : i32
      %dma_wait3A_1494 = tpu.memref_slice %arg21[%dma_wait3A_1492, %dma_wait3A_1493] : memref<40x128xi32, #tpu.memory_space<vmem>> -> memref<39x128xi32, #tpu.memory_space<vmem>>
      %dma_wait3A_1495 = arith.constant 0 : i32
      %dma_wait3A_1496 = tpu.memref_slice %arg6[%add3A_1408, %dma_wait3A_1495] : memref<1250x128xi32, #tpu.memory_space<hbm>> -> memref<39x128xi32, #tpu.memory_space<hbm>>
      tpu.wait_dma2 semaphore(%run_scoped3A : memref<!tpu.dma_semaphore, #tpu.memory_space<semaphore_mem>>) src(%dma_wait3A_1496 : memref<39x128xi32, #tpu.memory_space<hbm>>) dst(%dma_wait3A_1494 : memref<39x128xi32, #tpu.memory_space<vmem>>)
      tpu.yield
    }) : () -> ()
    %add3A_1409 = arith.constant 40 : i32
    %add3A_1410 = arith.addi %select_n3A, %add3A_1409 : i32
    "tpu.region"() ({
      %run_scoped3A = tpu.sem_alloc : memref<!tpu.dma_semaphore, #tpu.memory_space<semaphore_mem>>
      %dma_start3A_1477 = arith.constant 0 : i32
      %dma_start3A_1478 = arith.constant 0 : i32
      %dma_start3A_1479 = tpu.memref_slice %arg22[%dma_start3A_1477, %dma_start3A_1478] : memref<40x128xi32, #tpu.memory_space<vmem>> -> memref<39x128xi32, #tpu.memory_space<vmem>>
      %dma_start3A_1480 = arith.constant 0 : i32
      %dma_start3A_1481 = tpu.memref_slice %arg7[%add3A_1410, %dma_start3A_1480] : memref<1250x128xi32, #tpu.memory_space<hbm>> -> memref<39x128xi32, #tpu.memory_space<hbm>>
      %dma_start3A_1482 = arith.constant 0 : i32
      %dma_start3A_1483 = arith.constant 0 : i32
      %dma_start3A_1484 = tpu.memref_slice %arg22[%dma_start3A_1482, %dma_start3A_1483] : memref<40x128xi32, #tpu.memory_space<vmem>> -> memref<39x128xi32, #tpu.memory_space<vmem>>
      %dma_start3A_1485 = arith.constant 0 : i32
      %dma_start3A_1486 = tpu.memref_slice %arg7[%add3A_1410, %dma_start3A_1485] : memref<1250x128xi32, #tpu.memory_space<hbm>> -> memref<39x128xi32, #tpu.memory_space<hbm>>
      tpu.enqueue_dma source(%dma_start3A_1486 : memref<39x128xi32, #tpu.memory_space<hbm>>) target(%dma_start3A_1484 : memref<39x128xi32, #tpu.memory_space<vmem>>) target_semaphore(%run_scoped3A : memref<!tpu.dma_semaphore, #tpu.memory_space<semaphore_mem>>)
      %dma_wait3A_1487 = arith.constant 0 : i32
      %dma_wait3A_1488 = arith.constant 0 : i32
      %dma_wait3A_1489 = tpu.memref_slice %arg22[%dma_wait3A_1487, %dma_wait3A_1488] : memref<40x128xi32, #tpu.memory_space<vmem>> -> memref<39x128xi32, #tpu.memory_space<vmem>>
      %dma_wait3A_1490 = arith.constant 0 : i32
      %dma_wait3A_1491 = tpu.memref_slice %arg7[%add3A_1410, %dma_wait3A_1490] : memref<1250x128xi32, #tpu.memory_space<hbm>> -> memref<39x128xi32, #tpu.memory_space<hbm>>
      %dma_wait3A_1492 = arith.constant 0 : i32
      %dma_wait3A_1493 = arith.constant 0 : i32
      %dma_wait3A_1494 = tpu.memref_slice %arg22[%dma_wait3A_1492, %dma_wait3A_1493] : memref<40x128xi32, #tpu.memory_space<vmem>> -> memref<39x128xi32, #tpu.memory_space<vmem>>
      %dma_wait3A_1495 = arith.constant 0 : i32
      %dma_wait3A_1496 = tpu.memref_slice %arg7[%add3A_1410, %dma_wait3A_1495] : memref<1250x128xi32, #tpu.memory_space<hbm>> -> memref<39x128xi32, #tpu.memory_space<hbm>>
      tpu.wait_dma2 semaphore(%run_scoped3A : memref<!tpu.dma_semaphore, #tpu.memory_space<semaphore_mem>>) src(%dma_wait3A_1496 : memref<39x128xi32, #tpu.memory_space<hbm>>) dst(%dma_wait3A_1494 : memref<39x128xi32, #tpu.memory_space<vmem>>)
      tpu.yield
    }) : () -> ()
    %le3A_1411 = arith.constant 78 : i32
    %le3A_1412 = arith.cmpi sle, %sub3A_44, %le3A_1411 : i32
    %convert_element_type3A_1413 = arith.extui %le3A_1412 : i1 to i32
    %cond3A_1414 = arith.constant 0 : i32
    %cond3A_1415 = arith.cmpi ne, %convert_element_type3A_1413, %cond3A_1414 : i32
    scf.if %cond3A_1415 {
      %broadcast_in_dim3A = arith.constant 0 : i32
      %broadcast_in_dim3A_1477 = vector.broadcast %broadcast_in_dim3A : i32 to vector<16xi32>
      %swap3A = arith.constant 38 : i32
      %swap3A_1478 = arith.index_cast %swap3A : i32 to index
      %swap3A_1479 = arith.constant 0 : index
      %swap3A_1480 = tpu.vector_load %arg21[%swap3A_1478, %swap3A_1479] {strides = array<i32>} : memref<40x128xi32, #tpu.memory_space<vmem>>, vector<1x16xi32>,
      %swap3A_1481 = vector.shape_cast %swap3A_1480 : vector<1x16xi32> to vector<16xi32>
      %swap3A_1482 = vector.shape_cast %broadcast_in_dim3A_1477 : vector<16xi32> to vector<1x16xi32>
      tpu.vector_store %arg21[%swap3A_1478, %swap3A_1479], %swap3A_1482 {strides = array<i32>} : memref<40x128xi32, #tpu.memory_space<vmem>>, vector<1x16xi32>,
      %broadcast_in_dim3A_1483 = vector.broadcast %add3A_48 : i32 to vector<16xi32>
      %swap3A_1484 = arith.constant 38 : i32
      %swap3A_1485 = arith.index_cast %swap3A_1484 : i32 to index
      %swap3A_1486 = arith.constant 0 : index
      %swap3A_1487 = tpu.vector_load %arg22[%swap3A_1485, %swap3A_1486] {strides = array<i32>} : memref<40x128xi32, #tpu.memory_space<vmem>>, vector<1x16xi32>,
      %swap3A_1488 = vector.shape_cast %swap3A_1487 : vector<1x16xi32> to vector<16xi32>
      %swap3A_1489 = vector.shape_cast %broadcast_in_dim3A_1483 : vector<16xi32> to vector<1x16xi32>
      tpu.vector_store %arg22[%swap3A_1485, %swap3A_1486], %swap3A_1489 {strides = array<i32>} : memref<40x128xi32, #tpu.memory_space<vmem>>, vector<1x16xi32>,
      %broadcast_in_dim3A_1490 = arith.constant 0 : i32
      %broadcast_in_dim3A_1491 = vector.broadcast %broadcast_in_dim3A_1490 : i32 to vector<16xi32>
      %swap3A_1492 = arith.constant 38 : i32
      %swap3A_1493 = arith.index_cast %swap3A_1492 : i32 to index
      %swap3A_1494 = arith.constant 16 : index
      %swap3A_1495 = tpu.vector_load %arg21[%swap3A_1493, %swap3A_1494] {strides = array<i32>} : memref<40x128xi32, #tpu.memory_space<vmem>>, vector<1x16xi32>,
      %swap3A_1496 = vector.shape_cast %swap3A_1495 : vector<1x16xi32> to vector<16xi32>
      %swap3A_1497 = vector.shape_cast %broadcast_in_dim3A_1491 : vector<16xi32> to vector<1x16xi32>
      tpu.vector_store %arg21[%swap3A_1493, %swap3A_1494], %swap3A_1497 {strides = array<i32>} : memref<40x128xi32, #tpu.memory_space<vmem>>, vector<1x16xi32>,
      %broadcast_in_dim3A_1498 = vector.broadcast %add3A_48 : i32 to vector<16xi32>
      %swap3A_1499 = arith.constant 38 : i32
      %swap3A_1500 = arith.index_cast %swap3A_1499 : i32 to index
      %swap3A_1501 = arith.constant 16 : index
      %swap3A_1502 = tpu.vector_load %arg22[%swap3A_1500, %swap3A_1501] {strides = array<i32>} : memref<40x128xi32, #tpu.memory_space<vmem>>, vector<1x16xi32>,
      %swap3A_1503 = vector.shape_cast %swap3A_1502 : vector<1x16xi32> to vector<16xi32>
      %swap3A_1504 = vector.shape_cast %broadcast_in_dim3A_1498 : vector<16xi32> to vector<1x16xi32>
      tpu.vector_store %arg22[%swap3A_1500, %swap3A_1501], %swap3A_1504 {strides = array<i32>} : memref<40x128xi32, #tpu.memory_space<vmem>>, vector<1x16xi32>,
      %broadcast_in_dim3A_1505 = arith.constant 0 : i32
      %broadcast_in_dim3A_1506 = vector.broadcast %broadcast_in_dim3A_1505 : i32 to vector<16xi32>
      %swap3A_1507 = arith.constant 38 : i32
      %swap3A_1508 = arith.index_cast %swap3A_1507 : i32 to index
      %swap3A_1509 = arith.constant 32 : index
      %swap3A_1510 = tpu.vector_load %arg21[%swap3A_1508, %swap3A_1509] {strides = array<i32>} : memref<40x128xi32, #tpu.memory_space<vmem>>, vector<1x16xi32>,
      %swap3A_1511 = vector.shape_cast %swap3A_1510 : vector<1x16xi32> to vector<16xi32>
      %swap3A_1512 = vector.shape_cast %broadcast_in_dim3A_1506 : vector<16xi32> to vector<1x16xi32>
      tpu.vector_store %arg21[%swap3A_1508, %swap3A_1509], %swap3A_1512 {strides = array<i32>} : memref<40x128xi32, #tpu.memory_space<vmem>>, vector<1x16xi32>,
      %broadcast_in_dim3A_1513 = vector.broadcast %add3A_48 : i32 to vector<16xi32>
      %swap3A_1514 = arith.constant 38 : i32
      %swap3A_1515 = arith.index_cast %swap3A_1514 : i32 to index
      %swap3A_1516 = arith.constant 32 : index
      %swap3A_1517 = tpu.vector_load %arg22[%swap3A_1515, %swap3A_1516] {strides = array<i32>} : memref<40x128xi32, #tpu.memory_space<vmem>>, vector<1x16xi32>,
      %swap3A_1518 = vector.shape_cast %swap3A_1517 : vector<1x16xi32> to vector<16xi32>
      %swap3A_1519 = vector.shape_cast %broadcast_in_dim3A_1513 : vector<16xi32> to vector<1x16xi32>
      tpu.vector_store %arg22[%swap3A_1515, %swap3A_1516], %swap3A_1519 {strides = array<i32>} : memref<40x128xi32, #tpu.memory_space<vmem>>, vector<1x16xi32>,
      %broadcast_in_dim3A_1520 = arith.constant 0 : i32
      %broadcast_in_dim3A_1521 = vector.broadcast %broadcast_in_dim3A_1520 : i32 to vector<16xi32>
      %swap3A_1522 = arith.constant 38 : i32
      %swap3A_1523 = arith.index_cast %swap3A_1522 : i32 to index
      %swap3A_1524 = arith.constant 48 : index
      %swap3A_1525 = tpu.vector_load %arg21[%swap3A_1523, %swap3A_1524] {strides = array<i32>} : memref<40x128xi32, #tpu.memory_space<vmem>>, vector<1x16xi32>,
      %swap3A_1526 = vector.shape_cast %swap3A_1525 : vector<1x16xi32> to vector<16xi32>
      %swap3A_1527 = vector.shape_cast %broadcast_in_dim3A_1521 : vector<16xi32> to vector<1x16xi32>
      tpu.vector_store %arg21[%swap3A_1523, %swap3A_1524], %swap3A_1527 {strides = array<i32>} : memref<40x128xi32, #tpu.memory_space<vmem>>, vector<1x16xi32>,
      %broadcast_in_dim3A_1528 = vector.broadcast %add3A_48 : i32 to vector<16xi32>
      %swap3A_1529 = arith.constant 38 : i32
      %swap3A_1530 = arith.index_cast %swap3A_1529 : i32 to index
      %swap3A_1531 = arith.constant 48 : index
      %swap3A_1532 = tpu.vector_load %arg22[%swap3A_1530, %swap3A_1531] {strides = array<i32>} : memref<40x128xi32, #tpu.memory_space<vmem>>, vector<1x16xi32>,
      %swap3A_1533 = vector.shape_cast %swap3A_1532 : vector<1x16xi32> to vector<16xi32>
      %swap3A_1534 = vector.shape_cast %broadcast_in_dim3A_1528 : vector<16xi32> to vector<1x16xi32>
      tpu.vector_store %arg22[%swap3A_1530, %swap3A_1531], %swap3A_1534 {strides = array<i32>} : memref<40x128xi32, #tpu.memory_space<vmem>>, vector<1x16xi32>,
      %broadcast_in_dim3A_1535 = arith.constant 0 : i32
      %broadcast_in_dim3A_1536 = vector.broadcast %broadcast_in_dim3A_1535 : i32 to vector<16xi32>
      %swap3A_1537 = arith.constant 38 : i32
      %swap3A_1538 = arith.index_cast %swap3A_1537 : i32 to index
      %swap3A_1539 = arith.constant 64 : index
      %swap3A_1540 = tpu.vector_load %arg21[%swap3A_1538, %swap3A_1539] {strides = array<i32>} : memref<40x128xi32, #tpu.memory_space<vmem>>, vector<1x16xi32>,
      %swap3A_1541 = vector.shape_cast %swap3A_1540 : vector<1x16xi32> to vector<16xi32>
      %swap3A_1542 = vector.shape_cast %broadcast_in_dim3A_1536 : vector<16xi32> to vector<1x16xi32>
      tpu.vector_store %arg21[%swap3A_1538, %swap3A_1539], %swap3A_1542 {strides = array<i32>} : memref<40x128xi32, #tpu.memory_space<vmem>>, vector<1x16xi32>,
      %broadcast_in_dim3A_1543 = vector.broadcast %add3A_48 : i32 to vector<16xi32>
      %swap3A_1544 = arith.constant 38 : i32
      %swap3A_1545 = arith.index_cast %swap3A_1544 : i32 to index
      %swap3A_1546 = arith.constant 64 : index
      %swap3A_1547 = tpu.vector_load %arg22[%swap3A_1545, %swap3A_1546] {strides = array<i32>} : memref<40x128xi32, #tpu.memory_space<vmem>>, vector<1x16xi32>,
      %swap3A_1548 = vector.shape_cast %swap3A_1547 : vector<1x16xi32> to vector<16xi32>
      %swap3A_1549 = vector.shape_cast %broadcast_in_dim3A_1543 : vector<16xi32> to vector<1x16xi32>
      tpu.vector_store %arg22[%swap3A_1545, %swap3A_1546], %swap3A_1549 {strides = array<i32>} : memref<40x128xi32, #tpu.memory_space<vmem>>, vector<1x16xi32>,
      %broadcast_in_dim3A_1550 = arith.constant 0 : i32
      %broadcast_in_dim3A_1551 = vector.broadcast %broadcast_in_dim3A_1550 : i32 to vector<16xi32>
      %swap3A_1552 = arith.constant 38 : i32
      %swap3A_1553 = arith.index_cast %swap3A_1552 : i32 to index
      %swap3A_1554 = arith.constant 80 : index
      %swap3A_1555 = tpu.vector_load %arg21[%swap3A_1553, %swap3A_1554] {strides = array<i32>} : memref<40x128xi32, #tpu.memory_space<vmem>>, vector<1x16xi32>,
      %swap3A_1556 = vector.shape_cast %swap3A_1555 : vector<1x16xi32> to vector<16xi32>
      %swap3A_1557 = vector.shape_cast %broadcast_in_dim3A_1551 : vector<16xi32> to vector<1x16xi32>
      tpu.vector_store %arg21[%swap3A_1553, %swap3A_1554], %swap3A_1557 {strides = array<i32>} : memref<40x128xi32, #tpu.memory_space<vmem>>, vector<1x16xi32>,
      %broadcast_in_dim3A_1558 = vector.broadcast %add3A_48 : i32 to vector<16xi32>
      %swap3A_1559 = arith.constant 38 : i32
      %swap3A_1560 = arith.index_cast %swap3A_1559 : i32 to index
      %swap3A_1561 = arith.constant 80 : index
      %swap3A_1562 = tpu.vector_load %arg22[%swap3A_1560, %swap3A_1561] {strides = array<i32>} : memref<40x128xi32, #tpu.memory_space<vmem>>, vector<1x16xi32>,
      %swap3A_1563 = vector.shape_cast %swap3A_1562 : vector<1x16xi32> to vector<16xi32>
      %swap3A_1564 = vector.shape_cast %broadcast_in_dim3A_1558 : vector<16xi32> to vector<1x16xi32>
      tpu.vector_store %arg22[%swap3A_1560, %swap3A_1561], %swap3A_1564 {strides = array<i32>} : memref<40x128xi32, #tpu.memory_space<vmem>>, vector<1x16xi32>,
      %broadcast_in_dim3A_1565 = arith.constant 0 : i32
      %broadcast_in_dim3A_1566 = vector.broadcast %broadcast_in_dim3A_1565 : i32 to vector<16xi32>
      %swap3A_1567 = arith.constant 38 : i32
      %swap3A_1568 = arith.index_cast %swap3A_1567 : i32 to index
      %swap3A_1569 = arith.constant 96 : index
      %swap3A_1570 = tpu.vector_load %arg21[%swap3A_1568, %swap3A_1569] {strides = array<i32>} : memref<40x128xi32, #tpu.memory_space<vmem>>, vector<1x16xi32>,
      %swap3A_1571 = vector.shape_cast %swap3A_1570 : vector<1x16xi32> to vector<16xi32>
      %swap3A_1572 = vector.shape_cast %broadcast_in_dim3A_1566 : vector<16xi32> to vector<1x16xi32>
      tpu.vector_store %arg21[%swap3A_1568, %swap3A_1569], %swap3A_1572 {strides = array<i32>} : memref<40x128xi32, #tpu.memory_space<vmem>>, vector<1x16xi32>,
      %broadcast_in_dim3A_1573 = vector.broadcast %add3A_48 : i32 to vector<16xi32>
      %swap3A_1574 = arith.constant 38 : i32
      %swap3A_1575 = arith.index_cast %swap3A_1574 : i32 to index
      %swap3A_1576 = arith.constant 96 : index
      %swap3A_1577 = tpu.vector_load %arg22[%swap3A_1575, %swap3A_1576] {strides = array<i32>} : memref<40x128xi32, #tpu.memory_space<vmem>>, vector<1x16xi32>,
      %swap3A_1578 = vector.shape_cast %swap3A_1577 : vector<1x16xi32> to vector<16xi32>
      %swap3A_1579 = vector.shape_cast %broadcast_in_dim3A_1573 : vector<16xi32> to vector<1x16xi32>
      tpu.vector_store %arg22[%swap3A_1575, %swap3A_1576], %swap3A_1579 {strides = array<i32>} : memref<40x128xi32, #tpu.memory_space<vmem>>, vector<1x16xi32>,
      %broadcast_in_dim3A_1580 = arith.constant 0 : i32
      %broadcast_in_dim3A_1581 = vector.broadcast %broadcast_in_dim3A_1580 : i32 to vector<16xi32>
      %swap3A_1582 = arith.constant 38 : i32
      %swap3A_1583 = arith.index_cast %swap3A_1582 : i32 to index
      %swap3A_1584 = arith.constant 112 : index
      %swap3A_1585 = tpu.vector_load %arg21[%swap3A_1583, %swap3A_1584] {strides = array<i32>} : memref<40x128xi32, #tpu.memory_space<vmem>>, vector<1x16xi32>,
      %swap3A_1586 = vector.shape_cast %swap3A_1585 : vector<1x16xi32> to vector<16xi32>
      %swap3A_1587 = vector.shape_cast %broadcast_in_dim3A_1581 : vector<16xi32> to vector<1x16xi32>
      tpu.vector_store %arg21[%swap3A_1583, %swap3A_1584], %swap3A_1587 {strides = array<i32>} : memref<40x128xi32, #tpu.memory_space<vmem>>, vector<1x16xi32>,
      %broadcast_in_dim3A_1588 = vector.broadcast %add3A_48 : i32 to vector<16xi32>
      %swap3A_1589 = arith.constant 38 : i32
      %swap3A_1590 = arith.index_cast %swap3A_1589 : i32 to index
      %swap3A_1591 = arith.constant 112 : index
      %swap3A_1592 = tpu.vector_load %arg22[%swap3A_1590, %swap3A_1591] {strides = array<i32>} : memref<40x128xi32, #tpu.memory_space<vmem>>, vector<1x16xi32>,
      %swap3A_1593 = vector.shape_cast %swap3A_1592 : vector<1x16xi32> to vector<16xi32>
      %swap3A_1594 = vector.shape_cast %broadcast_in_dim3A_1588 : vector<16xi32> to vector<1x16xi32>
      tpu.vector_store %arg22[%swap3A_1590, %swap3A_1591], %swap3A_1594 {strides = array<i32>} : memref<40x128xi32, #tpu.memory_space<vmem>>, vector<1x16xi32>,
    } else {
    }
    %dma_start3A_1416 = arith.constant 0 : i32
    %dma_start3A_1417 = arith.constant 0 : i32
    %dma_start3A_1418 = tpu.memref_slice %arg21[%dma_start3A_1416, %dma_start3A_1417] : memref<40x128xi32, #tpu.memory_space<vmem>> -> memref<1x128xi32, #tpu.memory_space<vmem>>
    %dma_start3A_1419 = tpu.memref_squeeze %dma_start3A_1418 : memref<1x128xi32, #tpu.memory_space<vmem>> -> memref<128xi32, #tpu.memory_space<vmem>>
    %dma_start3A_1420 = arith.constant 0 : i32
    %dma_start3A_1421 = arith.constant 0 : i32
    %dma_start3A_1422 = tpu.memref_slice %arg15[%dma_start3A_1420, %dma_start3A_1421] : memref<10000x64xf32, #tpu.memory_space<vmem_shared>> -> memref<10000x64xf32, #tpu.memory_space<vmem_shared>>
    tpu.enqueue_indirect_dma source(%dma_start3A_1422 : memref<10000x64xf32, #tpu.memory_space<vmem_shared>>) target(%arg23 : memref<128x64xf32, #tpu.memory_space<vmem>>) offsets(%dma_start3A_1419 : memref<128xi32, #tpu.memory_space<vmem>>) semaphore(%arg25 : memref<!tpu.dma_semaphore, #tpu.memory_space<semaphore_mem>>)
    %scan3A_1423 = arith.constant 0 : i32
    %scan3A_1424 = arith.constant 0 : i32
    %scan3A_1425 = arith.constant 19 : i32
    %scan3A_1426 = arith.addi %scan3A_1424, %scan3A_1425 : i32
    %scan3A_1427 = arith.constant 1 : i32
    scf.for %scan3A_1477 = %scan3A_1424 to %scan3A_1426 step %scan3A_1427  : i32 {
      %mul3A_1478 = arith.constant 2 : i32
      %mul3A_1479 = arith.muli %mul3A_1478, %scan3A_1477 : i32
      %add3A_1480 = arith.constant 1 : i32
      %add3A_1481 = arith.addi %mul3A_1479, %add3A_1480 : i32
      %dma_wait3A_1482 = arith.constant 0 : i32
      %dma_wait3A_1483 = tpu.memref_slice %arg21[%mul3A_1479, %dma_wait3A_1482] : memref<40x128xi32, #tpu.memory_space<vmem>> -> memref<1x128xi32, #tpu.memory_space<vmem>>
      %dma_wait3A_1484 = tpu.memref_squeeze %dma_wait3A_1483 : memref<1x128xi32, #tpu.memory_space<vmem>> -> memref<128xi32, #tpu.memory_space<vmem>>
      %dma_wait3A_1485 = arith.constant 0 : i32
      %dma_wait3A_1486 = arith.constant 0 : i32
      %dma_wait3A_1487 = tpu.memref_slice %arg15[%dma_wait3A_1485, %dma_wait3A_1486] : memref<10000x64xf32, #tpu.memory_space<vmem_shared>> -> memref<10000x64xf32, #tpu.memory_space<vmem_shared>>
      tpu.wait_indirect_dma semaphore(%arg25 : memref<!tpu.dma_semaphore, #tpu.memory_space<semaphore_mem>>) src(%dma_wait3A_1487 : memref<10000x64xf32, #tpu.memory_space<vmem_shared>>) dst(%arg23 : memref<128x64xf32, #tpu.memory_space<vmem>>)
      %dma_start3A_1488 = arith.constant 0 : i32
      %dma_start3A_1489 = tpu.memref_slice %arg22[%mul3A_1479, %dma_start3A_1488] : memref<40x128xi32, #tpu.memory_space<vmem>> -> memref<1x128xi32, #tpu.memory_space<vmem>>
      %dma_start3A_1490 = tpu.memref_squeeze %dma_start3A_1489 : memref<1x128xi32, #tpu.memory_space<vmem>> -> memref<128xi32, #tpu.memory_space<vmem>>
      %dma_start3A_1491 = arith.constant 0 : i32
      %dma_start3A_1492 = arith.constant 0 : i32
      %dma_start3A_1493 = tpu.memref_slice %arg16[%dma_start3A_1491, %dma_start3A_1492] : memref<10240x64xf32, #tpu.memory_space<vmem_shared>> -> memref<10240x64xf32, #tpu.memory_space<vmem_shared>>
      tpu.enqueue_indirect_dma source(%arg23 : memref<128x64xf32, #tpu.memory_space<vmem>>) target(%dma_start3A_1493 : memref<10240x64xf32, #tpu.memory_space<vmem_shared>>) offsets(%dma_start3A_1490 : memref<128xi32, #tpu.memory_space<vmem>>) semaphore(%arg27 : memref<!tpu.dma_semaphore, #tpu.memory_space<semaphore_mem>>) {add = true}
      %eq3A_1494 = arith.constant 0 : i32
      %eq3A_1495 = arith.cmpi eq, %arg0, %eq3A_1494 : i32
      %convert_element_type3A_1496 = arith.extui %eq3A_1495 : i1 to i32
      %cond3A_1497 = arith.constant 0 : i32
      %cond3A_1498 = arith.cmpi ne, %convert_element_type3A_1496, %cond3A_1497 : i32
      scf.if %cond3A_1498 {
        %dma_start3A_1532 = arith.constant 0 : i32
        %dma_start3A_1533 = tpu.memref_slice %arg22[%mul3A_1479, %dma_start3A_1532] : memref<40x128xi32, #tpu.memory_space<vmem>> -> memref<1x128xi32, #tpu.memory_space<vmem>>
        %dma_start3A_1534 = tpu.memref_squeeze %dma_start3A_1533 : memref<1x128xi32, #tpu.memory_space<vmem>> -> memref<128xi32, #tpu.memory_space<vmem>>
        %dma_start3A_1535 = arith.constant 0 : i32
        %dma_start3A_1536 = arith.constant 0 : i32
        %dma_start3A_1537 = tpu.memref_slice %arg17[%dma_start3A_1535, %dma_start3A_1536] : memref<10240x8xf32, #tpu.memory_space<vmem_shared>> -> memref<10240x8xf32, #tpu.memory_space<vmem_shared>>
        tpu.enqueue_indirect_dma source(%arg20 : memref<128x8xf32, #tpu.memory_space<vmem>>) target(%dma_start3A_1537 : memref<10240x8xf32, #tpu.memory_space<vmem_shared>>) offsets(%dma_start3A_1534 : memref<128xi32, #tpu.memory_space<vmem>>) semaphore(%arg27 : memref<!tpu.dma_semaphore, #tpu.memory_space<semaphore_mem>>) {add = true}
      } else {
      }
      %gt3A = arith.constant 0 : i32
      %gt3A_1499 = arith.cmpi sgt, %scan3A_1477, %gt3A : i32
      %convert_element_type3A_1500 = arith.extui %gt3A_1499 : i1 to i32
      %cond3A_1501 = arith.constant 0 : i32
      %cond3A_1502 = arith.cmpi ne, %convert_element_type3A_1500, %cond3A_1501 : i32
      scf.if %cond3A_1502 {
        %sub3A_1532 = arith.constant 2 : i32
        %sub3A_1533 = arith.subi %add3A_1481, %sub3A_1532 : i32
        %dma_wait3A_1534 = arith.constant 0 : i32
        %dma_wait3A_1535 = tpu.memref_slice %arg22[%sub3A_1533, %dma_wait3A_1534] : memref<40x128xi32, #tpu.memory_space<vmem>> -> memref<1x128xi32, #tpu.memory_space<vmem>>
        %dma_wait3A_1536 = tpu.memref_squeeze %dma_wait3A_1535 : memref<1x128xi32, #tpu.memory_space<vmem>> -> memref<128xi32, #tpu.memory_space<vmem>>
        %dma_wait3A_1537 = arith.constant 0 : i32
        %dma_wait3A_1538 = arith.constant 0 : i32
        %dma_wait3A_1539 = tpu.memref_slice %arg16[%dma_wait3A_1537, %dma_wait3A_1538] : memref<10240x64xf32, #tpu.memory_space<vmem_shared>> -> memref<10240x64xf32, #tpu.memory_space<vmem_shared>>
        tpu.wait_indirect_dma semaphore(%arg28 : memref<!tpu.dma_semaphore, #tpu.memory_space<semaphore_mem>>) src(%arg24 : memref<128x64xf32, #tpu.memory_space<vmem>>) dst(%dma_wait3A_1539 : memref<10240x64xf32, #tpu.memory_space<vmem_shared>>)
        %eq3A_1540 = arith.constant 1 : i32
        %eq3A_1541 = arith.cmpi eq, %arg0, %eq3A_1540 : i32
        %convert_element_type3A_1542 = arith.extui %eq3A_1541 : i1 to i32
        %cond3A_1543 = arith.constant 0 : i32
        %cond3A_1544 = arith.cmpi ne, %convert_element_type3A_1542, %cond3A_1543 : i32
        scf.if %cond3A_1544 {
          %dma_wait3A_1545 = arith.constant 0 : i32
          %dma_wait3A_1546 = tpu.memref_slice %arg22[%sub3A_1533, %dma_wait3A_1545] : memref<40x128xi32, #tpu.memory_space<vmem>> -> memref<1x128xi32, #tpu.memory_space<vmem>>
          %dma_wait3A_1547 = tpu.memref_squeeze %dma_wait3A_1546 : memref<1x128xi32, #tpu.memory_space<vmem>> -> memref<128xi32, #tpu.memory_space<vmem>>
          %dma_wait3A_1548 = arith.constant 0 : i32
          %dma_wait3A_1549 = arith.constant 0 : i32
          %dma_wait3A_1550 = tpu.memref_slice %arg17[%dma_wait3A_1548, %dma_wait3A_1549] : memref<10240x8xf32, #tpu.memory_space<vmem_shared>> -> memref<10240x8xf32, #tpu.memory_space<vmem_shared>>
          tpu.wait_indirect_dma semaphore(%arg28 : memref<!tpu.dma_semaphore, #tpu.memory_space<semaphore_mem>>) src(%arg20 : memref<128x8xf32, #tpu.memory_space<vmem>>) dst(%dma_wait3A_1550 : memref<10240x8xf32, #tpu.memory_space<vmem_shared>>)
        } else {
        }
      } else {
      }
      %dma_start3A_1503 = arith.constant 0 : i32
      %dma_start3A_1504 = tpu.memref_slice %arg21[%add3A_1481, %dma_start3A_1503] : memref<40x128xi32, #tpu.memory_space<vmem>> -> memref<1x128xi32, #tpu.memory_space<vmem>>
      %dma_start3A_1505 = tpu.memref_squeeze %dma_start3A_1504 : memref<1x128xi32, #tpu.memory_space<vmem>> -> memref<128xi32, #tpu.memory_space<vmem>>
      %dma_start3A_1506 = arith.constant 0 : i32
      %dma_start3A_1507 = arith.constant 0 : i32
      %dma_start3A_1508 = tpu.memref_slice %arg15[%dma_start3A_1506, %dma_start3A_1507] : memref<10000x64xf32, #tpu.memory_space<vmem_shared>> -> memref<10000x64xf32, #tpu.memory_space<vmem_shared>>
      tpu.enqueue_indirect_dma source(%dma_start3A_1508 : memref<10000x64xf32, #tpu.memory_space<vmem_shared>>) target(%arg24 : memref<128x64xf32, #tpu.memory_space<vmem>>) offsets(%dma_start3A_1505 : memref<128xi32, #tpu.memory_space<vmem>>) semaphore(%arg26 : memref<!tpu.dma_semaphore, #tpu.memory_space<semaphore_mem>>)
      %dma_wait3A_1509 = arith.constant 0 : i32
      %dma_wait3A_1510 = tpu.memref_slice %arg21[%add3A_1481, %dma_wait3A_1509] : memref<40x128xi32, #tpu.memory_space<vmem>> -> memref<1x128xi32, #tpu.memory_space<vmem>>
      %dma_wait3A_1511 = tpu.memref_squeeze %dma_wait3A_1510 : memref<1x128xi32, #tpu.memory_space<vmem>> -> memref<128xi32, #tpu.memory_space<vmem>>
      %dma_wait3A_1512 = arith.constant 0 : i32
      %dma_wait3A_1513 = arith.constant 0 : i32
      %dma_wait3A_1514 = tpu.memref_slice %arg15[%dma_wait3A_1512, %dma_wait3A_1513] : memref<10000x64xf32, #tpu.memory_space<vmem_shared>> -> memref<10000x64xf32, #tpu.memory_space<vmem_shared>>
      tpu.wait_indirect_dma semaphore(%arg26 : memref<!tpu.dma_semaphore, #tpu.memory_space<semaphore_mem>>) src(%dma_wait3A_1514 : memref<10000x64xf32, #tpu.memory_space<vmem_shared>>) dst(%arg24 : memref<128x64xf32, #tpu.memory_space<vmem>>)
      %dma_start3A_1515 = arith.constant 0 : i32
      %dma_start3A_1516 = tpu.memref_slice %arg22[%add3A_1481, %dma_start3A_1515] : memref<40x128xi32, #tpu.memory_space<vmem>> -> memref<1x128xi32, #tpu.memory_space<vmem>>
      %dma_start3A_1517 = tpu.memref_squeeze %dma_start3A_1516 : memref<1x128xi32, #tpu.memory_space<vmem>> -> memref<128xi32, #tpu.memory_space<vmem>>
      %dma_start3A_1518 = arith.constant 0 : i32
      %dma_start3A_1519 = arith.constant 0 : i32
      %dma_start3A_1520 = tpu.memref_slice %arg16[%dma_start3A_1518, %dma_start3A_1519] : memref<10240x64xf32, #tpu.memory_space<vmem_shared>> -> memref<10240x64xf32, #tpu.memory_space<vmem_shared>>
      tpu.enqueue_indirect_dma source(%arg24 : memref<128x64xf32, #tpu.memory_space<vmem>>) target(%dma_start3A_1520 : memref<10240x64xf32, #tpu.memory_space<vmem_shared>>) offsets(%dma_start3A_1517 : memref<128xi32, #tpu.memory_space<vmem>>) semaphore(%arg28 : memref<!tpu.dma_semaphore, #tpu.memory_space<semaphore_mem>>) {add = true}
      %eq3A_1521 = arith.constant 1 : i32
      %eq3A_1522 = arith.cmpi eq, %arg0, %eq3A_1521 : i32
      %convert_element_type3A_1523 = arith.extui %eq3A_1522 : i1 to i32
      %cond3A_1524 = arith.constant 0 : i32
      %cond3A_1525 = arith.cmpi ne, %convert_element_type3A_1523, %cond3A_1524 : i32
      scf.if %cond3A_1525 {
        %dma_start3A_1532 = arith.constant 0 : i32
        %dma_start3A_1533 = tpu.memref_slice %arg22[%add3A_1481, %dma_start3A_1532] : memref<40x128xi32, #tpu.memory_space<vmem>> -> memref<1x128xi32, #tpu.memory_space<vmem>>
        %dma_start3A_1534 = tpu.memref_squeeze %dma_start3A_1533 : memref<1x128xi32, #tpu.memory_space<vmem>> -> memref<128xi32, #tpu.memory_space<vmem>>
        %dma_start3A_1535 = arith.constant 0 : i32
        %dma_start3A_1536 = arith.constant 0 : i32
        %dma_start3A_1537 = tpu.memref_slice %arg17[%dma_start3A_1535, %dma_start3A_1536] : memref<10240x8xf32, #tpu.memory_space<vmem_shared>> -> memref<10240x8xf32, #tpu.memory_space<vmem_shared>>
        tpu.enqueue_indirect_dma source(%arg20 : memref<128x8xf32, #tpu.memory_space<vmem>>) target(%dma_start3A_1537 : memref<10240x8xf32, #tpu.memory_space<vmem_shared>>) offsets(%dma_start3A_1534 : memref<128xi32, #tpu.memory_space<vmem>>) semaphore(%arg28 : memref<!tpu.dma_semaphore, #tpu.memory_space<semaphore_mem>>) {add = true}
      } else {
      }
      %add3A_1526 = arith.constant 2 : i32
      %add3A_1527 = arith.addi %mul3A_1479, %add3A_1526 : i32
      %lt3A = arith.constant 39 : i32
      %lt3A_1528 = arith.cmpi slt, %add3A_1527, %lt3A : i32
      %convert_element_type3A_1529 = arith.extui %lt3A_1528 : i1 to i32
      %cond3A_1530 = arith.constant 0 : i32
      %cond3A_1531 = arith.cmpi ne, %convert_element_type3A_1529, %cond3A_1530 : i32
      scf.if %cond3A_1531 {
        %dma_wait3A_1532 = arith.constant 0 : i32
        %dma_wait3A_1533 = tpu.memref_slice %arg22[%mul3A_1479, %dma_wait3A_1532] : memref<40x128xi32, #tpu.memory_space<vmem>> -> memref<1x128xi32, #tpu.memory_space<vmem>>
        %dma_wait3A_1534 = tpu.memref_squeeze %dma_wait3A_1533 : memref<1x128xi32, #tpu.memory_space<vmem>> -> memref<128xi32, #tpu.memory_space<vmem>>
        %dma_wait3A_1535 = arith.constant 0 : i32
        %dma_wait3A_1536 = arith.constant 0 : i32
        %dma_wait3A_1537 = tpu.memref_slice %arg16[%dma_wait3A_1535, %dma_wait3A_1536] : memref<10240x64xf32, #tpu.memory_space<vmem_shared>> -> memref<10240x64xf32, #tpu.memory_space<vmem_shared>>
        tpu.wait_indirect_dma semaphore(%arg27 : memref<!tpu.dma_semaphore, #tpu.memory_space<semaphore_mem>>) src(%arg23 : memref<128x64xf32, #tpu.memory_space<vmem>>) dst(%dma_wait3A_1537 : memref<10240x64xf32, #tpu.memory_space<vmem_shared>>)
        %eq3A_1538 = arith.constant 0 : i32
        %eq3A_1539 = arith.cmpi eq, %arg0, %eq3A_1538 : i32
        %convert_element_type3A_1540 = arith.extui %eq3A_1539 : i1 to i32
        %cond3A_1541 = arith.constant 0 : i32
        %cond3A_1542 = arith.cmpi ne, %convert_element_type3A_1540, %cond3A_1541 : i32
        scf.if %cond3A_1542 {
          %dma_wait3A_1551 = arith.constant 0 : i32
          %dma_wait3A_1552 = tpu.memref_slice %arg22[%mul3A_1479, %dma_wait3A_1551] : memref<40x128xi32, #tpu.memory_space<vmem>> -> memref<1x128xi32, #tpu.memory_space<vmem>>
          %dma_wait3A_1553 = tpu.memref_squeeze %dma_wait3A_1552 : memref<1x128xi32, #tpu.memory_space<vmem>> -> memref<128xi32, #tpu.memory_space<vmem>>
          %dma_wait3A_1554 = arith.constant 0 : i32
          %dma_wait3A_1555 = arith.constant 0 : i32
          %dma_wait3A_1556 = tpu.memref_slice %arg17[%dma_wait3A_1554, %dma_wait3A_1555] : memref<10240x8xf32, #tpu.memory_space<vmem_shared>> -> memref<10240x8xf32, #tpu.memory_space<vmem_shared>>
          tpu.wait_indirect_dma semaphore(%arg27 : memref<!tpu.dma_semaphore, #tpu.memory_space<semaphore_mem>>) src(%arg20 : memref<128x8xf32, #tpu.memory_space<vmem>>) dst(%dma_wait3A_1556 : memref<10240x8xf32, #tpu.memory_space<vmem_shared>>)
        } else {
        }
        %add3A_1543 = arith.constant 2 : i32
        %add3A_1544 = arith.addi %mul3A_1479, %add3A_1543 : i32
        %dma_start3A_1545 = arith.constant 0 : i32
        %dma_start3A_1546 = tpu.memref_slice %arg21[%add3A_1544, %dma_start3A_1545] : memref<40x128xi32, #tpu.memory_space<vmem>> -> memref<1x128xi32, #tpu.memory_space<vmem>>
        %dma_start3A_1547 = tpu.memref_squeeze %dma_start3A_1546 : memref<1x128xi32, #tpu.memory_space<vmem>> -> memref<128xi32, #tpu.memory_space<vmem>>
        %dma_start3A_1548 = arith.constant 0 : i32
        %dma_start3A_1549 = arith.constant 0 : i32
        %dma_start3A_1550 = tpu.memref_slice %arg15[%dma_start3A_1548, %dma_start3A_1549] : memref<10000x64xf32, #tpu.memory_space<vmem_shared>> -> memref<10000x64xf32, #tpu.memory_space<vmem_shared>>
        tpu.enqueue_indirect_dma source(%dma_start3A_1550 : memref<10000x64xf32, #tpu.memory_space<vmem_shared>>) target(%arg23 : memref<128x64xf32, #tpu.memory_space<vmem>>) offsets(%dma_start3A_1547 : memref<128xi32, #tpu.memory_space<vmem>>) semaphore(%arg25 : memref<!tpu.dma_semaphore, #tpu.memory_space<semaphore_mem>>)
      } else {
      }
    }
    %scan3A_1428 = arith.constant 19 : i32
    %dma_wait3A_1429 = arith.constant 38 : i32
    %dma_wait3A_1430 = arith.constant 0 : i32
    %dma_wait3A_1431 = tpu.memref_slice %arg21[%dma_wait3A_1429, %dma_wait3A_1430] : memref<40x128xi32, #tpu.memory_space<vmem>> -> memref<1x128xi32, #tpu.memory_space<vmem>>
    %dma_wait3A_1432 = tpu.memref_squeeze %dma_wait3A_1431 : memref<1x128xi32, #tpu.memory_space<vmem>> -> memref<128xi32, #tpu.memory_space<vmem>>
    %dma_wait3A_1433 = arith.constant 0 : i32
    %dma_wait3A_1434 = arith.constant 0 : i32
    %dma_wait3A_1435 = tpu.memref_slice %arg15[%dma_wait3A_1433, %dma_wait3A_1434] : memref<10000x64xf32, #tpu.memory_space<vmem_shared>> -> memref<10000x64xf32, #tpu.memory_space<vmem_shared>>
    tpu.wait_indirect_dma semaphore(%arg25 : memref<!tpu.dma_semaphore, #tpu.memory_space<semaphore_mem>>) src(%dma_wait3A_1435 : memref<10000x64xf32, #tpu.memory_space<vmem_shared>>) dst(%arg23 : memref<128x64xf32, #tpu.memory_space<vmem>>)
    %dma_start3A_1436 = arith.constant 38 : i32
    %dma_start3A_1437 = arith.constant 0 : i32
    %dma_start3A_1438 = tpu.memref_slice %arg22[%dma_start3A_1436, %dma_start3A_1437] : memref<40x128xi32, #tpu.memory_space<vmem>> -> memref<1x128xi32, #tpu.memory_space<vmem>>
    %dma_start3A_1439 = tpu.memref_squeeze %dma_start3A_1438 : memref<1x128xi32, #tpu.memory_space<vmem>> -> memref<128xi32, #tpu.memory_space<vmem>>
    %dma_start3A_1440 = arith.constant 0 : i32
    %dma_start3A_1441 = arith.constant 0 : i32
    %dma_start3A_1442 = tpu.memref_slice %arg16[%dma_start3A_1440, %dma_start3A_1441] : memref<10240x64xf32, #tpu.memory_space<vmem_shared>> -> memref<10240x64xf32, #tpu.memory_space<vmem_shared>>
    tpu.enqueue_indirect_dma source(%arg23 : memref<128x64xf32, #tpu.memory_space<vmem>>) target(%dma_start3A_1442 : memref<10240x64xf32, #tpu.memory_space<vmem_shared>>) offsets(%dma_start3A_1439 : memref<128xi32, #tpu.memory_space<vmem>>) semaphore(%arg27 : memref<!tpu.dma_semaphore, #tpu.memory_space<semaphore_mem>>) {add = true}
    %eq3A_1443 = arith.constant 0 : i32
    %eq3A_1444 = arith.cmpi eq, %arg0, %eq3A_1443 : i32
    %convert_element_type3A_1445 = arith.extui %eq3A_1444 : i1 to i32
    %cond3A_1446 = arith.constant 0 : i32
    %cond3A_1447 = arith.cmpi ne, %convert_element_type3A_1445, %cond3A_1446 : i32
    scf.if %cond3A_1447 {
      %dma_start3A_1477 = arith.constant 38 : i32
      %dma_start3A_1478 = arith.constant 0 : i32
      %dma_start3A_1479 = tpu.memref_slice %arg22[%dma_start3A_1477, %dma_start3A_1478] : memref<40x128xi32, #tpu.memory_space<vmem>> -> memref<1x128xi32, #tpu.memory_space<vmem>>
      %dma_start3A_1480 = tpu.memref_squeeze %dma_start3A_1479 : memref<1x128xi32, #tpu.memory_space<vmem>> -> memref<128xi32, #tpu.memory_space<vmem>>
      %dma_start3A_1481 = arith.constant 0 : i32
      %dma_start3A_1482 = arith.constant 0 : i32
      %dma_start3A_1483 = tpu.memref_slice %arg17[%dma_start3A_1481, %dma_start3A_1482] : memref<10240x8xf32, #tpu.memory_space<vmem_shared>> -> memref<10240x8xf32, #tpu.memory_space<vmem_shared>>
      tpu.enqueue_indirect_dma source(%arg20 : memref<128x8xf32, #tpu.memory_space<vmem>>) target(%dma_start3A_1483 : memref<10240x8xf32, #tpu.memory_space<vmem_shared>>) offsets(%dma_start3A_1480 : memref<128xi32, #tpu.memory_space<vmem>>) semaphore(%arg27 : memref<!tpu.dma_semaphore, #tpu.memory_space<semaphore_mem>>) {add = true}
    } else {
    }
    %dma_wait3A_1448 = arith.constant 37 : i32
    %dma_wait3A_1449 = arith.constant 0 : i32
    %dma_wait3A_1450 = tpu.memref_slice %arg22[%dma_wait3A_1448, %dma_wait3A_1449] : memref<40x128xi32, #tpu.memory_space<vmem>> -> memref<1x128xi32, #tpu.memory_space<vmem>>
    %dma_wait3A_1451 = tpu.memref_squeeze %dma_wait3A_1450 : memref<1x128xi32, #tpu.memory_space<vmem>> -> memref<128xi32, #tpu.memory_space<vmem>>
    %dma_wait3A_1452 = arith.constant 0 : i32
    %dma_wait3A_1453 = arith.constant 0 : i32
    %dma_wait3A_1454 = tpu.memref_slice %arg16[%dma_wait3A_1452, %dma_wait3A_1453] : memref<10240x64xf32, #tpu.memory_space<vmem_shared>> -> memref<10240x64xf32, #tpu.memory_space<vmem_shared>>
    tpu.wait_indirect_dma semaphore(%arg28 : memref<!tpu.dma_semaphore, #tpu.memory_space<semaphore_mem>>) src(%arg24 : memref<128x64xf32, #tpu.memory_space<vmem>>) dst(%dma_wait3A_1454 : memref<10240x64xf32, #tpu.memory_space<vmem_shared>>)
    %eq3A_1455 = arith.constant 1 : i32
    %eq3A_1456 = arith.cmpi eq, %arg0, %eq3A_1455 : i32
    %convert_element_type3A_1457 = arith.extui %eq3A_1456 : i1 to i32
    %cond3A_1458 = arith.constant 0 : i32
    %cond3A_1459 = arith.cmpi ne, %convert_element_type3A_1457, %cond3A_1458 : i32
    scf.if %cond3A_1459 {
      %dma_wait3A_1477 = arith.constant 37 : i32
      %dma_wait3A_1478 = arith.constant 0 : i32
      %dma_wait3A_1479 = tpu.memref_slice %arg22[%dma_wait3A_1477, %dma_wait3A_1478] : memref<40x128xi32, #tpu.memory_space<vmem>> -> memref<1x128xi32, #tpu.memory_space<vmem>>
      %dma_wait3A_1480 = tpu.memref_squeeze %dma_wait3A_1479 : memref<1x128xi32, #tpu.memory_space<vmem>> -> memref<128xi32, #tpu.memory_space<vmem>>
      %dma_wait3A_1481 = arith.constant 0 : i32
      %dma_wait3A_1482 = arith.constant 0 : i32
      %dma_wait3A_1483 = tpu.memref_slice %arg17[%dma_wait3A_1481, %dma_wait3A_1482] : memref<10240x8xf32, #tpu.memory_space<vmem_shared>> -> memref<10240x8xf32, #tpu.memory_space<vmem_shared>>
      tpu.wait_indirect_dma semaphore(%arg28 : memref<!tpu.dma_semaphore, #tpu.memory_space<semaphore_mem>>) src(%arg20 : memref<128x8xf32, #tpu.memory_space<vmem>>) dst(%dma_wait3A_1483 : memref<10240x8xf32, #tpu.memory_space<vmem_shared>>)
    } else {
    }
    %dma_wait3A_1460 = arith.constant 38 : i32
    %dma_wait3A_1461 = arith.constant 0 : i32
    %dma_wait3A_1462 = tpu.memref_slice %arg22[%dma_wait3A_1460, %dma_wait3A_1461] : memref<40x128xi32, #tpu.memory_space<vmem>> -> memref<1x128xi32, #tpu.memory_space<vmem>>
    %dma_wait3A_1463 = tpu.memref_squeeze %dma_wait3A_1462 : memref<1x128xi32, #tpu.memory_space<vmem>> -> memref<128xi32, #tpu.memory_space<vmem>>
    %dma_wait3A_1464 = arith.constant 0 : i32
    %dma_wait3A_1465 = arith.constant 0 : i32
    %dma_wait3A_1466 = tpu.memref_slice %arg16[%dma_wait3A_1464, %dma_wait3A_1465] : memref<10240x64xf32, #tpu.memory_space<vmem_shared>> -> memref<10240x64xf32, #tpu.memory_space<vmem_shared>>
    tpu.wait_indirect_dma semaphore(%arg27 : memref<!tpu.dma_semaphore, #tpu.memory_space<semaphore_mem>>) src(%arg23 : memref<128x64xf32, #tpu.memory_space<vmem>>) dst(%dma_wait3A_1466 : memref<10240x64xf32, #tpu.memory_space<vmem_shared>>)
    %eq3A_1467 = arith.constant 0 : i32
    %eq3A_1468 = arith.cmpi eq, %arg0, %eq3A_1467 : i32
    %convert_element_type3A_1469 = arith.extui %eq3A_1468 : i1 to i32
    %cond3A_1470 = arith.constant 0 : i32
    %cond3A_1471 = arith.cmpi ne, %convert_element_type3A_1469, %cond3A_1470 : i32
    scf.if %cond3A_1471 {
      %dma_wait3A_1477 = arith.constant 38 : i32
      %dma_wait3A_1478 = arith.constant 0 : i32
      %dma_wait3A_1479 = tpu.memref_slice %arg22[%dma_wait3A_1477, %dma_wait3A_1478] : memref<40x128xi32, #tpu.memory_space<vmem>> -> memref<1x128xi32, #tpu.memory_space<vmem>>
      %dma_wait3A_1480 = tpu.memref_squeeze %dma_wait3A_1479 : memref<1x128xi32, #tpu.memory_space<vmem>> -> memref<128xi32, #tpu.memory_space<vmem>>
      %dma_wait3A_1481 = arith.constant 0 : i32
      %dma_wait3A_1482 = arith.constant 0 : i32
      %dma_wait3A_1483 = tpu.memref_slice %arg17[%dma_wait3A_1481, %dma_wait3A_1482] : memref<10240x8xf32, #tpu.memory_space<vmem_shared>> -> memref<10240x8xf32, #tpu.memory_space<vmem_shared>>
      tpu.wait_indirect_dma semaphore(%arg27 : memref<!tpu.dma_semaphore, #tpu.memory_space<semaphore_mem>>) src(%arg20 : memref<128x8xf32, #tpu.memory_space<vmem>>) dst(%dma_wait3A_1483 : memref<10240x8xf32, #tpu.memory_space<vmem_shared>>)
    } else {
    }
    %barrier3A_1472 = arith.constant 0 : index
    tpu.barrier barrier_id(%barrier3A_1472)
    %mul3A_1473 = arith.constant 10240 : i32
    %mul3A_1474 = arith.muli %add3A_998, %mul3A_1473 : i32
    %add3A_1475 = arith.addi %mul3A_1474, %mul3A_50 : i32
    "tpu.region"() ({
      %run_scoped3A = tpu.sem_alloc : memref<!tpu.dma_semaphore, #tpu.memory_space<semaphore_mem>>
      %dma_start3A_1477 = arith.constant 0 : i32
      %dma_start3A_1478 = tpu.memref_slice %arg13[%add3A_1475, %dma_start3A_1477] : memref<61440x64xf32, #tpu.memory_space<hbm>> -> memref<640x64xf32, #tpu.memory_space<hbm>>
      %dma_start3A_1479 = arith.constant 0 : i32
      %dma_start3A_1480 = tpu.memref_slice %arg16[%mul3A_50, %dma_start3A_1479] : memref<10240x64xf32, #tpu.memory_space<vmem_shared>> -> memref<640x64xf32, #tpu.memory_space<vmem_shared>>
      tpu.enqueue_dma source(%dma_start3A_1480 : memref<640x64xf32, #tpu.memory_space<vmem_shared>>) target(%dma_start3A_1478 : memref<640x64xf32, #tpu.memory_space<hbm>>) target_semaphore(%run_scoped3A : memref<!tpu.dma_semaphore, #tpu.memory_space<semaphore_mem>>)
      %dma_wait3A_1481 = arith.constant 0 : i32
      %dma_wait3A_1482 = tpu.memref_slice %arg13[%add3A_1475, %dma_wait3A_1481] : memref<61440x64xf32, #tpu.memory_space<hbm>> -> memref<640x64xf32, #tpu.memory_space<hbm>>
      %dma_wait3A_1483 = arith.constant 0 : i32
      %dma_wait3A_1484 = tpu.memref_slice %arg16[%mul3A_50, %dma_wait3A_1483] : memref<10240x64xf32, #tpu.memory_space<vmem_shared>> -> memref<640x64xf32, #tpu.memory_space<vmem_shared>>
      tpu.wait_dma2 semaphore(%run_scoped3A : memref<!tpu.dma_semaphore, #tpu.memory_space<semaphore_mem>>) src(%dma_wait3A_1484 : memref<640x64xf32, #tpu.memory_space<vmem_shared>>) dst(%dma_wait3A_1482 : memref<640x64xf32, #tpu.memory_space<hbm>>)
      tpu.yield
    }) : () -> ()
    "tpu.region"() ({
      %run_scoped3A = tpu.sem_alloc : memref<!tpu.dma_semaphore, #tpu.memory_space<semaphore_mem>>
      %dma_start3A_1477 = arith.constant 0 : i32
      %dma_start3A_1478 = tpu.memref_slice %arg14[%add3A_1475, %dma_start3A_1477] : memref<61440x8xf32, #tpu.memory_space<hbm>> -> memref<640x8xf32, #tpu.memory_space<hbm>>
      %dma_start3A_1479 = arith.constant 0 : i32
      %dma_start3A_1480 = tpu.memref_slice %arg17[%mul3A_50, %dma_start3A_1479] : memref<10240x8xf32, #tpu.memory_space<vmem_shared>> -> memref<640x8xf32, #tpu.memory_space<vmem_shared>>
      tpu.enqueue_dma source(%dma_start3A_1480 : memref<640x8xf32, #tpu.memory_space<vmem_shared>>) target(%dma_start3A_1478 : memref<640x8xf32, #tpu.memory_space<hbm>>) target_semaphore(%run_scoped3A : memref<!tpu.dma_semaphore, #tpu.memory_space<semaphore_mem>>)
      %dma_wait3A_1481 = arith.constant 0 : i32
      %dma_wait3A_1482 = tpu.memref_slice %arg14[%add3A_1475, %dma_wait3A_1481] : memref<61440x8xf32, #tpu.memory_space<hbm>> -> memref<640x8xf32, #tpu.memory_space<hbm>>
      %dma_wait3A_1483 = arith.constant 0 : i32
      %dma_wait3A_1484 = tpu.memref_slice %arg17[%mul3A_50, %dma_wait3A_1483] : memref<10240x8xf32, #tpu.memory_space<vmem_shared>> -> memref<640x8xf32, #tpu.memory_space<vmem_shared>>
      tpu.wait_dma2 semaphore(%run_scoped3A : memref<!tpu.dma_semaphore, #tpu.memory_space<semaphore_mem>>) src(%dma_wait3A_1484 : memref<640x8xf32, #tpu.memory_space<vmem_shared>>) dst(%dma_wait3A_1482 : memref<640x8xf32, #tpu.memory_space<hbm>>)
      tpu.yield
    }) : () -> ()
    %barrier3A_1476 = arith.constant 0 : index
    tpu.barrier barrier_id(%barrier3A_1476)
    return
  }
}

module attributes {stable_mosaic.version = 14 : i64} {
  func.func @_tc_body(%arg0: i32, %arg1: memref<6x1x128x64xf32, #tpu.memory_space<vmem>>, %arg2: memref<6x128x8xf32, #tpu.memory_space<vmem>>, %arg3: memref<3x128x128xf32, #tpu.memory_space<vmem>>, %arg4: memref<3x128xf32, #tpu.memory_space<vmem>>, %arg5: memref<128x128xf32, #tpu.memory_space<vmem>>, %arg6: memref<128x128xf32, #tpu.memory_space<vmem>>) attributes {dimension_semantics = [#tpu.dimension_semantics<arbitrary>], iteration_bounds = array<i64: 79>, scalar_prefetch = 0 : i64, scratch_operands = 0 : i64, tpu.core_type = #tpu.core_type<tc>, window_params = [{transform_indices = @transform_0, window_bounds = array<i64: 6, 1, 128, 64>}, {transform_indices = @transform_1, window_bounds = array<i64: 6, 128, 8>}, {pipeline_mode = #tpu.pipeline_mode<synchronous>, transform_indices = @transform_2, window_bounds = array<i64: 3, 128, 128>}, {pipeline_mode = #tpu.pipeline_mode<synchronous>, transform_indices = @transform_3, window_bounds = array<i64: 3, 128>}, {transform_indices = @transform_4, window_bounds = array<i64: 128, 128>}, {transform_indices = @transform_5, window_bounds = array<i64: 128, 128>}]} {
    %get3A = arith.constant 0 : index
    %get3A_0 = arith.constant 0 : index
    %get3A_1 = arith.constant 0 : index
    %get3A_2 = vector.load %arg2[%get3A, %get3A_0, %get3A_1] : memref<6x128x8xf32, #tpu.memory_space<vmem>>, vector<1x128x8xf32>
    %get3A_3 = vector.shape_cast %get3A_2 : vector<1x128x8xf32> to vector<128x8xf32>
    %slice3A = vector.extract_strided_slice %get3A_3 {offsets = [0, 0], sizes = [128, 1], strides = [1, 1]} : vector<128x8xf32> to vector<128x1xf32>
    %get3A_4 = arith.constant 1 : index
    %get3A_5 = arith.constant 0 : index
    %get3A_6 = arith.constant 0 : index
    %get3A_7 = vector.load %arg2[%get3A_4, %get3A_5, %get3A_6] : memref<6x128x8xf32, #tpu.memory_space<vmem>>, vector<1x128x8xf32>
    %get3A_8 = vector.shape_cast %get3A_7 : vector<1x128x8xf32> to vector<128x8xf32>
    %slice3A_9 = vector.extract_strided_slice %get3A_8 {offsets = [0, 0], sizes = [128, 1], strides = [1, 1]} : vector<128x8xf32> to vector<128x1xf32>
    %add3A = arith.addf %slice3A, %slice3A_9 : vector<128x1xf32>
    %max3A = arith.constant 1.000000e+00 : f32
    %max3A_10 = vector.broadcast %max3A : f32 to vector<128x1xf32>
    %max3A_11 = arith.maximumf %add3A, %max3A_10 : vector<128x1xf32>
    %div3A = arith.constant 1.000000e+00 : f32
    %div3A_12 = vector.broadcast %div3A : f32 to vector<128x1xf32>
    %div3A_13 = arith.divf %div3A_12, %max3A_11 : vector<128x1xf32>
    %get3A_14 = arith.constant 0 : index
    %get3A_15 = arith.constant 0 : index
    %get3A_16 = arith.constant 0 : index
    %get3A_17 = arith.constant 0 : index
    %get3A_18 = vector.load %arg1[%get3A_14, %get3A_15, %get3A_16, %get3A_17] : memref<6x1x128x64xf32, #tpu.memory_space<vmem>>, vector<1x1x128x64xf32>
    %get3A_19 = vector.shape_cast %get3A_18 : vector<1x1x128x64xf32> to vector<128x64xf32>
    %mul3A = vector.broadcast %div3A_13 : vector<128x1xf32> to vector<128x64xf32>
    %mul3A_20 = arith.mulf %get3A_19, %mul3A : vector<128x64xf32>
    %get3A_21 = arith.constant 1 : index
    %get3A_22 = arith.constant 0 : index
    %get3A_23 = arith.constant 0 : index
    %get3A_24 = arith.constant 0 : index
    %get3A_25 = vector.load %arg1[%get3A_21, %get3A_22, %get3A_23, %get3A_24] : memref<6x1x128x64xf32, #tpu.memory_space<vmem>>, vector<1x1x128x64xf32>
    %get3A_26 = vector.shape_cast %get3A_25 : vector<1x1x128x64xf32> to vector<128x64xf32>
    %mul3A_27 = vector.broadcast %div3A_13 : vector<128x1xf32> to vector<128x64xf32>
    %mul3A_28 = arith.mulf %get3A_26, %mul3A_27 : vector<128x64xf32>
    %get3A_29 = arith.constant 0 : index
    %get3A_30 = arith.constant 0 : index
    %get3A_31 = arith.constant 0 : index
    %get3A_32 = vector.load %arg3[%get3A_29, %get3A_30, %get3A_31] : memref<3x128x128xf32, #tpu.memory_space<vmem>>, vector<1x64x128xf32>
    %get3A_33 = vector.shape_cast %get3A_32 : vector<1x64x128xf32> to vector<64x128xf32>
    %dot_general3A = arith.constant dense<0.000000e+00> : vector<128x128xf32>
    %dot_general3A_34 = tpu.matmul %mul3A_20, %get3A_33, %dot_general3A {dimension_numbers = #tpu.dot_dimension_numbers<[1], [0], [0], [1], [0, 0, 1, 1], [], []>, transpose_lhs_hint = false} : vector<128x64xf32>, vector<64x128xf32>, vector<128x128xf32> -> vector<128x128xf32>
    %get3A_35 = arith.constant 0 : index
    %get3A_36 = arith.constant 64 : index
    %get3A_37 = arith.constant 0 : index
    %get3A_38 = vector.load %arg3[%get3A_35, %get3A_36, %get3A_37] : memref<3x128x128xf32, #tpu.memory_space<vmem>>, vector<1x64x128xf32>
    %get3A_39 = vector.shape_cast %get3A_38 : vector<1x64x128xf32> to vector<64x128xf32>
    %dot_general3A_40 = arith.constant dense<0.000000e+00> : vector<128x128xf32>
    %dot_general3A_41 = tpu.matmul %mul3A_28, %get3A_39, %dot_general3A_40 {dimension_numbers = #tpu.dot_dimension_numbers<[1], [0], [0], [1], [0, 0, 1, 1], [], []>, transpose_lhs_hint = false} : vector<128x64xf32>, vector<64x128xf32>, vector<128x128xf32> -> vector<128x128xf32>
    %add3A_42 = arith.addf %dot_general3A_34, %dot_general3A_41 : vector<128x128xf32>
    %gt3A = arith.constant 0.000000e+00 : f32
    %gt3A_43 = vector.broadcast %gt3A : f32 to vector<128x1xf32>
    %gt3A_44 = arith.cmpf ogt, %add3A, %gt3A_43 : vector<128x1xf32>
    %convert_element_type3A = arith.extui %gt3A_44 : vector<128x1xi1> to vector<128x1xi32>
    %convert_element_type3A_45 = arith.sitofp %convert_element_type3A : vector<128x1xi32> to vector<128x1xf32>
    %get3A_46 = arith.constant 0 : index
    %get3A_47 = arith.constant 0 : index
    %get3A_48 = vector.load %arg4[%get3A_46, %get3A_47] : memref<3x128xf32, #tpu.memory_space<vmem>>, vector<1x128xf32>
    %get3A_49 = vector.shape_cast %get3A_48 : vector<1x128xf32> to vector<128xf32>
    %broadcast_in_dim3A = vector.shape_cast %get3A_49 : vector<128xf32> to vector<1x128xf32>
    %mul3A_50 = vector.broadcast %convert_element_type3A_45 : vector<128x1xf32> to vector<128x128xf32>
    %mul3A_51 = vector.broadcast %broadcast_in_dim3A : vector<1x128xf32> to vector<128x128xf32>
    %mul3A_52 = arith.mulf %mul3A_50, %mul3A_51 : vector<128x128xf32>
    %add3A_53 = arith.addf %add3A_42, %mul3A_52 : vector<128x128xf32>
    %swap3A = arith.constant 0 : index
    %swap3A_54 = arith.constant 0 : index
    %swap3A_55 = vector.load %arg6[%swap3A, %swap3A_54] : memref<128x128xf32, #tpu.memory_space<vmem>>, vector<128x128xf32>
    tpu.vector_store %arg6[%swap3A, %swap3A_54], %add3A_53 {strides = array<i32>} : memref<128x128xf32, #tpu.memory_space<vmem>>, vector<128x128xf32>,
    %get3A_56 = arith.constant 2 : index
    %get3A_57 = arith.constant 0 : index
    %get3A_58 = arith.constant 0 : index
    %get3A_59 = vector.load %arg2[%get3A_56, %get3A_57, %get3A_58] : memref<6x128x8xf32, #tpu.memory_space<vmem>>, vector<1x128x8xf32>
    %get3A_60 = vector.shape_cast %get3A_59 : vector<1x128x8xf32> to vector<128x8xf32>
    %slice3A_61 = vector.extract_strided_slice %get3A_60 {offsets = [0, 0], sizes = [128, 1], strides = [1, 1]} : vector<128x8xf32> to vector<128x1xf32>
    %get3A_62 = arith.constant 3 : index
    %get3A_63 = arith.constant 0 : index
    %get3A_64 = arith.constant 0 : index
    %get3A_65 = vector.load %arg2[%get3A_62, %get3A_63, %get3A_64] : memref<6x128x8xf32, #tpu.memory_space<vmem>>, vector<1x128x8xf32>
    %get3A_66 = vector.shape_cast %get3A_65 : vector<1x128x8xf32> to vector<128x8xf32>
    %slice3A_67 = vector.extract_strided_slice %get3A_66 {offsets = [0, 0], sizes = [128, 1], strides = [1, 1]} : vector<128x8xf32> to vector<128x1xf32>
    %add3A_68 = arith.addf %slice3A_61, %slice3A_67 : vector<128x1xf32>
    %max3A_69 = arith.constant 1.000000e+00 : f32
    %max3A_70 = vector.broadcast %max3A_69 : f32 to vector<128x1xf32>
    %max3A_71 = arith.maximumf %add3A_68, %max3A_70 : vector<128x1xf32>
    %div3A_72 = arith.constant 1.000000e+00 : f32
    %div3A_73 = vector.broadcast %div3A_72 : f32 to vector<128x1xf32>
    %div3A_74 = arith.divf %div3A_73, %max3A_71 : vector<128x1xf32>
    %get3A_75 = arith.constant 2 : index
    %get3A_76 = arith.constant 0 : index
    %get3A_77 = arith.constant 0 : index
    %get3A_78 = arith.constant 0 : index
    %get3A_79 = vector.load %arg1[%get3A_75, %get3A_76, %get3A_77, %get3A_78] : memref<6x1x128x64xf32, #tpu.memory_space<vmem>>, vector<1x1x128x64xf32>
    %get3A_80 = vector.shape_cast %get3A_79 : vector<1x1x128x64xf32> to vector<128x64xf32>
    %mul3A_81 = vector.broadcast %div3A_74 : vector<128x1xf32> to vector<128x64xf32>
    %mul3A_82 = arith.mulf %get3A_80, %mul3A_81 : vector<128x64xf32>
    %get3A_83 = arith.constant 3 : index
    %get3A_84 = arith.constant 0 : index
    %get3A_85 = arith.constant 0 : index
    %get3A_86 = arith.constant 0 : index
    %get3A_87 = vector.load %arg1[%get3A_83, %get3A_84, %get3A_85, %get3A_86] : memref<6x1x128x64xf32, #tpu.memory_space<vmem>>, vector<1x1x128x64xf32>
    %get3A_88 = vector.shape_cast %get3A_87 : vector<1x1x128x64xf32> to vector<128x64xf32>
    %mul3A_89 = vector.broadcast %div3A_74 : vector<128x1xf32> to vector<128x64xf32>
    %mul3A_90 = arith.mulf %get3A_88, %mul3A_89 : vector<128x64xf32>
    %get3A_91 = arith.constant 1 : index
    %get3A_92 = arith.constant 0 : index
    %get3A_93 = arith.constant 0 : index
    %get3A_94 = vector.load %arg3[%get3A_91, %get3A_92, %get3A_93] : memref<3x128x128xf32, #tpu.memory_space<vmem>>, vector<1x64x128xf32>
    %get3A_95 = vector.shape_cast %get3A_94 : vector<1x64x128xf32> to vector<64x128xf32>
    %dot_general3A_96 = arith.constant dense<0.000000e+00> : vector<128x128xf32>
    %dot_general3A_97 = tpu.matmul %mul3A_82, %get3A_95, %dot_general3A_96 {dimension_numbers = #tpu.dot_dimension_numbers<[1], [0], [0], [1], [0, 0, 1, 1], [], []>, transpose_lhs_hint = false} : vector<128x64xf32>, vector<64x128xf32>, vector<128x128xf32> -> vector<128x128xf32>
    %get3A_98 = arith.constant 1 : index
    %get3A_99 = arith.constant 64 : index
    %get3A_100 = arith.constant 0 : index
    %get3A_101 = vector.load %arg3[%get3A_98, %get3A_99, %get3A_100] : memref<3x128x128xf32, #tpu.memory_space<vmem>>, vector<1x64x128xf32>
    %get3A_102 = vector.shape_cast %get3A_101 : vector<1x64x128xf32> to vector<64x128xf32>
    %dot_general3A_103 = arith.constant dense<0.000000e+00> : vector<128x128xf32>
    %dot_general3A_104 = tpu.matmul %mul3A_90, %get3A_102, %dot_general3A_103 {dimension_numbers = #tpu.dot_dimension_numbers<[1], [0], [0], [1], [0, 0, 1, 1], [], []>, transpose_lhs_hint = false} : vector<128x64xf32>, vector<64x128xf32>, vector<128x128xf32> -> vector<128x128xf32>
    %add3A_105 = arith.addf %dot_general3A_97, %dot_general3A_104 : vector<128x128xf32>
    %gt3A_106 = arith.constant 0.000000e+00 : f32
    %gt3A_107 = vector.broadcast %gt3A_106 : f32 to vector<128x1xf32>
    %gt3A_108 = arith.cmpf ogt, %add3A_68, %gt3A_107 : vector<128x1xf32>
    %convert_element_type3A_109 = arith.extui %gt3A_108 : vector<128x1xi1> to vector<128x1xi32>
    %convert_element_type3A_110 = arith.sitofp %convert_element_type3A_109 : vector<128x1xi32> to vector<128x1xf32>
    %get3A_111 = arith.constant 1 : index
    %get3A_112 = arith.constant 0 : index
    %get3A_113 = vector.load %arg4[%get3A_111, %get3A_112] : memref<3x128xf32, #tpu.memory_space<vmem>>, vector<1x128xf32>
    %get3A_114 = vector.shape_cast %get3A_113 : vector<1x128xf32> to vector<128xf32>
    %broadcast_in_dim3A_115 = vector.shape_cast %get3A_114 : vector<128xf32> to vector<1x128xf32>
    %mul3A_116 = vector.broadcast %convert_element_type3A_110 : vector<128x1xf32> to vector<128x128xf32>
    %mul3A_117 = vector.broadcast %broadcast_in_dim3A_115 : vector<1x128xf32> to vector<128x128xf32>
    %mul3A_118 = arith.mulf %mul3A_116, %mul3A_117 : vector<128x128xf32>
    %add3A_119 = arith.addf %add3A_105, %mul3A_118 : vector<128x128xf32>
    %get3A_120 = arith.constant 4 : index
    %get3A_121 = arith.constant 0 : index
    %get3A_122 = arith.constant 0 : index
    %get3A_123 = vector.load %arg2[%get3A_120, %get3A_121, %get3A_122] : memref<6x128x8xf32, #tpu.memory_space<vmem>>, vector<1x128x8xf32>
    %get3A_124 = vector.shape_cast %get3A_123 : vector<1x128x8xf32> to vector<128x8xf32>
    %slice3A_125 = vector.extract_strided_slice %get3A_124 {offsets = [0, 0], sizes = [128, 1], strides = [1, 1]} : vector<128x8xf32> to vector<128x1xf32>
    %get3A_126 = arith.constant 5 : index
    %get3A_127 = arith.constant 0 : index
    %get3A_128 = arith.constant 0 : index
    %get3A_129 = vector.load %arg2[%get3A_126, %get3A_127, %get3A_128] : memref<6x128x8xf32, #tpu.memory_space<vmem>>, vector<1x128x8xf32>
    %get3A_130 = vector.shape_cast %get3A_129 : vector<1x128x8xf32> to vector<128x8xf32>
    %slice3A_131 = vector.extract_strided_slice %get3A_130 {offsets = [0, 0], sizes = [128, 1], strides = [1, 1]} : vector<128x8xf32> to vector<128x1xf32>
    %add3A_132 = arith.addf %slice3A_125, %slice3A_131 : vector<128x1xf32>
    %max3A_133 = arith.constant 1.000000e+00 : f32
    %max3A_134 = vector.broadcast %max3A_133 : f32 to vector<128x1xf32>
    %max3A_135 = arith.maximumf %add3A_132, %max3A_134 : vector<128x1xf32>
    %div3A_136 = arith.constant 1.000000e+00 : f32
    %div3A_137 = vector.broadcast %div3A_136 : f32 to vector<128x1xf32>
    %div3A_138 = arith.divf %div3A_137, %max3A_135 : vector<128x1xf32>
    %get3A_139 = arith.constant 4 : index
    %get3A_140 = arith.constant 0 : index
    %get3A_141 = arith.constant 0 : index
    %get3A_142 = arith.constant 0 : index
    %get3A_143 = vector.load %arg1[%get3A_139, %get3A_140, %get3A_141, %get3A_142] : memref<6x1x128x64xf32, #tpu.memory_space<vmem>>, vector<1x1x128x64xf32>
    %get3A_144 = vector.shape_cast %get3A_143 : vector<1x1x128x64xf32> to vector<128x64xf32>
    %mul3A_145 = vector.broadcast %div3A_138 : vector<128x1xf32> to vector<128x64xf32>
    %mul3A_146 = arith.mulf %get3A_144, %mul3A_145 : vector<128x64xf32>
    %get3A_147 = arith.constant 5 : index
    %get3A_148 = arith.constant 0 : index
    %get3A_149 = arith.constant 0 : index
    %get3A_150 = arith.constant 0 : index
    %get3A_151 = vector.load %arg1[%get3A_147, %get3A_148, %get3A_149, %get3A_150] : memref<6x1x128x64xf32, #tpu.memory_space<vmem>>, vector<1x1x128x64xf32>
    %get3A_152 = vector.shape_cast %get3A_151 : vector<1x1x128x64xf32> to vector<128x64xf32>
    %mul3A_153 = vector.broadcast %div3A_138 : vector<128x1xf32> to vector<128x64xf32>
    %mul3A_154 = arith.mulf %get3A_152, %mul3A_153 : vector<128x64xf32>
    %get3A_155 = arith.constant 2 : index
    %get3A_156 = arith.constant 0 : index
    %get3A_157 = arith.constant 0 : index
    %get3A_158 = vector.load %arg3[%get3A_155, %get3A_156, %get3A_157] : memref<3x128x128xf32, #tpu.memory_space<vmem>>, vector<1x64x128xf32>
    %get3A_159 = vector.shape_cast %get3A_158 : vector<1x64x128xf32> to vector<64x128xf32>
    %dot_general3A_160 = arith.constant dense<0.000000e+00> : vector<128x128xf32>
    %dot_general3A_161 = tpu.matmul %mul3A_146, %get3A_159, %dot_general3A_160 {dimension_numbers = #tpu.dot_dimension_numbers<[1], [0], [0], [1], [0, 0, 1, 1], [], []>, transpose_lhs_hint = false} : vector<128x64xf32>, vector<64x128xf32>, vector<128x128xf32> -> vector<128x128xf32>
    %get3A_162 = arith.constant 2 : index
    %get3A_163 = arith.constant 64 : index
    %get3A_164 = arith.constant 0 : index
    %get3A_165 = vector.load %arg3[%get3A_162, %get3A_163, %get3A_164] : memref<3x128x128xf32, #tpu.memory_space<vmem>>, vector<1x64x128xf32>
    %get3A_166 = vector.shape_cast %get3A_165 : vector<1x64x128xf32> to vector<64x128xf32>
    %dot_general3A_167 = arith.constant dense<0.000000e+00> : vector<128x128xf32>
    %dot_general3A_168 = tpu.matmul %mul3A_154, %get3A_166, %dot_general3A_167 {dimension_numbers = #tpu.dot_dimension_numbers<[1], [0], [0], [1], [0, 0, 1, 1], [], []>, transpose_lhs_hint = false} : vector<128x64xf32>, vector<64x128xf32>, vector<128x128xf32> -> vector<128x128xf32>
    %add3A_169 = arith.addf %dot_general3A_161, %dot_general3A_168 : vector<128x128xf32>
    %gt3A_170 = arith.constant 0.000000e+00 : f32
    %gt3A_171 = vector.broadcast %gt3A_170 : f32 to vector<128x1xf32>
    %gt3A_172 = arith.cmpf ogt, %add3A_132, %gt3A_171 : vector<128x1xf32>
    %convert_element_type3A_173 = arith.extui %gt3A_172 : vector<128x1xi1> to vector<128x1xi32>
    %convert_element_type3A_174 = arith.sitofp %convert_element_type3A_173 : vector<128x1xi32> to vector<128x1xf32>
    %get3A_175 = arith.constant 2 : index
    %get3A_176 = arith.constant 0 : index
    %get3A_177 = vector.load %arg4[%get3A_175, %get3A_176] : memref<3x128xf32, #tpu.memory_space<vmem>>, vector<1x128xf32>
    %get3A_178 = vector.shape_cast %get3A_177 : vector<1x128xf32> to vector<128xf32>
    %broadcast_in_dim3A_179 = vector.shape_cast %get3A_178 : vector<128xf32> to vector<1x128xf32>
    %mul3A_180 = vector.broadcast %convert_element_type3A_174 : vector<128x1xf32> to vector<128x128xf32>
    %mul3A_181 = vector.broadcast %broadcast_in_dim3A_179 : vector<1x128xf32> to vector<128x128xf32>
    %mul3A_182 = arith.mulf %mul3A_180, %mul3A_181 : vector<128x128xf32>
    %add3A_183 = arith.addf %add3A_169, %mul3A_182 : vector<128x128xf32>
    %add3A_184 = arith.addf %add3A_119, %add3A_183 : vector<128x128xf32>
    %swap3A_185 = arith.constant 0 : index
    %swap3A_186 = arith.constant 0 : index
    %swap3A_187 = vector.load %arg5[%swap3A_185, %swap3A_186] : memref<128x128xf32, #tpu.memory_space<vmem>>, vector<128x128xf32>
    tpu.vector_store %arg5[%swap3A_185, %swap3A_186], %add3A_184 {strides = array<i32>} : memref<128x128xf32, #tpu.memory_space<vmem>>, vector<128x128xf32>,
    return
  }
  func.func @transform_0(%arg0: i32) -> (i32, i32, i32, i32) {
    %c0_i32 = arith.constant 0 : i32
    %c0_i32_0 = arith.constant 0 : i32
    %c0_i32_1 = arith.constant 0 : i32
    %c0_i32_2 = arith.constant 0 : i32
    return %c0_i32, %arg0, %c0_i32_0, %c0_i32_1 : i32, i32, i32, i32
  }
  func.func @transform_1(%arg0: i32) -> (i32, i32, i32) {
    %c0_i32 = arith.constant 0 : i32
    %c0_i32_0 = arith.constant 0 : i32
    %c0_i32_1 = arith.constant 0 : i32
    return %c0_i32, %arg0, %c0_i32_0 : i32, i32, i32
  }
  func.func @transform_2(%arg0: i32) -> (i32, i32, i32) {
    %c0_i32 = arith.constant 0 : i32
    %c0_i32_0 = arith.constant 0 : i32
    %c0_i32_1 = arith.constant 0 : i32
    %c0_i32_2 = arith.constant 0 : i32
    return %c0_i32, %c0_i32_0, %c0_i32_1 : i32, i32, i32
  }
  func.func @transform_3(%arg0: i32) -> (i32, i32) {
    %c0_i32 = arith.constant 0 : i32
    %c0_i32_0 = arith.constant 0 : i32
    %c0_i32_1 = arith.constant 0 : i32
    return %c0_i32, %c0_i32_0 : i32, i32
  }
  func.func @transform_4(%arg0: i32) -> (i32, i32) {
    %c0_i32 = arith.constant 0 : i32
    %c0_i32_0 = arith.constant 0 : i32
    return %arg0, %c0_i32 : i32, i32
  }
  func.func @transform_5(%arg0: i32) -> (i32, i32) {
    %c0_i32 = arith.constant 0 : i32
    %c0_i32_0 = arith.constant 0 : i32
    return %arg0, %c0_i32 : i32, i32
  }
}

</mosaic_0001>

<sc_bundles>
// kernel: kernel.4.cloned.1.call-start
scs
__scs_entry_jumppad:
0x0: {  	(pc) =	sbr.rel $0x88, $3  }
0x1: {  	(tag) =	ssettag $0x0;
	lr =	simm.s32 $0x1  }
0x2: {  	[smem:$0x3F93] =	sst lr;
	_ =	strace $0xD0000000  }
0x3: {  	_ = 	snop  }
0x4: {  	_ = 	snop  }
0x5: {  	_ = 	snop  }
0x6: {  	_ = 	snop  }
0x7: {  	_ = 	snop  }
__scs_overlays_trampoline_lowered:
0x8: {  	[smem:$0x3FA2] =	sst s0  }
0x9: {  	[smem:$0x3FA3] =	sst s1  }
0xa: {  	[smem:$0x3FA4] =	sst s2  }
0xb: {  	[smem:$0x3FA5] =	sst s3  }
0xc: {  	[smem:$0x3FA6] =	sst s4  }
0xd: {  	[smem:$0x3FA7] =	sst s5  }
0xe: {  	[smem:$0x3FA8] =	sst s6  }
0xf: {  	[smem:$0x3FA9] =	sst s7  }
0x10: {  	[smem:$0x3FAA] =	sst s8  }
0x11: {  	[smem:$0x3FAB] =	sst s9;
	s0 =	simm.s32 @!p0 $0x0  }
0x12: {  	s1 =	sld [smem:$0x3F91];
	s0 =	simm.s32 @p0 $0x1  }
0x13: {  	[smem:$0x3FAC] =	sst s0;
	s0 =	simm.s32 @!p1 $0x0  }
0x14: {  	s2 =	sld [smem:$0x3F90];
	s0 =	simm.s32 @p1 $0x1  }
0x15: {  	[smem:$0x3FAD] =	sst s0;
	s0 =	simm.s32 @!p2 $0x0  }
0x16: {  	s3 =	sld [smem:$0x3FDB];
	s0 =	simm.s32 @p2 $0x1  }
0x17: {  	s4 =	simm.s32 $0x1BF5;
	[smem:$0x3FAF] =	sst s0  }
0x18: {  	s0 =	sld [smem:$0x3F92];
	_ =	swait.ge [sflag:s4], $0x0  }
0x19: {  	s7 =	sld [smem:$0x3F93]  }
0x1a: {  	s8 =	sadd.s32 $0xFFFFE003, lr  }
0x1b: {  	s9 =	sadd.s32 $0xFFFFFEF7, lr;
	s5 =	simm.s32 $0xFFFFFFFF;
	p2 =	slt.u32 s8, $0xFFFFF086  }
0x1c: {  	p1 =	slt.u32 s9, $0xF7A;
	s5 =	simm.s32 @!p2 $0x0  }
0x1d: {  	s5 =	simm.s32 @p1 $0x1;
	p0 =	seq.s32 s7, s2  }
0x1e: {  	s7 =	smul.u32 @!p0 $0xF7A, s2;
	p2 =	seq.s32 @!p0 s5, $0x0  }
0x1f: {  	s9 =	smul.u32 $0xF7A, s1;
	s8 =	simm.s32 @!p0 $0x1BF5;
	p2 =	por !p2, p0  }
0x20: {  	[sflag:s8] =	ssyncset.s32 @!p0 $0xFFFFF086;
	s6 =	sadd.s32 @!p0 s3, s7;
	s7 =	simm.s32 @!p0 $0x108  }
0x21: {  	s3 =	sadd.s32 s3, s9;
	s6 =	sadd.s32 @!p0 $0x88, s6;
	s7 =	simm.s32 @p2 $0x1082  }
0x22: {  	[simem:s7], [sflag:s8] =	dma.local @!p0 [hbm:s6], $0xF7A  }
0x23: {  	s9 =	sor.u32 $0xD0000000, s2;
	s6 =	simm.s32 $0x108;
	_ =	swait.ge @!p0 [sflag:s8], $0x0  }
0x24: {  	s3 =	sadd.s32 $0x88, s3;
	s6 =	simm.s32 @!p1 $0x1082;
	[sflag:s4] =	ssyncset.s32 $0xFFFFF086  }
0x25: {  	[simem:s6], [sflag:s4] =	dma.local [hbm:s3], $0xF7A  }
0x26: {  	[smem:$0x3F93] =	sst s1;
	(tag) =	ssettag s2;
	_ =	strace s9  }
0x27: {  	s1 =	sld [smem:$0x3FA3]  }
0x28: {  	s2 =	sld [smem:$0x3FA4]  }
0x29: {  	s4 =	sld [smem:$0x3FA6]  }
0x2a: {  	p0 =	seq.s32 s5, $0x0;
	s5 =	sld [smem:$0x3FA7]  }
0x2b: {  	s6 =	sld [smem:$0x3FA8]  }
0x2c: {  	s7 =	sld [smem:$0x3FA9]  }
0x2d: {  	s3 =	simm.s32 $0x108;
	s8 =	sld [smem:$0x3FAA]  }
0x2e: {  	s3 =	simm.s32 @!p0 $0x1082;
	s9 =	sld [smem:$0x3FAB]  }
0x2f: {  	lr =	sadd.s32 s0, s3;
	s0 =	sld [smem:$0x3FA2]  }
0x30: {  	s3 =	sld [smem:$0x3FA5]  }
0x31: {  	[smem:$0x3FAE] =	sst s10  }
0x32: {  	s10 =	sld [smem:$0x3FAC];
	_ =	sdelay $0x3  }
0x33: {  	p0 =	seq.s32 s10, $0x1;
	s10 =	sld [smem:$0x3FAE];
	_ =	sdelay $0x3  }
0x34: {  	[smem:$0x3FAE] =	sst s10  }
0x35: {  	s10 =	sld [smem:$0x3FAD];
	_ =	sdelay $0x3  }
0x36: {  	p1 =	seq.s32 s10, $0x1;
	s10 =	sld [smem:$0x3FAE];
	_ =	sdelay $0x3  }
0x37: {  	[smem:$0x3FAE] =	sst s10  }
0x38: {  	s10 =	sld [smem:$0x3FAF]  }
0x39: {  	_ = 	snop;
	(pc) =	sbr.ind lr, $3  }
0x3a: {  	_ = 	snop  }
0x3b: {  	_ = 	snop  }
0x3c: {  	p2 =	seq.s32 s10, $0x1;
	s10 =	sld [smem:$0x3FAE]  }
0x3d: {  	_ =	shalt  }
0x3e: {  	_ =	shalt  }
0x3f: {  	_ =	shalt  }
0x40: {  	_ =	shalt  }
0x41: {  	_ =	shalt  }
0x42: {  	_ =	shalt  }
0x43: {  	_ =	shalt  }
0x44: {  	_ =	shalt  }
0x45: {  	_ =	shalt  }
0x46: {  	_ =	shalt  }
0x47: {  	_ =	shalt  }
0x48: {  	_ =	shalt  }
0x49: {  	_ =	shalt  }
0x4a: {  	_ =	shalt  }
0x4b: {  	_ =	shalt  }
0x4c: {  	_ =	shalt  }
0x4d: {  	_ =	shalt  }
0x4e: {  	_ =	shalt  }
0x4f: {  	_ =	shalt  }
0x50: {  	_ =	shalt  }
0x51: {  	_ =	shalt  }
0x52: {  	_ =	shalt  }
0x53: {  	_ =	shalt  }
0x54: {  	_ =	shalt  }
0x55: {  	_ =	shalt  }
0x56: {  	_ =	shalt  }
0x57: {  	_ =	shalt  }
0x58: {  	_ =	shalt  }
0x59: {  	_ =	shalt  }
0x5a: {  	_ =	shalt  }
0x5b: {  	_ =	shalt  }
0x5c: {  	_ =	shalt  }
0x5d: {  	_ =	shalt  }
0x5e: {  	_ =	shalt  }
0x5f: {  	_ =	shalt  }
0x60: {  	_ =	shalt  }
0x61: {  	_ =	shalt  }
0x62: {  	_ =	shalt  }
0x63: {  	_ =	shalt  }
0x64: {  	_ =	shalt  }
0x65: {  	_ =	shalt  }
0x66: {  	_ =	shalt  }
0x67: {  	_ =	shalt  }
0x68: {  	_ =	shalt  }
0x69: {  	_ =	shalt  }
0x6a: {  	_ =	shalt  }
0x6b: {  	_ =	shalt  }
0x6c: {  	_ =	shalt  }
0x6d: {  	_ =	shalt  }
0x6e: {  	_ =	shalt  }
0x6f: {  	_ =	shalt  }
0x70: {  	_ =	shalt  }
0x71: {  	_ =	shalt  }
0x72: {  	_ =	shalt  }
0x73: {  	_ =	shalt  }
0x74: {  	_ =	shalt  }
0x75: {  	_ =	shalt  }
0x76: {  	_ =	shalt  }
0x77: {  	_ =	shalt  }
0x78: {  	_ =	shalt  }
0x79: {  	_ =	shalt  }
0x7a: {  	_ =	shalt  }
0x7b: {  	_ =	shalt  }
0x7c: {  	_ =	shalt  }
0x7d: {  	_ =	shalt  }
0x7e: {  	_ =	shalt  }
0x7f: {  	_ =	shalt  }
0x80: {  	_ =	shalt  }
0x81: {  	_ =	shalt  }
0x82: {  	_ =	shalt  }
0x83: {  	_ =	shalt  }
0x84: {  	_ =	shalt  }
0x85: {  	_ =	shalt  }
0x86: {  	_ =	shalt  }
0x87: {  	_ =	shalt  }
.Lfunc_end0:
.L_simem_size_0:
called_computation_lowered:
.L_overlay_start_0:
0x88: {  	s2 =	sld [smem:$0x3FD9]  }
0x89: {  	s3 =	sld [smem:$0x3FFE];
	_ =	sdelay $0x1  }
0x8a: {  	s1 =	srdreg.scid  }
0x8b: {  	s0 =	sand.u32 $0x1, s1  }
0x8c: {  	s28 =	sshll.u32 s0, $0xA;
	s2 =	sadd.s32 s3, s2  }
0x8d: {  	s2 =	sadd.s32 s2, s28  }
0x8e: {  	[smem:$0x3FBA] =	sst s2  }
0x8f: {  	_ = 	snop  }
0x90: {  	s2 =	sld [smem:$0x3FC9]  }
0x91: {  	s3 =	sld [smem:$0x3FC8]  }
0x92: {  	s4 =	sld [smem:$0x3FC7]  }
0x93: {  	s5 =	sld [smem:$0x3FC6]  }
0x94: {  	s6 =	sld [smem:$0x3FC5]  }
0x95: {  	s10 =	sld [smem:$0x3FD0]  }
0x96: {  	s7 =	sld [smem:$0x3FC4]  }
0x97: {  	s8 =	sld [smem:$0x3FC3]  }
0x98: {  	s11 =	simm.s32 $0xA;
	s12 =	simm.s32 $0x10;
	s9 =	sld [smem:$0x3FC2]  }
0x99: {  	[smem:s12], [sflag:s11] =	dma.local [hbm:s10], $0x1  }
0x9a: {  	_ =	swait.eq [sflag:s11], $0x1  }
0x9b: {  	[sflag:s11] =	ssyncset.done $0x0  }
0x9c: {  	s10 =	sld [smem:$0x10];
	[sflag:s11] =	ssyncadd.s32 $0xFFFFFFFF  }
0x9d: {  	s11 =	sld [smem:$0x11];
	(tm) =	ssettm $0x1  }
0x9e: {  	s29 =	sld [smem:$0x3FFB];
	_ =	sdelay $0x3  }
0x9f: {  	_ =	strace s29  }
0xa0: {  	s12 =	sld [smem:$0x3FFC];
	_ =	sdelay $0x3  }
0xa1: {  	_ =	strace s12  }
0xa2: {  	s12 =	sld [smem:$0x3FFD];
	_ =	sdelay $0x3  }
0xa3: {  	_ =	strace s12  }
0xa4: {  	_ =	strace $0x8FFFFFFF  }
0xa5: {  	s30 =	sld [smem:$0x3FDB];
	_ =	sdelay $0x1  }
0xa6: {  	s13 =	simm.s32 $_scs_section_size  }
0xa7: {  	s14 =	simm.s32 $_size__tile_task_arg_handler_lowered;
	s15 =	simm.s32 $_tile_task_arg_handler_lowered  }
0xa8: {  	s17 =	simm.s32 $0x1BFF;
	s16 =	sshll.u32 s15, $0x1;
	s13 =	sadd.s32 s13, s30  }
0xa9: {  	s31 =	sshll.u32 s14, $0x1;
	s14 =	sadd.s32 s16, s13;
	s16 =	simm.s32 $0x60  }
0xaa: {  	[timem:s16], [sflag:s17] =	dma.local [hbm:s14], s31  }
0xab: {  	_ =	swait.ge [sflag:s17], s31  }
0xac: {  	s18 =	simm.s32 $_tile_overlayer_lowered;
	s12 =	ssub.s32 $0x0, s31;
	[sflag:s17] =	ssyncset.done $0x0  }
0xad: {  	s19 =	simm.s32 $_size__tile_overlayer_lowered;
	s14 =	sshll.u32 s18, $0x1;
	[sflag:s17] =	ssyncadd.s32 s12  }
0xae: {  	s21 =	simm.s32 $0x0;
	s20 =	sshll.u32 s19, $0x1;
	s14 =	sadd.s32 s14, s13  }
0xaf: {  	[timem:s21], [sflag:s17] =	dma.local [hbm:s14], s20  }
0xb0: {  	_ =	swait.ge [sflag:s17], s20  }
0xb1: {  	s22 =	ssub.s32 $0x0, s20;
	[sflag:s17] =	ssyncset.done $0x0  }
0xb2: {  	[sflag:s17] =	ssyncadd.s32 s22;
	_ =	sdelay $0x1  }
0xb3: {  	s23 =	simm.s32 $0x1B8B  }
0xb4: {  	_ =	swait.ge [sflag:s23], $0x1  }
0xb5: {  	[sflag:s23] =	ssyncset.done $0x0  }
0xb6: {  	s25 =	simm.s32 $0x1B8E;
	s24 =	sld [smem:$0x3FFE];
	[sflag:s23] =	ssyncadd.s32 $0xFFFFFFFF  }
0xb7: {  	s26 =	simm.s32 $execute0_lowered;
	[smem:$0x3FD2] =	sst s25  }
0xb8: {  	s15 =	sshll.u32 s26, $0x1;
	_ =	strace $0x80000046;
	[dreg:$0x1] =	wrdreg $0xFFFFFFFF  }
0xb9: {  	s28 =	simm.s32 $_size_execute0_lowered;
	s13 =	sadd.s32 s13, s15;
	[dreg:$0x0] =	wrdreg $0x0  }
0xba: {  	s15 =	sshll.u32 s28, $0x1;
	[dreg:$0x2] =	wrdreg s13  }
0xbb: {  	[dreg:$0x3] =	wrdreg s15  }
0xbc: {  	[dreg:$0x4] =	wrdreg $0xC0  }
0xbd: {  	_ =	task [dreg:s21], $0x5FFFF  }
0xbe: {  	[dreg:$0x1] =	wrdreg $0xFFFFFFFF  }
0xbf: {  	[dreg:$0x0] =	wrdreg $0x30  }
0xc0: {  	[dreg:$0x2] =	wrdreg $0x0  }
0xc1: {  	[dreg:$0x3] =	wrdreg $0x9  }
0xc2: {  	_ =	task [dreg:s21], $0x4FFFF  }
0xc3: {  	[dreg:$0x1] =	wrdreg $0xFFFFFFFF  }
0xc4: {  	[dreg:$0x0] =	wrdreg $0x60  }
0xc5: {  	[dreg:$0x2] =	wrdreg s2  }
0xc6: {  	[dreg:$0x3] =	wrdreg s3  }
0xc7: {  	[dreg:$0x4] =	wrdreg s4  }
0xc8: {  	[dreg:$0x5] =	wrdreg s5  }
0xc9: {  	[dreg:$0x6] =	wrdreg s6  }
0xca: {  	[dreg:$0x7] =	wrdreg s7  }
0xcb: {  	[dreg:$0x8] =	wrdreg s8  }
0xcc: {  	[dreg:$0x9] =	wrdreg s9  }
0xcd: {  	[dreg:$0xa] =	wrdreg s10  }
0xce: {  	[dreg:$0xb] =	wrdreg s24  }
0xcf: {  	[dreg:$0xc] =	wrdreg s11  }
0xd0: {  	[dreg:$0xd] =	wrdreg $0x0  }
0xd1: {  	[dreg:$0xe] =	wrdreg $0x9C400  }
0xd2: {  	[dreg:$0xf] =	wrdreg $0x13C400  }
0xd3: {  	_ =	task.clear_ibuf [dreg:s21], $0x10FFFF;
	_ =	strace $0x90000046  }
0xd4: {  	s29 =	simm.s32 $0x9;
	_ =	strace $0x80000048  }
0xd5: {  	_ =	swait.ge [sflag:s29], $0x1  }
0xd6: {  	[sflag:s29] =	ssyncadd.s32 $0xFFFFFFFF  }
0xd7: {  	_ =	strace $0x90000048  }
0xd8: {  	_ =	sfence  }
0xd9: {  	s30 =	sld [smem:$0x0];
	_ =	sdelay $0x2  }
0xda: {  	s31 =	sshll.u32 s1, $0xD;
	s1 =	sshrl.u32 s1, $0x2  }
0xdb: {  	s3 =	sand.u32 $0x4000, s31;
	s1 =	sadd.s32 s1, s30  }
0xdc: {  	s0 =	sor.u32 s3, s0;
	s1 =	sshll.u32 s1, $0x11  }
0xdd: {  	s0 =	sor.u32 s1, s0  }
0xde: {  	s0 =	sadd.s32 $0x8F2B, s0  }
0xdf: {  	[sflag:s0] =	ssyncadd.remote.s32 $0x1  }
0xe0: {  	_ =	sfence.sel $0xFFFF  }
0xe1: {  	[dreg:$0x0] =	wrdreg $0xFFFFFFFF;
	(pc) =	sbr.abs _section_cstart, $3  }
0xe2: {  	[dreg:$0x1] =	wrdreg $0xFFFFFFFF  }
0xe3: {  	_ =	task.clear_ibuf [dreg:s21], $0x2FFFF;
	_ =	strace $0x9FFFFFFF  }
0xe4: {  	(tm) =	ssettm $0x7FFFFFFF  }
0xe5: {  	_ =	shalt  }
tec
_tile_task_arg_handler_lowered:
.L_overlay_start_1:
0x0: {  	(tag) =	ssettag $0x1  }
0x1: {  	s0 =	rddreg [dreg:$0x0]  }
0x2: {  	s1 =	rddreg [dreg:$0x1]  }
0x3: {  	s2 =	rddreg [dreg:$0x2]  }
0x4: {  	s3 =	rddreg [dreg:$0x3]  }
0x5: {  	s4 =	rddreg [dreg:$0x4]  }
0x6: {  	s5 =	rddreg [dreg:$0x5]  }
0x7: {  	s6 =	rddreg [dreg:$0x6]  }
0x8: {  	s7 =	rddreg [dreg:$0x7]  }
0x9: {  	s8 =	rddreg [dreg:$0x8]  }
0xa: {  	s9 =	rddreg [dreg:$0x9]  }
0xb: {  	s10 =	rddreg [dreg:$0xa]  }
0xc: {  	s11 =	rddreg [dreg:$0xb]  }
0xd: {  	s12 =	rddreg [dreg:$0xc]  }
0xe: {  	s13 =	rddreg [dreg:$0xd]  }
0xf: {  	[smem:s0] =	sst s1  }
0x10: {  	[smem:s0+$0x1] =	sst s2  }
0x11: {  	[smem:s0+$0x2] =	sst s3  }
0x12: {  	[smem:s0+$0x3] =	sst s4  }
0x13: {  	[smem:s0+$0x4] =	sst s5  }
0x14: {  	[smem:s0+$0x5] =	sst s6  }
0x15: {  	[smem:s0+$0x6] =	sst s7  }
0x16: {  	[smem:s0+$0x7] =	sst s8  }
0x17: {  	[smem:s0+$0x8] =	sst s9  }
0x18: {  	[smem:s0+$0x9] =	sst s10  }
0x19: {  	[smem:s0+$0xA] =	sst s11  }
0x1a: {  	[smem:s0+$0xB] =	sst s12  }
0x1b: {  	[smem:s0+$0xC] =	sst s13;
	_ =	shalt  }
.Lfunc_end2:
execute0_lowered:
.L_overlay_start_2:
0x1c: {  	(tag) =	ssettag $0x2  }
0x1d: {  	s1 =	rddreg [dreg:$0x0]  }
0x1e: {  	s4 =	rddreg [dreg:$0x1]  }
0x1f: {  	s5 =	rddreg [dreg:$0x2]  }
0x20: {  	s6 =	rddreg [dreg:$0x3]  }
0x21: {  	s7 =	rddreg [dreg:$0x4]  }
0x22: {  	s8 =	rddreg [dreg:$0x5]  }
0x23: {  	s9 =	rddreg [dreg:$0x6]  }
0x24: {  	s10 =	rddreg [dreg:$0x7]  }
0x25: {  	s11 =	rddreg [dreg:$0x9]  }
0x26: {  	s0 =	srdreg.scid;
	s20 =	stileid.u32  }
0x27: {  	s2 =	simm.s32 $0x0;
	s12 =	sand.u32 $0x1, s0;
	s13 =	smul.u32 $0x4E2, s20  }
0x28: {  	[smem:$0x7FF] =	sst s2;
	s15 =	smul.u32 $0x13880, s20;
	s17 =	sshll.u32 s12, $0x6  }
0x29: {  	s16 =	sshrl.u32 s13, $0x4;
	s18 =	sadd.s32 $0x4E2, s13;
	s19 =	sand.u32 $0x7FF0, s13  }
0x2a: {  	s15 =	sor.u32 s17, s15;
	s17 =	sld [smem:$0x0];
	s13 =	sadd.s32 s5, s19  }
0x2b: {  	s23 =	sadd.s32 s6, s19;
	[dreg:$0xf] =	wrdreg s13  }
0x2c: {  	s25 =	sadd.s32 s9, s19;
	[dreg:$0x10] =	wrdreg s23  }
0x2d: {  	s31 =	simm.s32 $0x15F40;
	s26 =	sadd.s32 s10, s19;
	[dreg:$0x14] =	wrdreg s25  }
0x2e: {  	s14 =	sadd.s32 $0x1A00, s11;
	s0 =	ssub.s32 $0x2, s12;
	[dreg:$0x15] =	wrdreg s26  }
0x2f: {  	s30 =	smul.u32 $0x2800, s12;
	s15 =	sshrl.u32 s15, $0x3;
	s23 =	rddreg [dreg:$0xc]  }
0x30: {  	s21 =	sadd.s32 $0x280, s19;
	s1 =	sadd.s32 s1, s15;
	s26 =	rddreg [dreg:$0xd]  }
0x31: {  	s3 =	sshrl.u32 s0, $0x1;
	s5 =	sadd.s32 s5, s21;
	[dreg:$0xe] =	wrdreg s1  }
0x32: {  	s0 =	ssub.s32 s0, s3;
	s6 =	sadd.s32 s6, s21;
	[dreg:$0x11] =	wrdreg s5  }
0x33: {  	s29 =	sshrl.u32 s18, $0x4;
	s28 =	sadd.s32 s9, s21;
	[dreg:$0x12] =	wrdreg s6  }
0x34: {  	s16 =	ssub.s32 s29, s16;
	s29 =	sadd.s32 s10, s21;
	[dreg:$0x16] =	wrdreg s28  }
0x35: {  	s3 =	smul.u32 $0x280, s20;
	s4 =	sadd.s32 s4, s15;
	[dreg:$0x17] =	wrdreg s29  }
0x36: {  	p0 =	sne.s32 s12, $0x0;
	s18 =	smul.u32 $0x27100, s20;
	[dreg:$0x18] =	wrdreg s4  }
0x37: {  	s1 =	sadd.s32 s8, s19;
	s6 =	sadd.s32 s8, s21;
	s8 =	rddreg [dreg:$0xa]  }
0x38: {  	s22 =	sadd.s32 s3, s30;
	s30 =	sadd.s32 s7, s19;
	s19 =	rddreg [dreg:$0xb]  }
0x39: {  	p1 =	seq.s32 s12, $0x0;
	s25 =	sadd.s32 $0x1800, s11;
	[smem:$0x7DB] =	sst s17  }
0x3a: {  	s0 =	smax.u32 s0, $0x1;
	s4 =	sshrl.u32 s18, $0x2;
	[dreg:$0x19] =	wrdreg s30  }
0x3b: {  	s17 =	sadd.s32 $0x180, s3;
	s24 =	sshll.u32 s22, $0x3;
	[dreg:$0x1a] =	wrdreg s1  }
0x3c: {  	[dreg:$0x1c] =	wrdreg s6;
	s10 =	sadd.s32 $0x5000, s22;
	s4 =	sadd.s32 s4, s19  }
0x3d: {  	s6 =	sadd.s32 $0x80, s3;
	s18 =	sshll.u32 s17, $0x6;
	s5 =	sadd.s32 s14, s24  }
0x3e: {  	s13 =	sshll.u32 s10, $0x3;
	s15 =	sadd.s32 s8, s10;
	[dreg:$0x13] =	wrdreg s5  }
0x3f: {  	s5 =	sadd.s32 s7, s21;
	s7 =	sadd.s32 $0xA000, s22;
	[smem:$0x7DA] =	sst s15  }
0x40: {  	[dreg:$0x1b] =	wrdreg s5;
	s9 =	sshll.u32 s7, $0x3;
	s1 =	sadd.s32 s8, s7  }
0x41: {  	s24 =	smul.u32 $0x28000, s20;
	s5 =	sadd.s32 s14, s9;
	[smem:$0x7D9] =	sst s1  }
0x42: {  	s30 =	sshll.u32 s6, $0x6;
	[dreg:$0x1d] =	wrdreg s5;
	s5 =	sadd.s32 s14, s13  }
0x43: {  	s21 =	sadd.s32 $0x1600, s11;
	s14 =	sadd.s32 s8, s22;
	[dreg:$0x1e] =	wrdreg s5  }
0x44: {  	s28 =	sshrl.u32 s24, $0x2;
	s24 =	smul.u32 $0x5000, s20;
	[dreg:$0x1f] =	wrdreg s14  }
0x45: {  	s6 =	sshll.u32 s6, $0x3;
	_ =	strace $0x80000047;
	[smem:$0x7DC] =	sst s21  }
0x46: {  	s6 =	sadd.s32 s6, s26;
	s12 =	sshrl.u32 s24, $0x2;
	[smem:$0x7DD] =	sst s25  }
0x47: {  	s7 =	sadd.s32 $0xC0, s3;
	s12 =	sadd.s32 s12, s26;
	[smem:$0x7DE] =	sst s4  }
0x48: {  	s8 =	sshll.u32 s7, $0x6;
	s7 =	sshll.u32 s7, $0x3;
	[smem:$0x7E8] =	sst s12  }
0x49: {  	s11 =	sadd.s32 $0x140, s3;
	s7 =	sadd.s32 s7, s26;
	[smem:$0x7EA] =	sst s6  }
0x4a: {  	s15 =	sadd.s32 s28, s23;
	s9 =	sadd.s32 $0x100, s3;
	[smem:$0x7EB] =	sst s7  }
0x4b: {  	s22 =	sshll.u32 s20, $0x3;
	s20 =	sadd.s32 $0x2800, s15;
	[smem:$0x7F2] =	sst s0  }
0x4c: {  	s24 =	sadd.s32 $0x5800, s15;
	s5 =	sor.u32 $0x40, s3;
	[smem:$0x7F5] =	sst s20  }
0x4d: {  	s29 =	sshll.u32 s5, $0x6;
	s21 =	sadd.s32 $0x1C0, s3;
	[smem:$0x7F8] =	sst s24  }
0x4e: {  	s12 =	sshll.u32 s17, $0x3;
	s17 =	sadd.s32 $0x800, s15;
	[smem:$0x7FC] =	sst s15  }
0x4f: {  	s5 =	sshll.u32 s5, $0x3;
	s4 =	sadd.s32 s29, s23;
	[smem:$0x7F3] =	sst s17  }
0x50: {  	s25 =	sadd.s32 $0x200, s3;
	s5 =	sadd.s32 s5, s26;
	[smem:$0x7DF] =	sst s4  }
0x51: {  	s3 =	sadd.s32 $0x240, s3;
	s14 =	sadd.s32 s12, s26;
	[smem:$0x7E9] =	sst s5  }
0x52: {  	s28 =	sshll.u32 s25, $0x6;
	s4 =	sadd.s32 s30, s23;
	[smem:$0x7EE] =	sst s14  }
0x53: {  	s29 =	sshll.u32 s3, $0x6;
	s13 =	sadd.s32 s28, s23;
	[smem:$0x7E0] =	sst s4  }
0x54: {  	s3 =	sshll.u32 s3, $0x3;
	s30 =	sadd.s32 s29, s23;
	[smem:$0x7E6] =	sst s13  }
0x55: {  	p2 =	sgt.s32 s16, $0x4E;
	s3 =	sadd.s32 s3, s26;
	[smem:$0x7E7] =	sst s30  }
0x56: {  	s16 =	sshll.u32 s11, $0x6;
	s28 =	sadd.s32 $0x7800, s15;
	[smem:$0x7F1] =	sst s3  }
0x57: {  	s10 =	sshll.u32 s9, $0x6;
	s29 =	sadd.s32 $0x8800, s15;
	[smem:$0x7FA] =	sst s28  }
0x58: {  	s1 =	sadd.s32 $0x2710, s22;
	s4 =	sadd.s32 s8, s23;
	[smem:$0x7FB] =	sst s29  }
0x59: {  	s6 =	simm.s32 $0x1;
	s30 =	sadd.s32 $0x9800, s15;
	[smem:$0x7E1] =	sst s4  }
0x5a: {  	s8 =	sshll.u32 s9, $0x3;
	s4 =	sadd.s32 s10, s23;
	[smem:$0x7FD] =	sst s30  }
0x5b: {  	s9 =	sshll.u32 s11, $0x3;
	s5 =	sadd.s32 s8, s26;
	[smem:$0x7E2] =	sst s4  }
0x5c: {  	s7 =	simm.s32 $0x2;
	s13 =	sadd.s32 s9, s26;
	[smem:$0x7EC] =	sst s5  }
0x5d: {  	s22 =	sshll.u32 s21, $0x6;
	s4 =	sadd.s32 s16, s23;
	[smem:$0x7ED] =	sst s13  }
0x5e: {  	s16 =	sshll.u32 s21, $0x3;
	s21 =	sadd.s32 $0x3800, s15;
	[smem:$0x7E3] =	sst s4  }
0x5f: {  	s12 =	simm.s32 $0x18640;
	s4 =	sadd.s32 s18, s23;
	[smem:$0x7F6] =	sst s21  }
0x60: {  	s14 =	simm.s32 $0x3;
	s5 =	sadd.s32 s16, s26;
	[smem:$0x7E4] =	sst s4  }
0x61: {  	s3 =	simm.s32 $0x15040;
	s18 =	sadd.s32 $0x1800, s15;
	[smem:$0x7EF] =	sst s5  }
0x62: {  	s11 =	simm.s32 $0x80;
	s4 =	sadd.s32 s22, s23;
	[smem:$0x7F4] =	sst s18  }
0x63: {  	s10 =	simm.s32 $0x17240;
	s22 =	sadd.s32 $0x4800, s15;
	[smem:$0x7E5] =	sst s4  }
0x64: {  	s4 =	sshll.u32 s25, $0x3;
	[smem:$0x7F7] =	sst s22;
	s25 =	sadd.s32 $0x6800, s15  }
0x65: {  	s5 =	simm.s32 $0x15840;
	s4 =	sadd.s32 s4, s26;
	[smem:$0x7F9] =	sst s25  }
0x66: {  	v0 =	vmov s1;
	s15 =	simm.s32 $0x0;
	[smem:$0x7F0] =	sst s4;
	s4 =	simm.s32 $0x5  }
.LBB3_1:
0x67: {  	s0 =	rddreg [dreg:$0x8]  }
0x68: {  	[tilespmem:s3], [sflag:$0x5] =	stream.linear.gather [hbm4b:s0+s2], $0x800, $0x38;
	[tilespmem:$0x1C640] =	vst v63  }
0x69: {  	_ =	swait.ge [sflag:s4], $0x800  }
0x6a: {  	s16 =	sld [smem:$0x7DC]  }
0x6b: {  	[sflag:s4] =	ssyncset.done $0x0  }
0x6c: {  	[sflag:s4] =	ssyncadd.s32 $0xFFFFF800  }
0x6d: {  	[tilespmem:s5], [sflag:$0x5] =	stream.linear.gather [hbm4b:s16+s2], $0x200, $0x38;
	[tilespmem:$0x1C640] =	vst v63  }
0x6e: {  	_ =	swait.ge [sflag:s4], $0x200  }
0x6f: {  	s17 =	sld [smem:$0x7DD]  }
0x70: {  	[sflag:s4] =	ssyncset.done $0x0  }
0x71: {  	s1 =	simm.s32 $0x15A40;
	[sflag:s4] =	ssyncadd.s32 $0xFFFFFE00  }
0x72: {  	[tilespmem:s1], [sflag:$0x5] =	stream.linear.gather [hbm4b:s17+s2], $0x400, $0x38;
	[tilespmem:$0x1C640] =	vst v63  }
0x73: {  	_ =	swait.ge [sflag:s4], $0x400  }
0x74: {  	s20 =	sld [smem:$0x7DE]  }
0x75: {  	s18 =	stileid.u32  }
0x76: {  	s22 =	simm.s32 $0x8;
	s8 =	simm.s32 $0x10;
	s0 =	sshll.u32 s18, $0x6  }
0x77: {  	[sflag:s4] =	ssyncset.done $0x0;
	s21 =	rddreg [dreg:$0xe];
	s9 =	sshrl.u32 s20, $0x3  }
0x78: {  	s16 =	sor.u32 $0x1C05, s0;
	[sflag:s4] =	ssyncadd.s32 $0xFFFFFC00;
	[smem:$0x7D8] =	sst s9  }
0x79: {  	[spmem:s9@s22], [sflag:s16] =	dma.strided [hbm:s21@s8], $0x1388, s6, $0x8   }
0x7a: {  	_ =	swait.ge [sflag:s4], $0x1388  }
0x7b: {  	s24 =	sld [smem:$0x7FC]  }
0x7c: {  	[sflag:s4] =	ssyncset.done $0x0  }
0x7d: {  	s25 =	sld [smem:$0x7F3];
	[sflag:s4] =	ssyncadd.s32 $0xFFFFEC78  }
0x7e: {  	[spmem:s24] =	stream.linear.scatter [tilespmem:s3], [sflag:$0x1], $0x800, $0x38;
	[tilespmem:$0x1C640] =	vst v63  }
0x7f: {  	s28 =	sld [smem:$0x7DF]  }
0x80: {  	[spmem:s25] =	stream.linear.scatter [tilespmem:s3], [sflag:$0x1], $0x800, $0x38;
	[tilespmem:$0x1C640] =	vst v63  }
0x81: {  	s29 =	sld [smem:$0x7F4]  }
0x82: {  	[spmem:s28] =	stream.linear.scatter [tilespmem:s3], [sflag:$0x1], $0x800, $0x38;
	[tilespmem:$0x1C640] =	vst v63  }
0x83: {  	s30 =	sld [smem:$0x7E0]  }
0x84: {  	[spmem:s29] =	stream.linear.scatter [tilespmem:s3], [sflag:$0x1], $0x800, $0x38;
	[tilespmem:$0x1C640] =	vst v63  }
0x85: {  	s1 =	sld [smem:$0x7F5]  }
0x86: {  	[spmem:s30] =	stream.linear.scatter [tilespmem:s3], [sflag:$0x1], $0x800, $0x38;
	[tilespmem:$0x1C640] =	vst v63  }
0x87: {  	s8 =	sld [smem:$0x7E1]  }
0x88: {  	[spmem:s1] =	stream.linear.scatter [tilespmem:s3], [sflag:$0x1], $0x800, $0x38;
	[tilespmem:$0x1C640] =	vst v63  }
0x89: {  	s9 =	sld [smem:$0x7F6]  }
0x8a: {  	[spmem:s8] =	stream.linear.scatter [tilespmem:s3], [sflag:$0x1], $0x800, $0x38;
	[tilespmem:$0x1C640] =	vst v63  }
0x8b: {  	s13 =	sld [smem:$0x7E2]  }
0x8c: {  	[spmem:s9] =	stream.linear.scatter [tilespmem:s3], [sflag:$0x1], $0x800, $0x38;
	[tilespmem:$0x1C640] =	vst v63  }
0x8d: {  	s17 =	sld [smem:$0x7F7]  }
0x8e: {  	[spmem:s13] =	stream.linear.scatter [tilespmem:s3], [sflag:$0x1], $0x800, $0x38;
	[tilespmem:$0x1C640] =	vst v63  }
0x8f: {  	s18 =	sld [smem:$0x7E3]  }
0x90: {  	[spmem:s17] =	stream.linear.scatter [tilespmem:s3], [sflag:$0x1], $0x800, $0x38;
	[tilespmem:$0x1C640] =	vst v63  }
0x91: {  	s20 =	sld [smem:$0x7F8]  }
0x92: {  	[spmem:s18] =	stream.linear.scatter [tilespmem:s3], [sflag:$0x1], $0x800, $0x38;
	[tilespmem:$0x1C640] =	vst v63  }
0x93: {  	s21 =	sld [smem:$0x7E4]  }
0x94: {  	[spmem:s20] =	stream.linear.scatter [tilespmem:s3], [sflag:$0x1], $0x800, $0x38;
	[tilespmem:$0x1C640] =	vst v63  }
0x95: {  	s22 =	sld [smem:$0x7F9]  }
0x96: {  	[spmem:s21] =	stream.linear.scatter [tilespmem:s3], [sflag:$0x1], $0x800, $0x38;
	[tilespmem:$0x1C640] =	vst v63  }
0x97: {  	s24 =	sld [smem:$0x7E5]  }
0x98: {  	[spmem:s22] =	stream.linear.scatter [tilespmem:s3], [sflag:$0x1], $0x800, $0x38;
	[tilespmem:$0x1C640] =	vst v63  }
0x99: {  	s25 =	sld [smem:$0x7FA]  }
0x9a: {  	[spmem:s24] =	stream.linear.scatter [tilespmem:s3], [sflag:$0x1], $0x800, $0x38;
	[tilespmem:$0x1C640] =	vst v63  }
0x9b: {  	s28 =	sld [smem:$0x7E6]  }
0x9c: {  	[spmem:s25] =	stream.linear.scatter [tilespmem:s3], [sflag:$0x1], $0x800, $0x38;
	[tilespmem:$0x1C640] =	vst v63  }
0x9d: {  	s29 =	sld [smem:$0x7FB]  }
0x9e: {  	[spmem:s28] =	stream.linear.scatter [tilespmem:s3], [sflag:$0x1], $0x800, $0x38;
	[tilespmem:$0x1C640] =	vst v63  }
0x9f: {  	s30 =	sld [smem:$0x7E7]  }
0xa0: {  	[spmem:s29] =	stream.linear.scatter [tilespmem:s3], [sflag:$0x1], $0x800, $0x38;
	[tilespmem:$0x1C640] =	vst v63  }
0xa1: {  	s1 =	sld [smem:$0x7FD]  }
0xa2: {  	[spmem:s30] =	stream.linear.scatter [tilespmem:s3], [sflag:$0x1], $0x800, $0x38;
	[tilespmem:$0x1C640] =	vst v63  }
0xa3: {  	s8 =	sld [smem:$0x7E8]  }
0xa4: {  	[spmem:s1] =	stream.linear.scatter [tilespmem:s3], [sflag:$0x1], $0x800, $0x38;
	[tilespmem:$0x1C640] =	vst v63  }
0xa5: {  	s9 =	sld [smem:$0x7E9]  }
0xa6: {  	[spmem:s8] =	stream.linear.scatter [tilespmem:s5], [sflag:$0x2], $0x200, $0x38;
	[tilespmem:$0x1C640] =	vst v63  }
0xa7: {  	s13 =	sld [smem:$0x7EA]  }
0xa8: {  	[spmem:s9] =	stream.linear.scatter [tilespmem:s5], [sflag:$0x2], $0x200, $0x38;
	[tilespmem:$0x1C640] =	vst v63  }
0xa9: {  	s17 =	sld [smem:$0x7EB]  }
0xaa: {  	[spmem:s13] =	stream.linear.scatter [tilespmem:s5], [sflag:$0x2], $0x200, $0x38;
	[tilespmem:$0x1C640] =	vst v63  }
0xab: {  	s18 =	sld [smem:$0x7EC]  }
0xac: {  	[spmem:s17] =	stream.linear.scatter [tilespmem:s5], [sflag:$0x2], $0x200, $0x38;
	[tilespmem:$0x1C640] =	vst v63  }
0xad: {  	s20 =	sld [smem:$0x7ED]  }
0xae: {  	[spmem:s18] =	stream.linear.scatter [tilespmem:s5], [sflag:$0x2], $0x200, $0x38;
	[tilespmem:$0x1C640] =	vst v63  }
0xaf: {  	s21 =	sld [smem:$0x7EE]  }
0xb0: {  	[spmem:s20] =	stream.linear.scatter [tilespmem:s5], [sflag:$0x2], $0x200, $0x38;
	[tilespmem:$0x1C640] =	vst v63  }
0xb1: {  	s22 =	sld [smem:$0x7EF]  }
0xb2: {  	[spmem:s21] =	stream.linear.scatter [tilespmem:s5], [sflag:$0x2], $0x200, $0x38;
	[tilespmem:$0x1C640] =	vst v63  }
0xb3: {  	s24 =	sld [smem:$0x7F0]  }
0xb4: {  	[spmem:s22] =	stream.linear.scatter [tilespmem:s5], [sflag:$0x2], $0x200, $0x38;
	[tilespmem:$0x1C640] =	vst v63  }
0xb5: {  	s25 =	sld [smem:$0x7F1]  }
0xb6: {  	[spmem:s24] =	stream.linear.scatter [tilespmem:s5], [sflag:$0x2], $0x200, $0x38;
	[tilespmem:$0x1C640] =	vst v63  }
0xb7: {  	_ = 	snop  }
0xb8: {  	[spmem:s25] =	stream.linear.scatter [tilespmem:s5], [sflag:$0x2], $0x200, $0x38;
	[tilespmem:$0x1C640] =	vst v63  }
0xb9: {  	_ =	swait.ge [sflag:s6], $0x800  }
0xba: {  	[sflag:s6] =	ssyncset.done $0x0  }
0xbb: {  	[sflag:s6] =	ssyncadd.s32 $0xFFFFF800  }
0xbc: {  	_ =	swait.ge [sflag:s6], $0x800  }
0xbd: {  	[sflag:s6] =	ssyncset.done $0x0  }
0xbe: {  	[sflag:s6] =	ssyncadd.s32 $0xFFFFF800  }
0xbf: {  	_ =	swait.ge [sflag:s6], $0x800  }
0xc0: {  	[sflag:s6] =	ssyncset.done $0x0  }
0xc1: {  	[sflag:s6] =	ssyncadd.s32 $0xFFFFF800  }
0xc2: {  	_ =	swait.ge [sflag:s6], $0x800  }
0xc3: {  	[sflag:s6] =	ssyncset.done $0x0  }
0xc4: {  	[sflag:s6] =	ssyncadd.s32 $0xFFFFF800  }
0xc5: {  	_ =	swait.ge [sflag:s6], $0x800  }
0xc6: {  	[sflag:s6] =	ssyncset.done $0x0  }
0xc7: {  	[sflag:s6] =	ssyncadd.s32 $0xFFFFF800  }
0xc8: {  	_ =	swait.ge [sflag:s6], $0x800  }
0xc9: {  	[sflag:s6] =	ssyncset.done $0x0  }
0xca: {  	[sflag:s6] =	ssyncadd.s32 $0xFFFFF800  }
0xcb: {  	_ =	swait.ge [sflag:s6], $0x800  }
0xcc: {  	[sflag:s6] =	ssyncset.done $0x0  }
0xcd: {  	[sflag:s6] =	ssyncadd.s32 $0xFFFFF800  }
0xce: {  	_ =	swait.ge [sflag:s6], $0x800  }
0xcf: {  	[sflag:s6] =	ssyncset.done $0x0  }
0xd0: {  	[sflag:s6] =	ssyncadd.s32 $0xFFFFF800  }
0xd1: {  	_ =	swait.ge [sflag:s6], $0x800  }
0xd2: {  	[sflag:s6] =	ssyncset.done $0x0  }
0xd3: {  	[sflag:s6] =	ssyncadd.s32 $0xFFFFF800  }
0xd4: {  	_ =	swait.ge [sflag:s6], $0x800  }
0xd5: {  	[sflag:s6] =	ssyncset.done $0x0  }
0xd6: {  	[sflag:s6] =	ssyncadd.s32 $0xFFFFF800  }
0xd7: {  	_ =	swait.ge [sflag:s6], $0x800  }
0xd8: {  	[sflag:s6] =	ssyncset.done $0x0  }
0xd9: {  	[sflag:s6] =	ssyncadd.s32 $0xFFFFF800  }
0xda: {  	_ =	swait.ge [sflag:s6], $0x800  }
0xdb: {  	[sflag:s6] =	ssyncset.done $0x0  }
0xdc: {  	[sflag:s6] =	ssyncadd.s32 $0xFFFFF800  }
0xdd: {  	_ =	swait.ge [sflag:s6], $0x800  }
0xde: {  	[sflag:s6] =	ssyncset.done $0x0  }
0xdf: {  	[sflag:s6] =	ssyncadd.s32 $0xFFFFF800  }
0xe0: {  	_ =	swait.ge [sflag:s6], $0x800  }
0xe1: {  	[sflag:s6] =	ssyncset.done $0x0  }
0xe2: {  	[sflag:s6] =	ssyncadd.s32 $0xFFFFF800  }
0xe3: {  	_ =	swait.ge [sflag:s6], $0x800  }
0xe4: {  	[sflag:s6] =	ssyncset.done $0x0  }
0xe5: {  	[sflag:s6] =	ssyncadd.s32 $0xFFFFF800  }
0xe6: {  	_ =	swait.ge [sflag:s6], $0x800  }
0xe7: {  	[sflag:s6] =	ssyncset.done $0x0  }
0xe8: {  	[sflag:s6] =	ssyncadd.s32 $0xFFFFF800  }
0xe9: {  	_ =	swait.ge [sflag:s6], $0x800  }
0xea: {  	[sflag:s6] =	ssyncset.done $0x0  }
0xeb: {  	[sflag:s6] =	ssyncadd.s32 $0xFFFFF800  }
0xec: {  	_ =	swait.ge [sflag:s6], $0x800  }
0xed: {  	[sflag:s6] =	ssyncset.done $0x0  }
0xee: {  	[sflag:s6] =	ssyncadd.s32 $0xFFFFF800  }
0xef: {  	_ =	swait.ge [sflag:s6], $0x800  }
0xf0: {  	[sflag:s6] =	ssyncset.done $0x0  }
0xf1: {  	[sflag:s6] =	ssyncadd.s32 $0xFFFFF800  }
0xf2: {  	_ =	swait.ge [sflag:s6], $0x800  }
0xf3: {  	[sflag:s6] =	ssyncset.done $0x0  }
0xf4: {  	[sflag:s6] =	ssyncadd.s32 $0xFFFFF800  }
0xf5: {  	_ =	swait.ge [sflag:s7], $0x200  }
0xf6: {  	[sflag:s7] =	ssyncset.done $0x0  }
0xf7: {  	[sflag:s7] =	ssyncadd.s32 $0xFFFFFE00  }
0xf8: {  	_ =	swait.ge [sflag:s7], $0x200  }
0xf9: {  	[sflag:s7] =	ssyncset.done $0x0  }
0xfa: {  	[sflag:s7] =	ssyncadd.s32 $0xFFFFFE00  }
0xfb: {  	_ =	swait.ge [sflag:s7], $0x200  }
0xfc: {  	[sflag:s7] =	ssyncset.done $0x0  }
0xfd: {  	[sflag:s7] =	ssyncadd.s32 $0xFFFFFE00  }
0xfe: {  	_ =	swait.ge [sflag:s7], $0x200  }
0xff: {  	[sflag:s7] =	ssyncset.done $0x0  }
0x100: {  	[sflag:s7] =	ssyncadd.s32 $0xFFFFFE00  }
0x101: {  	_ =	swait.ge [sflag:s7], $0x200  }
0x102: {  	[sflag:s7] =	ssyncset.done $0x0  }
0x103: {  	[sflag:s7] =	ssyncadd.s32 $0xFFFFFE00  }
0x104: {  	_ =	swait.ge [sflag:s7], $0x200  }
0x105: {  	[sflag:s7] =	ssyncset.done $0x0  }
0x106: {  	[sflag:s7] =	ssyncadd.s32 $0xFFFFFE00  }
0x107: {  	_ =	swait.ge [sflag:s7], $0x200  }
0x108: {  	[sflag:s7] =	ssyncset.done $0x0  }
0x109: {  	[sflag:s7] =	ssyncadd.s32 $0xFFFFFE00  }
0x10a: {  	_ =	swait.ge [sflag:s7], $0x200  }
0x10b: {  	[sflag:s7] =	ssyncset.done $0x0  }
0x10c: {  	[sflag:s7] =	ssyncadd.s32 $0xFFFFFE00  }
0x10d: {  	_ =	swait.ge [sflag:s7], $0x200  }
0x10e: {  	[sflag:s7] =	ssyncset.done $0x0  }
0x10f: {  	[sflag:s7] =	ssyncadd.s32 $0xFFFFFE00  }
0x110: {  	_ =	swait.ge [sflag:s7], $0x200  }
0x111: {  	[sflag:s7] =	ssyncset.done $0x0  }
0x112: {  	[sflag:s7] =	ssyncadd.s32 $0xFFFFFE00  }
0x113: {  	[bflag:$0x0] =	sbarrier.arrive $0xFFFF  }
0x114: {  	s29 =	simm.s32 $0x15E40;
	s28 =	rddreg [dreg:$0xf]  }
0x115: {  	[tilespmem:s29], [sflag:$0x5] =	stream.linear.gather [hbm4b:s28+s2], $0x1400, $0x38;
	[tilespmem:$0x1C640] =	vst v63  }
0x116: {  	_ =	swait.ge [sflag:s4], $0x1400  }
0x117: {  	[sflag:s4] =	ssyncset.done $0x0  }
0x118: {  	s30 =	rddreg [dreg:$0x10];
	[sflag:s4] =	ssyncadd.s32 $0xFFFFEC00  }
0x119: {  	[tilespmem:s10], [sflag:$0x5] =	stream.linear.gather [hbm4b:s30+s2], $0x1400, $0x38;
	[tilespmem:$0x1C640] =	vst v63  }
0x11a: {  	_ =	swait.ge [sflag:s4], $0x1400  }
0x11b: {  	[sflag:s4] =	ssyncset.done $0x0  }
0x11c: {  	[sflag:s4] =	ssyncadd.s32 $0xFFFFEC00  }
0x11d: {  	[tilespmem:s12], [sflag:$0x1] =	stream.indirect.gather [spmem:s19], $0x40, s29, s11, $0xb8;
	[tilespmem:$0x1C640] =	vst v63  }
0x11e: {  	_ =	swait.ge [sflag:s6], $0x2000  }
0x11f: {  	[sflag:s6] =	ssyncset.done $0x0  }
0x120: {  	[sflag:s6] =	ssyncadd.s32 $0xFFFFE000  }
0x121: {  	[spmem:s23] =	stream.indirect.scatter.add.f32 [tilespmem:s12], [sflag:$0x3], $0x40, s10, s11, $0xb8;
	[tilespmem:$0x1C640] =	vst v63  }
0x122: {  	s0 =	simm.s32 @p0 $0x80;
	s1 =	simm.s32 @p0 $0x15EC0;
	s9 =	simm.s32 @p0 $0x1A640  }
0x123: {  	[tilespmem:s9], [sflag:$0x2] =	stream.indirect.gather @p0 [spmem:s19], $0x40, s1, s0, $0xb8;
	[tilespmem:$0x1C640] =	vst v63  }
0x124: {  	s1 =	simm.s32 @p0 $0x2  }
0x125: {  	_ =	swait.ge @p0 [sflag:s1], $0x2000  }
0x126: {  	[sflag:s1] =	ssyncset.done @p0 $0x0  }
0x127: {  	[sflag:s1] =	ssyncadd.s32 @p0 $0xFFFFE000;
	s1 =	simm.s32 @p0 $0x172C0  }
0x128: {  	[spmem:s23] =	stream.indirect.scatter.add.f32 @p0 [tilespmem:s9], [sflag:$0x4], $0x40, s1, s0, $0xb8;
	[tilespmem:$0x1C640] =	vst v63  }
0x129: {  	s9 =	simm.s32 @p0 $0x15A40  }
0x12a: {  	[spmem:s26] =	stream.indirect.scatter.add.f32 @p0 [tilespmem:s9], [sflag:$0x4], $0x8, s1, s0, $0xb8;
	[tilespmem:$0x1C640] =	vst v63  }
0x12b: {  	s0 =	simm.s32 @p0 $0x3  }
0x12c: {  	_ =	swait.ge @p0 [sflag:s0], $0x2000  }
0x12d: {  	s1 =	simm.s32 @!p0 $0x17240;
	[sflag:s0] =	ssyncset.done @p0 $0x0  }
0x12e: {  	s9 =	simm.s32 @!p0 $0x15A40;
	[sflag:s0] =	ssyncadd.s32 @p0 $0xFFFFE000;
	s0 =	simm.s32 @!p0 $0x80  }
0x12f: {  	[spmem:s26] =	stream.indirect.scatter.add.f32 @!p0 [tilespmem:s9], [sflag:$0x3], $0x8, s1, s0, $0xb8;
	[tilespmem:$0x1C640] =	vst v63  }
0x130: {  	s1 =	simm.s32 @!p0 $0x15EC0;
	s9 =	simm.s32 @!p0 $0x1A640  }
0x131: {  	[tilespmem:s9], [sflag:$0x2] =	stream.indirect.gather @!p0 [spmem:s19], $0x40, s1, s0, $0xb8;
	[tilespmem:$0x1C640] =	vst v63  }
0x132: {  	s1 =	simm.s32 @!p0 $0x2  }
0x133: {  	_ =	swait.ge @!p0 [sflag:s1], $0x2000  }
0x134: {  	[sflag:s1] =	ssyncset.done @!p0 $0x0  }
0x135: {  	[sflag:s1] =	ssyncadd.s32 @!p0 $0xFFFFE000;
	s1 =	simm.s32 @!p0 $0x172C0  }
0x136: {  	[spmem:s23] =	stream.indirect.scatter.add.f32 @!p0 [tilespmem:s9], [sflag:$0x4], $0x40, s1, s0, $0xb8;
	[tilespmem:$0x1C640] =	vst v63  }
0x137: {  	s0 =	simm.s32 @!p0 $0x3  }
0x138: {  	_ =	swait.ge @!p0 [sflag:s0], $0x2000  }
0x139: {  	[sflag:s0] =	ssyncset.done @!p0 $0x0  }
0x13a: {  	[sflag:s0] =	ssyncadd.s32 @!p0 $0xFFFFE000  }
0x13b: {  	_ =	swait.ge @!p0 [sflag:s0], $0x400  }
0x13c: {  	[sflag:s0] =	ssyncset.done @!p0 $0x0  }
0x13d: {  	s9 =	simm.s32 $0xFFFFB800;
	[sflag:s0] =	ssyncadd.s32 @!p0 $0xFFFFFC00  }
0x13e: {  	[tilespmem:s12], [sflag:$0x1] =	stream.indirect.gather [spmem:s19], $0x40, s31, s11, $0xb8;
	[tilespmem:$0x1C640] =	vst v63  }
.LBB3_2:
0x13f: {  	_ =	swait.ge [sflag:s6], $0x2000  }
0x140: {  	s13 =	sshra.s32 s9, $0x2;
	[sflag:s6] =	ssyncset.done $0x0  }
0x141: {  	s0 =	sadd.s32 $0x18540, s13;
	[sflag:s6] =	ssyncadd.s32 $0xFFFFE000  }
0x142: {  	[spmem:s23] =	stream.indirect.scatter.add.f32 [tilespmem:s12], [sflag:$0x3], $0x40, s0, s11, $0xb8;
	[tilespmem:$0x1C640] =	vst v63  }
0x143: {  	s18 =	simm.s32 @p1 $0x80;
	s30 =	simm.s32 @p1 $0x15A40;
	s29 =	simm.s32 @p1 $0x4  }
0x144: {  	[spmem:s26] =	stream.indirect.scatter.add.f32 @p1 [tilespmem:s30], [sflag:$0x3], $0x8, s0, s18, $0xb8;
	[tilespmem:$0x1C640] =	vst v63  }
0x145: {  	_ =	swait.ge @p1 [sflag:s29], $0x2000  }
0x146: {  	s0 =	sshra.s32 @p1 s9, $0x2;
	[sflag:s29] =	ssyncset.done @p1 $0x0  }
0x147: {  	s28 =	simm.s32 @p1 $0x1A640;
	s1 =	sadd.s32 @p1 $0x171C0, s0;
	[sflag:s29] =	ssyncadd.s32 @p1 $0xFFFFE000  }
0x148: {  	[tilespmem:s28], [sflag:$0x2] =	stream.indirect.gather @p1 [spmem:s19], $0x40, s1, s18, $0xb8;
	[tilespmem:$0x1C640] =	vst v63  }
0x149: {  	s1 =	simm.s32 @p1 $0x2  }
0x14a: {  	_ =	swait.ge @p1 [sflag:s1], $0x2000  }
0x14b: {  	[sflag:s1] =	ssyncset.done @p1 $0x0  }
0x14c: {  	s21 =	simm.s32 @!p1 $0x4;
	s0 =	sadd.s32 @p1 $0x185C0, s0;
	[sflag:s1] =	ssyncadd.s32 @p1 $0xFFFFE000  }
0x14d: {  	[spmem:s23] =	stream.indirect.scatter.add.f32 @p1 [tilespmem:s28], [sflag:$0x4], $0x40, s0, s18, $0xb8;
	[tilespmem:$0x1C640] =	vst v63  }
0x14e: {  	_ =	swait.ge @!p1 [sflag:s21], $0x2000  }
0x14f: {  	[sflag:s21] =	ssyncset.done @!p1 $0x0  }
0x150: {  	[sflag:s21] =	ssyncadd.s32 @!p1 $0xFFFFE000  }
0x151: {  	_ =	swait.ge @!p1 [sflag:s21], $0x400  }
0x152: {  	s24 =	simm.s32 @!p1 $0x80;
	s0 =	sshra.s32 @!p1 s9, $0x2;
	[sflag:s21] =	ssyncset.done @!p1 $0x0  }
0x153: {  	s25 =	simm.s32 @!p1 $0x1A640;
	s20 =	sadd.s32 @!p1 $0x171C0, s0;
	[sflag:s21] =	ssyncadd.s32 @!p1 $0xFFFFFC00  }
0x154: {  	[tilespmem:s25], [sflag:$0x2] =	stream.indirect.gather @!p1 [spmem:s19], $0x40, s20, s24, $0xb8;
	[tilespmem:$0x1C640] =	vst v63  }
0x155: {  	s20 =	simm.s32 @!p1 $0x2  }
0x156: {  	_ =	swait.ge @!p1 [sflag:s20], $0x2000  }
0x157: {  	[sflag:s20] =	ssyncset.done @!p1 $0x0  }
0x158: {  	p3 =	seq.s32 s9, $0x0;
	s22 =	sadd.s32 @!p1 $0x185C0, s0;
	[sflag:s20] =	ssyncadd.s32 @!p1 $0xFFFFE000  }
0x159: {  	[spmem:s23] =	stream.indirect.scatter.add.f32 @!p1 [tilespmem:s25], [sflag:$0x4], $0x40, s22, s24, $0xb8;
	[tilespmem:$0x1C640] =	vst v63  }
.Ltmp0:
0x15a: {  	s0 =	simm.s32 @!p1 $0x15A40;
	(pc) =	sbr.rel @p3 .LBB3_4-.Ltmp0, $4  }
0x15b: {  	[spmem:s26] =	stream.indirect.scatter.add.f32 @!p1 [tilespmem:s0], [sflag:$0x4], $0x8, s22, s24, $0xb8;
	[tilespmem:$0x1C640] =	vst v63  }
0x15c: {  	_ =	swait.ge [sflag:s14], $0x2000  }
0x15d: {  	[sflag:s14] =	ssyncset.done $0x0  }
0x15e: {  	[sflag:s14] =	ssyncadd.s32 $0xFFFFE000  }
.Ltmp1:
0x15f: {  	s0 =	simm.s32 @!p0 $0x3;
	(pc) =	sbr.rel .LBB3_2-.Ltmp1, $4  }
0x160: {  	_ =	swait.ge @!p0 [sflag:s0], $0x400  }
0x161: {  	[sflag:s0] =	ssyncset.done @!p0 $0x0  }
0x162: {  	s31 =	sadd.s32 $0x17240, s13;
	s9 =	sadd.s32 $0x400, s9;
	[sflag:s0] =	ssyncadd.s32 @!p0 $0xFFFFFC00  }
0x163: {  	[tilespmem:s12], [sflag:$0x1] =	stream.indirect.gather [spmem:s19], $0x40, s31, s11, $0xb8;
	[tilespmem:$0x1C640] =	vst v63  }
.LBB3_4:
0x164: {  	s9 =	simm.s32 @p0 $0x4  }
0x165: {  	_ =	swait.ge @p0 [sflag:s9], $0x2000  }
0x166: {  	[sflag:s9] =	ssyncset.done @p0 $0x0  }
0x167: {  	[sflag:s9] =	ssyncadd.s32 @p0 $0xFFFFE000  }
0x168: {  	_ =	swait.ge @p0 [sflag:s9], $0x400  }
0x169: {  	[sflag:s9] =	ssyncset.done @p0 $0x0  }
0x16a: {  	s13 =	simm.s32 @!p0 $0x3;
	[sflag:s9] =	ssyncadd.s32 @p0 $0xFFFFFC00  }
0x16b: {  	_ =	swait.ge @!p0 [sflag:s13], $0x400  }
0x16c: {  	[sflag:s13] =	ssyncset.done @!p0 $0x0  }
0x16d: {  	s9 =	simm.s32 @!p0 $0x4;
	[sflag:s13] =	ssyncadd.s32 @!p0 $0xFFFFFC00  }
0x16e: {  	_ =	swait.ge @!p0 [sflag:s9], $0x2000  }
0x16f: {  	[sflag:s9] =	ssyncset.done @!p0 $0x0  }
0x170: {  	s22 =	simm.s32 $0x15E40;
	s8 =	rddreg [dreg:$0x11];
	[sflag:s9] =	ssyncadd.s32 @!p0 $0xFFFFE000  }
0x171: {  	[tilespmem:s22], [sflag:$0x5] =	stream.linear.gather [hbm4b:s8+s2], $0x1380, $0x38;
	[tilespmem:$0x1C640] =	vst v63  }
0x172: {  	_ =	swait.ge [sflag:s4], $0x1380  }
0x173: {  	[sflag:s4] =	ssyncset.done $0x0  }
0x174: {  	s31 =	rddreg [dreg:$0x12];
	[sflag:s4] =	ssyncadd.s32 $0xFFFFEC80  }
0x175: {  	[tilespmem:s10], [sflag:$0x5] =	stream.linear.gather [hbm4b:s31+s2], $0x1380, $0x38;
	[tilespmem:$0x1C640] =	vst v63  }
0x176: {  	_ =	swait.ge [sflag:s4], $0x1380  }
0x177: {  	[sflag:s4] =	ssyncset.done $0x0  }
0x178: {  	v1 =	vimm.s32 @!p2 $0x0;
	[sflag:s4] =	ssyncadd.s32 $0xFFFFEC80  }
0x179: {  	[tilespmem:$0x17140] =	vst @!p2 v1  }
0x17a: {  	[tilespmem:$0x18540] =	vst @!p2 v0  }
0x17b: {  	[tilespmem:$0x17150] =	vst @!p2 v1  }
0x17c: {  	[tilespmem:$0x18550] =	vst @!p2 v0  }
0x17d: {  	[tilespmem:$0x17160] =	vst @!p2 v1  }
0x17e: {  	[tilespmem:$0x18560] =	vst @!p2 v0  }
0x17f: {  	[tilespmem:$0x17170] =	vst @!p2 v1  }
0x180: {  	[tilespmem:$0x18570] =	vst @!p2 v0  }
0x181: {  	[tilespmem:$0x17180] =	vst @!p2 v1  }
0x182: {  	[tilespmem:$0x18580] =	vst @!p2 v0  }
0x183: {  	[tilespmem:$0x17190] =	vst @!p2 v1  }
0x184: {  	[tilespmem:$0x18590] =	vst @!p2 v0  }
0x185: {  	[tilespmem:$0x171A0] =	vst @!p2 v1  }
0x186: {  	[tilespmem:$0x185A0] =	vst @!p2 v0  }
0x187: {  	[tilespmem:$0x171B0] =	vst @!p2 v1  }
0x188: {  	[tilespmem:$0x185B0] =	vst @!p2 v0  }
0x189: {  	[tilespmem:s12], [sflag:$0x1] =	stream.indirect.gather [spmem:s19], $0x40, s22, s11, $0xb8;
	[tilespmem:$0x1C640] =	vst v63  }
0x18a: {  	_ =	swait.ge [sflag:s6], $0x2000  }
0x18b: {  	[sflag:s6] =	ssyncset.done $0x0  }
0x18c: {  	[sflag:s6] =	ssyncadd.s32 $0xFFFFE000  }
0x18d: {  	[spmem:s23] =	stream.indirect.scatter.add.f32 [tilespmem:s12], [sflag:$0x3], $0x40, s10, s11, $0xb8;
	[tilespmem:$0x1C640] =	vst v63  }
0x18e: {  	s9 =	simm.s32 @p0 $0x80;
	s31 =	simm.s32 @p0 $0x1A640;
	s22 =	simm.s32 @p0 $0x15EC0  }
0x18f: {  	[tilespmem:s31], [sflag:$0x2] =	stream.indirect.gather @p0 [spmem:s19], $0x40, s22, s9, $0xb8;
	[tilespmem:$0x1C640] =	vst v63  }
0x190: {  	s22 =	simm.s32 @p0 $0x2  }
0x191: {  	_ =	swait.ge @p0 [sflag:s22], $0x2000  }
0x192: {  	[sflag:s22] =	ssyncset.done @p0 $0x0  }
0x193: {  	[sflag:s22] =	ssyncadd.s32 @p0 $0xFFFFE000;
	s22 =	simm.s32 @p0 $0x172C0  }
0x194: {  	[spmem:s23] =	stream.indirect.scatter.add.f32 @p0 [tilespmem:s31], [sflag:$0x4], $0x40, s22, s9, $0xb8;
	[tilespmem:$0x1C640] =	vst v63  }
0x195: {  	s31 =	simm.s32 @p0 $0x15A40  }
0x196: {  	[spmem:s26] =	stream.indirect.scatter.add.f32 @p0 [tilespmem:s31], [sflag:$0x4], $0x8, s22, s9, $0xb8;
	[tilespmem:$0x1C640] =	vst v63  }
0x197: {  	s9 =	simm.s32 @p0 $0x3  }
0x198: {  	_ =	swait.ge @p0 [sflag:s9], $0x2000  }
0x199: {  	s22 =	simm.s32 @!p0 $0x17240;
	[sflag:s9] =	ssyncset.done @p0 $0x0  }
0x19a: {  	s31 =	simm.s32 @!p0 $0x15A40;
	[sflag:s9] =	ssyncadd.s32 @p0 $0xFFFFE000;
	s9 =	simm.s32 @!p0 $0x80  }
0x19b: {  	[spmem:s26] =	stream.indirect.scatter.add.f32 @!p0 [tilespmem:s31], [sflag:$0x3], $0x8, s22, s9, $0xb8;
	[tilespmem:$0x1C640] =	vst v63  }
0x19c: {  	s22 =	simm.s32 @!p0 $0x15EC0;
	s31 =	simm.s32 @!p0 $0x1A640  }
0x19d: {  	[tilespmem:s31], [sflag:$0x2] =	stream.indirect.gather @!p0 [spmem:s19], $0x40, s22, s9, $0xb8;
	[tilespmem:$0x1C640] =	vst v63  }
0x19e: {  	s22 =	simm.s32 @!p0 $0x2  }
0x19f: {  	_ =	swait.ge @!p0 [sflag:s22], $0x2000  }
0x1a0: {  	[sflag:s22] =	ssyncset.done @!p0 $0x0  }
0x1a1: {  	[sflag:s22] =	ssyncadd.s32 @!p0 $0xFFFFE000;
	s22 =	simm.s32 @!p0 $0x172C0  }
0x1a2: {  	[spmem:s23] =	stream.indirect.scatter.add.f32 @!p0 [tilespmem:s31], [sflag:$0x4], $0x40, s22, s9, $0xb8;
	[tilespmem:$0x1C640] =	vst v63  }
0x1a3: {  	_ =	swait.ge @!p0 [sflag:s13], $0x2000  }
0x1a4: {  	[sflag:s13] =	ssyncset.done @!p0 $0x0  }
0x1a5: {  	[sflag:s13] =	ssyncadd.s32 @!p0 $0xFFFFE000  }
0x1a6: {  	_ =	swait.ge @!p0 [sflag:s13], $0x400  }
0x1a7: {  	[sflag:s13] =	ssyncset.done @!p0 $0x0  }
0x1a8: {  	s17 =	simm.s32 $0x15F40;
	[sflag:s13] =	ssyncadd.s32 @!p0 $0xFFFFFC00  }
0x1a9: {  	[tilespmem:s12], [sflag:$0x1] =	stream.indirect.gather [spmem:s19], $0x40, s17, s11, $0xb8;
	[tilespmem:$0x1C640] =	vst v63  }
0x1aa: {  	_ =	swait.ge [sflag:s6], $0x2000  }
0x1ab: {  	[sflag:s6] =	ssyncset.done $0x0  }
0x1ac: {  	s9 =	simm.s32 $0x17340;
	[sflag:s6] =	ssyncadd.s32 $0xFFFFE000  }
0x1ad: {  	[spmem:s23] =	stream.indirect.scatter.add.f32 [tilespmem:s12], [sflag:$0x3], $0x40, s9, s11, $0xb8;
	[tilespmem:$0x1C640] =	vst v63  }
0x1ae: {  	_ = 	snop  }
0x1af: {  	[spmem:s26] =	stream.indirect.scatter.add.f32 @p1 [tilespmem:s30], [sflag:$0x3], $0x8, s9, s18, $0xb8;
	[tilespmem:$0x1C640] =	vst v63  }
0x1b0: {  	_ =	swait.ge @p1 [sflag:s29], $0x2000  }
0x1b1: {  	[sflag:s29] =	ssyncset.done @p1 $0x0  }
0x1b2: {  	s9 =	simm.s32 @p1 $0x15FC0;
	[sflag:s29] =	ssyncadd.s32 @p1 $0xFFFFE000  }
0x1b3: {  	[tilespmem:s28], [sflag:$0x2] =	stream.indirect.gather @p1 [spmem:s19], $0x40, s9, s18, $0xb8;
	[tilespmem:$0x1C640] =	vst v63  }
0x1b4: {  	_ =	swait.ge @p1 [sflag:s1], $0x2000  }
0x1b5: {  	[sflag:s1] =	ssyncset.done @p1 $0x0  }
0x1b6: {  	[sflag:s1] =	ssyncadd.s32 @p1 $0xFFFFE000;
	s1 =	simm.s32 @p1 $0x173C0  }
0x1b7: {  	[spmem:s23] =	stream.indirect.scatter.add.f32 @p1 [tilespmem:s28], [sflag:$0x4], $0x40, s1, s18, $0xb8;
	[tilespmem:$0x1C640] =	vst v63  }
0x1b8: {  	s18 =	simm.s32 @p1 $0x3  }
0x1b9: {  	_ =	swait.ge @p1 [sflag:s18], $0x2000  }
0x1ba: {  	[sflag:s18] =	ssyncset.done @p1 $0x0  }
0x1bb: {  	[sflag:s18] =	ssyncadd.s32 @p1 $0xFFFFE000  }
0x1bc: {  	_ =	swait.ge @p1 [sflag:s18], $0x400  }
0x1bd: {  	[sflag:s18] =	ssyncset.done @p1 $0x0  }
0x1be: {  	[sflag:s18] =	ssyncadd.s32 @p1 $0xFFFFFC00  }
0x1bf: {  	_ =	swait.ge @!p1 [sflag:s21], $0x2000  }
0x1c0: {  	[sflag:s21] =	ssyncset.done @!p1 $0x0  }
0x1c1: {  	[sflag:s21] =	ssyncadd.s32 @!p1 $0xFFFFE000  }
0x1c2: {  	_ =	swait.ge @!p1 [sflag:s21], $0x400  }
0x1c3: {  	[sflag:s21] =	ssyncset.done @!p1 $0x0  }
0x1c4: {  	s1 =	simm.s32 @!p1 $0x15FC0;
	[sflag:s21] =	ssyncadd.s32 @!p1 $0xFFFFFC00  }
0x1c5: {  	[tilespmem:s25], [sflag:$0x2] =	stream.indirect.gather @!p1 [spmem:s19], $0x40, s1, s24, $0xb8;
	[tilespmem:$0x1C640] =	vst v63  }
0x1c6: {  	_ =	swait.ge @!p1 [sflag:s20], $0x2000  }
0x1c7: {  	[sflag:s20] =	ssyncset.done @!p1 $0x0  }
0x1c8: {  	s1 =	simm.s32 @!p1 $0x173C0;
	[sflag:s20] =	ssyncadd.s32 @!p1 $0xFFFFE000  }
0x1c9: {  	[spmem:s23] =	stream.indirect.scatter.add.f32 @!p1 [tilespmem:s25], [sflag:$0x4], $0x40, s1, s24, $0xb8;
	[tilespmem:$0x1C640] =	vst v63  }
0x1ca: {  	_ = 	snop  }
0x1cb: {  	[spmem:s26] =	stream.indirect.scatter.add.f32 @!p1 [tilespmem:s0], [sflag:$0x4], $0x8, s1, s24, $0xb8;
	[tilespmem:$0x1C640] =	vst v63  }
0x1cc: {  	s1 =	simm.s32 @!p1 $0x3  }
0x1cd: {  	_ =	swait.ge @!p1 [sflag:s1], $0x2000  }
0x1ce: {  	[sflag:s1] =	ssyncset.done @!p1 $0x0  }
0x1cf: {  	s22 =	simm.s32 $0x16040;
	s0 =	simm.s32 $0xFFFFBC00;
	[sflag:s1] =	ssyncadd.s32 @!p1 $0xFFFFE000  }
.LBB3_5:
0x1d0: {  	[tilespmem:s12], [sflag:$0x1] =	stream.indirect.gather [spmem:s19], $0x40, s22, s11, $0xb8;
	[tilespmem:$0x1C640] =	vst v63  }
0x1d1: {  	s24 =	smov.u32 s0;
	s0 =	sadd.s32 $0x400, s0;
	_ =	swait.ge [sflag:s6], $0x2000  }
0x1d2: {  	s22 =	sshra.s32 s24, $0x2;
	p3 =	sne.s32 s0, $0x0;
	[sflag:s6] =	ssyncset.done $0x0  }
0x1d3: {  	s9 =	sadd.s32 $0x18540, s22;
	[sflag:s6] =	ssyncadd.s32 $0xFFFFE000  }
0x1d4: {  	[spmem:s23] =	stream.indirect.scatter.add.f32 [tilespmem:s12], [sflag:$0x3], $0x40, s9, s11, $0xb8;
	[tilespmem:$0x1C640] =	vst v63  }
0x1d5: {  	s20 =	simm.s32 @p1 $0x80;
	s21 =	simm.s32 @p1 $0x15A40;
	s13 =	simm.s32 @p1 $0x4  }
0x1d6: {  	[spmem:s26] =	stream.indirect.scatter.add.f32 @p1 [tilespmem:s21], [sflag:$0x3], $0x8, s9, s20, $0xb8;
	[tilespmem:$0x1C640] =	vst v63  }
0x1d7: {  	_ =	swait.ge @p1 [sflag:s13], $0x2000  }
0x1d8: {  	s25 =	simm.s32 @p1 $0x2;
	s9 =	sshra.s32 @p1 s24, $0x2;
	[sflag:s13] =	ssyncset.done @p1 $0x0  }
0x1d9: {  	s29 =	simm.s32 @p1 $0x1A640;
	s28 =	sadd.s32 @p1 $0x171C0, s9;
	[sflag:s13] =	ssyncadd.s32 @p1 $0xFFFFE000  }
0x1da: {  	[tilespmem:s29], [sflag:$0x2] =	stream.indirect.gather @p1 [spmem:s19], $0x40, s28, s20, $0xb8;
	[tilespmem:$0x1C640] =	vst v63  }
0x1db: {  	_ =	swait.ge @p1 [sflag:s25], $0x2000  }
0x1dc: {  	[sflag:s25] =	ssyncset.done @p1 $0x0  }
0x1dd: {  	s9 =	sadd.s32 @p1 $0x185C0, s9;
	[sflag:s25] =	ssyncadd.s32 @p1 $0xFFFFE000  }
0x1de: {  	[spmem:s23] =	stream.indirect.scatter.add.f32 @p1 [tilespmem:s29], [sflag:$0x4], $0x40, s9, s20, $0xb8;
	[tilespmem:$0x1C640] =	vst v63  }
0x1df: {  	_ =	swait.ge @p1 [sflag:s18], $0x2000  }
0x1e0: {  	[sflag:s18] =	ssyncset.done @p1 $0x0  }
0x1e1: {  	[sflag:s18] =	ssyncadd.s32 @p1 $0xFFFFE000  }
0x1e2: {  	_ =	swait.ge @p1 [sflag:s18], $0x400  }
0x1e3: {  	[sflag:s18] =	ssyncset.done @p1 $0x0  }
0x1e4: {  	s9 =	simm.s32 @!p1 $0x4;
	[sflag:s18] =	ssyncadd.s32 @p1 $0xFFFFFC00  }
0x1e5: {  	_ =	swait.ge @!p1 [sflag:s9], $0x2000  }
0x1e6: {  	[sflag:s9] =	ssyncset.done @!p1 $0x0  }
0x1e7: {  	[sflag:s9] =	ssyncadd.s32 @!p1 $0xFFFFE000  }
0x1e8: {  	s25 =	simm.s32 @!p1 $0x2;
	_ =	swait.ge @!p1 [sflag:s9], $0x400  }
0x1e9: {  	s24 =	sshra.s32 @!p1 s24, $0x2;
	s28 =	simm.s32 @!p1 $0x1A640;
	[sflag:s9] =	ssyncset.done @!p1 $0x0  }
0x1ea: {  	s30 =	simm.s32 @!p1 $0x80;
	s29 =	sadd.s32 @!p1 $0x171C0, s24;
	[sflag:s9] =	ssyncadd.s32 @!p1 $0xFFFFFC00  }
0x1eb: {  	[tilespmem:s28], [sflag:$0x2] =	stream.indirect.gather @!p1 [spmem:s19], $0x40, s29, s30, $0xb8;
	[tilespmem:$0x1C640] =	vst v63  }
0x1ec: {  	_ =	swait.ge @!p1 [sflag:s25], $0x2000  }
0x1ed: {  	[sflag:s25] =	ssyncset.done @!p1 $0x0  }
0x1ee: {  	s24 =	sadd.s32 @!p1 $0x185C0, s24;
	[sflag:s25] =	ssyncadd.s32 @!p1 $0xFFFFE000  }
0x1ef: {  	[spmem:s23] =	stream.indirect.scatter.add.f32 @!p1 [tilespmem:s28], [sflag:$0x4], $0x40, s24, s30, $0xb8;
	[tilespmem:$0x1C640] =	vst v63  }
.Ltmp2:
0x1f0: {  	s25 =	simm.s32 @!p1 $0x15A40;
	(pc) =	sbr.rel @p3 .LBB3_5-.Ltmp2, $4  }
0x1f1: {  	[spmem:s26] =	stream.indirect.scatter.add.f32 @!p1 [tilespmem:s25], [sflag:$0x4], $0x8, s24, s30, $0xb8;
	[tilespmem:$0x1C640] =	vst v63  }
0x1f2: {  	_ =	swait.ge @!p1 [sflag:s1], $0x2000  }
0x1f3: {  	[sflag:s1] =	ssyncset.done @!p1 $0x0  }
0x1f4: {  	s22 =	sadd.s32 $0x17240, s22;
	[sflag:s1] =	ssyncadd.s32 @!p1 $0xFFFFE000  }
0x1f5: {  	[tilespmem:s12], [sflag:$0x1] =	stream.indirect.gather [spmem:s19], $0x40, s22, s11, $0xb8;
	[tilespmem:$0x1C640] =	vst v63  }
0x1f6: {  	_ =	swait.ge [sflag:s6], $0x2000  }
0x1f7: {  	[sflag:s6] =	ssyncset.done $0x0  }
0x1f8: {  	s0 =	simm.s32 $0x18540;
	[sflag:s6] =	ssyncadd.s32 $0xFFFFE000  }
0x1f9: {  	[spmem:s23] =	stream.indirect.scatter.add.f32 [tilespmem:s12], [sflag:$0x3], $0x40, s0, s11, $0xb8;
	[tilespmem:$0x1C640] =	vst v63  }
0x1fa: {  	s0 =	simm.s32 @p1 $0x18540  }
0x1fb: {  	[spmem:s26] =	stream.indirect.scatter.add.f32 @p1 [tilespmem:s21], [sflag:$0x3], $0x8, s0, s20, $0xb8;
	[tilespmem:$0x1C640] =	vst v63  }
0x1fc: {  	_ =	swait.ge @p1 [sflag:s13], $0x2000  }
0x1fd: {  	[sflag:s13] =	ssyncset.done @p1 $0x0  }
0x1fe: {  	[sflag:s13] =	ssyncadd.s32 @p1 $0xFFFFE000  }
0x1ff: {  	_ =	swait.ge @p1 [sflag:s18], $0x2000  }
0x200: {  	[sflag:s18] =	ssyncset.done @p1 $0x0  }
0x201: {  	[sflag:s18] =	ssyncadd.s32 @p1 $0xFFFFE000  }
0x202: {  	_ =	swait.ge @p1 [sflag:s18], $0x400  }
0x203: {  	[sflag:s18] =	ssyncset.done @p1 $0x0  }
0x204: {  	[sflag:s18] =	ssyncadd.s32 @p1 $0xFFFFFC00  }
0x205: {  	_ =	swait.ge @!p1 [sflag:s9], $0x2000  }
0x206: {  	[sflag:s9] =	ssyncset.done @!p1 $0x0  }
0x207: {  	[sflag:s9] =	ssyncadd.s32 @!p1 $0xFFFFE000  }
0x208: {  	_ =	swait.ge @!p1 [sflag:s9], $0x400  }
0x209: {  	[sflag:s9] =	ssyncset.done @!p1 $0x0  }
0x20a: {  	[sflag:s9] =	ssyncadd.s32 @!p1 $0xFFFFFC00  }
0x20b: {  	_ =	swait.ge @!p1 [sflag:s1], $0x2000  }
0x20c: {  	[sflag:s1] =	ssyncset.done @!p1 $0x0  }
0x20d: {  	[sflag:s1] =	ssyncadd.s32 @!p1 $0xFFFFE000  }
0x20e: {  	[bflag:$0x0] =	sbarrier.arrive $0xFFFF  }
0x20f: {  	s31 =	sld [smem:$0x7FC];
	_ =	sdelay $0x2  }
0x210: {  	s9 =	rddreg [dreg:$0x13];
	s18 =	sshrl.u32 s31, $0x3  }
0x211: {  	[hbm:s9], [sflag:s16] =	dma.local [spmem:s18], $0x1400  }
0x212: {  	_ =	swait.ge [sflag:s4], $0x1400  }
0x213: {  	s8 =	sld [smem:$0x7E8];
	_ =	sdelay $0x1  }
0x214: {  	[sflag:s4] =	ssyncset.done $0x0  }
0x215: {  	s13 =	rddreg [dreg:$0x1f];
	[sflag:s4] =	ssyncadd.s32 $0xFFFFEC00;
	s21 =	sshrl.u32 s8, $0x3  }
0x216: {  	[hbm:s13], [sflag:s16] =	dma.local [spmem:s21], $0x280  }
0x217: {  	_ =	swait.ge [sflag:s4], $0x280  }
0x218: {  	[sflag:s4] =	ssyncset.done $0x0  }
0x219: {  	[sflag:s4] =	ssyncadd.s32 $0xFFFFFD80  }
0x21a: {  	[bflag:$0x0] =	sbarrier.arrive $0xFFFF  }
0x21b: {  	s20 =	sld [smem:$0x7F3]  }
0x21c: {  	[spmem:s31] =	stream.linear.scatter [tilespmem:s3], [sflag:$0x1], $0x800, $0x38;
	[tilespmem:$0x1C640] =	vst v63  }
0x21d: {  	s22 =	sld [smem:$0x7DF]  }
0x21e: {  	[spmem:s20] =	stream.linear.scatter [tilespmem:s3], [sflag:$0x1], $0x800, $0x38;
	[tilespmem:$0x1C640] =	vst v63  }
0x21f: {  	s24 =	sld [smem:$0x7F4]  }
0x220: {  	[spmem:s22] =	stream.linear.scatter [tilespmem:s3], [sflag:$0x1], $0x800, $0x38;
	[tilespmem:$0x1C640] =	vst v63  }
0x221: {  	s25 =	sld [smem:$0x7E0]  }
0x222: {  	[spmem:s24] =	stream.linear.scatter [tilespmem:s3], [sflag:$0x1], $0x800, $0x38;
	[tilespmem:$0x1C640] =	vst v63  }
0x223: {  	s28 =	sld [smem:$0x7F5]  }
0x224: {  	[spmem:s25] =	stream.linear.scatter [tilespmem:s3], [sflag:$0x1], $0x800, $0x38;
	[tilespmem:$0x1C640] =	vst v63  }
0x225: {  	s29 =	sld [smem:$0x7E1]  }
0x226: {  	[spmem:s28] =	stream.linear.scatter [tilespmem:s3], [sflag:$0x1], $0x800, $0x38;
	[tilespmem:$0x1C640] =	vst v63  }
0x227: {  	s30 =	sld [smem:$0x7F6]  }
0x228: {  	[spmem:s29] =	stream.linear.scatter [tilespmem:s3], [sflag:$0x1], $0x800, $0x38;
	[tilespmem:$0x1C640] =	vst v63  }
0x229: {  	s31 =	sld [smem:$0x7E2]  }
0x22a: {  	[spmem:s30] =	stream.linear.scatter [tilespmem:s3], [sflag:$0x1], $0x800, $0x38;
	[tilespmem:$0x1C640] =	vst v63  }
0x22b: {  	s1 =	sld [smem:$0x7F7]  }
0x22c: {  	[spmem:s31] =	stream.linear.scatter [tilespmem:s3], [sflag:$0x1], $0x800, $0x38;
	[tilespmem:$0x1C640] =	vst v63  }
0x22d: {  	s9 =	sld [smem:$0x7E3]  }
0x22e: {  	[spmem:s1] =	stream.linear.scatter [tilespmem:s3], [sflag:$0x1], $0x800, $0x38;
	[tilespmem:$0x1C640] =	vst v63  }
0x22f: {  	s13 =	sld [smem:$0x7F8]  }
0x230: {  	[spmem:s9] =	stream.linear.scatter [tilespmem:s3], [sflag:$0x1], $0x800, $0x38;
	[tilespmem:$0x1C640] =	vst v63  }
0x231: {  	s20 =	sld [smem:$0x7E4]  }
0x232: {  	[spmem:s13] =	stream.linear.scatter [tilespmem:s3], [sflag:$0x1], $0x800, $0x38;
	[tilespmem:$0x1C640] =	vst v63  }
0x233: {  	s22 =	sld [smem:$0x7F9]  }
0x234: {  	[spmem:s20] =	stream.linear.scatter [tilespmem:s3], [sflag:$0x1], $0x800, $0x38;
	[tilespmem:$0x1C640] =	vst v63  }
0x235: {  	s24 =	sld [smem:$0x7E5]  }
0x236: {  	[spmem:s22] =	stream.linear.scatter [tilespmem:s3], [sflag:$0x1], $0x800, $0x38;
	[tilespmem:$0x1C640] =	vst v63  }
0x237: {  	s25 =	sld [smem:$0x7FA]  }
0x238: {  	[spmem:s24] =	stream.linear.scatter [tilespmem:s3], [sflag:$0x1], $0x800, $0x38;
	[tilespmem:$0x1C640] =	vst v63  }
0x239: {  	s28 =	sld [smem:$0x7E6]  }
0x23a: {  	[spmem:s25] =	stream.linear.scatter [tilespmem:s3], [sflag:$0x1], $0x800, $0x38;
	[tilespmem:$0x1C640] =	vst v63  }
0x23b: {  	s29 =	sld [smem:$0x7FB]  }
0x23c: {  	[spmem:s28] =	stream.linear.scatter [tilespmem:s3], [sflag:$0x1], $0x800, $0x38;
	[tilespmem:$0x1C640] =	vst v63  }
0x23d: {  	s30 =	sld [smem:$0x7E7]  }
0x23e: {  	[spmem:s29] =	stream.linear.scatter [tilespmem:s3], [sflag:$0x1], $0x800, $0x38;
	[tilespmem:$0x1C640] =	vst v63  }
0x23f: {  	s31 =	sld [smem:$0x7FD]  }
0x240: {  	[spmem:s30] =	stream.linear.scatter [tilespmem:s3], [sflag:$0x1], $0x800, $0x38;
	[tilespmem:$0x1C640] =	vst v63  }
0x241: {  	_ = 	snop  }
0x242: {  	[spmem:s31] =	stream.linear.scatter [tilespmem:s3], [sflag:$0x1], $0x800, $0x38;
	[tilespmem:$0x1C640] =	vst v63  }
0x243: {  	s1 =	sld [smem:$0x7E9]  }
0x244: {  	[spmem:s8] =	stream.linear.scatter [tilespmem:s5], [sflag:$0x2], $0x200, $0x38;
	[tilespmem:$0x1C640] =	vst v63  }
0x245: {  	s8 =	sld [smem:$0x7EA]  }
0x246: {  	[spmem:s1] =	stream.linear.scatter [tilespmem:s5], [sflag:$0x2], $0x200, $0x38;
	[tilespmem:$0x1C640] =	vst v63  }
0x247: {  	s9 =	sld [smem:$0x7EB]  }
0x248: {  	[spmem:s8] =	stream.linear.scatter [tilespmem:s5], [sflag:$0x2], $0x200, $0x38;
	[tilespmem:$0x1C640] =	vst v63  }
0x249: {  	s13 =	sld [smem:$0x7EC]  }
0x24a: {  	[spmem:s9] =	stream.linear.scatter [tilespmem:s5], [sflag:$0x2], $0x200, $0x38;
	[tilespmem:$0x1C640] =	vst v63  }
0x24b: {  	s20 =	sld [smem:$0x7ED]  }
0x24c: {  	[spmem:s13] =	stream.linear.scatter [tilespmem:s5], [sflag:$0x2], $0x200, $0x38;
	[tilespmem:$0x1C640] =	vst v63  }
0x24d: {  	s22 =	sld [smem:$0x7EE]  }
0x24e: {  	[spmem:s20] =	stream.linear.scatter [tilespmem:s5], [sflag:$0x2], $0x200, $0x38;
	[tilespmem:$0x1C640] =	vst v63  }
0x24f: {  	s24 =	sld [smem:$0x7EF]  }
0x250: {  	[spmem:s22] =	stream.linear.scatter [tilespmem:s5], [sflag:$0x2], $0x200, $0x38;
	[tilespmem:$0x1C640] =	vst v63  }
0x251: {  	s25 =	sld [smem:$0x7F0]  }
0x252: {  	[spmem:s24] =	stream.linear.scatter [tilespmem:s5], [sflag:$0x2], $0x200, $0x38;
	[tilespmem:$0x1C640] =	vst v63  }
0x253: {  	s28 =	sld [smem:$0x7F1]  }
0x254: {  	[spmem:s25] =	stream.linear.scatter [tilespmem:s5], [sflag:$0x2], $0x200, $0x38;
	[tilespmem:$0x1C640] =	vst v63  }
0x255: {  	_ = 	snop  }
0x256: {  	[spmem:s28] =	stream.linear.scatter [tilespmem:s5], [sflag:$0x2], $0x200, $0x38;
	[tilespmem:$0x1C640] =	vst v63  }
0x257: {  	_ =	swait.ge [sflag:s6], $0x800  }
0x258: {  	[sflag:s6] =	ssyncset.done $0x0  }
0x259: {  	[sflag:s6] =	ssyncadd.s32 $0xFFFFF800  }
0x25a: {  	_ =	swait.ge [sflag:s6], $0x800  }
0x25b: {  	[sflag:s6] =	ssyncset.done $0x0  }
0x25c: {  	[sflag:s6] =	ssyncadd.s32 $0xFFFFF800  }
0x25d: {  	_ =	swait.ge [sflag:s6], $0x800  }
0x25e: {  	[sflag:s6] =	ssyncset.done $0x0  }
0x25f: {  	[sflag:s6] =	ssyncadd.s32 $0xFFFFF800  }
0x260: {  	_ =	swait.ge [sflag:s6], $0x800  }
0x261: {  	[sflag:s6] =	ssyncset.done $0x0  }
0x262: {  	[sflag:s6] =	ssyncadd.s32 $0xFFFFF800  }
0x263: {  	_ =	swait.ge [sflag:s6], $0x800  }
0x264: {  	[sflag:s6] =	ssyncset.done $0x0  }
0x265: {  	[sflag:s6] =	ssyncadd.s32 $0xFFFFF800  }
0x266: {  	_ =	swait.ge [sflag:s6], $0x800  }
0x267: {  	[sflag:s6] =	ssyncset.done $0x0  }
0x268: {  	[sflag:s6] =	ssyncadd.s32 $0xFFFFF800  }
0x269: {  	_ =	swait.ge [sflag:s6], $0x800  }
0x26a: {  	[sflag:s6] =	ssyncset.done $0x0  }
0x26b: {  	[sflag:s6] =	ssyncadd.s32 $0xFFFFF800  }
0x26c: {  	_ =	swait.ge [sflag:s6], $0x800  }
0x26d: {  	[sflag:s6] =	ssyncset.done $0x0  }
0x26e: {  	[sflag:s6] =	ssyncadd.s32 $0xFFFFF800  }
0x26f: {  	_ =	swait.ge [sflag:s6], $0x800  }
0x270: {  	[sflag:s6] =	ssyncset.done $0x0  }
0x271: {  	[sflag:s6] =	ssyncadd.s32 $0xFFFFF800  }
0x272: {  	_ =	swait.ge [sflag:s6], $0x800  }
0x273: {  	[sflag:s6] =	ssyncset.done $0x0  }
0x274: {  	[sflag:s6] =	ssyncadd.s32 $0xFFFFF800  }
0x275: {  	_ =	swait.ge [sflag:s6], $0x800  }
0x276: {  	[sflag:s6] =	ssyncset.done $0x0  }
0x277: {  	[sflag:s6] =	ssyncadd.s32 $0xFFFFF800  }
0x278: {  	_ =	swait.ge [sflag:s6], $0x800  }
0x279: {  	[sflag:s6] =	ssyncset.done $0x0  }
0x27a: {  	[sflag:s6] =	ssyncadd.s32 $0xFFFFF800  }
0x27b: {  	_ =	swait.ge [sflag:s6], $0x800  }
0x27c: {  	[sflag:s6] =	ssyncset.done $0x0  }
0x27d: {  	[sflag:s6] =	ssyncadd.s32 $0xFFFFF800  }
0x27e: {  	_ =	swait.ge [sflag:s6], $0x800  }
0x27f: {  	[sflag:s6] =	ssyncset.done $0x0  }
0x280: {  	[sflag:s6] =	ssyncadd.s32 $0xFFFFF800  }
0x281: {  	_ =	swait.ge [sflag:s6], $0x800  }
0x282: {  	[sflag:s6] =	ssyncset.done $0x0  }
0x283: {  	[sflag:s6] =	ssyncadd.s32 $0xFFFFF800  }
0x284: {  	_ =	swait.ge [sflag:s6], $0x800  }
0x285: {  	[sflag:s6] =	ssyncset.done $0x0  }
0x286: {  	[sflag:s6] =	ssyncadd.s32 $0xFFFFF800  }
0x287: {  	_ =	swait.ge [sflag:s6], $0x800  }
0x288: {  	[sflag:s6] =	ssyncset.done $0x0  }
0x289: {  	[sflag:s6] =	ssyncadd.s32 $0xFFFFF800  }
0x28a: {  	_ =	swait.ge [sflag:s6], $0x800  }
0x28b: {  	[sflag:s6] =	ssyncset.done $0x0  }
0x28c: {  	[sflag:s6] =	ssyncadd.s32 $0xFFFFF800  }
0x28d: {  	_ =	swait.ge [sflag:s6], $0x800  }
0x28e: {  	[sflag:s6] =	ssyncset.done $0x0  }
0x28f: {  	[sflag:s6] =	ssyncadd.s32 $0xFFFFF800  }
0x290: {  	_ =	swait.ge [sflag:s6], $0x800  }
0x291: {  	[sflag:s6] =	ssyncset.done $0x0  }
0x292: {  	[sflag:s6] =	ssyncadd.s32 $0xFFFFF800  }
0x293: {  	_ =	swait.ge [sflag:s7], $0x200  }
0x294: {  	[sflag:s7] =	ssyncset.done $0x0  }
0x295: {  	[sflag:s7] =	ssyncadd.s32 $0xFFFFFE00  }
0x296: {  	_ =	swait.ge [sflag:s7], $0x200  }
0x297: {  	[sflag:s7] =	ssyncset.done $0x0  }
0x298: {  	[sflag:s7] =	ssyncadd.s32 $0xFFFFFE00  }
0x299: {  	_ =	swait.ge [sflag:s7], $0x200  }
0x29a: {  	[sflag:s7] =	ssyncset.done $0x0  }
0x29b: {  	[sflag:s7] =	ssyncadd.s32 $0xFFFFFE00  }
0x29c: {  	_ =	swait.ge [sflag:s7], $0x200  }
0x29d: {  	[sflag:s7] =	ssyncset.done $0x0  }
0x29e: {  	[sflag:s7] =	ssyncadd.s32 $0xFFFFFE00  }
0x29f: {  	_ =	swait.ge [sflag:s7], $0x200  }
0x2a0: {  	[sflag:s7] =	ssyncset.done $0x0  }
0x2a1: {  	[sflag:s7] =	ssyncadd.s32 $0xFFFFFE00  }
0x2a2: {  	_ =	swait.ge [sflag:s7], $0x200  }
0x2a3: {  	[sflag:s7] =	ssyncset.done $0x0  }
0x2a4: {  	[sflag:s7] =	ssyncadd.s32 $0xFFFFFE00  }
0x2a5: {  	_ =	swait.ge [sflag:s7], $0x200  }
0x2a6: {  	[sflag:s7] =	ssyncset.done $0x0  }
0x2a7: {  	[sflag:s7] =	ssyncadd.s32 $0xFFFFFE00  }
0x2a8: {  	_ =	swait.ge [sflag:s7], $0x200  }
0x2a9: {  	[sflag:s7] =	ssyncset.done $0x0  }
0x2aa: {  	[sflag:s7] =	ssyncadd.s32 $0xFFFFFE00  }
0x2ab: {  	_ =	swait.ge [sflag:s7], $0x200  }
0x2ac: {  	[sflag:s7] =	ssyncset.done $0x0  }
0x2ad: {  	[sflag:s7] =	ssyncadd.s32 $0xFFFFFE00  }
0x2ae: {  	_ =	swait.ge [sflag:s7], $0x200  }
0x2af: {  	[sflag:s7] =	ssyncset.done $0x0  }
0x2b0: {  	[sflag:s7] =	ssyncadd.s32 $0xFFFFFE00  }
0x2b1: {  	[bflag:$0x0] =	sbarrier.arrive $0xFFFF  }
0x2b2: {  	s30 =	simm.s32 $0x15E40;
	s29 =	rddreg [dreg:$0x14]  }
0x2b3: {  	[tilespmem:s30], [sflag:$0x5] =	stream.linear.gather [hbm4b:s29+s2], $0x1400, $0x38;
	[tilespmem:$0x1C640] =	vst v63  }
0x2b4: {  	_ =	swait.ge [sflag:s4], $0x1400  }
0x2b5: {  	[sflag:s4] =	ssyncset.done $0x0  }
0x2b6: {  	s31 =	rddreg [dreg:$0x15];
	[sflag:s4] =	ssyncadd.s32 $0xFFFFEC00  }
0x2b7: {  	[tilespmem:s10], [sflag:$0x5] =	stream.linear.gather [hbm4b:s31+s2], $0x1400, $0x38;
	[tilespmem:$0x1C640] =	vst v63  }
0x2b8: {  	_ =	swait.ge [sflag:s4], $0x1400  }
0x2b9: {  	[sflag:s4] =	ssyncset.done $0x0  }
0x2ba: {  	[sflag:s4] =	ssyncadd.s32 $0xFFFFEC00  }
0x2bb: {  	[tilespmem:s12], [sflag:$0x1] =	stream.indirect.gather [spmem:s19], $0x40, s30, s11, $0xb8;
	[tilespmem:$0x1C640] =	vst v63  }
0x2bc: {  	_ =	swait.ge [sflag:s6], $0x2000  }
0x2bd: {  	[sflag:s6] =	ssyncset.done $0x0  }
0x2be: {  	[sflag:s6] =	ssyncadd.s32 $0xFFFFE000  }
0x2bf: {  	[spmem:s23] =	stream.indirect.scatter.add.f32 [tilespmem:s12], [sflag:$0x3], $0x40, s10, s11, $0xb8;
	[tilespmem:$0x1C640] =	vst v63  }
0x2c0: {  	s0 =	simm.s32 @p0 $0x80;
	s1 =	simm.s32 @p0 $0x15EC0;
	s9 =	simm.s32 @p0 $0x1A640  }
0x2c1: {  	[tilespmem:s9], [sflag:$0x2] =	stream.indirect.gather @p0 [spmem:s19], $0x40, s1, s0, $0xb8;
	[tilespmem:$0x1C640] =	vst v63  }
0x2c2: {  	s1 =	simm.s32 @p0 $0x2  }
0x2c3: {  	_ =	swait.ge @p0 [sflag:s1], $0x2000  }
0x2c4: {  	[sflag:s1] =	ssyncset.done @p0 $0x0  }
0x2c5: {  	[sflag:s1] =	ssyncadd.s32 @p0 $0xFFFFE000;
	s1 =	simm.s32 @p0 $0x172C0  }
0x2c6: {  	[spmem:s23] =	stream.indirect.scatter.add.f32 @p0 [tilespmem:s9], [sflag:$0x4], $0x40, s1, s0, $0xb8;
	[tilespmem:$0x1C640] =	vst v63  }
0x2c7: {  	s9 =	simm.s32 @p0 $0x15A40  }
0x2c8: {  	[spmem:s26] =	stream.indirect.scatter.add.f32 @p0 [tilespmem:s9], [sflag:$0x4], $0x8, s1, s0, $0xb8;
	[tilespmem:$0x1C640] =	vst v63  }
0x2c9: {  	s0 =	simm.s32 @p0 $0x3  }
0x2ca: {  	_ =	swait.ge @p0 [sflag:s0], $0x2000  }
0x2cb: {  	s1 =	simm.s32 @!p0 $0x17240;
	[sflag:s0] =	ssyncset.done @p0 $0x0  }
0x2cc: {  	s9 =	simm.s32 @!p0 $0x15A40;
	[sflag:s0] =	ssyncadd.s32 @p0 $0xFFFFE000;
	s0 =	simm.s32 @!p0 $0x80  }
0x2cd: {  	[spmem:s26] =	stream.indirect.scatter.add.f32 @!p0 [tilespmem:s9], [sflag:$0x3], $0x8, s1, s0, $0xb8;
	[tilespmem:$0x1C640] =	vst v63  }
0x2ce: {  	s1 =	simm.s32 @!p0 $0x15EC0;
	s9 =	simm.s32 @!p0 $0x1A640  }
0x2cf: {  	[tilespmem:s9], [sflag:$0x2] =	stream.indirect.gather @!p0 [spmem:s19], $0x40, s1, s0, $0xb8;
	[tilespmem:$0x1C640] =	vst v63  }
0x2d0: {  	s1 =	simm.s32 @!p0 $0x2  }
0x2d1: {  	_ =	swait.ge @!p0 [sflag:s1], $0x2000  }
0x2d2: {  	[sflag:s1] =	ssyncset.done @!p0 $0x0  }
0x2d3: {  	[sflag:s1] =	ssyncadd.s32 @!p0 $0xFFFFE000;
	s1 =	simm.s32 @!p0 $0x172C0  }
0x2d4: {  	[spmem:s23] =	stream.indirect.scatter.add.f32 @!p0 [tilespmem:s9], [sflag:$0x4], $0x40, s1, s0, $0xb8;
	[tilespmem:$0x1C640] =	vst v63  }
0x2d5: {  	s0 =	simm.s32 @!p0 $0x3  }
0x2d6: {  	_ =	swait.ge @!p0 [sflag:s0], $0x2000  }
0x2d7: {  	[sflag:s0] =	ssyncset.done @!p0 $0x0  }
0x2d8: {  	[sflag:s0] =	ssyncadd.s32 @!p0 $0xFFFFE000  }
0x2d9: {  	_ =	swait.ge @!p0 [sflag:s0], $0x400  }
0x2da: {  	[sflag:s0] =	ssyncset.done @!p0 $0x0  }
0x2db: {  	s9 =	simm.s32 $0xFFFFB800;
	[sflag:s0] =	ssyncadd.s32 @!p0 $0xFFFFFC00  }
0x2dc: {  	[tilespmem:s12], [sflag:$0x1] =	stream.indirect.gather [spmem:s19], $0x40, s17, s11, $0xb8;
	[tilespmem:$0x1C640] =	vst v63  }
.LBB3_7:
0x2dd: {  	_ =	swait.ge [sflag:s6], $0x2000  }
0x2de: {  	s31 =	sshra.s32 s9, $0x2;
	[sflag:s6] =	ssyncset.done $0x0  }
0x2df: {  	s0 =	sadd.s32 $0x18540, s31;
	[sflag:s6] =	ssyncadd.s32 $0xFFFFE000  }
0x2e0: {  	[spmem:s23] =	stream.indirect.scatter.add.f32 [tilespmem:s12], [sflag:$0x3], $0x40, s0, s11, $0xb8;
	[tilespmem:$0x1C640] =	vst v63  }
0x2e1: {  	s24 =	simm.s32 @p1 $0x80;
	s1 =	simm.s32 @p1 $0x15A40;
	s20 =	simm.s32 @p1 $0x4  }
0x2e2: {  	[spmem:s26] =	stream.indirect.scatter.add.f32 @p1 [tilespmem:s1], [sflag:$0x3], $0x8, s0, s24, $0xb8;
	[tilespmem:$0x1C640] =	vst v63  }
0x2e3: {  	_ =	swait.ge @p1 [sflag:s20], $0x2000  }
0x2e4: {  	s13 =	sshra.s32 @p1 s9, $0x2;
	[sflag:s20] =	ssyncset.done @p1 $0x0  }
0x2e5: {  	s30 =	simm.s32 @p1 $0x1A640;
	s0 =	sadd.s32 @p1 $0x171C0, s13;
	[sflag:s20] =	ssyncadd.s32 @p1 $0xFFFFE000  }
0x2e6: {  	[tilespmem:s30], [sflag:$0x2] =	stream.indirect.gather @p1 [spmem:s19], $0x40, s0, s24, $0xb8;
	[tilespmem:$0x1C640] =	vst v63  }
0x2e7: {  	s0 =	simm.s32 @p1 $0x2  }
0x2e8: {  	_ =	swait.ge @p1 [sflag:s0], $0x2000  }
0x2e9: {  	[sflag:s0] =	ssyncset.done @p1 $0x0  }
0x2ea: {  	s25 =	simm.s32 @!p1 $0x4;
	s13 =	sadd.s32 @p1 $0x185C0, s13;
	[sflag:s0] =	ssyncadd.s32 @p1 $0xFFFFE000  }
0x2eb: {  	[spmem:s23] =	stream.indirect.scatter.add.f32 @p1 [tilespmem:s30], [sflag:$0x4], $0x40, s13, s24, $0xb8;
	[tilespmem:$0x1C640] =	vst v63  }
0x2ec: {  	_ =	swait.ge @!p1 [sflag:s25], $0x2000  }
0x2ed: {  	[sflag:s25] =	ssyncset.done @!p1 $0x0  }
0x2ee: {  	[sflag:s25] =	ssyncadd.s32 @!p1 $0xFFFFE000  }
0x2ef: {  	_ =	swait.ge @!p1 [sflag:s25], $0x400  }
0x2f0: {  	s28 =	simm.s32 @!p1 $0x80;
	s13 =	sshra.s32 @!p1 s9, $0x2;
	[sflag:s25] =	ssyncset.done @!p1 $0x0  }
0x2f1: {  	s29 =	simm.s32 @!p1 $0x1A640;
	s22 =	sadd.s32 @!p1 $0x171C0, s13;
	[sflag:s25] =	ssyncadd.s32 @!p1 $0xFFFFFC00  }
0x2f2: {  	[tilespmem:s29], [sflag:$0x2] =	stream.indirect.gather @!p1 [spmem:s19], $0x40, s22, s28, $0xb8;
	[tilespmem:$0x1C640] =	vst v63  }
0x2f3: {  	s22 =	simm.s32 @!p1 $0x2  }
0x2f4: {  	_ =	swait.ge @!p1 [sflag:s22], $0x2000  }
0x2f5: {  	[sflag:s22] =	ssyncset.done @!p1 $0x0  }
0x2f6: {  	p3 =	seq.s32 s9, $0x0;
	s17 =	sadd.s32 @!p1 $0x185C0, s13;
	[sflag:s22] =	ssyncadd.s32 @!p1 $0xFFFFE000  }
0x2f7: {  	[spmem:s23] =	stream.indirect.scatter.add.f32 @!p1 [tilespmem:s29], [sflag:$0x4], $0x40, s17, s28, $0xb8;
	[tilespmem:$0x1C640] =	vst v63  }
.Ltmp3:
0x2f8: {  	s13 =	simm.s32 @!p1 $0x15A40;
	(pc) =	sbr.rel @p3 .LBB3_9-.Ltmp3, $4  }
0x2f9: {  	[spmem:s26] =	stream.indirect.scatter.add.f32 @!p1 [tilespmem:s13], [sflag:$0x4], $0x8, s17, s28, $0xb8;
	[tilespmem:$0x1C640] =	vst v63  }
0x2fa: {  	_ =	swait.ge [sflag:s14], $0x2000  }
0x2fb: {  	[sflag:s14] =	ssyncset.done $0x0  }
0x2fc: {  	[sflag:s14] =	ssyncadd.s32 $0xFFFFE000  }
.Ltmp4:
0x2fd: {  	s0 =	simm.s32 @!p0 $0x3;
	(pc) =	sbr.rel .LBB3_7-.Ltmp4, $4  }
0x2fe: {  	_ =	swait.ge @!p0 [sflag:s0], $0x400  }
0x2ff: {  	[sflag:s0] =	ssyncset.done @!p0 $0x0  }
0x300: {  	s31 =	sadd.s32 $0x17240, s31;
	s9 =	sadd.s32 $0x400, s9;
	[sflag:s0] =	ssyncadd.s32 @!p0 $0xFFFFFC00  }
0x301: {  	[tilespmem:s12], [sflag:$0x1] =	stream.indirect.gather [spmem:s19], $0x40, s31, s11, $0xb8;
	[tilespmem:$0x1C640] =	vst v63  }
.LBB3_9:
0x302: {  	s9 =	simm.s32 @p0 $0x4  }
0x303: {  	_ =	swait.ge @p0 [sflag:s9], $0x2000  }
0x304: {  	[sflag:s9] =	ssyncset.done @p0 $0x0  }
0x305: {  	[sflag:s9] =	ssyncadd.s32 @p0 $0xFFFFE000  }
0x306: {  	_ =	swait.ge @p0 [sflag:s9], $0x400  }
0x307: {  	[sflag:s9] =	ssyncset.done @p0 $0x0  }
0x308: {  	[sflag:s9] =	ssyncadd.s32 @p0 $0xFFFFFC00;
	s9 =	simm.s32 @!p0 $0x3  }
0x309: {  	_ =	swait.ge @!p0 [sflag:s9], $0x400  }
0x30a: {  	[sflag:s9] =	ssyncset.done @!p0 $0x0  }
0x30b: {  	s17 =	simm.s32 @!p0 $0x4;
	[sflag:s9] =	ssyncadd.s32 @!p0 $0xFFFFFC00  }
0x30c: {  	_ =	swait.ge @!p0 [sflag:s17], $0x2000  }
0x30d: {  	[sflag:s17] =	ssyncset.done @!p0 $0x0  }
0x30e: {  	s8 =	rddreg [dreg:$0x16];
	[sflag:s17] =	ssyncadd.s32 @!p0 $0xFFFFE000;
	s17 =	simm.s32 $0x15E40  }
0x30f: {  	[tilespmem:s17], [sflag:$0x5] =	stream.linear.gather [hbm4b:s8+s2], $0x1380, $0x38;
	[tilespmem:$0x1C640] =	vst v63  }
0x310: {  	_ =	swait.ge [sflag:s4], $0x1380  }
0x311: {  	[sflag:s4] =	ssyncset.done $0x0  }
0x312: {  	s8 =	rddreg [dreg:$0x17];
	[sflag:s4] =	ssyncadd.s32 $0xFFFFEC80  }
0x313: {  	[tilespmem:s10], [sflag:$0x5] =	stream.linear.gather [hbm4b:s8+s2], $0x1380, $0x38;
	[tilespmem:$0x1C640] =	vst v63  }
0x314: {  	_ =	swait.ge [sflag:s4], $0x1380  }
0x315: {  	[sflag:s4] =	ssyncset.done $0x0  }
0x316: {  	v1 =	vimm.s32 @!p2 $0x0;
	[sflag:s4] =	ssyncadd.s32 $0xFFFFEC80  }
0x317: {  	[tilespmem:$0x17140] =	vst @!p2 v1  }
0x318: {  	[tilespmem:$0x18540] =	vst @!p2 v0  }
0x319: {  	[tilespmem:$0x17150] =	vst @!p2 v1  }
0x31a: {  	[tilespmem:$0x18550] =	vst @!p2 v0  }
0x31b: {  	[tilespmem:$0x17160] =	vst @!p2 v1  }
0x31c: {  	[tilespmem:$0x18560] =	vst @!p2 v0  }
0x31d: {  	[tilespmem:$0x17170] =	vst @!p2 v1  }
0x31e: {  	[tilespmem:$0x18570] =	vst @!p2 v0  }
0x31f: {  	[tilespmem:$0x17180] =	vst @!p2 v1  }
0x320: {  	[tilespmem:$0x18580] =	vst @!p2 v0  }
0x321: {  	[tilespmem:$0x17190] =	vst @!p2 v1  }
0x322: {  	[tilespmem:$0x18590] =	vst @!p2 v0  }
0x323: {  	[tilespmem:$0x171A0] =	vst @!p2 v1  }
0x324: {  	[tilespmem:$0x185A0] =	vst @!p2 v0  }
0x325: {  	[tilespmem:$0x171B0] =	vst @!p2 v1  }
0x326: {  	[tilespmem:$0x185B0] =	vst @!p2 v0  }
0x327: {  	[tilespmem:s12], [sflag:$0x1] =	stream.indirect.gather [spmem:s19], $0x40, s17, s11, $0xb8;
	[tilespmem:$0x1C640] =	vst v63  }
0x328: {  	_ =	swait.ge [sflag:s6], $0x2000  }
0x329: {  	[sflag:s6] =	ssyncset.done $0x0  }
0x32a: {  	[sflag:s6] =	ssyncadd.s32 $0xFFFFE000  }
0x32b: {  	[spmem:s23] =	stream.indirect.scatter.add.f32 [tilespmem:s12], [sflag:$0x3], $0x40, s10, s11, $0xb8;
	[tilespmem:$0x1C640] =	vst v63  }
0x32c: {  	s31 =	simm.s32 @p0 $0x15EC0;
	s8 =	simm.s32 @p0 $0x1A640;
	s17 =	simm.s32 @p0 $0x80  }
0x32d: {  	[tilespmem:s8], [sflag:$0x2] =	stream.indirect.gather @p0 [spmem:s19], $0x40, s31, s17, $0xb8;
	[tilespmem:$0x1C640] =	vst v63  }
0x32e: {  	s31 =	simm.s32 @p0 $0x2  }
0x32f: {  	_ =	swait.ge @p0 [sflag:s31], $0x2000  }
0x330: {  	[sflag:s31] =	ssyncset.done @p0 $0x0  }
0x331: {  	[sflag:s31] =	ssyncadd.s32 @p0 $0xFFFFE000;
	s31 =	simm.s32 @p0 $0x172C0  }
0x332: {  	[spmem:s23] =	stream.indirect.scatter.add.f32 @p0 [tilespmem:s8], [sflag:$0x4], $0x40, s31, s17, $0xb8;
	[tilespmem:$0x1C640] =	vst v63  }
0x333: {  	s8 =	simm.s32 @p0 $0x15A40  }
0x334: {  	[spmem:s26] =	stream.indirect.scatter.add.f32 @p0 [tilespmem:s8], [sflag:$0x4], $0x8, s31, s17, $0xb8;
	[tilespmem:$0x1C640] =	vst v63  }
0x335: {  	s8 =	simm.s32 @p0 $0x3  }
0x336: {  	_ =	swait.ge @p0 [sflag:s8], $0x2000  }
0x337: {  	s17 =	simm.s32 @!p0 $0x17240;
	[sflag:s8] =	ssyncset.done @p0 $0x0  }
0x338: {  	s31 =	simm.s32 @!p0 $0x15A40;
	[sflag:s8] =	ssyncadd.s32 @p0 $0xFFFFE000;
	s8 =	simm.s32 @!p0 $0x80  }
0x339: {  	[spmem:s26] =	stream.indirect.scatter.add.f32 @!p0 [tilespmem:s31], [sflag:$0x3], $0x8, s17, s8, $0xb8;
	[tilespmem:$0x1C640] =	vst v63  }
0x33a: {  	s17 =	simm.s32 @!p0 $0x15EC0;
	s31 =	simm.s32 @!p0 $0x1A640  }
0x33b: {  	[tilespmem:s31], [sflag:$0x2] =	stream.indirect.gather @!p0 [spmem:s19], $0x40, s17, s8, $0xb8;
	[tilespmem:$0x1C640] =	vst v63  }
0x33c: {  	s17 =	simm.s32 @!p0 $0x2  }
0x33d: {  	_ =	swait.ge @!p0 [sflag:s17], $0x2000  }
0x33e: {  	[sflag:s17] =	ssyncset.done @!p0 $0x0  }
0x33f: {  	[sflag:s17] =	ssyncadd.s32 @!p0 $0xFFFFE000;
	s17 =	simm.s32 @!p0 $0x172C0  }
0x340: {  	[spmem:s23] =	stream.indirect.scatter.add.f32 @!p0 [tilespmem:s31], [sflag:$0x4], $0x40, s17, s8, $0xb8;
	[tilespmem:$0x1C640] =	vst v63  }
0x341: {  	_ =	swait.ge @!p0 [sflag:s9], $0x2000  }
0x342: {  	[sflag:s9] =	ssyncset.done @!p0 $0x0  }
0x343: {  	[sflag:s9] =	ssyncadd.s32 @!p0 $0xFFFFE000  }
0x344: {  	_ =	swait.ge @!p0 [sflag:s9], $0x400  }
0x345: {  	[sflag:s9] =	ssyncset.done @!p0 $0x0  }
0x346: {  	s31 =	simm.s32 $0x15F40;
	[sflag:s9] =	ssyncadd.s32 @!p0 $0xFFFFFC00  }
0x347: {  	[tilespmem:s12], [sflag:$0x1] =	stream.indirect.gather [spmem:s19], $0x40, s31, s11, $0xb8;
	[tilespmem:$0x1C640] =	vst v63  }
0x348: {  	_ =	swait.ge [sflag:s6], $0x2000  }
0x349: {  	[sflag:s6] =	ssyncset.done $0x0  }
0x34a: {  	s8 =	simm.s32 $0x17340;
	[sflag:s6] =	ssyncadd.s32 $0xFFFFE000  }
0x34b: {  	[spmem:s23] =	stream.indirect.scatter.add.f32 [tilespmem:s12], [sflag:$0x3], $0x40, s8, s11, $0xb8;
	[tilespmem:$0x1C640] =	vst v63  }
0x34c: {  	_ = 	snop  }
0x34d: {  	[spmem:s26] =	stream.indirect.scatter.add.f32 @p1 [tilespmem:s1], [sflag:$0x3], $0x8, s8, s24, $0xb8;
	[tilespmem:$0x1C640] =	vst v63  }
0x34e: {  	_ =	swait.ge @p1 [sflag:s20], $0x2000  }
0x34f: {  	[sflag:s20] =	ssyncset.done @p1 $0x0  }
0x350: {  	s1 =	simm.s32 @p1 $0x15FC0;
	[sflag:s20] =	ssyncadd.s32 @p1 $0xFFFFE000  }
0x351: {  	[tilespmem:s30], [sflag:$0x2] =	stream.indirect.gather @p1 [spmem:s19], $0x40, s1, s24, $0xb8;
	[tilespmem:$0x1C640] =	vst v63  }
0x352: {  	_ =	swait.ge @p1 [sflag:s0], $0x2000  }
0x353: {  	[sflag:s0] =	ssyncset.done @p1 $0x0  }
0x354: {  	[sflag:s0] =	ssyncadd.s32 @p1 $0xFFFFE000;
	s0 =	simm.s32 @p1 $0x173C0  }
0x355: {  	[spmem:s23] =	stream.indirect.scatter.add.f32 @p1 [tilespmem:s30], [sflag:$0x4], $0x40, s0, s24, $0xb8;
	[tilespmem:$0x1C640] =	vst v63  }
0x356: {  	s24 =	simm.s32 @p1 $0x3  }
0x357: {  	_ =	swait.ge @p1 [sflag:s24], $0x2000  }
0x358: {  	[sflag:s24] =	ssyncset.done @p1 $0x0  }
0x359: {  	[sflag:s24] =	ssyncadd.s32 @p1 $0xFFFFE000  }
0x35a: {  	_ =	swait.ge @p1 [sflag:s24], $0x400  }
0x35b: {  	[sflag:s24] =	ssyncset.done @p1 $0x0  }
0x35c: {  	[sflag:s24] =	ssyncadd.s32 @p1 $0xFFFFFC00  }
0x35d: {  	_ =	swait.ge @!p1 [sflag:s25], $0x2000  }
0x35e: {  	[sflag:s25] =	ssyncset.done @!p1 $0x0  }
0x35f: {  	[sflag:s25] =	ssyncadd.s32 @!p1 $0xFFFFE000  }
0x360: {  	_ =	swait.ge @!p1 [sflag:s25], $0x400  }
0x361: {  	[sflag:s25] =	ssyncset.done @!p1 $0x0  }
0x362: {  	s0 =	simm.s32 @!p1 $0x15FC0;
	[sflag:s25] =	ssyncadd.s32 @!p1 $0xFFFFFC00  }
0x363: {  	[tilespmem:s29], [sflag:$0x2] =	stream.indirect.gather @!p1 [spmem:s19], $0x40, s0, s28, $0xb8;
	[tilespmem:$0x1C640] =	vst v63  }
0x364: {  	_ =	swait.ge @!p1 [sflag:s22], $0x2000  }
0x365: {  	[sflag:s22] =	ssyncset.done @!p1 $0x0  }
0x366: {  	s0 =	simm.s32 @!p1 $0x173C0;
	[sflag:s22] =	ssyncadd.s32 @!p1 $0xFFFFE000  }
0x367: {  	[spmem:s23] =	stream.indirect.scatter.add.f32 @!p1 [tilespmem:s29], [sflag:$0x4], $0x40, s0, s28, $0xb8;
	[tilespmem:$0x1C640] =	vst v63  }
0x368: {  	s1 =	simm.s32 @!p1 $0x3  }
0x369: {  	[spmem:s26] =	stream.indirect.scatter.add.f32 @!p1 [tilespmem:s13], [sflag:$0x4], $0x8, s0, s28, $0xb8;
	[tilespmem:$0x1C640] =	vst v63  }
0x36a: {  	_ =	swait.ge @!p1 [sflag:s1], $0x2000  }
0x36b: {  	[sflag:s1] =	ssyncset.done @!p1 $0x0  }
0x36c: {  	s25 =	simm.s32 $0x16040;
	s0 =	simm.s32 $0xFFFFBC00;
	[sflag:s1] =	ssyncadd.s32 @!p1 $0xFFFFE000  }
.LBB3_10:
0x36d: {  	[tilespmem:s12], [sflag:$0x1] =	stream.indirect.gather [spmem:s19], $0x40, s25, s11, $0xb8;
	[tilespmem:$0x1C640] =	vst v63  }
0x36e: {  	s8 =	smov.u32 s0;
	s0 =	sadd.s32 $0x400, s0;
	_ =	swait.ge [sflag:s6], $0x2000  }
0x36f: {  	s25 =	sshra.s32 s8, $0x2;
	p3 =	sne.s32 s0, $0x0;
	[sflag:s6] =	ssyncset.done $0x0  }
0x370: {  	s9 =	sadd.s32 $0x18540, s25;
	[sflag:s6] =	ssyncadd.s32 $0xFFFFE000  }
0x371: {  	[spmem:s23] =	stream.indirect.scatter.add.f32 [tilespmem:s12], [sflag:$0x3], $0x40, s9, s11, $0xb8;
	[tilespmem:$0x1C640] =	vst v63  }
0x372: {  	s20 =	simm.s32 @p1 $0x80;
	s22 =	simm.s32 @p1 $0x15A40;
	s13 =	simm.s32 @p1 $0x4  }
0x373: {  	[spmem:s26] =	stream.indirect.scatter.add.f32 @p1 [tilespmem:s22], [sflag:$0x3], $0x8, s9, s20, $0xb8;
	[tilespmem:$0x1C640] =	vst v63  }
0x374: {  	_ =	swait.ge @p1 [sflag:s13], $0x2000  }
0x375: {  	s17 =	simm.s32 @p1 $0x2;
	s9 =	sshra.s32 @p1 s8, $0x2;
	[sflag:s13] =	ssyncset.done @p1 $0x0  }
0x376: {  	s29 =	simm.s32 @p1 $0x1A640;
	s28 =	sadd.s32 @p1 $0x171C0, s9;
	[sflag:s13] =	ssyncadd.s32 @p1 $0xFFFFE000  }
0x377: {  	[tilespmem:s29], [sflag:$0x2] =	stream.indirect.gather @p1 [spmem:s19], $0x40, s28, s20, $0xb8;
	[tilespmem:$0x1C640] =	vst v63  }
0x378: {  	_ =	swait.ge @p1 [sflag:s17], $0x2000  }
0x379: {  	[sflag:s17] =	ssyncset.done @p1 $0x0  }
0x37a: {  	s9 =	sadd.s32 @p1 $0x185C0, s9;
	[sflag:s17] =	ssyncadd.s32 @p1 $0xFFFFE000  }
0x37b: {  	[spmem:s23] =	stream.indirect.scatter.add.f32 @p1 [tilespmem:s29], [sflag:$0x4], $0x40, s9, s20, $0xb8;
	[tilespmem:$0x1C640] =	vst v63  }
0x37c: {  	_ =	swait.ge @p1 [sflag:s24], $0x2000  }
0x37d: {  	[sflag:s24] =	ssyncset.done @p1 $0x0  }
0x37e: {  	[sflag:s24] =	ssyncadd.s32 @p1 $0xFFFFE000  }
0x37f: {  	_ =	swait.ge @p1 [sflag:s24], $0x400  }
0x380: {  	[sflag:s24] =	ssyncset.done @p1 $0x0  }
0x381: {  	s9 =	simm.s32 @!p1 $0x4;
	[sflag:s24] =	ssyncadd.s32 @p1 $0xFFFFFC00  }
0x382: {  	_ =	swait.ge @!p1 [sflag:s9], $0x2000  }
0x383: {  	[sflag:s9] =	ssyncset.done @!p1 $0x0  }
0x384: {  	[sflag:s9] =	ssyncadd.s32 @!p1 $0xFFFFE000  }
0x385: {  	s17 =	simm.s32 @!p1 $0x2;
	_ =	swait.ge @!p1 [sflag:s9], $0x400  }
0x386: {  	s8 =	sshra.s32 @!p1 s8, $0x2;
	s28 =	simm.s32 @!p1 $0x1A640;
	[sflag:s9] =	ssyncset.done @!p1 $0x0  }
0x387: {  	s30 =	simm.s32 @!p1 $0x80;
	s29 =	sadd.s32 @!p1 $0x171C0, s8;
	[sflag:s9] =	ssyncadd.s32 @!p1 $0xFFFFFC00  }
0x388: {  	[tilespmem:s28], [sflag:$0x2] =	stream.indirect.gather @!p1 [spmem:s19], $0x40, s29, s30, $0xb8;
	[tilespmem:$0x1C640] =	vst v63  }
0x389: {  	_ =	swait.ge @!p1 [sflag:s17], $0x2000  }
0x38a: {  	[sflag:s17] =	ssyncset.done @!p1 $0x0  }
0x38b: {  	s8 =	sadd.s32 @!p1 $0x185C0, s8;
	[sflag:s17] =	ssyncadd.s32 @!p1 $0xFFFFE000  }
0x38c: {  	[spmem:s23] =	stream.indirect.scatter.add.f32 @!p1 [tilespmem:s28], [sflag:$0x4], $0x40, s8, s30, $0xb8;
	[tilespmem:$0x1C640] =	vst v63  }
.Ltmp5:
0x38d: {  	s17 =	simm.s32 @!p1 $0x15A40;
	(pc) =	sbr.rel @p3 .LBB3_10-.Ltmp5, $4  }
0x38e: {  	[spmem:s26] =	stream.indirect.scatter.add.f32 @!p1 [tilespmem:s17], [sflag:$0x4], $0x8, s8, s30, $0xb8;
	[tilespmem:$0x1C640] =	vst v63  }
0x38f: {  	_ =	swait.ge @!p1 [sflag:s1], $0x2000  }
0x390: {  	[sflag:s1] =	ssyncset.done @!p1 $0x0  }
0x391: {  	s25 =	sadd.s32 $0x17240, s25;
	[sflag:s1] =	ssyncadd.s32 @!p1 $0xFFFFE000  }
0x392: {  	[tilespmem:s12], [sflag:$0x1] =	stream.indirect.gather [spmem:s19], $0x40, s25, s11, $0xb8;
	[tilespmem:$0x1C640] =	vst v63  }
0x393: {  	_ =	swait.ge [sflag:s6], $0x2000  }
0x394: {  	[sflag:s6] =	ssyncset.done $0x0  }
0x395: {  	s0 =	simm.s32 $0x18540;
	[sflag:s6] =	ssyncadd.s32 $0xFFFFE000  }
0x396: {  	[spmem:s23] =	stream.indirect.scatter.add.f32 [tilespmem:s12], [sflag:$0x3], $0x40, s0, s11, $0xb8;
	[tilespmem:$0x1C640] =	vst v63  }
0x397: {  	s0 =	simm.s32 @p1 $0x18540  }
0x398: {  	[spmem:s26] =	stream.indirect.scatter.add.f32 @p1 [tilespmem:s22], [sflag:$0x3], $0x8, s0, s20, $0xb8;
	[tilespmem:$0x1C640] =	vst v63  }
0x399: {  	_ =	swait.ge @p1 [sflag:s13], $0x2000  }
0x39a: {  	[sflag:s13] =	ssyncset.done @p1 $0x0  }
0x39b: {  	[sflag:s13] =	ssyncadd.s32 @p1 $0xFFFFE000  }
0x39c: {  	_ =	swait.ge @p1 [sflag:s24], $0x2000  }
0x39d: {  	[sflag:s24] =	ssyncset.done @p1 $0x0  }
0x39e: {  	[sflag:s24] =	ssyncadd.s32 @p1 $0xFFFFE000  }
0x39f: {  	_ =	swait.ge @p1 [sflag:s24], $0x400  }
0x3a0: {  	[sflag:s24] =	ssyncset.done @p1 $0x0  }
0x3a1: {  	[sflag:s24] =	ssyncadd.s32 @p1 $0xFFFFFC00  }
0x3a2: {  	_ =	swait.ge @!p1 [sflag:s9], $0x2000  }
0x3a3: {  	[sflag:s9] =	ssyncset.done @!p1 $0x0  }
0x3a4: {  	[sflag:s9] =	ssyncadd.s32 @!p1 $0xFFFFE000  }
0x3a5: {  	_ =	swait.ge @!p1 [sflag:s9], $0x400  }
0x3a6: {  	[sflag:s9] =	ssyncset.done @!p1 $0x0  }
0x3a7: {  	[sflag:s9] =	ssyncadd.s32 @!p1 $0xFFFFFC00  }
0x3a8: {  	_ =	swait.ge @!p1 [sflag:s1], $0x2000  }
0x3a9: {  	[sflag:s1] =	ssyncset.done @!p1 $0x0  }
0x3aa: {  	[sflag:s1] =	ssyncadd.s32 @!p1 $0xFFFFE000  }
0x3ab: {  	[bflag:$0x0] =	sbarrier.arrive $0xFFFF  }
0x3ac: {  	s24 =	rddreg [dreg:$0x1d]  }
0x3ad: {  	[hbm:s24], [sflag:s16] =	dma.local [spmem:s18], $0x1400  }
0x3ae: {  	_ =	swait.ge [sflag:s4], $0x1400  }
0x3af: {  	s25 =	sld [smem:$0x7D9]  }
0x3b0: {  	[sflag:s4] =	ssyncset.done $0x0  }
0x3b1: {  	[sflag:s4] =	ssyncadd.s32 $0xFFFFEC00  }
0x3b2: {  	[hbm:s25], [sflag:s16] =	dma.local [spmem:s21], $0x280  }
0x3b3: {  	_ =	swait.ge [sflag:s4], $0x280  }
0x3b4: {  	[sflag:s4] =	ssyncset.done $0x0  }
0x3b5: {  	[sflag:s4] =	ssyncadd.s32 $0xFFFFFD80  }
0x3b6: {  	[bflag:$0x0] =	sbarrier.arrive $0xFFFF  }
0x3b7: {  	s30 =	sld [smem:$0x7D8];
	_ =	sdelay $0x1  }
0x3b8: {  	s29 =	simm.s32 $0x8;
	s8 =	simm.s32 $0x10;
	s28 =	rddreg [dreg:$0x18]  }
0x3b9: {  	[spmem:s30@s29], [sflag:s16] =	dma.strided [hbm:s28@s8], $0x1388, s6, $0x8   }
0x3ba: {  	_ =	swait.ge [sflag:s4], $0x1388  }
0x3bb: {  	s13 =	sld [smem:$0x7FC]  }
0x3bc: {  	[sflag:s4] =	ssyncset.done $0x0  }
0x3bd: {  	s17 =	sld [smem:$0x7F3];
	[sflag:s4] =	ssyncadd.s32 $0xFFFFEC78  }
0x3be: {  	[spmem:s13] =	stream.linear.scatter [tilespmem:s3], [sflag:$0x1], $0x800, $0x38;
	[tilespmem:$0x1C640] =	vst v63  }
0x3bf: {  	s20 =	sld [smem:$0x7DF]  }
0x3c0: {  	[spmem:s17] =	stream.linear.scatter [tilespmem:s3], [sflag:$0x1], $0x800, $0x38;
	[tilespmem:$0x1C640] =	vst v63  }
0x3c1: {  	s22 =	sld [smem:$0x7F4]  }
0x3c2: {  	[spmem:s20] =	stream.linear.scatter [tilespmem:s3], [sflag:$0x1], $0x800, $0x38;
	[tilespmem:$0x1C640] =	vst v63  }
0x3c3: {  	s24 =	sld [smem:$0x7E0]  }
0x3c4: {  	[spmem:s22] =	stream.linear.scatter [tilespmem:s3], [sflag:$0x1], $0x800, $0x38;
	[tilespmem:$0x1C640] =	vst v63  }
0x3c5: {  	s25 =	sld [smem:$0x7F5]  }
0x3c6: {  	[spmem:s24] =	stream.linear.scatter [tilespmem:s3], [sflag:$0x1], $0x800, $0x38;
	[tilespmem:$0x1C640] =	vst v63  }
0x3c7: {  	s28 =	sld [smem:$0x7E1]  }
0x3c8: {  	[spmem:s25] =	stream.linear.scatter [tilespmem:s3], [sflag:$0x1], $0x800, $0x38;
	[tilespmem:$0x1C640] =	vst v63  }
0x3c9: {  	s29 =	sld [smem:$0x7F6]  }
0x3ca: {  	[spmem:s28] =	stream.linear.scatter [tilespmem:s3], [sflag:$0x1], $0x800, $0x38;
	[tilespmem:$0x1C640] =	vst v63  }
0x3cb: {  	s30 =	sld [smem:$0x7E2]  }
0x3cc: {  	[spmem:s29] =	stream.linear.scatter [tilespmem:s3], [sflag:$0x1], $0x800, $0x38;
	[tilespmem:$0x1C640] =	vst v63  }
0x3cd: {  	s1 =	sld [smem:$0x7F7]  }
0x3ce: {  	[spmem:s30] =	stream.linear.scatter [tilespmem:s3], [sflag:$0x1], $0x800, $0x38;
	[tilespmem:$0x1C640] =	vst v63  }
0x3cf: {  	s8 =	sld [smem:$0x7E3]  }
0x3d0: {  	[spmem:s1] =	stream.linear.scatter [tilespmem:s3], [sflag:$0x1], $0x800, $0x38;
	[tilespmem:$0x1C640] =	vst v63  }
0x3d1: {  	s9 =	sld [smem:$0x7F8]  }
0x3d2: {  	[spmem:s8] =	stream.linear.scatter [tilespmem:s3], [sflag:$0x1], $0x800, $0x38;
	[tilespmem:$0x1C640] =	vst v63  }
0x3d3: {  	s13 =	sld [smem:$0x7E4]  }
0x3d4: {  	[spmem:s9] =	stream.linear.scatter [tilespmem:s3], [sflag:$0x1], $0x800, $0x38;
	[tilespmem:$0x1C640] =	vst v63  }
0x3d5: {  	s17 =	sld [smem:$0x7F9]  }
0x3d6: {  	[spmem:s13] =	stream.linear.scatter [tilespmem:s3], [sflag:$0x1], $0x800, $0x38;
	[tilespmem:$0x1C640] =	vst v63  }
0x3d7: {  	s20 =	sld [smem:$0x7E5]  }
0x3d8: {  	[spmem:s17] =	stream.linear.scatter [tilespmem:s3], [sflag:$0x1], $0x800, $0x38;
	[tilespmem:$0x1C640] =	vst v63  }
0x3d9: {  	s22 =	sld [smem:$0x7FA]  }
0x3da: {  	[spmem:s20] =	stream.linear.scatter [tilespmem:s3], [sflag:$0x1], $0x800, $0x38;
	[tilespmem:$0x1C640] =	vst v63  }
0x3db: {  	s24 =	sld [smem:$0x7E6]  }
0x3dc: {  	[spmem:s22] =	stream.linear.scatter [tilespmem:s3], [sflag:$0x1], $0x800, $0x38;
	[tilespmem:$0x1C640] =	vst v63  }
0x3dd: {  	s25 =	sld [smem:$0x7FB]  }
0x3de: {  	[spmem:s24] =	stream.linear.scatter [tilespmem:s3], [sflag:$0x1], $0x800, $0x38;
	[tilespmem:$0x1C640] =	vst v63  }
0x3df: {  	s28 =	sld [smem:$0x7E7]  }
0x3e0: {  	[spmem:s25] =	stream.linear.scatter [tilespmem:s3], [sflag:$0x1], $0x800, $0x38;
	[tilespmem:$0x1C640] =	vst v63  }
0x3e1: {  	s29 =	sld [smem:$0x7FD]  }
0x3e2: {  	[spmem:s28] =	stream.linear.scatter [tilespmem:s3], [sflag:$0x1], $0x800, $0x38;
	[tilespmem:$0x1C640] =	vst v63  }
0x3e3: {  	s30 =	sld [smem:$0x7E8]  }
0x3e4: {  	[spmem:s29] =	stream.linear.scatter [tilespmem:s3], [sflag:$0x1], $0x800, $0x38;
	[tilespmem:$0x1C640] =	vst v63  }
0x3e5: {  	s1 =	sld [smem:$0x7E9]  }
0x3e6: {  	[spmem:s30] =	stream.linear.scatter [tilespmem:s5], [sflag:$0x2], $0x200, $0x38;
	[tilespmem:$0x1C640] =	vst v63  }
0x3e7: {  	s8 =	sld [smem:$0x7EA]  }
0x3e8: {  	[spmem:s1] =	stream.linear.scatter [tilespmem:s5], [sflag:$0x2], $0x200, $0x38;
	[tilespmem:$0x1C640] =	vst v63  }
0x3e9: {  	s9 =	sld [smem:$0x7EB]  }
0x3ea: {  	[spmem:s8] =	stream.linear.scatter [tilespmem:s5], [sflag:$0x2], $0x200, $0x38;
	[tilespmem:$0x1C640] =	vst v63  }
0x3eb: {  	s13 =	sld [smem:$0x7EC]  }
0x3ec: {  	[spmem:s9] =	stream.linear.scatter [tilespmem:s5], [sflag:$0x2], $0x200, $0x38;
	[tilespmem:$0x1C640] =	vst v63  }
0x3ed: {  	s17 =	sld [smem:$0x7ED]  }
0x3ee: {  	[spmem:s13] =	stream.linear.scatter [tilespmem:s5], [sflag:$0x2], $0x200, $0x38;
	[tilespmem:$0x1C640] =	vst v63  }
0x3ef: {  	s20 =	sld [smem:$0x7EE]  }
0x3f0: {  	[spmem:s17] =	stream.linear.scatter [tilespmem:s5], [sflag:$0x2], $0x200, $0x38;
	[tilespmem:$0x1C640] =	vst v63  }
0x3f1: {  	s22 =	sld [smem:$0x7EF]  }
0x3f2: {  	[spmem:s20] =	stream.linear.scatter [tilespmem:s5], [sflag:$0x2], $0x200, $0x38;
	[tilespmem:$0x1C640] =	vst v63  }
0x3f3: {  	s24 =	sld [smem:$0x7F0]  }
0x3f4: {  	[spmem:s22] =	stream.linear.scatter [tilespmem:s5], [sflag:$0x2], $0x200, $0x38;
	[tilespmem:$0x1C640] =	vst v63  }
0x3f5: {  	s25 =	sld [smem:$0x7F1]  }
0x3f6: {  	[spmem:s24] =	stream.linear.scatter [tilespmem:s5], [sflag:$0x2], $0x200, $0x38;
	[tilespmem:$0x1C640] =	vst v63  }
0x3f7: {  	_ = 	snop  }
0x3f8: {  	[spmem:s25] =	stream.linear.scatter [tilespmem:s5], [sflag:$0x2], $0x200, $0x38;
	[tilespmem:$0x1C640] =	vst v63  }
0x3f9: {  	_ =	swait.ge [sflag:s6], $0x800  }
0x3fa: {  	[sflag:s6] =	ssyncset.done $0x0  }
0x3fb: {  	[sflag:s6] =	ssyncadd.s32 $0xFFFFF800  }
0x3fc: {  	_ =	swait.ge [sflag:s6], $0x800  }
0x3fd: {  	[sflag:s6] =	ssyncset.done $0x0  }
0x3fe: {  	[sflag:s6] =	ssyncadd.s32 $0xFFFFF800  }
0x3ff: {  	_ =	swait.ge [sflag:s6], $0x800  }
0x400: {  	[sflag:s6] =	ssyncset.done $0x0  }
0x401: {  	[sflag:s6] =	ssyncadd.s32 $0xFFFFF800  }
0x402: {  	_ =	swait.ge [sflag:s6], $0x800  }
0x403: {  	[sflag:s6] =	ssyncset.done $0x0  }
0x404: {  	[sflag:s6] =	ssyncadd.s32 $0xFFFFF800  }
0x405: {  	_ =	swait.ge [sflag:s6], $0x800  }
0x406: {  	[sflag:s6] =	ssyncset.done $0x0  }
0x407: {  	[sflag:s6] =	ssyncadd.s32 $0xFFFFF800  }
0x408: {  	_ =	swait.ge [sflag:s6], $0x800  }
0x409: {  	[sflag:s6] =	ssyncset.done $0x0  }
0x40a: {  	[sflag:s6] =	ssyncadd.s32 $0xFFFFF800  }
0x40b: {  	_ =	swait.ge [sflag:s6], $0x800  }
0x40c: {  	[sflag:s6] =	ssyncset.done $0x0  }
0x40d: {  	[sflag:s6] =	ssyncadd.s32 $0xFFFFF800  }
0x40e: {  	_ =	swait.ge [sflag:s6], $0x800  }
0x40f: {  	[sflag:s6] =	ssyncset.done $0x0  }
0x410: {  	[sflag:s6] =	ssyncadd.s32 $0xFFFFF800  }
0x411: {  	_ =	swait.ge [sflag:s6], $0x800  }
0x412: {  	[sflag:s6] =	ssyncset.done $0x0  }
0x413: {  	[sflag:s6] =	ssyncadd.s32 $0xFFFFF800  }
0x414: {  	_ =	swait.ge [sflag:s6], $0x800  }
0x415: {  	[sflag:s6] =	ssyncset.done $0x0  }
0x416: {  	[sflag:s6] =	ssyncadd.s32 $0xFFFFF800  }
0x417: {  	_ =	swait.ge [sflag:s6], $0x800  }
0x418: {  	[sflag:s6] =	ssyncset.done $0x0  }
0x419: {  	[sflag:s6] =	ssyncadd.s32 $0xFFFFF800  }
0x41a: {  	_ =	swait.ge [sflag:s6], $0x800  }
0x41b: {  	[sflag:s6] =	ssyncset.done $0x0  }
0x41c: {  	[sflag:s6] =	ssyncadd.s32 $0xFFFFF800  }
0x41d: {  	_ =	swait.ge [sflag:s6], $0x800  }
0x41e: {  	[sflag:s6] =	ssyncset.done $0x0  }
0x41f: {  	[sflag:s6] =	ssyncadd.s32 $0xFFFFF800  }
0x420: {  	_ =	swait.ge [sflag:s6], $0x800  }
0x421: {  	[sflag:s6] =	ssyncset.done $0x0  }
0x422: {  	[sflag:s6] =	ssyncadd.s32 $0xFFFFF800  }
0x423: {  	_ =	swait.ge [sflag:s6], $0x800  }
0x424: {  	[sflag:s6] =	ssyncset.done $0x0  }
0x425: {  	[sflag:s6] =	ssyncadd.s32 $0xFFFFF800  }
0x426: {  	_ =	swait.ge [sflag:s6], $0x800  }
0x427: {  	[sflag:s6] =	ssyncset.done $0x0  }
0x428: {  	[sflag:s6] =	ssyncadd.s32 $0xFFFFF800  }
0x429: {  	_ =	swait.ge [sflag:s6], $0x800  }
0x42a: {  	[sflag:s6] =	ssyncset.done $0x0  }
0x42b: {  	[sflag:s6] =	ssyncadd.s32 $0xFFFFF800  }
0x42c: {  	_ =	swait.ge [sflag:s6], $0x800  }
0x42d: {  	[sflag:s6] =	ssyncset.done $0x0  }
0x42e: {  	[sflag:s6] =	ssyncadd.s32 $0xFFFFF800  }
0x42f: {  	_ =	swait.ge [sflag:s6], $0x800  }
0x430: {  	[sflag:s6] =	ssyncset.done $0x0  }
0x431: {  	[sflag:s6] =	ssyncadd.s32 $0xFFFFF800  }
0x432: {  	_ =	swait.ge [sflag:s6], $0x800  }
0x433: {  	[sflag:s6] =	ssyncset.done $0x0  }
0x434: {  	[sflag:s6] =	ssyncadd.s32 $0xFFFFF800  }
0x435: {  	_ =	swait.ge [sflag:s7], $0x200  }
0x436: {  	[sflag:s7] =	ssyncset.done $0x0  }
0x437: {  	[sflag:s7] =	ssyncadd.s32 $0xFFFFFE00  }
0x438: {  	_ =	swait.ge [sflag:s7], $0x200  }
0x439: {  	[sflag:s7] =	ssyncset.done $0x0  }
0x43a: {  	[sflag:s7] =	ssyncadd.s32 $0xFFFFFE00  }
0x43b: {  	_ =	swait.ge [sflag:s7], $0x200  }
0x43c: {  	[sflag:s7] =	ssyncset.done $0x0  }
0x43d: {  	[sflag:s7] =	ssyncadd.s32 $0xFFFFFE00  }
0x43e: {  	_ =	swait.ge [sflag:s7], $0x200  }
0x43f: {  	[sflag:s7] =	ssyncset.done $0x0  }
0x440: {  	[sflag:s7] =	ssyncadd.s32 $0xFFFFFE00  }
0x441: {  	_ =	swait.ge [sflag:s7], $0x200  }
0x442: {  	[sflag:s7] =	ssyncset.done $0x0  }
0x443: {  	[sflag:s7] =	ssyncadd.s32 $0xFFFFFE00  }
0x444: {  	_ =	swait.ge [sflag:s7], $0x200  }
0x445: {  	[sflag:s7] =	ssyncset.done $0x0  }
0x446: {  	[sflag:s7] =	ssyncadd.s32 $0xFFFFFE00  }
0x447: {  	_ =	swait.ge [sflag:s7], $0x200  }
0x448: {  	[sflag:s7] =	ssyncset.done $0x0  }
0x449: {  	[sflag:s7] =	ssyncadd.s32 $0xFFFFFE00  }
0x44a: {  	_ =	swait.ge [sflag:s7], $0x200  }
0x44b: {  	[sflag:s7] =	ssyncset.done $0x0  }
0x44c: {  	[sflag:s7] =	ssyncadd.s32 $0xFFFFFE00  }
0x44d: {  	_ =	swait.ge [sflag:s7], $0x200  }
0x44e: {  	[sflag:s7] =	ssyncset.done $0x0  }
0x44f: {  	[sflag:s7] =	ssyncadd.s32 $0xFFFFFE00  }
0x450: {  	_ =	swait.ge [sflag:s7], $0x200  }
0x451: {  	[sflag:s7] =	ssyncset.done $0x0  }
0x452: {  	[sflag:s7] =	ssyncadd.s32 $0xFFFFFE00  }
0x453: {  	[bflag:$0x0] =	sbarrier.arrive $0xFFFF  }
0x454: {  	s29 =	simm.s32 $0x15E40;
	s28 =	rddreg [dreg:$0x19]  }
0x455: {  	[tilespmem:s29], [sflag:$0x5] =	stream.linear.gather [hbm4b:s28+s2], $0x1400, $0x38;
	[tilespmem:$0x1C640] =	vst v63  }
0x456: {  	_ =	swait.ge [sflag:s4], $0x1400  }
0x457: {  	[sflag:s4] =	ssyncset.done $0x0  }
0x458: {  	s30 =	rddreg [dreg:$0x1a];
	[sflag:s4] =	ssyncadd.s32 $0xFFFFEC00  }
0x459: {  	[tilespmem:s10], [sflag:$0x5] =	stream.linear.gather [hbm4b:s30+s2], $0x1400, $0x38;
	[tilespmem:$0x1C640] =	vst v63  }
0x45a: {  	_ =	swait.ge [sflag:s4], $0x1400  }
0x45b: {  	[sflag:s4] =	ssyncset.done $0x0  }
0x45c: {  	[sflag:s4] =	ssyncadd.s32 $0xFFFFEC00  }
0x45d: {  	[tilespmem:s12], [sflag:$0x1] =	stream.indirect.gather [spmem:s19], $0x40, s29, s11, $0xb8;
	[tilespmem:$0x1C640] =	vst v63  }
0x45e: {  	_ =	swait.ge [sflag:s6], $0x2000  }
0x45f: {  	[sflag:s6] =	ssyncset.done $0x0  }
0x460: {  	[sflag:s6] =	ssyncadd.s32 $0xFFFFE000  }
0x461: {  	[spmem:s23] =	stream.indirect.scatter.add.f32 [tilespmem:s12], [sflag:$0x3], $0x40, s10, s11, $0xb8;
	[tilespmem:$0x1C640] =	vst v63  }
0x462: {  	s0 =	simm.s32 @p0 $0x80;
	s1 =	simm.s32 @p0 $0x15EC0;
	s8 =	simm.s32 @p0 $0x1A640  }
0x463: {  	[tilespmem:s8], [sflag:$0x2] =	stream.indirect.gather @p0 [spmem:s19], $0x40, s1, s0, $0xb8;
	[tilespmem:$0x1C640] =	vst v63  }
0x464: {  	s1 =	simm.s32 @p0 $0x2  }
0x465: {  	_ =	swait.ge @p0 [sflag:s1], $0x2000  }
0x466: {  	[sflag:s1] =	ssyncset.done @p0 $0x0  }
0x467: {  	[sflag:s1] =	ssyncadd.s32 @p0 $0xFFFFE000;
	s1 =	simm.s32 @p0 $0x172C0  }
0x468: {  	[spmem:s23] =	stream.indirect.scatter.add.f32 @p0 [tilespmem:s8], [sflag:$0x4], $0x40, s1, s0, $0xb8;
	[tilespmem:$0x1C640] =	vst v63  }
0x469: {  	s8 =	simm.s32 @p0 $0x15A40  }
0x46a: {  	[spmem:s26] =	stream.indirect.scatter.add.f32 @p0 [tilespmem:s8], [sflag:$0x4], $0x8, s1, s0, $0xb8;
	[tilespmem:$0x1C640] =	vst v63  }
0x46b: {  	s0 =	simm.s32 @p0 $0x3  }
0x46c: {  	_ =	swait.ge @p0 [sflag:s0], $0x2000  }
0x46d: {  	s1 =	simm.s32 @!p0 $0x17240;
	[sflag:s0] =	ssyncset.done @p0 $0x0  }
0x46e: {  	s8 =	simm.s32 @!p0 $0x15A40;
	[sflag:s0] =	ssyncadd.s32 @p0 $0xFFFFE000;
	s0 =	simm.s32 @!p0 $0x80  }
0x46f: {  	[spmem:s26] =	stream.indirect.scatter.add.f32 @!p0 [tilespmem:s8], [sflag:$0x3], $0x8, s1, s0, $0xb8;
	[tilespmem:$0x1C640] =	vst v63  }
0x470: {  	s1 =	simm.s32 @!p0 $0x15EC0;
	s8 =	simm.s32 @!p0 $0x1A640  }
0x471: {  	[tilespmem:s8], [sflag:$0x2] =	stream.indirect.gather @!p0 [spmem:s19], $0x40, s1, s0, $0xb8;
	[tilespmem:$0x1C640] =	vst v63  }
0x472: {  	s1 =	simm.s32 @!p0 $0x2  }
0x473: {  	_ =	swait.ge @!p0 [sflag:s1], $0x2000  }
0x474: {  	[sflag:s1] =	ssyncset.done @!p0 $0x0  }
0x475: {  	[sflag:s1] =	ssyncadd.s32 @!p0 $0xFFFFE000;
	s1 =	simm.s32 @!p0 $0x172C0  }
0x476: {  	[spmem:s23] =	stream.indirect.scatter.add.f32 @!p0 [tilespmem:s8], [sflag:$0x4], $0x40, s1, s0, $0xb8;
	[tilespmem:$0x1C640] =	vst v63  }
0x477: {  	s0 =	simm.s32 @!p0 $0x3  }
0x478: {  	_ =	swait.ge @!p0 [sflag:s0], $0x2000  }
0x479: {  	[sflag:s0] =	ssyncset.done @!p0 $0x0  }
0x47a: {  	[sflag:s0] =	ssyncadd.s32 @!p0 $0xFFFFE000  }
0x47b: {  	_ =	swait.ge @!p0 [sflag:s0], $0x400  }
0x47c: {  	[sflag:s0] =	ssyncset.done @!p0 $0x0  }
0x47d: {  	s9 =	simm.s32 $0xFFFFB800;
	[sflag:s0] =	ssyncadd.s32 @!p0 $0xFFFFFC00  }
0x47e: {  	[tilespmem:s12], [sflag:$0x1] =	stream.indirect.gather [spmem:s19], $0x40, s31, s11, $0xb8;
	[tilespmem:$0x1C640] =	vst v63  }
.LBB3_12:
0x47f: {  	_ =	swait.ge [sflag:s6], $0x2000  }
0x480: {  	s30 =	sshra.s32 s9, $0x2;
	[sflag:s6] =	ssyncset.done $0x0  }
0x481: {  	s0 =	sadd.s32 $0x18540, s30;
	[sflag:s6] =	ssyncadd.s32 $0xFFFFE000  }
0x482: {  	[spmem:s23] =	stream.indirect.scatter.add.f32 [tilespmem:s12], [sflag:$0x3], $0x40, s0, s11, $0xb8;
	[tilespmem:$0x1C640] =	vst v63  }
0x483: {  	s17 =	simm.s32 @p1 $0x80;
	s22 =	simm.s32 @p1 $0x15A40;
	s20 =	simm.s32 @p1 $0x4  }
0x484: {  	[spmem:s26] =	stream.indirect.scatter.add.f32 @p1 [tilespmem:s22], [sflag:$0x3], $0x8, s0, s17, $0xb8;
	[tilespmem:$0x1C640] =	vst v63  }
0x485: {  	_ =	swait.ge @p1 [sflag:s20], $0x2000  }
0x486: {  	s1 =	sshra.s32 @p1 s9, $0x2;
	[sflag:s20] =	ssyncset.done @p1 $0x0  }
0x487: {  	s29 =	simm.s32 @p1 $0x1A640;
	s0 =	sadd.s32 @p1 $0x171C0, s1;
	[sflag:s20] =	ssyncadd.s32 @p1 $0xFFFFE000  }
0x488: {  	[tilespmem:s29], [sflag:$0x2] =	stream.indirect.gather @p1 [spmem:s19], $0x40, s0, s17, $0xb8;
	[tilespmem:$0x1C640] =	vst v63  }
0x489: {  	s0 =	simm.s32 @p1 $0x2  }
0x48a: {  	_ =	swait.ge @p1 [sflag:s0], $0x2000  }
0x48b: {  	[sflag:s0] =	ssyncset.done @p1 $0x0  }
0x48c: {  	s24 =	simm.s32 @!p1 $0x4;
	s1 =	sadd.s32 @p1 $0x185C0, s1;
	[sflag:s0] =	ssyncadd.s32 @p1 $0xFFFFE000  }
0x48d: {  	[spmem:s23] =	stream.indirect.scatter.add.f32 @p1 [tilespmem:s29], [sflag:$0x4], $0x40, s1, s17, $0xb8;
	[tilespmem:$0x1C640] =	vst v63  }
0x48e: {  	_ =	swait.ge @!p1 [sflag:s24], $0x2000  }
0x48f: {  	[sflag:s24] =	ssyncset.done @!p1 $0x0  }
0x490: {  	[sflag:s24] =	ssyncadd.s32 @!p1 $0xFFFFE000  }
0x491: {  	_ =	swait.ge @!p1 [sflag:s24], $0x400  }
0x492: {  	s8 =	sshra.s32 @!p1 s9, $0x2;
	s25 =	simm.s32 @!p1 $0x80;
	[sflag:s24] =	ssyncset.done @!p1 $0x0  }
0x493: {  	s28 =	simm.s32 @!p1 $0x1A640;
	s1 =	sadd.s32 @!p1 $0x171C0, s8;
	[sflag:s24] =	ssyncadd.s32 @!p1 $0xFFFFFC00  }
0x494: {  	[tilespmem:s28], [sflag:$0x2] =	stream.indirect.gather @!p1 [spmem:s19], $0x40, s1, s25, $0xb8;
	[tilespmem:$0x1C640] =	vst v63  }
0x495: {  	s1 =	simm.s32 @!p1 $0x2  }
0x496: {  	_ =	swait.ge @!p1 [sflag:s1], $0x2000  }
0x497: {  	[sflag:s1] =	ssyncset.done @!p1 $0x0  }
0x498: {  	p3 =	seq.s32 s9, $0x0;
	s8 =	sadd.s32 @!p1 $0x185C0, s8;
	[sflag:s1] =	ssyncadd.s32 @!p1 $0xFFFFE000  }
0x499: {  	[spmem:s23] =	stream.indirect.scatter.add.f32 @!p1 [tilespmem:s28], [sflag:$0x4], $0x40, s8, s25, $0xb8;
	[tilespmem:$0x1C640] =	vst v63  }
.Ltmp6:
0x49a: {  	s13 =	simm.s32 @!p1 $0x15A40;
	(pc) =	sbr.rel @p3 .LBB3_14-.Ltmp6, $4  }
0x49b: {  	[spmem:s26] =	stream.indirect.scatter.add.f32 @!p1 [tilespmem:s13], [sflag:$0x4], $0x8, s8, s25, $0xb8;
	[tilespmem:$0x1C640] =	vst v63  }
0x49c: {  	_ =	swait.ge [sflag:s14], $0x2000  }
0x49d: {  	[sflag:s14] =	ssyncset.done $0x0  }
0x49e: {  	[sflag:s14] =	ssyncadd.s32 $0xFFFFE000  }
.Ltmp7:
0x49f: {  	s0 =	simm.s32 @!p0 $0x3;
	(pc) =	sbr.rel .LBB3_12-.Ltmp7, $4  }
0x4a0: {  	_ =	swait.ge @!p0 [sflag:s0], $0x400  }
0x4a1: {  	[sflag:s0] =	ssyncset.done @!p0 $0x0  }
0x4a2: {  	s31 =	sadd.s32 $0x17240, s30;
	s9 =	sadd.s32 $0x400, s9;
	[sflag:s0] =	ssyncadd.s32 @!p0 $0xFFFFFC00  }
0x4a3: {  	[tilespmem:s12], [sflag:$0x1] =	stream.indirect.gather [spmem:s19], $0x40, s31, s11, $0xb8;
	[tilespmem:$0x1C640] =	vst v63  }
.LBB3_14:
0x4a4: {  	s8 =	simm.s32 @p0 $0x4  }
0x4a5: {  	_ =	swait.ge @p0 [sflag:s8], $0x2000  }
0x4a6: {  	[sflag:s8] =	ssyncset.done @p0 $0x0  }
0x4a7: {  	[sflag:s8] =	ssyncadd.s32 @p0 $0xFFFFE000  }
0x4a8: {  	_ =	swait.ge @p0 [sflag:s8], $0x400  }
0x4a9: {  	[sflag:s8] =	ssyncset.done @p0 $0x0  }
0x4aa: {  	s9 =	simm.s32 @!p0 $0x3;
	[sflag:s8] =	ssyncadd.s32 @p0 $0xFFFFFC00  }
0x4ab: {  	_ =	swait.ge @!p0 [sflag:s9], $0x400  }
0x4ac: {  	[sflag:s9] =	ssyncset.done @!p0 $0x0  }
0x4ad: {  	s8 =	simm.s32 @!p0 $0x4;
	[sflag:s9] =	ssyncadd.s32 @!p0 $0xFFFFFC00  }
0x4ae: {  	_ =	swait.ge @!p0 [sflag:s8], $0x2000  }
0x4af: {  	[sflag:s8] =	ssyncset.done @!p0 $0x0  }
0x4b0: {  	s30 =	simm.s32 $0x15E40;
	[sflag:s8] =	ssyncadd.s32 @!p0 $0xFFFFE000;
	s8 =	rddreg [dreg:$0x1b]  }
0x4b1: {  	[tilespmem:s30], [sflag:$0x5] =	stream.linear.gather [hbm4b:s8+s2], $0x1380, $0x38;
	[tilespmem:$0x1C640] =	vst v63  }
0x4b2: {  	_ =	swait.ge [sflag:s4], $0x1380  }
0x4b3: {  	[sflag:s4] =	ssyncset.done $0x0  }
0x4b4: {  	s8 =	rddreg [dreg:$0x1c];
	[sflag:s4] =	ssyncadd.s32 $0xFFFFEC80  }
0x4b5: {  	[tilespmem:s10], [sflag:$0x5] =	stream.linear.gather [hbm4b:s8+s2], $0x1380, $0x38;
	[tilespmem:$0x1C640] =	vst v63  }
0x4b6: {  	_ =	swait.ge [sflag:s4], $0x1380  }
0x4b7: {  	[sflag:s4] =	ssyncset.done $0x0  }
0x4b8: {  	v1 =	vimm.s32 @!p2 $0x0;
	[sflag:s4] =	ssyncadd.s32 $0xFFFFEC80  }
0x4b9: {  	[tilespmem:$0x17140] =	vst @!p2 v1  }
0x4ba: {  	[tilespmem:$0x18540] =	vst @!p2 v0  }
0x4bb: {  	[tilespmem:$0x17150] =	vst @!p2 v1  }
0x4bc: {  	[tilespmem:$0x18550] =	vst @!p2 v0  }
0x4bd: {  	[tilespmem:$0x17160] =	vst @!p2 v1  }
0x4be: {  	[tilespmem:$0x18560] =	vst @!p2 v0  }
0x4bf: {  	[tilespmem:$0x17170] =	vst @!p2 v1  }
0x4c0: {  	[tilespmem:$0x18570] =	vst @!p2 v0  }
0x4c1: {  	[tilespmem:$0x17180] =	vst @!p2 v1  }
0x4c2: {  	[tilespmem:$0x18580] =	vst @!p2 v0  }
0x4c3: {  	[tilespmem:$0x17190] =	vst @!p2 v1  }
0x4c4: {  	[tilespmem:$0x18590] =	vst @!p2 v0  }
0x4c5: {  	[tilespmem:$0x171A0] =	vst @!p2 v1  }
0x4c6: {  	[tilespmem:$0x185A0] =	vst @!p2 v0  }
0x4c7: {  	[tilespmem:$0x171B0] =	vst @!p2 v1  }
0x4c8: {  	[tilespmem:$0x185B0] =	vst @!p2 v0  }
0x4c9: {  	[tilespmem:s12], [sflag:$0x1] =	stream.indirect.gather [spmem:s19], $0x40, s30, s11, $0xb8;
	[tilespmem:$0x1C640] =	vst v63  }
0x4ca: {  	_ =	swait.ge [sflag:s6], $0x2000  }
0x4cb: {  	[sflag:s6] =	ssyncset.done $0x0  }
0x4cc: {  	[sflag:s6] =	ssyncadd.s32 $0xFFFFE000  }
0x4cd: {  	[spmem:s23] =	stream.indirect.scatter.add.f32 [tilespmem:s12], [sflag:$0x3], $0x40, s10, s11, $0xb8;
	[tilespmem:$0x1C640] =	vst v63  }
0x4ce: {  	s31 =	simm.s32 @p0 $0x1A640;
	s8 =	simm.s32 @p0 $0x80;
	s30 =	simm.s32 @p0 $0x15EC0  }
0x4cf: {  	[tilespmem:s31], [sflag:$0x2] =	stream.indirect.gather @p0 [spmem:s19], $0x40, s30, s8, $0xb8;
	[tilespmem:$0x1C640] =	vst v63  }
0x4d0: {  	s30 =	simm.s32 @p0 $0x2  }
0x4d1: {  	_ =	swait.ge @p0 [sflag:s30], $0x2000  }
0x4d2: {  	[sflag:s30] =	ssyncset.done @p0 $0x0  }
0x4d3: {  	[sflag:s30] =	ssyncadd.s32 @p0 $0xFFFFE000;
	s30 =	simm.s32 @p0 $0x172C0  }
0x4d4: {  	[spmem:s23] =	stream.indirect.scatter.add.f32 @p0 [tilespmem:s31], [sflag:$0x4], $0x40, s30, s8, $0xb8;
	[tilespmem:$0x1C640] =	vst v63  }
0x4d5: {  	s31 =	simm.s32 @p0 $0x15A40  }
0x4d6: {  	[spmem:s26] =	stream.indirect.scatter.add.f32 @p0 [tilespmem:s31], [sflag:$0x4], $0x8, s30, s8, $0xb8;
	[tilespmem:$0x1C640] =	vst v63  }
0x4d7: {  	s8 =	simm.s32 @p0 $0x3  }
0x4d8: {  	_ =	swait.ge @p0 [sflag:s8], $0x2000  }
0x4d9: {  	s30 =	simm.s32 @!p0 $0x17240;
	[sflag:s8] =	ssyncset.done @p0 $0x0  }
0x4da: {  	s31 =	simm.s32 @!p0 $0x15A40;
	[sflag:s8] =	ssyncadd.s32 @p0 $0xFFFFE000;
	s8 =	simm.s32 @!p0 $0x80  }
0x4db: {  	[spmem:s26] =	stream.indirect.scatter.add.f32 @!p0 [tilespmem:s31], [sflag:$0x3], $0x8, s30, s8, $0xb8;
	[tilespmem:$0x1C640] =	vst v63  }
0x4dc: {  	s30 =	simm.s32 @!p0 $0x15EC0;
	s31 =	simm.s32 @!p0 $0x1A640  }
0x4dd: {  	[tilespmem:s31], [sflag:$0x2] =	stream.indirect.gather @!p0 [spmem:s19], $0x40, s30, s8, $0xb8;
	[tilespmem:$0x1C640] =	vst v63  }
0x4de: {  	s30 =	simm.s32 @!p0 $0x2  }
0x4df: {  	_ =	swait.ge @!p0 [sflag:s30], $0x2000  }
0x4e0: {  	[sflag:s30] =	ssyncset.done @!p0 $0x0  }
0x4e1: {  	[sflag:s30] =	ssyncadd.s32 @!p0 $0xFFFFE000;
	s30 =	simm.s32 @!p0 $0x172C0  }
0x4e2: {  	[spmem:s23] =	stream.indirect.scatter.add.f32 @!p0 [tilespmem:s31], [sflag:$0x4], $0x40, s30, s8, $0xb8;
	[tilespmem:$0x1C640] =	vst v63  }
0x4e3: {  	_ =	swait.ge @!p0 [sflag:s9], $0x2000  }
0x4e4: {  	[sflag:s9] =	ssyncset.done @!p0 $0x0  }
0x4e5: {  	[sflag:s9] =	ssyncadd.s32 @!p0 $0xFFFFE000  }
0x4e6: {  	_ =	swait.ge @!p0 [sflag:s9], $0x400  }
0x4e7: {  	[sflag:s9] =	ssyncset.done @!p0 $0x0  }
0x4e8: {  	s31 =	simm.s32 $0x15F40;
	[sflag:s9] =	ssyncadd.s32 @!p0 $0xFFFFFC00  }
0x4e9: {  	[tilespmem:s12], [sflag:$0x1] =	stream.indirect.gather [spmem:s19], $0x40, s31, s11, $0xb8;
	[tilespmem:$0x1C640] =	vst v63  }
0x4ea: {  	_ =	swait.ge [sflag:s6], $0x2000  }
0x4eb: {  	[sflag:s6] =	ssyncset.done $0x0  }
0x4ec: {  	s8 =	simm.s32 $0x17340;
	[sflag:s6] =	ssyncadd.s32 $0xFFFFE000  }
0x4ed: {  	[spmem:s23] =	stream.indirect.scatter.add.f32 [tilespmem:s12], [sflag:$0x3], $0x40, s8, s11, $0xb8;
	[tilespmem:$0x1C640] =	vst v63  }
0x4ee: {  	_ = 	snop  }
0x4ef: {  	[spmem:s26] =	stream.indirect.scatter.add.f32 @p1 [tilespmem:s22], [sflag:$0x3], $0x8, s8, s17, $0xb8;
	[tilespmem:$0x1C640] =	vst v63  }
0x4f0: {  	_ =	swait.ge @p1 [sflag:s20], $0x2000  }
0x4f1: {  	[sflag:s20] =	ssyncset.done @p1 $0x0  }
0x4f2: {  	s8 =	simm.s32 @p1 $0x15FC0;
	[sflag:s20] =	ssyncadd.s32 @p1 $0xFFFFE000  }
0x4f3: {  	[tilespmem:s29], [sflag:$0x2] =	stream.indirect.gather @p1 [spmem:s19], $0x40, s8, s17, $0xb8;
	[tilespmem:$0x1C640] =	vst v63  }
0x4f4: {  	_ =	swait.ge @p1 [sflag:s0], $0x2000  }
0x4f5: {  	[sflag:s0] =	ssyncset.done @p1 $0x0  }
0x4f6: {  	[sflag:s0] =	ssyncadd.s32 @p1 $0xFFFFE000;
	s0 =	simm.s32 @p1 $0x173C0  }
0x4f7: {  	[spmem:s23] =	stream.indirect.scatter.add.f32 @p1 [tilespmem:s29], [sflag:$0x4], $0x40, s0, s17, $0xb8;
	[tilespmem:$0x1C640] =	vst v63  }
0x4f8: {  	s17 =	simm.s32 @p1 $0x3  }
0x4f9: {  	_ =	swait.ge @p1 [sflag:s17], $0x2000  }
0x4fa: {  	[sflag:s17] =	ssyncset.done @p1 $0x0  }
0x4fb: {  	[sflag:s17] =	ssyncadd.s32 @p1 $0xFFFFE000  }
0x4fc: {  	_ =	swait.ge @p1 [sflag:s17], $0x400  }
0x4fd: {  	[sflag:s17] =	ssyncset.done @p1 $0x0  }
0x4fe: {  	[sflag:s17] =	ssyncadd.s32 @p1 $0xFFFFFC00  }
0x4ff: {  	_ =	swait.ge @!p1 [sflag:s24], $0x2000  }
0x500: {  	[sflag:s24] =	ssyncset.done @!p1 $0x0  }
0x501: {  	[sflag:s24] =	ssyncadd.s32 @!p1 $0xFFFFE000  }
0x502: {  	_ =	swait.ge @!p1 [sflag:s24], $0x400  }
0x503: {  	[sflag:s24] =	ssyncset.done @!p1 $0x0  }
0x504: {  	s0 =	simm.s32 @!p1 $0x15FC0;
	[sflag:s24] =	ssyncadd.s32 @!p1 $0xFFFFFC00  }
0x505: {  	[tilespmem:s28], [sflag:$0x2] =	stream.indirect.gather @!p1 [spmem:s19], $0x40, s0, s25, $0xb8;
	[tilespmem:$0x1C640] =	vst v63  }
0x506: {  	_ =	swait.ge @!p1 [sflag:s1], $0x2000  }
0x507: {  	[sflag:s1] =	ssyncset.done @!p1 $0x0  }
0x508: {  	s0 =	simm.s32 @!p1 $0x173C0;
	[sflag:s1] =	ssyncadd.s32 @!p1 $0xFFFFE000  }
0x509: {  	[spmem:s23] =	stream.indirect.scatter.add.f32 @!p1 [tilespmem:s28], [sflag:$0x4], $0x40, s0, s25, $0xb8;
	[tilespmem:$0x1C640] =	vst v63  }
0x50a: {  	s1 =	simm.s32 @!p1 $0x3  }
0x50b: {  	[spmem:s26] =	stream.indirect.scatter.add.f32 @!p1 [tilespmem:s13], [sflag:$0x4], $0x8, s0, s25, $0xb8;
	[tilespmem:$0x1C640] =	vst v63  }
0x50c: {  	_ =	swait.ge @!p1 [sflag:s1], $0x2000  }
0x50d: {  	[sflag:s1] =	ssyncset.done @!p1 $0x0  }
0x50e: {  	s24 =	simm.s32 $0x16040;
	s0 =	simm.s32 $0xFFFFBC00;
	[sflag:s1] =	ssyncadd.s32 @!p1 $0xFFFFE000  }
.LBB3_15:
0x50f: {  	[tilespmem:s12], [sflag:$0x1] =	stream.indirect.gather [spmem:s19], $0x40, s24, s11, $0xb8;
	[tilespmem:$0x1C640] =	vst v63  }
0x510: {  	s8 =	smov.u32 s0;
	s0 =	sadd.s32 $0x400, s0;
	_ =	swait.ge [sflag:s6], $0x2000  }
0x511: {  	s24 =	sshra.s32 s8, $0x2;
	p3 =	sne.s32 s0, $0x0;
	[sflag:s6] =	ssyncset.done $0x0  }
0x512: {  	s9 =	sadd.s32 $0x18540, s24;
	[sflag:s6] =	ssyncadd.s32 $0xFFFFE000  }
0x513: {  	[spmem:s23] =	stream.indirect.scatter.add.f32 [tilespmem:s12], [sflag:$0x3], $0x40, s9, s11, $0xb8;
	[tilespmem:$0x1C640] =	vst v63  }
0x514: {  	s20 =	simm.s32 @p1 $0x80;
	s22 =	simm.s32 @p1 $0x15A40;
	s13 =	simm.s32 @p1 $0x4  }
0x515: {  	[spmem:s26] =	stream.indirect.scatter.add.f32 @p1 [tilespmem:s22], [sflag:$0x3], $0x8, s9, s20, $0xb8;
	[tilespmem:$0x1C640] =	vst v63  }
0x516: {  	_ =	swait.ge @p1 [sflag:s13], $0x2000  }
0x517: {  	s25 =	simm.s32 @p1 $0x2;
	s9 =	sshra.s32 @p1 s8, $0x2;
	[sflag:s13] =	ssyncset.done @p1 $0x0  }
0x518: {  	s29 =	simm.s32 @p1 $0x1A640;
	s28 =	sadd.s32 @p1 $0x171C0, s9;
	[sflag:s13] =	ssyncadd.s32 @p1 $0xFFFFE000  }
0x519: {  	[tilespmem:s29], [sflag:$0x2] =	stream.indirect.gather @p1 [spmem:s19], $0x40, s28, s20, $0xb8;
	[tilespmem:$0x1C640] =	vst v63  }
0x51a: {  	_ =	swait.ge @p1 [sflag:s25], $0x2000  }
0x51b: {  	[sflag:s25] =	ssyncset.done @p1 $0x0  }
0x51c: {  	s9 =	sadd.s32 @p1 $0x185C0, s9;
	[sflag:s25] =	ssyncadd.s32 @p1 $0xFFFFE000  }
0x51d: {  	[spmem:s23] =	stream.indirect.scatter.add.f32 @p1 [tilespmem:s29], [sflag:$0x4], $0x40, s9, s20, $0xb8;
	[tilespmem:$0x1C640] =	vst v63  }
0x51e: {  	_ =	swait.ge @p1 [sflag:s17], $0x2000  }
0x51f: {  	[sflag:s17] =	ssyncset.done @p1 $0x0  }
0x520: {  	[sflag:s17] =	ssyncadd.s32 @p1 $0xFFFFE000  }
0x521: {  	_ =	swait.ge @p1 [sflag:s17], $0x400  }
0x522: {  	[sflag:s17] =	ssyncset.done @p1 $0x0  }
0x523: {  	s9 =	simm.s32 @!p1 $0x4;
	[sflag:s17] =	ssyncadd.s32 @p1 $0xFFFFFC00  }
0x524: {  	_ =	swait.ge @!p1 [sflag:s9], $0x2000  }
0x525: {  	[sflag:s9] =	ssyncset.done @!p1 $0x0  }
0x526: {  	[sflag:s9] =	ssyncadd.s32 @!p1 $0xFFFFE000  }
0x527: {  	s25 =	simm.s32 @!p1 $0x2;
	_ =	swait.ge @!p1 [sflag:s9], $0x400  }
0x528: {  	s8 =	sshra.s32 @!p1 s8, $0x2;
	s28 =	simm.s32 @!p1 $0x1A640;
	[sflag:s9] =	ssyncset.done @!p1 $0x0  }
0x529: {  	s30 =	simm.s32 @!p1 $0x80;
	s29 =	sadd.s32 @!p1 $0x171C0, s8;
	[sflag:s9] =	ssyncadd.s32 @!p1 $0xFFFFFC00  }
0x52a: {  	[tilespmem:s28], [sflag:$0x2] =	stream.indirect.gather @!p1 [spmem:s19], $0x40, s29, s30, $0xb8;
	[tilespmem:$0x1C640] =	vst v63  }
0x52b: {  	_ =	swait.ge @!p1 [sflag:s25], $0x2000  }
0x52c: {  	[sflag:s25] =	ssyncset.done @!p1 $0x0  }
0x52d: {  	s8 =	sadd.s32 @!p1 $0x185C0, s8;
	[sflag:s25] =	ssyncadd.s32 @!p1 $0xFFFFE000  }
0x52e: {  	[spmem:s23] =	stream.indirect.scatter.add.f32 @!p1 [tilespmem:s28], [sflag:$0x4], $0x40, s8, s30, $0xb8;
	[tilespmem:$0x1C640] =	vst v63  }
.Ltmp8:
0x52f: {  	s25 =	simm.s32 @!p1 $0x15A40;
	(pc) =	sbr.rel @p3 .LBB3_15-.Ltmp8, $4  }
0x530: {  	[spmem:s26] =	stream.indirect.scatter.add.f32 @!p1 [tilespmem:s25], [sflag:$0x4], $0x8, s8, s30, $0xb8;
	[tilespmem:$0x1C640] =	vst v63  }
0x531: {  	_ =	swait.ge @!p1 [sflag:s1], $0x2000  }
0x532: {  	[sflag:s1] =	ssyncset.done @!p1 $0x0  }
0x533: {  	s24 =	sadd.s32 $0x17240, s24;
	[sflag:s1] =	ssyncadd.s32 @!p1 $0xFFFFE000  }
0x534: {  	[tilespmem:s12], [sflag:$0x1] =	stream.indirect.gather [spmem:s19], $0x40, s24, s11, $0xb8;
	[tilespmem:$0x1C640] =	vst v63  }
0x535: {  	_ =	swait.ge [sflag:s6], $0x2000  }
0x536: {  	[sflag:s6] =	ssyncset.done $0x0  }
0x537: {  	s0 =	simm.s32 $0x18540;
	[sflag:s6] =	ssyncadd.s32 $0xFFFFE000  }
0x538: {  	[spmem:s23] =	stream.indirect.scatter.add.f32 [tilespmem:s12], [sflag:$0x3], $0x40, s0, s11, $0xb8;
	[tilespmem:$0x1C640] =	vst v63  }
0x539: {  	s0 =	simm.s32 @p1 $0x18540  }
0x53a: {  	[spmem:s26] =	stream.indirect.scatter.add.f32 @p1 [tilespmem:s22], [sflag:$0x3], $0x8, s0, s20, $0xb8;
	[tilespmem:$0x1C640] =	vst v63  }
0x53b: {  	_ =	swait.ge @p1 [sflag:s13], $0x2000  }
0x53c: {  	[sflag:s13] =	ssyncset.done @p1 $0x0  }
0x53d: {  	[sflag:s13] =	ssyncadd.s32 @p1 $0xFFFFE000  }
0x53e: {  	_ =	swait.ge @p1 [sflag:s17], $0x2000  }
0x53f: {  	[sflag:s17] =	ssyncset.done @p1 $0x0  }
0x540: {  	[sflag:s17] =	ssyncadd.s32 @p1 $0xFFFFE000  }
0x541: {  	_ =	swait.ge @p1 [sflag:s17], $0x400  }
0x542: {  	[sflag:s17] =	ssyncset.done @p1 $0x0  }
0x543: {  	[sflag:s17] =	ssyncadd.s32 @p1 $0xFFFFFC00  }
0x544: {  	_ =	swait.ge @!p1 [sflag:s9], $0x2000  }
0x545: {  	[sflag:s9] =	ssyncset.done @!p1 $0x0  }
0x546: {  	[sflag:s9] =	ssyncadd.s32 @!p1 $0xFFFFE000  }
0x547: {  	_ =	swait.ge @!p1 [sflag:s9], $0x400  }
0x548: {  	[sflag:s9] =	ssyncset.done @!p1 $0x0  }
0x549: {  	[sflag:s9] =	ssyncadd.s32 @!p1 $0xFFFFFC00  }
0x54a: {  	_ =	swait.ge @!p1 [sflag:s1], $0x2000  }
0x54b: {  	[sflag:s1] =	ssyncset.done @!p1 $0x0  }
0x54c: {  	[sflag:s1] =	ssyncadd.s32 @!p1 $0xFFFFE000  }
0x54d: {  	[bflag:$0x0] =	sbarrier.arrive $0xFFFF  }
0x54e: {  	s28 =	rddreg [dreg:$0x1e]  }
0x54f: {  	[hbm:s28], [sflag:s16] =	dma.local [spmem:s18], $0x1400  }
0x550: {  	_ =	swait.ge [sflag:s4], $0x1400  }
0x551: {  	s29 =	sld [smem:$0x7DA]  }
0x552: {  	[sflag:s4] =	ssyncset.done $0x0  }
0x553: {  	[sflag:s4] =	ssyncadd.s32 $0xFFFFEC00  }
0x554: {  	[hbm:s29], [sflag:s16] =	dma.local [spmem:s21], $0x280  }
0x555: {  	_ =	swait.ge [sflag:s4], $0x280  }
0x556: {  	s30 =	sld [smem:$0x7F2];
	_ =	sdelay $0x1  }
0x557: {  	s15 =	sadd.s32 $0x1, s15  }
0x558: {  	p3 =	sne.s32 s15, s30  }
.Ltmp9:
0x559: {  	_ = 	snop;
	(pc) =	sbr.rel @p3 .LBB3_1-.Ltmp9, $3  }
0x55a: {  	[sflag:s4] =	ssyncset.done $0x0  }
0x55b: {  	[sflag:s4] =	ssyncadd.s32 $0xFFFFFD80  }
0x55c: {  	[bflag:$0x0] =	sbarrier.arrive $0xFFFF;
	_ =	sdelay $0x1  }
0x55d: {  	_ =	sfence.sel $0x180000  }
0x55e: {  	[bflag:$0x0] =	sbarrier.arrive $0xFFFF  }
0x55f: {  	_ =	strace $0x90000047  }
0x560: {  	s0 =	stileid.u32;
	[bflag:$0x2] =	sbarrier.arrive $0xFFFF  }
0x561: {  	p0 =	sne.s32 s0, $0x0;
	s0 =	sld [smem:$0x7DB];
	_ =	sdelay $0x2  }
0x562: {  	s0 =	sadd.s32 @!p0 $0x100000, s0  }
0x563: {  	[sflag:s0] =	ssyncadd.tile.s32 @!p0 $0x1;
	_ =	shalt  }
.Lfunc_end3:
_tile_overlayer_lowered:
.L_overlay_start_3:
0x564: {  	(tag) =	ssettag $0x3  }
0x565: {  	s0 =	rddreg [dreg:$0x0];
	s2 =	stileid.u32  }
0x566: {  	s1 =	rddreg [dreg:$0x1];
	p0 =	sne.s32 s2, $0x0  }
0x567: {  	s3 =	rddreg [dreg:$0x2];
	[bflag:$0x3] =	sbarrier.arrive $0xFFFF;
	s2 =	simm.s32 @!p0 $0x1C05  }
0x568: {  	[timem:s3], [sflag:s2] =	dma.local @!p0 [hbm:s0], s1  }
0x569: {  	s0 =	simm.s32 @!p0 $0x5  }
0x56a: {  	_ =	swait.ge @!p0 [sflag:s0], s1  }
0x56b: {  	s1 =	ssub.s32 @!p0 $0x0, s1;
	[sflag:s0] =	ssyncset.done @!p0 $0x0  }
0x56c: {  	[sflag:s0] =	ssyncadd.s32 @!p0 s1  }
0x56d: {  	[bflag:$0x3] =	sbarrier.arrive $0xFFFF  }
0x56e: {  	_ =	shalt  }

</sc_bundles>
